<compile_context>
chip_gen: v7x
topology: tpu7x:2x2x1
jax: 0.10.2.dev20260603
libtpu: 0.0.44.dev20260713+nightly
codegen_flags: <defaults>
</compile_context>

<pallas_src>
import functools

import jax
import jax.numpy as jnp
from jax import lax
from jax.experimental import pallas as pl
from jax.experimental.pallas import tpu as pltpu
from jax.experimental.pallas import tpu_sc as plsc

_ATTR_INDEX = 4


def kernel(z, a):
    B, n_attrs = z.shape
    C = a.shape[1]
    info = plsc.get_sparse_core_info()
    NC, NS, L = info.num_cores, info.num_subcores, info.num_lanes
    NC = 1
    NW = NC * NS
    bpw = B // NW
    n_ch = bpw // C
    vpc = C // L

    a_flat = a.reshape(B * C)
    z_flat = z.reshape(B * n_attrs)

    mesh = plsc.VectorSubcoreMesh(
        core_axis_name="c", subcore_axis_name="s", num_cores=1
    )

    @functools.partial(
        pl.kernel,
        mesh=mesh,
        out_type=jax.ShapeDtypeStruct((NW * n_ch, C), jnp.float32),
        scratch_types=[
            pltpu.VMEM((n_ch, C), jnp.int32),
            pltpu.VMEM((n_ch, C), jnp.float32),
            pltpu.VMEM((n_ch, C), jnp.int32),
            pltpu.VMEM((n_ch, C), jnp.float32),
        ]
        + [pltpu.SemaphoreType.DMA] * (3 * n_ch),
    )
    def sc_kernel(z_hbm, a_hbm, out_hbm, idxz_v, zcol_v, idxa_v, val_v, *sems):
        zsem, asem, osem = (
            sems[:n_ch], sems[n_ch:2 * n_ch], sems[2 * n_ch:]
        )
        wid = lax.axis_index("s") * NC + lax.axis_index("c")
        base = wid * bpw

        zcopies = []
        for r in range(n_ch):
            for v in range(vpc):
                rows = lax.iota(jnp.int32, L) + (base + r * C + v * L)
                idxz_v[r, pl.ds(v * L, L)] = rows * n_attrs + _ATTR_INDEX
            zcopies.append(
                pltpu.async_copy(z_hbm.at[idxz_v.at[r]], zcol_v.at[r], zsem[r])
            )

        acopies = []
        for r in range(n_ch):
            zcopies[r].wait()
            for v in range(vpc):
                rows = lax.iota(jnp.int32, L) + (base + r * C + v * L)
                zv = zcol_v[r, pl.ds(v * L, L)]
                idxa_v[r, pl.ds(v * L, L)] = rows * C + zv.astype(jnp.int32)
            acopies.append(
                pltpu.async_copy(a_hbm.at[idxa_v.at[r]], val_v.at[r], asem[r])
            )

        del osem
        scale = jnp.full((L,), 0.999, dtype=jnp.float32)
        for r in range(n_ch):
            acopies[r].wait()
            for v in range(vpc):
                o = v * L
                val_v[r, pl.ds(o, L)] = val_v[r, pl.ds(o, L)] * scale
        pltpu.sync_copy(val_v, out_hbm.at[pl.ds(wid * n_ch, n_ch)])

    return sc_kernel(z_flat, a_flat).reshape(B)

# --- scband reference (transcript-rebuilt; emitter-appended) ---
"""Pipeline reference for scband-fcnncolor-counter-valuation-function-27419071217675 (READ-ONLY COPY).

The authoritative reference and input builder live on the scoring server;
editing this copy changes nothing except your own understanding.
"""

import jax, jax.numpy as jnp
import numpy as np

ATTR_INDEX = 4  # config.group_tensor_index['color_counter'] fixed as constant

def setup_inputs(seed: int = 0) -> dict:
    key = jax.random.key(seed)
    k1, k2 = jax.random.split(key)
    B, n_attrs, num_counts = 16384, 32, 128
    # z holds integer-valued attribute codes stored as float32 (as in the torch module)
    z = jax.random.randint(k1, (B, n_attrs), 0, num_counts).astype(jnp.float32)
    a = jax.random.uniform(k2, (B, num_counts), dtype=jnp.float32)
    return {"z": z, "a": a}

def reference(z, a):
    # tensor_index = z[:, attr_index].to(torch.long)
    idx = z[:, ATTR_INDEX].astype(jnp.int32)
    B = a.shape[0]
    # per-row scatter-overwrite: z_color_counter[i, idx[i]] = 0.999
    z_color_counter = jnp.zeros(a.shape, dtype=a.dtype).at[jnp.arange(B), idx].set(0.999)
    return (a * z_color_counter).sum(axis=1)

if __name__ == "__main__":
    import jax
    _d = setup_inputs()
    print(jax.jit(kernel)(*tuple(_d.values())))

</pallas_src>

<mosaic_0001>
#map = affine_map<(d0, d1) -> (0)>
#map1 = affine_map<(d0, d1) -> (0, 0)>
module attributes {stable_mosaic.version = 14 : i64} {
  func.func @sc_kernel(%arg0: i32, %arg1: i32, %arg2: memref<524288xf32, #tpu.memory_space<hbm>>, %arg3: memref<2097152xf32, #tpu.memory_space<hbm>>, %arg4: memref<128x128xf32, #tpu.memory_space<hbm>>, %arg5: memref<8x128xi32, #tpu.memory_space<vmem>>, %arg6: memref<8x128xf32, #tpu.memory_space<vmem>>, %arg7: memref<8x128xi32, #tpu.memory_space<vmem>>, %arg8: memref<8x128xf32, #tpu.memory_space<vmem>>, %arg9: memref<!tpu.dma_semaphore, #tpu.memory_space<semaphore_mem>>, %arg10: memref<!tpu.dma_semaphore, #tpu.memory_space<semaphore_mem>>, %arg11: memref<!tpu.dma_semaphore, #tpu.memory_space<semaphore_mem>>, %arg12: memref<!tpu.dma_semaphore, #tpu.memory_space<semaphore_mem>>, %arg13: memref<!tpu.dma_semaphore, #tpu.memory_space<semaphore_mem>>, %arg14: memref<!tpu.dma_semaphore, #tpu.memory_space<semaphore_mem>>, %arg15: memref<!tpu.dma_semaphore, #tpu.memory_space<semaphore_mem>>, %arg16: memref<!tpu.dma_semaphore, #tpu.memory_space<semaphore_mem>>, %arg17: memref<!tpu.dma_semaphore, #tpu.memory_space<semaphore_mem>>, %arg18: memref<!tpu.dma_semaphore, #tpu.memory_space<semaphore_mem>>, %arg19: memref<!tpu.dma_semaphore, #tpu.memory_space<semaphore_mem>>, %arg20: memref<!tpu.dma_semaphore, #tpu.memory_space<semaphore_mem>>, %arg21: memref<!tpu.dma_semaphore, #tpu.memory_space<semaphore_mem>>, %arg22: memref<!tpu.dma_semaphore, #tpu.memory_space<semaphore_mem>>, %arg23: memref<!tpu.dma_semaphore, #tpu.memory_space<semaphore_mem>>, %arg24: memref<!tpu.dma_semaphore, #tpu.memory_space<semaphore_mem>>, %arg25: memref<!tpu.dma_semaphore, #tpu.memory_space<semaphore_mem>>, %arg26: memref<!tpu.dma_semaphore, #tpu.memory_space<semaphore_mem>>, %arg27: memref<!tpu.dma_semaphore, #tpu.memory_space<semaphore_mem>>, %arg28: memref<!tpu.dma_semaphore, #tpu.memory_space<semaphore_mem>>, %arg29: memref<!tpu.dma_semaphore, #tpu.memory_space<semaphore_mem>>, %arg30: memref<!tpu.dma_semaphore, #tpu.memory_space<semaphore_mem>>, %arg31: memref<!tpu.dma_semaphore, #tpu.memory_space<semaphore_mem>>, %arg32: memref<!tpu.dma_semaphore, #tpu.memory_space<semaphore_mem>>) attributes {dimension_semantics = [#tpu.dimension_semantics<core_parallel>, #tpu.dimension_semantics<subcore_parallel>], iteration_bounds = array<i64: 1, 16>, scalar_prefetch = 0 : i64, scratch_operands = 28 : i64, tpu.core_type = #tpu.core_type<sc_vector_subcore>, window_params = [{transform_indices = #map}, {transform_indices = #map}, {transform_indices = #map1}]} {
    %mul3A = arith.constant 1 : i32
    %mul3A_0 = arith.muli %arg1, %mul3A : i32
    %add3A = arith.addi %mul3A_0, %arg0 : i32
    %mul3A_1 = arith.constant 1024 : i32
    %mul3A_2 = arith.muli %add3A, %mul3A_1 : i32
    %iota3A = tpu.iota {dimensions = array<i32: 0>} : vector<16xi32>
    %add3A_3 = arith.constant 0 : i32
    %add3A_4 = arith.addi %mul3A_2, %add3A_3 : i32
    %add3A_5 = arith.constant 0 : i32
    %add3A_6 = arith.addi %add3A_4, %add3A_5 : i32
    %add3A_7 = vector.broadcast %add3A_6 : i32 to vector<16xi32>
    %add3A_8 = arith.addi %iota3A, %add3A_7 : vector<16xi32>
    %mul3A_9 = arith.constant 32 : i32
    %mul3A_10 = vector.broadcast %mul3A_9 : i32 to vector<16xi32>
    %mul3A_11 = arith.muli %add3A_8, %mul3A_10 : vector<16xi32>
    %add3A_12 = arith.constant 4 : i32
    %add3A_13 = vector.broadcast %add3A_12 : i32 to vector<16xi32>
    %add3A_14 = arith.addi %mul3A_11, %add3A_13 : vector<16xi32>
    %swap3A = arith.constant 0 : i32
    %swap3A_15 = arith.index_cast %swap3A : i32 to index
    %swap3A_16 = arith.constant 0 : index
    %swap3A_17 = tpu.vector_load %arg5[%swap3A_15, %swap3A_16] {strides = array<i32>} : memref<8x128xi32, #tpu.memory_space<vmem>>, vector<1x16xi32>,
    %swap3A_18 = vector.shape_cast %swap3A_17 : vector<1x16xi32> to vector<16xi32>
    %swap3A_19 = vector.shape_cast %add3A_14 : vector<16xi32> to vector<1x16xi32>
    tpu.vector_store %arg5[%swap3A_15, %swap3A_16], %swap3A_19 {strides = array<i32>} : memref<8x128xi32, #tpu.memory_space<vmem>>, vector<1x16xi32>,
    %iota3A_20 = tpu.iota {dimensions = array<i32: 0>} : vector<16xi32>
    %add3A_21 = arith.constant 0 : i32
    %add3A_22 = arith.addi %mul3A_2, %add3A_21 : i32
    %add3A_23 = arith.constant 16 : i32
    %add3A_24 = arith.addi %add3A_22, %add3A_23 : i32
    %add3A_25 = vector.broadcast %add3A_24 : i32 to vector<16xi32>
    %add3A_26 = arith.addi %iota3A_20, %add3A_25 : vector<16xi32>
    %mul3A_27 = arith.constant 32 : i32
    %mul3A_28 = vector.broadcast %mul3A_27 : i32 to vector<16xi32>
    %mul3A_29 = arith.muli %add3A_26, %mul3A_28 : vector<16xi32>
    %add3A_30 = arith.constant 4 : i32
    %add3A_31 = vector.broadcast %add3A_30 : i32 to vector<16xi32>
    %add3A_32 = arith.addi %mul3A_29, %add3A_31 : vector<16xi32>
    %swap3A_33 = arith.constant 0 : i32
    %swap3A_34 = arith.index_cast %swap3A_33 : i32 to index
    %swap3A_35 = arith.constant 16 : index
    %swap3A_36 = tpu.vector_load %arg5[%swap3A_34, %swap3A_35] {strides = array<i32>} : memref<8x128xi32, #tpu.memory_space<vmem>>, vector<1x16xi32>,
    %swap3A_37 = vector.shape_cast %swap3A_36 : vector<1x16xi32> to vector<16xi32>
    %swap3A_38 = vector.shape_cast %add3A_32 : vector<16xi32> to vector<1x16xi32>
    tpu.vector_store %arg5[%swap3A_34, %swap3A_35], %swap3A_38 {strides = array<i32>} : memref<8x128xi32, #tpu.memory_space<vmem>>, vector<1x16xi32>,
    %iota3A_39 = tpu.iota {dimensions = array<i32: 0>} : vector<16xi32>
    %add3A_40 = arith.constant 0 : i32
    %add3A_41 = arith.addi %mul3A_2, %add3A_40 : i32
    %add3A_42 = arith.constant 32 : i32
    %add3A_43 = arith.addi %add3A_41, %add3A_42 : i32
    %add3A_44 = vector.broadcast %add3A_43 : i32 to vector<16xi32>
    %add3A_45 = arith.addi %iota3A_39, %add3A_44 : vector<16xi32>
    %mul3A_46 = arith.constant 32 : i32
    %mul3A_47 = vector.broadcast %mul3A_46 : i32 to vector<16xi32>
    %mul3A_48 = arith.muli %add3A_45, %mul3A_47 : vector<16xi32>
    %add3A_49 = arith.constant 4 : i32
    %add3A_50 = vector.broadcast %add3A_49 : i32 to vector<16xi32>
    %add3A_51 = arith.addi %mul3A_48, %add3A_50 : vector<16xi32>
    %swap3A_52 = arith.constant 0 : i32
    %swap3A_53 = arith.index_cast %swap3A_52 : i32 to index
    %swap3A_54 = arith.constant 32 : index
    %swap3A_55 = tpu.vector_load %arg5[%swap3A_53, %swap3A_54] {strides = array<i32>} : memref<8x128xi32, #tpu.memory_space<vmem>>, vector<1x16xi32>,
    %swap3A_56 = vector.shape_cast %swap3A_55 : vector<1x16xi32> to vector<16xi32>
    %swap3A_57 = vector.shape_cast %add3A_51 : vector<16xi32> to vector<1x16xi32>
    tpu.vector_store %arg5[%swap3A_53, %swap3A_54], %swap3A_57 {strides = array<i32>} : memref<8x128xi32, #tpu.memory_space<vmem>>, vector<1x16xi32>,
    %iota3A_58 = tpu.iota {dimensions = array<i32: 0>} : vector<16xi32>
    %add3A_59 = arith.constant 0 : i32
    %add3A_60 = arith.addi %mul3A_2, %add3A_59 : i32
    %add3A_61 = arith.constant 48 : i32
    %add3A_62 = arith.addi %add3A_60, %add3A_61 : i32
    %add3A_63 = vector.broadcast %add3A_62 : i32 to vector<16xi32>
    %add3A_64 = arith.addi %iota3A_58, %add3A_63 : vector<16xi32>
    %mul3A_65 = arith.constant 32 : i32
    %mul3A_66 = vector.broadcast %mul3A_65 : i32 to vector<16xi32>
    %mul3A_67 = arith.muli %add3A_64, %mul3A_66 : vector<16xi32>
    %add3A_68 = arith.constant 4 : i32
    %add3A_69 = vector.broadcast %add3A_68 : i32 to vector<16xi32>
    %add3A_70 = arith.addi %mul3A_67, %add3A_69 : vector<16xi32>
    %swap3A_71 = arith.constant 0 : i32
    %swap3A_72 = arith.index_cast %swap3A_71 : i32 to index
    %swap3A_73 = arith.constant 48 : index
    %swap3A_74 = tpu.vector_load %arg5[%swap3A_72, %swap3A_73] {strides = array<i32>} : memref<8x128xi32, #tpu.memory_space<vmem>>, vector<1x16xi32>,
    %swap3A_75 = vector.shape_cast %swap3A_74 : vector<1x16xi32> to vector<16xi32>
    %swap3A_76 = vector.shape_cast %add3A_70 : vector<16xi32> to vector<1x16xi32>
    tpu.vector_store %arg5[%swap3A_72, %swap3A_73], %swap3A_76 {strides = array<i32>} : memref<8x128xi32, #tpu.memory_space<vmem>>, vector<1x16xi32>,
    %iota3A_77 = tpu.iota {dimensions = array<i32: 0>} : vector<16xi32>
    %add3A_78 = arith.constant 0 : i32
    %add3A_79 = arith.addi %mul3A_2, %add3A_78 : i32
    %add3A_80 = arith.constant 64 : i32
    %add3A_81 = arith.addi %add3A_79, %add3A_80 : i32
    %add3A_82 = vector.broadcast %add3A_81 : i32 to vector<16xi32>
    %add3A_83 = arith.addi %iota3A_77, %add3A_82 : vector<16xi32>
    %mul3A_84 = arith.constant 32 : i32
    %mul3A_85 = vector.broadcast %mul3A_84 : i32 to vector<16xi32>
    %mul3A_86 = arith.muli %add3A_83, %mul3A_85 : vector<16xi32>
    %add3A_87 = arith.constant 4 : i32
    %add3A_88 = vector.broadcast %add3A_87 : i32 to vector<16xi32>
    %add3A_89 = arith.addi %mul3A_86, %add3A_88 : vector<16xi32>
    %swap3A_90 = arith.constant 0 : i32
    %swap3A_91 = arith.index_cast %swap3A_90 : i32 to index
    %swap3A_92 = arith.constant 64 : index
    %swap3A_93 = tpu.vector_load %arg5[%swap3A_91, %swap3A_92] {strides = array<i32>} : memref<8x128xi32, #tpu.memory_space<vmem>>, vector<1x16xi32>,
    %swap3A_94 = vector.shape_cast %swap3A_93 : vector<1x16xi32> to vector<16xi32>
    %swap3A_95 = vector.shape_cast %add3A_89 : vector<16xi32> to vector<1x16xi32>
    tpu.vector_store %arg5[%swap3A_91, %swap3A_92], %swap3A_95 {strides = array<i32>} : memref<8x128xi32, #tpu.memory_space<vmem>>, vector<1x16xi32>,
    %iota3A_96 = tpu.iota {dimensions = array<i32: 0>} : vector<16xi32>
    %add3A_97 = arith.constant 0 : i32
    %add3A_98 = arith.addi %mul3A_2, %add3A_97 : i32
    %add3A_99 = arith.constant 80 : i32
    %add3A_100 = arith.addi %add3A_98, %add3A_99 : i32
    %add3A_101 = vector.broadcast %add3A_100 : i32 to vector<16xi32>
    %add3A_102 = arith.addi %iota3A_96, %add3A_101 : vector<16xi32>
    %mul3A_103 = arith.constant 32 : i32
    %mul3A_104 = vector.broadcast %mul3A_103 : i32 to vector<16xi32>
    %mul3A_105 = arith.muli %add3A_102, %mul3A_104 : vector<16xi32>
    %add3A_106 = arith.constant 4 : i32
    %add3A_107 = vector.broadcast %add3A_106 : i32 to vector<16xi32>
    %add3A_108 = arith.addi %mul3A_105, %add3A_107 : vector<16xi32>
    %swap3A_109 = arith.constant 0 : i32
    %swap3A_110 = arith.index_cast %swap3A_109 : i32 to index
    %swap3A_111 = arith.constant 80 : index
    %swap3A_112 = tpu.vector_load %arg5[%swap3A_110, %swap3A_111] {strides = array<i32>} : memref<8x128xi32, #tpu.memory_space<vmem>>, vector<1x16xi32>,
    %swap3A_113 = vector.shape_cast %swap3A_112 : vector<1x16xi32> to vector<16xi32>
    %swap3A_114 = vector.shape_cast %add3A_108 : vector<16xi32> to vector<1x16xi32>
    tpu.vector_store %arg5[%swap3A_110, %swap3A_111], %swap3A_114 {strides = array<i32>} : memref<8x128xi32, #tpu.memory_space<vmem>>, vector<1x16xi32>,
    %iota3A_115 = tpu.iota {dimensions = array<i32: 0>} : vector<16xi32>
    %add3A_116 = arith.constant 0 : i32
    %add3A_117 = arith.addi %mul3A_2, %add3A_116 : i32
    %add3A_118 = arith.constant 96 : i32
    %add3A_119 = arith.addi %add3A_117, %add3A_118 : i32
    %add3A_120 = vector.broadcast %add3A_119 : i32 to vector<16xi32>
    %add3A_121 = arith.addi %iota3A_115, %add3A_120 : vector<16xi32>
    %mul3A_122 = arith.constant 32 : i32
    %mul3A_123 = vector.broadcast %mul3A_122 : i32 to vector<16xi32>
    %mul3A_124 = arith.muli %add3A_121, %mul3A_123 : vector<16xi32>
    %add3A_125 = arith.constant 4 : i32
    %add3A_126 = vector.broadcast %add3A_125 : i32 to vector<16xi32>
    %add3A_127 = arith.addi %mul3A_124, %add3A_126 : vector<16xi32>
    %swap3A_128 = arith.constant 0 : i32
    %swap3A_129 = arith.index_cast %swap3A_128 : i32 to index
    %swap3A_130 = arith.constant 96 : index
    %swap3A_131 = tpu.vector_load %arg5[%swap3A_129, %swap3A_130] {strides = array<i32>} : memref<8x128xi32, #tpu.memory_space<vmem>>, vector<1x16xi32>,
    %swap3A_132 = vector.shape_cast %swap3A_131 : vector<1x16xi32> to vector<16xi32>
    %swap3A_133 = vector.shape_cast %add3A_127 : vector<16xi32> to vector<1x16xi32>
    tpu.vector_store %arg5[%swap3A_129, %swap3A_130], %swap3A_133 {strides = array<i32>} : memref<8x128xi32, #tpu.memory_space<vmem>>, vector<1x16xi32>,
    %iota3A_134 = tpu.iota {dimensions = array<i32: 0>} : vector<16xi32>
    %add3A_135 = arith.constant 0 : i32
    %add3A_136 = arith.addi %mul3A_2, %add3A_135 : i32
    %add3A_137 = arith.constant 112 : i32
    %add3A_138 = arith.addi %add3A_136, %add3A_137 : i32
    %add3A_139 = vector.broadcast %add3A_138 : i32 to vector<16xi32>
    %add3A_140 = arith.addi %iota3A_134, %add3A_139 : vector<16xi32>
    %mul3A_141 = arith.constant 32 : i32
    %mul3A_142 = vector.broadcast %mul3A_141 : i32 to vector<16xi32>
    %mul3A_143 = arith.muli %add3A_140, %mul3A_142 : vector<16xi32>
    %add3A_144 = arith.constant 4 : i32
    %add3A_145 = vector.broadcast %add3A_144 : i32 to vector<16xi32>
    %add3A_146 = arith.addi %mul3A_143, %add3A_145 : vector<16xi32>
    %swap3A_147 = arith.constant 0 : i32
    %swap3A_148 = arith.index_cast %swap3A_147 : i32 to index
    %swap3A_149 = arith.constant 112 : index
    %swap3A_150 = tpu.vector_load %arg5[%swap3A_148, %swap3A_149] {strides = array<i32>} : memref<8x128xi32, #tpu.memory_space<vmem>>, vector<1x16xi32>,
    %swap3A_151 = vector.shape_cast %swap3A_150 : vector<1x16xi32> to vector<16xi32>
    %swap3A_152 = vector.shape_cast %add3A_146 : vector<16xi32> to vector<1x16xi32>
    tpu.vector_store %arg5[%swap3A_148, %swap3A_149], %swap3A_152 {strides = array<i32>} : memref<8x128xi32, #tpu.memory_space<vmem>>, vector<1x16xi32>,
    %dma_start3A = arith.constant 0 : i32
    %dma_start3A_153 = arith.constant 0 : i32
    %dma_start3A_154 = arith.constant 0 : i32
    %dma_start3A_155 = tpu.memref_slice %arg6[%dma_start3A_153, %dma_start3A_154] : memref<8x128xf32, #tpu.memory_space<vmem>> -> memref<1x128xf32, #tpu.memory_space<vmem>>
    %dma_start3A_156 = tpu.memref_squeeze %dma_start3A_155 : memref<1x128xf32, #tpu.memory_space<vmem>> -> memref<128xf32, #tpu.memory_space<vmem>>
    %dma_start3A_157 = arith.constant 0 : i32
    %dma_start3A_158 = tpu.memref_slice %arg5[%dma_start3A, %dma_start3A_157] : memref<8x128xi32, #tpu.memory_space<vmem>> -> memref<1x128xi32, #tpu.memory_space<vmem>>
    %dma_start3A_159 = tpu.memref_squeeze %dma_start3A_158 : memref<1x128xi32, #tpu.memory_space<vmem>> -> memref<128xi32, #tpu.memory_space<vmem>>
    %dma_start3A_160 = arith.constant 0 : i32
    %dma_start3A_161 = tpu.memref_slice %arg2[%dma_start3A_160] : memref<524288xf32, #tpu.memory_space<hbm>> -> memref<524288xf32, #tpu.memory_space<hbm>>
    tpu.enqueue_indirect_dma source(%dma_start3A_161 : memref<524288xf32, #tpu.memory_space<hbm>>) target(%dma_start3A_156 : memref<128xf32, #tpu.memory_space<vmem>>) offsets(%dma_start3A_159 : memref<128xi32, #tpu.memory_space<vmem>>) semaphore(%arg9 : memref<!tpu.dma_semaphore, #tpu.memory_space<semaphore_mem>>)
    %iota3A_162 = tpu.iota {dimensions = array<i32: 0>} : vector<16xi32>
    %add3A_163 = arith.constant 128 : i32
    %add3A_164 = arith.addi %mul3A_2, %add3A_163 : i32
    %add3A_165 = arith.constant 0 : i32
    %add3A_166 = arith.addi %add3A_164, %add3A_165 : i32
    %add3A_167 = vector.broadcast %add3A_166 : i32 to vector<16xi32>
    %add3A_168 = arith.addi %iota3A_162, %add3A_167 : vector<16xi32>
    %mul3A_169 = arith.constant 32 : i32
    %mul3A_170 = vector.broadcast %mul3A_169 : i32 to vector<16xi32>
    %mul3A_171 = arith.muli %add3A_168, %mul3A_170 : vector<16xi32>
    %add3A_172 = arith.constant 4 : i32
    %add3A_173 = vector.broadcast %add3A_172 : i32 to vector<16xi32>
    %add3A_174 = arith.addi %mul3A_171, %add3A_173 : vector<16xi32>
    %swap3A_175 = arith.constant 1 : i32
    %swap3A_176 = arith.index_cast %swap3A_175 : i32 to index
    %swap3A_177 = arith.constant 0 : index
    %swap3A_178 = tpu.vector_load %arg5[%swap3A_176, %swap3A_177] {strides = array<i32>} : memref<8x128xi32, #tpu.memory_space<vmem>>, vector<1x16xi32>,
    %swap3A_179 = vector.shape_cast %swap3A_178 : vector<1x16xi32> to vector<16xi32>
    %swap3A_180 = vector.shape_cast %add3A_174 : vector<16xi32> to vector<1x16xi32>
    tpu.vector_store %arg5[%swap3A_176, %swap3A_177], %swap3A_180 {strides = array<i32>} : memref<8x128xi32, #tpu.memory_space<vmem>>, vector<1x16xi32>,
    %iota3A_181 = tpu.iota {dimensions = array<i32: 0>} : vector<16xi32>
    %add3A_182 = arith.constant 128 : i32
    %add3A_183 = arith.addi %mul3A_2, %add3A_182 : i32
    %add3A_184 = arith.constant 16 : i32
    %add3A_185 = arith.addi %add3A_183, %add3A_184 : i32
    %add3A_186 = vector.broadcast %add3A_185 : i32 to vector<16xi32>
    %add3A_187 = arith.addi %iota3A_181, %add3A_186 : vector<16xi32>
    %mul3A_188 = arith.constant 32 : i32
    %mul3A_189 = vector.broadcast %mul3A_188 : i32 to vector<16xi32>
    %mul3A_190 = arith.muli %add3A_187, %mul3A_189 : vector<16xi32>
    %add3A_191 = arith.constant 4 : i32
    %add3A_192 = vector.broadcast %add3A_191 : i32 to vector<16xi32>
    %add3A_193 = arith.addi %mul3A_190, %add3A_192 : vector<16xi32>
    %swap3A_194 = arith.constant 1 : i32
    %swap3A_195 = arith.index_cast %swap3A_194 : i32 to index
    %swap3A_196 = arith.constant 16 : index
    %swap3A_197 = tpu.vector_load %arg5[%swap3A_195, %swap3A_196] {strides = array<i32>} : memref<8x128xi32, #tpu.memory_space<vmem>>, vector<1x16xi32>,
    %swap3A_198 = vector.shape_cast %swap3A_197 : vector<1x16xi32> to vector<16xi32>
    %swap3A_199 = vector.shape_cast %add3A_193 : vector<16xi32> to vector<1x16xi32>
    tpu.vector_store %arg5[%swap3A_195, %swap3A_196], %swap3A_199 {strides = array<i32>} : memref<8x128xi32, #tpu.memory_space<vmem>>, vector<1x16xi32>,
    %iota3A_200 = tpu.iota {dimensions = array<i32: 0>} : vector<16xi32>
    %add3A_201 = arith.constant 128 : i32
    %add3A_202 = arith.addi %mul3A_2, %add3A_201 : i32
    %add3A_203 = arith.constant 32 : i32
    %add3A_204 = arith.addi %add3A_202, %add3A_203 : i32
    %add3A_205 = vector.broadcast %add3A_204 : i32 to vector<16xi32>
    %add3A_206 = arith.addi %iota3A_200, %add3A_205 : vector<16xi32>
    %mul3A_207 = arith.constant 32 : i32
    %mul3A_208 = vector.broadcast %mul3A_207 : i32 to vector<16xi32>
    %mul3A_209 = arith.muli %add3A_206, %mul3A_208 : vector<16xi32>
    %add3A_210 = arith.constant 4 : i32
    %add3A_211 = vector.broadcast %add3A_210 : i32 to vector<16xi32>
    %add3A_212 = arith.addi %mul3A_209, %add3A_211 : vector<16xi32>
    %swap3A_213 = arith.constant 1 : i32
    %swap3A_214 = arith.index_cast %swap3A_213 : i32 to index
    %swap3A_215 = arith.constant 32 : index
    %swap3A_216 = tpu.vector_load %arg5[%swap3A_214, %swap3A_215] {strides = array<i32>} : memref<8x128xi32, #tpu.memory_space<vmem>>, vector<1x16xi32>,
    %swap3A_217 = vector.shape_cast %swap3A_216 : vector<1x16xi32> to vector<16xi32>
    %swap3A_218 = vector.shape_cast %add3A_212 : vector<16xi32> to vector<1x16xi32>
    tpu.vector_store %arg5[%swap3A_214, %swap3A_215], %swap3A_218 {strides = array<i32>} : memref<8x128xi32, #tpu.memory_space<vmem>>, vector<1x16xi32>,
    %iota3A_219 = tpu.iota {dimensions = array<i32: 0>} : vector<16xi32>
    %add3A_220 = arith.constant 128 : i32
    %add3A_221 = arith.addi %mul3A_2, %add3A_220 : i32
    %add3A_222 = arith.constant 48 : i32
    %add3A_223 = arith.addi %add3A_221, %add3A_222 : i32
    %add3A_224 = vector.broadcast %add3A_223 : i32 to vector<16xi32>
    %add3A_225 = arith.addi %iota3A_219, %add3A_224 : vector<16xi32>
    %mul3A_226 = arith.constant 32 : i32
    %mul3A_227 = vector.broadcast %mul3A_226 : i32 to vector<16xi32>
    %mul3A_228 = arith.muli %add3A_225, %mul3A_227 : vector<16xi32>
    %add3A_229 = arith.constant 4 : i32
    %add3A_230 = vector.broadcast %add3A_229 : i32 to vector<16xi32>
    %add3A_231 = arith.addi %mul3A_228, %add3A_230 : vector<16xi32>
    %swap3A_232 = arith.constant 1 : i32
    %swap3A_233 = arith.index_cast %swap3A_232 : i32 to index
    %swap3A_234 = arith.constant 48 : index
    %swap3A_235 = tpu.vector_load %arg5[%swap3A_233, %swap3A_234] {strides = array<i32>} : memref<8x128xi32, #tpu.memory_space<vmem>>, vector<1x16xi32>,
    %swap3A_236 = vector.shape_cast %swap3A_235 : vector<1x16xi32> to vector<16xi32>
    %swap3A_237 = vector.shape_cast %add3A_231 : vector<16xi32> to vector<1x16xi32>
    tpu.vector_store %arg5[%swap3A_233, %swap3A_234], %swap3A_237 {strides = array<i32>} : memref<8x128xi32, #tpu.memory_space<vmem>>, vector<1x16xi32>,
    %iota3A_238 = tpu.iota {dimensions = array<i32: 0>} : vector<16xi32>
    %add3A_239 = arith.constant 128 : i32
    %add3A_240 = arith.addi %mul3A_2, %add3A_239 : i32
    %add3A_241 = arith.constant 64 : i32
    %add3A_242 = arith.addi %add3A_240, %add3A_241 : i32
    %add3A_243 = vector.broadcast %add3A_242 : i32 to vector<16xi32>
    %add3A_244 = arith.addi %iota3A_238, %add3A_243 : vector<16xi32>
    %mul3A_245 = arith.constant 32 : i32
    %mul3A_246 = vector.broadcast %mul3A_245 : i32 to vector<16xi32>
    %mul3A_247 = arith.muli %add3A_244, %mul3A_246 : vector<16xi32>
    %add3A_248 = arith.constant 4 : i32
    %add3A_249 = vector.broadcast %add3A_248 : i32 to vector<16xi32>
    %add3A_250 = arith.addi %mul3A_247, %add3A_249 : vector<16xi32>
    %swap3A_251 = arith.constant 1 : i32
    %swap3A_252 = arith.index_cast %swap3A_251 : i32 to index
    %swap3A_253 = arith.constant 64 : index
    %swap3A_254 = tpu.vector_load %arg5[%swap3A_252, %swap3A_253] {strides = array<i32>} : memref<8x128xi32, #tpu.memory_space<vmem>>, vector<1x16xi32>,
    %swap3A_255 = vector.shape_cast %swap3A_254 : vector<1x16xi32> to vector<16xi32>
    %swap3A_256 = vector.shape_cast %add3A_250 : vector<16xi32> to vector<1x16xi32>
    tpu.vector_store %arg5[%swap3A_252, %swap3A_253], %swap3A_256 {strides = array<i32>} : memref<8x128xi32, #tpu.memory_space<vmem>>, vector<1x16xi32>,
    %iota3A_257 = tpu.iota {dimensions = array<i32: 0>} : vector<16xi32>
    %add3A_258 = arith.constant 128 : i32
    %add3A_259 = arith.addi %mul3A_2, %add3A_258 : i32
    %add3A_260 = arith.constant 80 : i32
    %add3A_261 = arith.addi %add3A_259, %add3A_260 : i32
    %add3A_262 = vector.broadcast %add3A_261 : i32 to vector<16xi32>
    %add3A_263 = arith.addi %iota3A_257, %add3A_262 : vector<16xi32>
    %mul3A_264 = arith.constant 32 : i32
    %mul3A_265 = vector.broadcast %mul3A_264 : i32 to vector<16xi32>
    %mul3A_266 = arith.muli %add3A_263, %mul3A_265 : vector<16xi32>
    %add3A_267 = arith.constant 4 : i32
    %add3A_268 = vector.broadcast %add3A_267 : i32 to vector<16xi32>
    %add3A_269 = arith.addi %mul3A_266, %add3A_268 : vector<16xi32>
    %swap3A_270 = arith.constant 1 : i32
    %swap3A_271 = arith.index_cast %swap3A_270 : i32 to index
    %swap3A_272 = arith.constant 80 : index
    %swap3A_273 = tpu.vector_load %arg5[%swap3A_271, %swap3A_272] {strides = array<i32>} : memref<8x128xi32, #tpu.memory_space<vmem>>, vector<1x16xi32>,
    %swap3A_274 = vector.shape_cast %swap3A_273 : vector<1x16xi32> to vector<16xi32>
    %swap3A_275 = vector.shape_cast %add3A_269 : vector<16xi32> to vector<1x16xi32>
    tpu.vector_store %arg5[%swap3A_271, %swap3A_272], %swap3A_275 {strides = array<i32>} : memref<8x128xi32, #tpu.memory_space<vmem>>, vector<1x16xi32>,
    %iota3A_276 = tpu.iota {dimensions = array<i32: 0>} : vector<16xi32>
    %add3A_277 = arith.constant 128 : i32
    %add3A_278 = arith.addi %mul3A_2, %add3A_277 : i32
    %add3A_279 = arith.constant 96 : i32
    %add3A_280 = arith.addi %add3A_278, %add3A_279 : i32
    %add3A_281 = vector.broadcast %add3A_280 : i32 to vector<16xi32>
    %add3A_282 = arith.addi %iota3A_276, %add3A_281 : vector<16xi32>
    %mul3A_283 = arith.constant 32 : i32
    %mul3A_284 = vector.broadcast %mul3A_283 : i32 to vector<16xi32>
    %mul3A_285 = arith.muli %add3A_282, %mul3A_284 : vector<16xi32>
    %add3A_286 = arith.constant 4 : i32
    %add3A_287 = vector.broadcast %add3A_286 : i32 to vector<16xi32>
    %add3A_288 = arith.addi %mul3A_285, %add3A_287 : vector<16xi32>
    %swap3A_289 = arith.constant 1 : i32
    %swap3A_290 = arith.index_cast %swap3A_289 : i32 to index
    %swap3A_291 = arith.constant 96 : index
    %swap3A_292 = tpu.vector_load %arg5[%swap3A_290, %swap3A_291] {strides = array<i32>} : memref<8x128xi32, #tpu.memory_space<vmem>>, vector<1x16xi32>,
    %swap3A_293 = vector.shape_cast %swap3A_292 : vector<1x16xi32> to vector<16xi32>
    %swap3A_294 = vector.shape_cast %add3A_288 : vector<16xi32> to vector<1x16xi32>
    tpu.vector_store %arg5[%swap3A_290, %swap3A_291], %swap3A_294 {strides = array<i32>} : memref<8x128xi32, #tpu.memory_space<vmem>>, vector<1x16xi32>,
    %iota3A_295 = tpu.iota {dimensions = array<i32: 0>} : vector<16xi32>
    %add3A_296 = arith.constant 128 : i32
    %add3A_297 = arith.addi %mul3A_2, %add3A_296 : i32
    %add3A_298 = arith.constant 112 : i32
    %add3A_299 = arith.addi %add3A_297, %add3A_298 : i32
    %add3A_300 = vector.broadcast %add3A_299 : i32 to vector<16xi32>
    %add3A_301 = arith.addi %iota3A_295, %add3A_300 : vector<16xi32>
    %mul3A_302 = arith.constant 32 : i32
    %mul3A_303 = vector.broadcast %mul3A_302 : i32 to vector<16xi32>
    %mul3A_304 = arith.muli %add3A_301, %mul3A_303 : vector<16xi32>
    %add3A_305 = arith.constant 4 : i32
    %add3A_306 = vector.broadcast %add3A_305 : i32 to vector<16xi32>
    %add3A_307 = arith.addi %mul3A_304, %add3A_306 : vector<16xi32>
    %swap3A_308 = arith.constant 1 : i32
    %swap3A_309 = arith.index_cast %swap3A_308 : i32 to index
    %swap3A_310 = arith.constant 112 : index
    %swap3A_311 = tpu.vector_load %arg5[%swap3A_309, %swap3A_310] {strides = array<i32>} : memref<8x128xi32, #tpu.memory_space<vmem>>, vector<1x16xi32>,
    %swap3A_312 = vector.shape_cast %swap3A_311 : vector<1x16xi32> to vector<16xi32>
    %swap3A_313 = vector.shape_cast %add3A_307 : vector<16xi32> to vector<1x16xi32>
    tpu.vector_store %arg5[%swap3A_309, %swap3A_310], %swap3A_313 {strides = array<i32>} : memref<8x128xi32, #tpu.memory_space<vmem>>, vector<1x16xi32>,
    %dma_start3A_314 = arith.constant 1 : i32
    %dma_start3A_315 = arith.constant 1 : i32
    %dma_start3A_316 = arith.constant 0 : i32
    %dma_start3A_317 = tpu.memref_slice %arg6[%dma_start3A_315, %dma_start3A_316] : memref<8x128xf32, #tpu.memory_space<vmem>> -> memref<1x128xf32, #tpu.memory_space<vmem>>
    %dma_start3A_318 = tpu.memref_squeeze %dma_start3A_317 : memref<1x128xf32, #tpu.memory_space<vmem>> -> memref<128xf32, #tpu.memory_space<vmem>>
    %dma_start3A_319 = arith.constant 0 : i32
    %dma_start3A_320 = tpu.memref_slice %arg5[%dma_start3A_314, %dma_start3A_319] : memref<8x128xi32, #tpu.memory_space<vmem>> -> memref<1x128xi32, #tpu.memory_space<vmem>>
    %dma_start3A_321 = tpu.memref_squeeze %dma_start3A_320 : memref<1x128xi32, #tpu.memory_space<vmem>> -> memref<128xi32, #tpu.memory_space<vmem>>
    %dma_start3A_322 = arith.constant 0 : i32
    %dma_start3A_323 = tpu.memref_slice %arg2[%dma_start3A_322] : memref<524288xf32, #tpu.memory_space<hbm>> -> memref<524288xf32, #tpu.memory_space<hbm>>
    tpu.enqueue_indirect_dma source(%dma_start3A_323 : memref<524288xf32, #tpu.memory_space<hbm>>) target(%dma_start3A_318 : memref<128xf32, #tpu.memory_space<vmem>>) offsets(%dma_start3A_321 : memref<128xi32, #tpu.memory_space<vmem>>) semaphore(%arg10 : memref<!tpu.dma_semaphore, #tpu.memory_space<semaphore_mem>>)
    %iota3A_324 = tpu.iota {dimensions = array<i32: 0>} : vector<16xi32>
    %add3A_325 = arith.constant 256 : i32
    %add3A_326 = arith.addi %mul3A_2, %add3A_325 : i32
    %add3A_327 = arith.constant 0 : i32
    %add3A_328 = arith.addi %add3A_326, %add3A_327 : i32
    %add3A_329 = vector.broadcast %add3A_328 : i32 to vector<16xi32>
    %add3A_330 = arith.addi %iota3A_324, %add3A_329 : vector<16xi32>
    %mul3A_331 = arith.constant 32 : i32
    %mul3A_332 = vector.broadcast %mul3A_331 : i32 to vector<16xi32>
    %mul3A_333 = arith.muli %add3A_330, %mul3A_332 : vector<16xi32>
    %add3A_334 = arith.constant 4 : i32
    %add3A_335 = vector.broadcast %add3A_334 : i32 to vector<16xi32>
    %add3A_336 = arith.addi %mul3A_333, %add3A_335 : vector<16xi32>
    %swap3A_337 = arith.constant 2 : i32
    %swap3A_338 = arith.index_cast %swap3A_337 : i32 to index
    %swap3A_339 = arith.constant 0 : index
    %swap3A_340 = tpu.vector_load %arg5[%swap3A_338, %swap3A_339] {strides = array<i32>} : memref<8x128xi32, #tpu.memory_space<vmem>>, vector<1x16xi32>,
    %swap3A_341 = vector.shape_cast %swap3A_340 : vector<1x16xi32> to vector<16xi32>
    %swap3A_342 = vector.shape_cast %add3A_336 : vector<16xi32> to vector<1x16xi32>
    tpu.vector_store %arg5[%swap3A_338, %swap3A_339], %swap3A_342 {strides = array<i32>} : memref<8x128xi32, #tpu.memory_space<vmem>>, vector<1x16xi32>,
    %iota3A_343 = tpu.iota {dimensions = array<i32: 0>} : vector<16xi32>
    %add3A_344 = arith.constant 256 : i32
    %add3A_345 = arith.addi %mul3A_2, %add3A_344 : i32
    %add3A_346 = arith.constant 16 : i32
    %add3A_347 = arith.addi %add3A_345, %add3A_346 : i32
    %add3A_348 = vector.broadcast %add3A_347 : i32 to vector<16xi32>
    %add3A_349 = arith.addi %iota3A_343, %add3A_348 : vector<16xi32>
    %mul3A_350 = arith.constant 32 : i32
    %mul3A_351 = vector.broadcast %mul3A_350 : i32 to vector<16xi32>
    %mul3A_352 = arith.muli %add3A_349, %mul3A_351 : vector<16xi32>
    %add3A_353 = arith.constant 4 : i32
    %add3A_354 = vector.broadcast %add3A_353 : i32 to vector<16xi32>
    %add3A_355 = arith.addi %mul3A_352, %add3A_354 : vector<16xi32>
    %swap3A_356 = arith.constant 2 : i32
    %swap3A_357 = arith.index_cast %swap3A_356 : i32 to index
    %swap3A_358 = arith.constant 16 : index
    %swap3A_359 = tpu.vector_load %arg5[%swap3A_357, %swap3A_358] {strides = array<i32>} : memref<8x128xi32, #tpu.memory_space<vmem>>, vector<1x16xi32>,
    %swap3A_360 = vector.shape_cast %swap3A_359 : vector<1x16xi32> to vector<16xi32>
    %swap3A_361 = vector.shape_cast %add3A_355 : vector<16xi32> to vector<1x16xi32>
    tpu.vector_store %arg5[%swap3A_357, %swap3A_358], %swap3A_361 {strides = array<i32>} : memref<8x128xi32, #tpu.memory_space<vmem>>, vector<1x16xi32>,
    %iota3A_362 = tpu.iota {dimensions = array<i32: 0>} : vector<16xi32>
    %add3A_363 = arith.constant 256 : i32
    %add3A_364 = arith.addi %mul3A_2, %add3A_363 : i32
    %add3A_365 = arith.constant 32 : i32
    %add3A_366 = arith.addi %add3A_364, %add3A_365 : i32
    %add3A_367 = vector.broadcast %add3A_366 : i32 to vector<16xi32>
    %add3A_368 = arith.addi %iota3A_362, %add3A_367 : vector<16xi32>
    %mul3A_369 = arith.constant 32 : i32
    %mul3A_370 = vector.broadcast %mul3A_369 : i32 to vector<16xi32>
    %mul3A_371 = arith.muli %add3A_368, %mul3A_370 : vector<16xi32>
    %add3A_372 = arith.constant 4 : i32
    %add3A_373 = vector.broadcast %add3A_372 : i32 to vector<16xi32>
    %add3A_374 = arith.addi %mul3A_371, %add3A_373 : vector<16xi32>
    %swap3A_375 = arith.constant 2 : i32
    %swap3A_376 = arith.index_cast %swap3A_375 : i32 to index
    %swap3A_377 = arith.constant 32 : index
    %swap3A_378 = tpu.vector_load %arg5[%swap3A_376, %swap3A_377] {strides = array<i32>} : memref<8x128xi32, #tpu.memory_space<vmem>>, vector<1x16xi32>,
    %swap3A_379 = vector.shape_cast %swap3A_378 : vector<1x16xi32> to vector<16xi32>
    %swap3A_380 = vector.shape_cast %add3A_374 : vector<16xi32> to vector<1x16xi32>
    tpu.vector_store %arg5[%swap3A_376, %swap3A_377], %swap3A_380 {strides = array<i32>} : memref<8x128xi32, #tpu.memory_space<vmem>>, vector<1x16xi32>,
    %iota3A_381 = tpu.iota {dimensions = array<i32: 0>} : vector<16xi32>
    %add3A_382 = arith.constant 256 : i32
    %add3A_383 = arith.addi %mul3A_2, %add3A_382 : i32
    %add3A_384 = arith.constant 48 : i32
    %add3A_385 = arith.addi %add3A_383, %add3A_384 : i32
    %add3A_386 = vector.broadcast %add3A_385 : i32 to vector<16xi32>
    %add3A_387 = arith.addi %iota3A_381, %add3A_386 : vector<16xi32>
    %mul3A_388 = arith.constant 32 : i32
    %mul3A_389 = vector.broadcast %mul3A_388 : i32 to vector<16xi32>
    %mul3A_390 = arith.muli %add3A_387, %mul3A_389 : vector<16xi32>
    %add3A_391 = arith.constant 4 : i32
    %add3A_392 = vector.broadcast %add3A_391 : i32 to vector<16xi32>
    %add3A_393 = arith.addi %mul3A_390, %add3A_392 : vector<16xi32>
    %swap3A_394 = arith.constant 2 : i32
    %swap3A_395 = arith.index_cast %swap3A_394 : i32 to index
    %swap3A_396 = arith.constant 48 : index
    %swap3A_397 = tpu.vector_load %arg5[%swap3A_395, %swap3A_396] {strides = array<i32>} : memref<8x128xi32, #tpu.memory_space<vmem>>, vector<1x16xi32>,
    %swap3A_398 = vector.shape_cast %swap3A_397 : vector<1x16xi32> to vector<16xi32>
    %swap3A_399 = vector.shape_cast %add3A_393 : vector<16xi32> to vector<1x16xi32>
    tpu.vector_store %arg5[%swap3A_395, %swap3A_396], %swap3A_399 {strides = array<i32>} : memref<8x128xi32, #tpu.memory_space<vmem>>, vector<1x16xi32>,
    %iota3A_400 = tpu.iota {dimensions = array<i32: 0>} : vector<16xi32>
    %add3A_401 = arith.constant 256 : i32
    %add3A_402 = arith.addi %mul3A_2, %add3A_401 : i32
    %add3A_403 = arith.constant 64 : i32
    %add3A_404 = arith.addi %add3A_402, %add3A_403 : i32
    %add3A_405 = vector.broadcast %add3A_404 : i32 to vector<16xi32>
    %add3A_406 = arith.addi %iota3A_400, %add3A_405 : vector<16xi32>
    %mul3A_407 = arith.constant 32 : i32
    %mul3A_408 = vector.broadcast %mul3A_407 : i32 to vector<16xi32>
    %mul3A_409 = arith.muli %add3A_406, %mul3A_408 : vector<16xi32>
    %add3A_410 = arith.constant 4 : i32
    %add3A_411 = vector.broadcast %add3A_410 : i32 to vector<16xi32>
    %add3A_412 = arith.addi %mul3A_409, %add3A_411 : vector<16xi32>
    %swap3A_413 = arith.constant 2 : i32
    %swap3A_414 = arith.index_cast %swap3A_413 : i32 to index
    %swap3A_415 = arith.constant 64 : index
    %swap3A_416 = tpu.vector_load %arg5[%swap3A_414, %swap3A_415] {strides = array<i32>} : memref<8x128xi32, #tpu.memory_space<vmem>>, vector<1x16xi32>,
    %swap3A_417 = vector.shape_cast %swap3A_416 : vector<1x16xi32> to vector<16xi32>
    %swap3A_418 = vector.shape_cast %add3A_412 : vector<16xi32> to vector<1x16xi32>
    tpu.vector_store %arg5[%swap3A_414, %swap3A_415], %swap3A_418 {strides = array<i32>} : memref<8x128xi32, #tpu.memory_space<vmem>>, vector<1x16xi32>,
    %iota3A_419 = tpu.iota {dimensions = array<i32: 0>} : vector<16xi32>
    %add3A_420 = arith.constant 256 : i32
    %add3A_421 = arith.addi %mul3A_2, %add3A_420 : i32
    %add3A_422 = arith.constant 80 : i32
    %add3A_423 = arith.addi %add3A_421, %add3A_422 : i32
    %add3A_424 = vector.broadcast %add3A_423 : i32 to vector<16xi32>
    %add3A_425 = arith.addi %iota3A_419, %add3A_424 : vector<16xi32>
    %mul3A_426 = arith.constant 32 : i32
    %mul3A_427 = vector.broadcast %mul3A_426 : i32 to vector<16xi32>
    %mul3A_428 = arith.muli %add3A_425, %mul3A_427 : vector<16xi32>
    %add3A_429 = arith.constant 4 : i32
    %add3A_430 = vector.broadcast %add3A_429 : i32 to vector<16xi32>
    %add3A_431 = arith.addi %mul3A_428, %add3A_430 : vector<16xi32>
    %swap3A_432 = arith.constant 2 : i32
    %swap3A_433 = arith.index_cast %swap3A_432 : i32 to index
    %swap3A_434 = arith.constant 80 : index
    %swap3A_435 = tpu.vector_load %arg5[%swap3A_433, %swap3A_434] {strides = array<i32>} : memref<8x128xi32, #tpu.memory_space<vmem>>, vector<1x16xi32>,
    %swap3A_436 = vector.shape_cast %swap3A_435 : vector<1x16xi32> to vector<16xi32>
    %swap3A_437 = vector.shape_cast %add3A_431 : vector<16xi32> to vector<1x16xi32>
    tpu.vector_store %arg5[%swap3A_433, %swap3A_434], %swap3A_437 {strides = array<i32>} : memref<8x128xi32, #tpu.memory_space<vmem>>, vector<1x16xi32>,
    %iota3A_438 = tpu.iota {dimensions = array<i32: 0>} : vector<16xi32>
    %add3A_439 = arith.constant 256 : i32
    %add3A_440 = arith.addi %mul3A_2, %add3A_439 : i32
    %add3A_441 = arith.constant 96 : i32
    %add3A_442 = arith.addi %add3A_440, %add3A_441 : i32
    %add3A_443 = vector.broadcast %add3A_442 : i32 to vector<16xi32>
    %add3A_444 = arith.addi %iota3A_438, %add3A_443 : vector<16xi32>
    %mul3A_445 = arith.constant 32 : i32
    %mul3A_446 = vector.broadcast %mul3A_445 : i32 to vector<16xi32>
    %mul3A_447 = arith.muli %add3A_444, %mul3A_446 : vector<16xi32>
    %add3A_448 = arith.constant 4 : i32
    %add3A_449 = vector.broadcast %add3A_448 : i32 to vector<16xi32>
    %add3A_450 = arith.addi %mul3A_447, %add3A_449 : vector<16xi32>
    %swap3A_451 = arith.constant 2 : i32
    %swap3A_452 = arith.index_cast %swap3A_451 : i32 to index
    %swap3A_453 = arith.constant 96 : index
    %swap3A_454 = tpu.vector_load %arg5[%swap3A_452, %swap3A_453] {strides = array<i32>} : memref<8x128xi32, #tpu.memory_space<vmem>>, vector<1x16xi32>,
    %swap3A_455 = vector.shape_cast %swap3A_454 : vector<1x16xi32> to vector<16xi32>
    %swap3A_456 = vector.shape_cast %add3A_450 : vector<16xi32> to vector<1x16xi32>
    tpu.vector_store %arg5[%swap3A_452, %swap3A_453], %swap3A_456 {strides = array<i32>} : memref<8x128xi32, #tpu.memory_space<vmem>>, vector<1x16xi32>,
    %iota3A_457 = tpu.iota {dimensions = array<i32: 0>} : vector<16xi32>
    %add3A_458 = arith.constant 256 : i32
    %add3A_459 = arith.addi %mul3A_2, %add3A_458 : i32
    %add3A_460 = arith.constant 112 : i32
    %add3A_461 = arith.addi %add3A_459, %add3A_460 : i32
    %add3A_462 = vector.broadcast %add3A_461 : i32 to vector<16xi32>
    %add3A_463 = arith.addi %iota3A_457, %add3A_462 : vector<16xi32>
    %mul3A_464 = arith.constant 32 : i32
    %mul3A_465 = vector.broadcast %mul3A_464 : i32 to vector<16xi32>
    %mul3A_466 = arith.muli %add3A_463, %mul3A_465 : vector<16xi32>
    %add3A_467 = arith.constant 4 : i32
    %add3A_468 = vector.broadcast %add3A_467 : i32 to vector<16xi32>
    %add3A_469 = arith.addi %mul3A_466, %add3A_468 : vector<16xi32>
    %swap3A_470 = arith.constant 2 : i32
    %swap3A_471 = arith.index_cast %swap3A_470 : i32 to index
    %swap3A_472 = arith.constant 112 : index
    %swap3A_473 = tpu.vector_load %arg5[%swap3A_471, %swap3A_472] {strides = array<i32>} : memref<8x128xi32, #tpu.memory_space<vmem>>, vector<1x16xi32>,
    %swap3A_474 = vector.shape_cast %swap3A_473 : vector<1x16xi32> to vector<16xi32>
    %swap3A_475 = vector.shape_cast %add3A_469 : vector<16xi32> to vector<1x16xi32>
    tpu.vector_store %arg5[%swap3A_471, %swap3A_472], %swap3A_475 {strides = array<i32>} : memref<8x128xi32, #tpu.memory_space<vmem>>, vector<1x16xi32>,
    %dma_start3A_476 = arith.constant 2 : i32
    %dma_start3A_477 = arith.constant 2 : i32
    %dma_start3A_478 = arith.constant 0 : i32
    %dma_start3A_479 = tpu.memref_slice %arg6[%dma_start3A_477, %dma_start3A_478] : memref<8x128xf32, #tpu.memory_space<vmem>> -> memref<1x128xf32, #tpu.memory_space<vmem>>
    %dma_start3A_480 = tpu.memref_squeeze %dma_start3A_479 : memref<1x128xf32, #tpu.memory_space<vmem>> -> memref<128xf32, #tpu.memory_space<vmem>>
    %dma_start3A_481 = arith.constant 0 : i32
    %dma_start3A_482 = tpu.memref_slice %arg5[%dma_start3A_476, %dma_start3A_481] : memref<8x128xi32, #tpu.memory_space<vmem>> -> memref<1x128xi32, #tpu.memory_space<vmem>>
    %dma_start3A_483 = tpu.memref_squeeze %dma_start3A_482 : memref<1x128xi32, #tpu.memory_space<vmem>> -> memref<128xi32, #tpu.memory_space<vmem>>
    %dma_start3A_484 = arith.constant 0 : i32
    %dma_start3A_485 = tpu.memref_slice %arg2[%dma_start3A_484] : memref<524288xf32, #tpu.memory_space<hbm>> -> memref<524288xf32, #tpu.memory_space<hbm>>
    tpu.enqueue_indirect_dma source(%dma_start3A_485 : memref<524288xf32, #tpu.memory_space<hbm>>) target(%dma_start3A_480 : memref<128xf32, #tpu.memory_space<vmem>>) offsets(%dma_start3A_483 : memref<128xi32, #tpu.memory_space<vmem>>) semaphore(%arg11 : memref<!tpu.dma_semaphore, #tpu.memory_space<semaphore_mem>>)
    %iota3A_486 = tpu.iota {dimensions = array<i32: 0>} : vector<16xi32>
    %add3A_487 = arith.constant 384 : i32
    %add3A_488 = arith.addi %mul3A_2, %add3A_487 : i32
    %add3A_489 = arith.constant 0 : i32
    %add3A_490 = arith.addi %add3A_488, %add3A_489 : i32
    %add3A_491 = vector.broadcast %add3A_490 : i32 to vector<16xi32>
    %add3A_492 = arith.addi %iota3A_486, %add3A_491 : vector<16xi32>
    %mul3A_493 = arith.constant 32 : i32
    %mul3A_494 = vector.broadcast %mul3A_493 : i32 to vector<16xi32>
    %mul3A_495 = arith.muli %add3A_492, %mul3A_494 : vector<16xi32>
    %add3A_496 = arith.constant 4 : i32
    %add3A_497 = vector.broadcast %add3A_496 : i32 to vector<16xi32>
    %add3A_498 = arith.addi %mul3A_495, %add3A_497 : vector<16xi32>
    %swap3A_499 = arith.constant 3 : i32
    %swap3A_500 = arith.index_cast %swap3A_499 : i32 to index
    %swap3A_501 = arith.constant 0 : index
    %swap3A_502 = tpu.vector_load %arg5[%swap3A_500, %swap3A_501] {strides = array<i32>} : memref<8x128xi32, #tpu.memory_space<vmem>>, vector<1x16xi32>,
    %swap3A_503 = vector.shape_cast %swap3A_502 : vector<1x16xi32> to vector<16xi32>
    %swap3A_504 = vector.shape_cast %add3A_498 : vector<16xi32> to vector<1x16xi32>
    tpu.vector_store %arg5[%swap3A_500, %swap3A_501], %swap3A_504 {strides = array<i32>} : memref<8x128xi32, #tpu.memory_space<vmem>>, vector<1x16xi32>,
    %iota3A_505 = tpu.iota {dimensions = array<i32: 0>} : vector<16xi32>
    %add3A_506 = arith.constant 384 : i32
    %add3A_507 = arith.addi %mul3A_2, %add3A_506 : i32
    %add3A_508 = arith.constant 16 : i32
    %add3A_509 = arith.addi %add3A_507, %add3A_508 : i32
    %add3A_510 = vector.broadcast %add3A_509 : i32 to vector<16xi32>
    %add3A_511 = arith.addi %iota3A_505, %add3A_510 : vector<16xi32>
    %mul3A_512 = arith.constant 32 : i32
    %mul3A_513 = vector.broadcast %mul3A_512 : i32 to vector<16xi32>
    %mul3A_514 = arith.muli %add3A_511, %mul3A_513 : vector<16xi32>
    %add3A_515 = arith.constant 4 : i32
    %add3A_516 = vector.broadcast %add3A_515 : i32 to vector<16xi32>
    %add3A_517 = arith.addi %mul3A_514, %add3A_516 : vector<16xi32>
    %swap3A_518 = arith.constant 3 : i32
    %swap3A_519 = arith.index_cast %swap3A_518 : i32 to index
    %swap3A_520 = arith.constant 16 : index
    %swap3A_521 = tpu.vector_load %arg5[%swap3A_519, %swap3A_520] {strides = array<i32>} : memref<8x128xi32, #tpu.memory_space<vmem>>, vector<1x16xi32>,
    %swap3A_522 = vector.shape_cast %swap3A_521 : vector<1x16xi32> to vector<16xi32>
    %swap3A_523 = vector.shape_cast %add3A_517 : vector<16xi32> to vector<1x16xi32>
    tpu.vector_store %arg5[%swap3A_519, %swap3A_520], %swap3A_523 {strides = array<i32>} : memref<8x128xi32, #tpu.memory_space<vmem>>, vector<1x16xi32>,
    %iota3A_524 = tpu.iota {dimensions = array<i32: 0>} : vector<16xi32>
    %add3A_525 = arith.constant 384 : i32
    %add3A_526 = arith.addi %mul3A_2, %add3A_525 : i32
    %add3A_527 = arith.constant 32 : i32
    %add3A_528 = arith.addi %add3A_526, %add3A_527 : i32
    %add3A_529 = vector.broadcast %add3A_528 : i32 to vector<16xi32>
    %add3A_530 = arith.addi %iota3A_524, %add3A_529 : vector<16xi32>
    %mul3A_531 = arith.constant 32 : i32
    %mul3A_532 = vector.broadcast %mul3A_531 : i32 to vector<16xi32>
    %mul3A_533 = arith.muli %add3A_530, %mul3A_532 : vector<16xi32>
    %add3A_534 = arith.constant 4 : i32
    %add3A_535 = vector.broadcast %add3A_534 : i32 to vector<16xi32>
    %add3A_536 = arith.addi %mul3A_533, %add3A_535 : vector<16xi32>
    %swap3A_537 = arith.constant 3 : i32
    %swap3A_538 = arith.index_cast %swap3A_537 : i32 to index
    %swap3A_539 = arith.constant 32 : index
    %swap3A_540 = tpu.vector_load %arg5[%swap3A_538, %swap3A_539] {strides = array<i32>} : memref<8x128xi32, #tpu.memory_space<vmem>>, vector<1x16xi32>,
    %swap3A_541 = vector.shape_cast %swap3A_540 : vector<1x16xi32> to vector<16xi32>
    %swap3A_542 = vector.shape_cast %add3A_536 : vector<16xi32> to vector<1x16xi32>
    tpu.vector_store %arg5[%swap3A_538, %swap3A_539], %swap3A_542 {strides = array<i32>} : memref<8x128xi32, #tpu.memory_space<vmem>>, vector<1x16xi32>,
    %iota3A_543 = tpu.iota {dimensions = array<i32: 0>} : vector<16xi32>
    %add3A_544 = arith.constant 384 : i32
    %add3A_545 = arith.addi %mul3A_2, %add3A_544 : i32
    %add3A_546 = arith.constant 48 : i32
    %add3A_547 = arith.addi %add3A_545, %add3A_546 : i32
    %add3A_548 = vector.broadcast %add3A_547 : i32 to vector<16xi32>
    %add3A_549 = arith.addi %iota3A_543, %add3A_548 : vector<16xi32>
    %mul3A_550 = arith.constant 32 : i32
    %mul3A_551 = vector.broadcast %mul3A_550 : i32 to vector<16xi32>
    %mul3A_552 = arith.muli %add3A_549, %mul3A_551 : vector<16xi32>
    %add3A_553 = arith.constant 4 : i32
    %add3A_554 = vector.broadcast %add3A_553 : i32 to vector<16xi32>
    %add3A_555 = arith.addi %mul3A_552, %add3A_554 : vector<16xi32>
    %swap3A_556 = arith.constant 3 : i32
    %swap3A_557 = arith.index_cast %swap3A_556 : i32 to index
    %swap3A_558 = arith.constant 48 : index
    %swap3A_559 = tpu.vector_load %arg5[%swap3A_557, %swap3A_558] {strides = array<i32>} : memref<8x128xi32, #tpu.memory_space<vmem>>, vector<1x16xi32>,
    %swap3A_560 = vector.shape_cast %swap3A_559 : vector<1x16xi32> to vector<16xi32>
    %swap3A_561 = vector.shape_cast %add3A_555 : vector<16xi32> to vector<1x16xi32>
    tpu.vector_store %arg5[%swap3A_557, %swap3A_558], %swap3A_561 {strides = array<i32>} : memref<8x128xi32, #tpu.memory_space<vmem>>, vector<1x16xi32>,
    %iota3A_562 = tpu.iota {dimensions = array<i32: 0>} : vector<16xi32>
    %add3A_563 = arith.constant 384 : i32
    %add3A_564 = arith.addi %mul3A_2, %add3A_563 : i32
    %add3A_565 = arith.constant 64 : i32
    %add3A_566 = arith.addi %add3A_564, %add3A_565 : i32
    %add3A_567 = vector.broadcast %add3A_566 : i32 to vector<16xi32>
    %add3A_568 = arith.addi %iota3A_562, %add3A_567 : vector<16xi32>
    %mul3A_569 = arith.constant 32 : i32
    %mul3A_570 = vector.broadcast %mul3A_569 : i32 to vector<16xi32>
    %mul3A_571 = arith.muli %add3A_568, %mul3A_570 : vector<16xi32>
    %add3A_572 = arith.constant 4 : i32
    %add3A_573 = vector.broadcast %add3A_572 : i32 to vector<16xi32>
    %add3A_574 = arith.addi %mul3A_571, %add3A_573 : vector<16xi32>
    %swap3A_575 = arith.constant 3 : i32
    %swap3A_576 = arith.index_cast %swap3A_575 : i32 to index
    %swap3A_577 = arith.constant 64 : index
    %swap3A_578 = tpu.vector_load %arg5[%swap3A_576, %swap3A_577] {strides = array<i32>} : memref<8x128xi32, #tpu.memory_space<vmem>>, vector<1x16xi32>,
    %swap3A_579 = vector.shape_cast %swap3A_578 : vector<1x16xi32> to vector<16xi32>
    %swap3A_580 = vector.shape_cast %add3A_574 : vector<16xi32> to vector<1x16xi32>
    tpu.vector_store %arg5[%swap3A_576, %swap3A_577], %swap3A_580 {strides = array<i32>} : memref<8x128xi32, #tpu.memory_space<vmem>>, vector<1x16xi32>,
    %iota3A_581 = tpu.iota {dimensions = array<i32: 0>} : vector<16xi32>
    %add3A_582 = arith.constant 384 : i32
    %add3A_583 = arith.addi %mul3A_2, %add3A_582 : i32
    %add3A_584 = arith.constant 80 : i32
    %add3A_585 = arith.addi %add3A_583, %add3A_584 : i32
    %add3A_586 = vector.broadcast %add3A_585 : i32 to vector<16xi32>
    %add3A_587 = arith.addi %iota3A_581, %add3A_586 : vector<16xi32>
    %mul3A_588 = arith.constant 32 : i32
    %mul3A_589 = vector.broadcast %mul3A_588 : i32 to vector<16xi32>
    %mul3A_590 = arith.muli %add3A_587, %mul3A_589 : vector<16xi32>
    %add3A_591 = arith.constant 4 : i32
    %add3A_592 = vector.broadcast %add3A_591 : i32 to vector<16xi32>
    %add3A_593 = arith.addi %mul3A_590, %add3A_592 : vector<16xi32>
    %swap3A_594 = arith.constant 3 : i32
    %swap3A_595 = arith.index_cast %swap3A_594 : i32 to index
    %swap3A_596 = arith.constant 80 : index
    %swap3A_597 = tpu.vector_load %arg5[%swap3A_595, %swap3A_596] {strides = array<i32>} : memref<8x128xi32, #tpu.memory_space<vmem>>, vector<1x16xi32>,
    %swap3A_598 = vector.shape_cast %swap3A_597 : vector<1x16xi32> to vector<16xi32>
    %swap3A_599 = vector.shape_cast %add3A_593 : vector<16xi32> to vector<1x16xi32>
    tpu.vector_store %arg5[%swap3A_595, %swap3A_596], %swap3A_599 {strides = array<i32>} : memref<8x128xi32, #tpu.memory_space<vmem>>, vector<1x16xi32>,
    %iota3A_600 = tpu.iota {dimensions = array<i32: 0>} : vector<16xi32>
    %add3A_601 = arith.constant 384 : i32
    %add3A_602 = arith.addi %mul3A_2, %add3A_601 : i32
    %add3A_603 = arith.constant 96 : i32
    %add3A_604 = arith.addi %add3A_602, %add3A_603 : i32
    %add3A_605 = vector.broadcast %add3A_604 : i32 to vector<16xi32>
    %add3A_606 = arith.addi %iota3A_600, %add3A_605 : vector<16xi32>
    %mul3A_607 = arith.constant 32 : i32
    %mul3A_608 = vector.broadcast %mul3A_607 : i32 to vector<16xi32>
    %mul3A_609 = arith.muli %add3A_606, %mul3A_608 : vector<16xi32>
    %add3A_610 = arith.constant 4 : i32
    %add3A_611 = vector.broadcast %add3A_610 : i32 to vector<16xi32>
    %add3A_612 = arith.addi %mul3A_609, %add3A_611 : vector<16xi32>
    %swap3A_613 = arith.constant 3 : i32
    %swap3A_614 = arith.index_cast %swap3A_613 : i32 to index
    %swap3A_615 = arith.constant 96 : index
    %swap3A_616 = tpu.vector_load %arg5[%swap3A_614, %swap3A_615] {strides = array<i32>} : memref<8x128xi32, #tpu.memory_space<vmem>>, vector<1x16xi32>,
    %swap3A_617 = vector.shape_cast %swap3A_616 : vector<1x16xi32> to vector<16xi32>
    %swap3A_618 = vector.shape_cast %add3A_612 : vector<16xi32> to vector<1x16xi32>
    tpu.vector_store %arg5[%swap3A_614, %swap3A_615], %swap3A_618 {strides = array<i32>} : memref<8x128xi32, #tpu.memory_space<vmem>>, vector<1x16xi32>,
    %iota3A_619 = tpu.iota {dimensions = array<i32: 0>} : vector<16xi32>
    %add3A_620 = arith.constant 384 : i32
    %add3A_621 = arith.addi %mul3A_2, %add3A_620 : i32
    %add3A_622 = arith.constant 112 : i32
    %add3A_623 = arith.addi %add3A_621, %add3A_622 : i32
    %add3A_624 = vector.broadcast %add3A_623 : i32 to vector<16xi32>
    %add3A_625 = arith.addi %iota3A_619, %add3A_624 : vector<16xi32>
    %mul3A_626 = arith.constant 32 : i32
    %mul3A_627 = vector.broadcast %mul3A_626 : i32 to vector<16xi32>
    %mul3A_628 = arith.muli %add3A_625, %mul3A_627 : vector<16xi32>
    %add3A_629 = arith.constant 4 : i32
    %add3A_630 = vector.broadcast %add3A_629 : i32 to vector<16xi32>
    %add3A_631 = arith.addi %mul3A_628, %add3A_630 : vector<16xi32>
    %swap3A_632 = arith.constant 3 : i32
    %swap3A_633 = arith.index_cast %swap3A_632 : i32 to index
    %swap3A_634 = arith.constant 112 : index
    %swap3A_635 = tpu.vector_load %arg5[%swap3A_633, %swap3A_634] {strides = array<i32>} : memref<8x128xi32, #tpu.memory_space<vmem>>, vector<1x16xi32>,
    %swap3A_636 = vector.shape_cast %swap3A_635 : vector<1x16xi32> to vector<16xi32>
    %swap3A_637 = vector.shape_cast %add3A_631 : vector<16xi32> to vector<1x16xi32>
    tpu.vector_store %arg5[%swap3A_633, %swap3A_634], %swap3A_637 {strides = array<i32>} : memref<8x128xi32, #tpu.memory_space<vmem>>, vector<1x16xi32>,
    %dma_start3A_638 = arith.constant 3 : i32
    %dma_start3A_639 = arith.constant 3 : i32
    %dma_start3A_640 = arith.constant 0 : i32
    %dma_start3A_641 = tpu.memref_slice %arg6[%dma_start3A_639, %dma_start3A_640] : memref<8x128xf32, #tpu.memory_space<vmem>> -> memref<1x128xf32, #tpu.memory_space<vmem>>
    %dma_start3A_642 = tpu.memref_squeeze %dma_start3A_641 : memref<1x128xf32, #tpu.memory_space<vmem>> -> memref<128xf32, #tpu.memory_space<vmem>>
    %dma_start3A_643 = arith.constant 0 : i32
    %dma_start3A_644 = tpu.memref_slice %arg5[%dma_start3A_638, %dma_start3A_643] : memref<8x128xi32, #tpu.memory_space<vmem>> -> memref<1x128xi32, #tpu.memory_space<vmem>>
    %dma_start3A_645 = tpu.memref_squeeze %dma_start3A_644 : memref<1x128xi32, #tpu.memory_space<vmem>> -> memref<128xi32, #tpu.memory_space<vmem>>
    %dma_start3A_646 = arith.constant 0 : i32
    %dma_start3A_647 = tpu.memref_slice %arg2[%dma_start3A_646] : memref<524288xf32, #tpu.memory_space<hbm>> -> memref<524288xf32, #tpu.memory_space<hbm>>
    tpu.enqueue_indirect_dma source(%dma_start3A_647 : memref<524288xf32, #tpu.memory_space<hbm>>) target(%dma_start3A_642 : memref<128xf32, #tpu.memory_space<vmem>>) offsets(%dma_start3A_645 : memref<128xi32, #tpu.memory_space<vmem>>) semaphore(%arg12 : memref<!tpu.dma_semaphore, #tpu.memory_space<semaphore_mem>>)
    %iota3A_648 = tpu.iota {dimensions = array<i32: 0>} : vector<16xi32>
    %add3A_649 = arith.constant 512 : i32
    %add3A_650 = arith.addi %mul3A_2, %add3A_649 : i32
    %add3A_651 = arith.constant 0 : i32
    %add3A_652 = arith.addi %add3A_650, %add3A_651 : i32
    %add3A_653 = vector.broadcast %add3A_652 : i32 to vector<16xi32>
    %add3A_654 = arith.addi %iota3A_648, %add3A_653 : vector<16xi32>
    %mul3A_655 = arith.constant 32 : i32
    %mul3A_656 = vector.broadcast %mul3A_655 : i32 to vector<16xi32>
    %mul3A_657 = arith.muli %add3A_654, %mul3A_656 : vector<16xi32>
    %add3A_658 = arith.constant 4 : i32
    %add3A_659 = vector.broadcast %add3A_658 : i32 to vector<16xi32>
    %add3A_660 = arith.addi %mul3A_657, %add3A_659 : vector<16xi32>
    %swap3A_661 = arith.constant 4 : i32
    %swap3A_662 = arith.index_cast %swap3A_661 : i32 to index
    %swap3A_663 = arith.constant 0 : index
    %swap3A_664 = tpu.vector_load %arg5[%swap3A_662, %swap3A_663] {strides = array<i32>} : memref<8x128xi32, #tpu.memory_space<vmem>>, vector<1x16xi32>,
    %swap3A_665 = vector.shape_cast %swap3A_664 : vector<1x16xi32> to vector<16xi32>
    %swap3A_666 = vector.shape_cast %add3A_660 : vector<16xi32> to vector<1x16xi32>
    tpu.vector_store %arg5[%swap3A_662, %swap3A_663], %swap3A_666 {strides = array<i32>} : memref<8x128xi32, #tpu.memory_space<vmem>>, vector<1x16xi32>,
    %iota3A_667 = tpu.iota {dimensions = array<i32: 0>} : vector<16xi32>
    %add3A_668 = arith.constant 512 : i32
    %add3A_669 = arith.addi %mul3A_2, %add3A_668 : i32
    %add3A_670 = arith.constant 16 : i32
    %add3A_671 = arith.addi %add3A_669, %add3A_670 : i32
    %add3A_672 = vector.broadcast %add3A_671 : i32 to vector<16xi32>
    %add3A_673 = arith.addi %iota3A_667, %add3A_672 : vector<16xi32>
    %mul3A_674 = arith.constant 32 : i32
    %mul3A_675 = vector.broadcast %mul3A_674 : i32 to vector<16xi32>
    %mul3A_676 = arith.muli %add3A_673, %mul3A_675 : vector<16xi32>
    %add3A_677 = arith.constant 4 : i32
    %add3A_678 = vector.broadcast %add3A_677 : i32 to vector<16xi32>
    %add3A_679 = arith.addi %mul3A_676, %add3A_678 : vector<16xi32>
    %swap3A_680 = arith.constant 4 : i32
    %swap3A_681 = arith.index_cast %swap3A_680 : i32 to index
    %swap3A_682 = arith.constant 16 : index
    %swap3A_683 = tpu.vector_load %arg5[%swap3A_681, %swap3A_682] {strides = array<i32>} : memref<8x128xi32, #tpu.memory_space<vmem>>, vector<1x16xi32>,
    %swap3A_684 = vector.shape_cast %swap3A_683 : vector<1x16xi32> to vector<16xi32>
    %swap3A_685 = vector.shape_cast %add3A_679 : vector<16xi32> to vector<1x16xi32>
    tpu.vector_store %arg5[%swap3A_681, %swap3A_682], %swap3A_685 {strides = array<i32>} : memref<8x128xi32, #tpu.memory_space<vmem>>, vector<1x16xi32>,
    %iota3A_686 = tpu.iota {dimensions = array<i32: 0>} : vector<16xi32>
    %add3A_687 = arith.constant 512 : i32
    %add3A_688 = arith.addi %mul3A_2, %add3A_687 : i32
    %add3A_689 = arith.constant 32 : i32
    %add3A_690 = arith.addi %add3A_688, %add3A_689 : i32
    %add3A_691 = vector.broadcast %add3A_690 : i32 to vector<16xi32>
    %add3A_692 = arith.addi %iota3A_686, %add3A_691 : vector<16xi32>
    %mul3A_693 = arith.constant 32 : i32
    %mul3A_694 = vector.broadcast %mul3A_693 : i32 to vector<16xi32>
    %mul3A_695 = arith.muli %add3A_692, %mul3A_694 : vector<16xi32>
    %add3A_696 = arith.constant 4 : i32
    %add3A_697 = vector.broadcast %add3A_696 : i32 to vector<16xi32>
    %add3A_698 = arith.addi %mul3A_695, %add3A_697 : vector<16xi32>
    %swap3A_699 = arith.constant 4 : i32
    %swap3A_700 = arith.index_cast %swap3A_699 : i32 to index
    %swap3A_701 = arith.constant 32 : index
    %swap3A_702 = tpu.vector_load %arg5[%swap3A_700, %swap3A_701] {strides = array<i32>} : memref<8x128xi32, #tpu.memory_space<vmem>>, vector<1x16xi32>,
    %swap3A_703 = vector.shape_cast %swap3A_702 : vector<1x16xi32> to vector<16xi32>
    %swap3A_704 = vector.shape_cast %add3A_698 : vector<16xi32> to vector<1x16xi32>
    tpu.vector_store %arg5[%swap3A_700, %swap3A_701], %swap3A_704 {strides = array<i32>} : memref<8x128xi32, #tpu.memory_space<vmem>>, vector<1x16xi32>,
    %iota3A_705 = tpu.iota {dimensions = array<i32: 0>} : vector<16xi32>
    %add3A_706 = arith.constant 512 : i32
    %add3A_707 = arith.addi %mul3A_2, %add3A_706 : i32
    %add3A_708 = arith.constant 48 : i32
    %add3A_709 = arith.addi %add3A_707, %add3A_708 : i32
    %add3A_710 = vector.broadcast %add3A_709 : i32 to vector<16xi32>
    %add3A_711 = arith.addi %iota3A_705, %add3A_710 : vector<16xi32>
    %mul3A_712 = arith.constant 32 : i32
    %mul3A_713 = vector.broadcast %mul3A_712 : i32 to vector<16xi32>
    %mul3A_714 = arith.muli %add3A_711, %mul3A_713 : vector<16xi32>
    %add3A_715 = arith.constant 4 : i32
    %add3A_716 = vector.broadcast %add3A_715 : i32 to vector<16xi32>
    %add3A_717 = arith.addi %mul3A_714, %add3A_716 : vector<16xi32>
    %swap3A_718 = arith.constant 4 : i32
    %swap3A_719 = arith.index_cast %swap3A_718 : i32 to index
    %swap3A_720 = arith.constant 48 : index
    %swap3A_721 = tpu.vector_load %arg5[%swap3A_719, %swap3A_720] {strides = array<i32>} : memref<8x128xi32, #tpu.memory_space<vmem>>, vector<1x16xi32>,
    %swap3A_722 = vector.shape_cast %swap3A_721 : vector<1x16xi32> to vector<16xi32>
    %swap3A_723 = vector.shape_cast %add3A_717 : vector<16xi32> to vector<1x16xi32>
    tpu.vector_store %arg5[%swap3A_719, %swap3A_720], %swap3A_723 {strides = array<i32>} : memref<8x128xi32, #tpu.memory_space<vmem>>, vector<1x16xi32>,
    %iota3A_724 = tpu.iota {dimensions = array<i32: 0>} : vector<16xi32>
    %add3A_725 = arith.constant 512 : i32
    %add3A_726 = arith.addi %mul3A_2, %add3A_725 : i32
    %add3A_727 = arith.constant 64 : i32
    %add3A_728 = arith.addi %add3A_726, %add3A_727 : i32
    %add3A_729 = vector.broadcast %add3A_728 : i32 to vector<16xi32>
    %add3A_730 = arith.addi %iota3A_724, %add3A_729 : vector<16xi32>
    %mul3A_731 = arith.constant 32 : i32
    %mul3A_732 = vector.broadcast %mul3A_731 : i32 to vector<16xi32>
    %mul3A_733 = arith.muli %add3A_730, %mul3A_732 : vector<16xi32>
    %add3A_734 = arith.constant 4 : i32
    %add3A_735 = vector.broadcast %add3A_734 : i32 to vector<16xi32>
    %add3A_736 = arith.addi %mul3A_733, %add3A_735 : vector<16xi32>
    %swap3A_737 = arith.constant 4 : i32
    %swap3A_738 = arith.index_cast %swap3A_737 : i32 to index
    %swap3A_739 = arith.constant 64 : index
    %swap3A_740 = tpu.vector_load %arg5[%swap3A_738, %swap3A_739] {strides = array<i32>} : memref<8x128xi32, #tpu.memory_space<vmem>>, vector<1x16xi32>,
    %swap3A_741 = vector.shape_cast %swap3A_740 : vector<1x16xi32> to vector<16xi32>
    %swap3A_742 = vector.shape_cast %add3A_736 : vector<16xi32> to vector<1x16xi32>
    tpu.vector_store %arg5[%swap3A_738, %swap3A_739], %swap3A_742 {strides = array<i32>} : memref<8x128xi32, #tpu.memory_space<vmem>>, vector<1x16xi32>,
    %iota3A_743 = tpu.iota {dimensions = array<i32: 0>} : vector<16xi32>
    %add3A_744 = arith.constant 512 : i32
    %add3A_745 = arith.addi %mul3A_2, %add3A_744 : i32
    %add3A_746 = arith.constant 80 : i32
    %add3A_747 = arith.addi %add3A_745, %add3A_746 : i32
    %add3A_748 = vector.broadcast %add3A_747 : i32 to vector<16xi32>
    %add3A_749 = arith.addi %iota3A_743, %add3A_748 : vector<16xi32>
    %mul3A_750 = arith.constant 32 : i32
    %mul3A_751 = vector.broadcast %mul3A_750 : i32 to vector<16xi32>
    %mul3A_752 = arith.muli %add3A_749, %mul3A_751 : vector<16xi32>
    %add3A_753 = arith.constant 4 : i32
    %add3A_754 = vector.broadcast %add3A_753 : i32 to vector<16xi32>
    %add3A_755 = arith.addi %mul3A_752, %add3A_754 : vector<16xi32>
    %swap3A_756 = arith.constant 4 : i32
    %swap3A_757 = arith.index_cast %swap3A_756 : i32 to index
    %swap3A_758 = arith.constant 80 : index
    %swap3A_759 = tpu.vector_load %arg5[%swap3A_757, %swap3A_758] {strides = array<i32>} : memref<8x128xi32, #tpu.memory_space<vmem>>, vector<1x16xi32>,
    %swap3A_760 = vector.shape_cast %swap3A_759 : vector<1x16xi32> to vector<16xi32>
    %swap3A_761 = vector.shape_cast %add3A_755 : vector<16xi32> to vector<1x16xi32>
    tpu.vector_store %arg5[%swap3A_757, %swap3A_758], %swap3A_761 {strides = array<i32>} : memref<8x128xi32, #tpu.memory_space<vmem>>, vector<1x16xi32>,
    %iota3A_762 = tpu.iota {dimensions = array<i32: 0>} : vector<16xi32>
    %add3A_763 = arith.constant 512 : i32
    %add3A_764 = arith.addi %mul3A_2, %add3A_763 : i32
    %add3A_765 = arith.constant 96 : i32
    %add3A_766 = arith.addi %add3A_764, %add3A_765 : i32
    %add3A_767 = vector.broadcast %add3A_766 : i32 to vector<16xi32>
    %add3A_768 = arith.addi %iota3A_762, %add3A_767 : vector<16xi32>
    %mul3A_769 = arith.constant 32 : i32
    %mul3A_770 = vector.broadcast %mul3A_769 : i32 to vector<16xi32>
    %mul3A_771 = arith.muli %add3A_768, %mul3A_770 : vector<16xi32>
    %add3A_772 = arith.constant 4 : i32
    %add3A_773 = vector.broadcast %add3A_772 : i32 to vector<16xi32>
    %add3A_774 = arith.addi %mul3A_771, %add3A_773 : vector<16xi32>
    %swap3A_775 = arith.constant 4 : i32
    %swap3A_776 = arith.index_cast %swap3A_775 : i32 to index
    %swap3A_777 = arith.constant 96 : index
    %swap3A_778 = tpu.vector_load %arg5[%swap3A_776, %swap3A_777] {strides = array<i32>} : memref<8x128xi32, #tpu.memory_space<vmem>>, vector<1x16xi32>,
    %swap3A_779 = vector.shape_cast %swap3A_778 : vector<1x16xi32> to vector<16xi32>
    %swap3A_780 = vector.shape_cast %add3A_774 : vector<16xi32> to vector<1x16xi32>
    tpu.vector_store %arg5[%swap3A_776, %swap3A_777], %swap3A_780 {strides = array<i32>} : memref<8x128xi32, #tpu.memory_space<vmem>>, vector<1x16xi32>,
    %iota3A_781 = tpu.iota {dimensions = array<i32: 0>} : vector<16xi32>
    %add3A_782 = arith.constant 512 : i32
    %add3A_783 = arith.addi %mul3A_2, %add3A_782 : i32
    %add3A_784 = arith.constant 112 : i32
    %add3A_785 = arith.addi %add3A_783, %add3A_784 : i32
    %add3A_786 = vector.broadcast %add3A_785 : i32 to vector<16xi32>
    %add3A_787 = arith.addi %iota3A_781, %add3A_786 : vector<16xi32>
    %mul3A_788 = arith.constant 32 : i32
    %mul3A_789 = vector.broadcast %mul3A_788 : i32 to vector<16xi32>
    %mul3A_790 = arith.muli %add3A_787, %mul3A_789 : vector<16xi32>
    %add3A_791 = arith.constant 4 : i32
    %add3A_792 = vector.broadcast %add3A_791 : i32 to vector<16xi32>
    %add3A_793 = arith.addi %mul3A_790, %add3A_792 : vector<16xi32>
    %swap3A_794 = arith.constant 4 : i32
    %swap3A_795 = arith.index_cast %swap3A_794 : i32 to index
    %swap3A_796 = arith.constant 112 : index
    %swap3A_797 = tpu.vector_load %arg5[%swap3A_795, %swap3A_796] {strides = array<i32>} : memref<8x128xi32, #tpu.memory_space<vmem>>, vector<1x16xi32>,
    %swap3A_798 = vector.shape_cast %swap3A_797 : vector<1x16xi32> to vector<16xi32>
    %swap3A_799 = vector.shape_cast %add3A_793 : vector<16xi32> to vector<1x16xi32>
    tpu.vector_store %arg5[%swap3A_795, %swap3A_796], %swap3A_799 {strides = array<i32>} : memref<8x128xi32, #tpu.memory_space<vmem>>, vector<1x16xi32>,
    %dma_start3A_800 = arith.constant 4 : i32
    %dma_start3A_801 = arith.constant 4 : i32
    %dma_start3A_802 = arith.constant 0 : i32
    %dma_start3A_803 = tpu.memref_slice %arg6[%dma_start3A_801, %dma_start3A_802] : memref<8x128xf32, #tpu.memory_space<vmem>> -> memref<1x128xf32, #tpu.memory_space<vmem>>
    %dma_start3A_804 = tpu.memref_squeeze %dma_start3A_803 : memref<1x128xf32, #tpu.memory_space<vmem>> -> memref<128xf32, #tpu.memory_space<vmem>>
    %dma_start3A_805 = arith.constant 0 : i32
    %dma_start3A_806 = tpu.memref_slice %arg5[%dma_start3A_800, %dma_start3A_805] : memref<8x128xi32, #tpu.memory_space<vmem>> -> memref<1x128xi32, #tpu.memory_space<vmem>>
    %dma_start3A_807 = tpu.memref_squeeze %dma_start3A_806 : memref<1x128xi32, #tpu.memory_space<vmem>> -> memref<128xi32, #tpu.memory_space<vmem>>
    %dma_start3A_808 = arith.constant 0 : i32
    %dma_start3A_809 = tpu.memref_slice %arg2[%dma_start3A_808] : memref<524288xf32, #tpu.memory_space<hbm>> -> memref<524288xf32, #tpu.memory_space<hbm>>
    tpu.enqueue_indirect_dma source(%dma_start3A_809 : memref<524288xf32, #tpu.memory_space<hbm>>) target(%dma_start3A_804 : memref<128xf32, #tpu.memory_space<vmem>>) offsets(%dma_start3A_807 : memref<128xi32, #tpu.memory_space<vmem>>) semaphore(%arg13 : memref<!tpu.dma_semaphore, #tpu.memory_space<semaphore_mem>>)
    %iota3A_810 = tpu.iota {dimensions = array<i32: 0>} : vector<16xi32>
    %add3A_811 = arith.constant 640 : i32
    %add3A_812 = arith.addi %mul3A_2, %add3A_811 : i32
    %add3A_813 = arith.constant 0 : i32
    %add3A_814 = arith.addi %add3A_812, %add3A_813 : i32
    %add3A_815 = vector.broadcast %add3A_814 : i32 to vector<16xi32>
    %add3A_816 = arith.addi %iota3A_810, %add3A_815 : vector<16xi32>
    %mul3A_817 = arith.constant 32 : i32
    %mul3A_818 = vector.broadcast %mul3A_817 : i32 to vector<16xi32>
    %mul3A_819 = arith.muli %add3A_816, %mul3A_818 : vector<16xi32>
    %add3A_820 = arith.constant 4 : i32
    %add3A_821 = vector.broadcast %add3A_820 : i32 to vector<16xi32>
    %add3A_822 = arith.addi %mul3A_819, %add3A_821 : vector<16xi32>
    %swap3A_823 = arith.constant 5 : i32
    %swap3A_824 = arith.index_cast %swap3A_823 : i32 to index
    %swap3A_825 = arith.constant 0 : index
    %swap3A_826 = tpu.vector_load %arg5[%swap3A_824, %swap3A_825] {strides = array<i32>} : memref<8x128xi32, #tpu.memory_space<vmem>>, vector<1x16xi32>,
    %swap3A_827 = vector.shape_cast %swap3A_826 : vector<1x16xi32> to vector<16xi32>
    %swap3A_828 = vector.shape_cast %add3A_822 : vector<16xi32> to vector<1x16xi32>
    tpu.vector_store %arg5[%swap3A_824, %swap3A_825], %swap3A_828 {strides = array<i32>} : memref<8x128xi32, #tpu.memory_space<vmem>>, vector<1x16xi32>,
    %iota3A_829 = tpu.iota {dimensions = array<i32: 0>} : vector<16xi32>
    %add3A_830 = arith.constant 640 : i32
    %add3A_831 = arith.addi %mul3A_2, %add3A_830 : i32
    %add3A_832 = arith.constant 16 : i32
    %add3A_833 = arith.addi %add3A_831, %add3A_832 : i32
    %add3A_834 = vector.broadcast %add3A_833 : i32 to vector<16xi32>
    %add3A_835 = arith.addi %iota3A_829, %add3A_834 : vector<16xi32>
    %mul3A_836 = arith.constant 32 : i32
    %mul3A_837 = vector.broadcast %mul3A_836 : i32 to vector<16xi32>
    %mul3A_838 = arith.muli %add3A_835, %mul3A_837 : vector<16xi32>
    %add3A_839 = arith.constant 4 : i32
    %add3A_840 = vector.broadcast %add3A_839 : i32 to vector<16xi32>
    %add3A_841 = arith.addi %mul3A_838, %add3A_840 : vector<16xi32>
    %swap3A_842 = arith.constant 5 : i32
    %swap3A_843 = arith.index_cast %swap3A_842 : i32 to index
    %swap3A_844 = arith.constant 16 : index
    %swap3A_845 = tpu.vector_load %arg5[%swap3A_843, %swap3A_844] {strides = array<i32>} : memref<8x128xi32, #tpu.memory_space<vmem>>, vector<1x16xi32>,
    %swap3A_846 = vector.shape_cast %swap3A_845 : vector<1x16xi32> to vector<16xi32>
    %swap3A_847 = vector.shape_cast %add3A_841 : vector<16xi32> to vector<1x16xi32>
    tpu.vector_store %arg5[%swap3A_843, %swap3A_844], %swap3A_847 {strides = array<i32>} : memref<8x128xi32, #tpu.memory_space<vmem>>, vector<1x16xi32>,
    %iota3A_848 = tpu.iota {dimensions = array<i32: 0>} : vector<16xi32>
    %add3A_849 = arith.constant 640 : i32
    %add3A_850 = arith.addi %mul3A_2, %add3A_849 : i32
    %add3A_851 = arith.constant 32 : i32
    %add3A_852 = arith.addi %add3A_850, %add3A_851 : i32
    %add3A_853 = vector.broadcast %add3A_852 : i32 to vector<16xi32>
    %add3A_854 = arith.addi %iota3A_848, %add3A_853 : vector<16xi32>
    %mul3A_855 = arith.constant 32 : i32
    %mul3A_856 = vector.broadcast %mul3A_855 : i32 to vector<16xi32>
    %mul3A_857 = arith.muli %add3A_854, %mul3A_856 : vector<16xi32>
    %add3A_858 = arith.constant 4 : i32
    %add3A_859 = vector.broadcast %add3A_858 : i32 to vector<16xi32>
    %add3A_860 = arith.addi %mul3A_857, %add3A_859 : vector<16xi32>
    %swap3A_861 = arith.constant 5 : i32
    %swap3A_862 = arith.index_cast %swap3A_861 : i32 to index
    %swap3A_863 = arith.constant 32 : index
    %swap3A_864 = tpu.vector_load %arg5[%swap3A_862, %swap3A_863] {strides = array<i32>} : memref<8x128xi32, #tpu.memory_space<vmem>>, vector<1x16xi32>,
    %swap3A_865 = vector.shape_cast %swap3A_864 : vector<1x16xi32> to vector<16xi32>
    %swap3A_866 = vector.shape_cast %add3A_860 : vector<16xi32> to vector<1x16xi32>
    tpu.vector_store %arg5[%swap3A_862, %swap3A_863], %swap3A_866 {strides = array<i32>} : memref<8x128xi32, #tpu.memory_space<vmem>>, vector<1x16xi32>,
    %iota3A_867 = tpu.iota {dimensions = array<i32: 0>} : vector<16xi32>
    %add3A_868 = arith.constant 640 : i32
    %add3A_869 = arith.addi %mul3A_2, %add3A_868 : i32
    %add3A_870 = arith.constant 48 : i32
    %add3A_871 = arith.addi %add3A_869, %add3A_870 : i32
    %add3A_872 = vector.broadcast %add3A_871 : i32 to vector<16xi32>
    %add3A_873 = arith.addi %iota3A_867, %add3A_872 : vector<16xi32>
    %mul3A_874 = arith.constant 32 : i32
    %mul3A_875 = vector.broadcast %mul3A_874 : i32 to vector<16xi32>
    %mul3A_876 = arith.muli %add3A_873, %mul3A_875 : vector<16xi32>
    %add3A_877 = arith.constant 4 : i32
    %add3A_878 = vector.broadcast %add3A_877 : i32 to vector<16xi32>
    %add3A_879 = arith.addi %mul3A_876, %add3A_878 : vector<16xi32>
    %swap3A_880 = arith.constant 5 : i32
    %swap3A_881 = arith.index_cast %swap3A_880 : i32 to index
    %swap3A_882 = arith.constant 48 : index
    %swap3A_883 = tpu.vector_load %arg5[%swap3A_881, %swap3A_882] {strides = array<i32>} : memref<8x128xi32, #tpu.memory_space<vmem>>, vector<1x16xi32>,
    %swap3A_884 = vector.shape_cast %swap3A_883 : vector<1x16xi32> to vector<16xi32>
    %swap3A_885 = vector.shape_cast %add3A_879 : vector<16xi32> to vector<1x16xi32>
    tpu.vector_store %arg5[%swap3A_881, %swap3A_882], %swap3A_885 {strides = array<i32>} : memref<8x128xi32, #tpu.memory_space<vmem>>, vector<1x16xi32>,
    %iota3A_886 = tpu.iota {dimensions = array<i32: 0>} : vector<16xi32>
    %add3A_887 = arith.constant 640 : i32
    %add3A_888 = arith.addi %mul3A_2, %add3A_887 : i32
    %add3A_889 = arith.constant 64 : i32
    %add3A_890 = arith.addi %add3A_888, %add3A_889 : i32
    %add3A_891 = vector.broadcast %add3A_890 : i32 to vector<16xi32>
    %add3A_892 = arith.addi %iota3A_886, %add3A_891 : vector<16xi32>
    %mul3A_893 = arith.constant 32 : i32
    %mul3A_894 = vector.broadcast %mul3A_893 : i32 to vector<16xi32>
    %mul3A_895 = arith.muli %add3A_892, %mul3A_894 : vector<16xi32>
    %add3A_896 = arith.constant 4 : i32
    %add3A_897 = vector.broadcast %add3A_896 : i32 to vector<16xi32>
    %add3A_898 = arith.addi %mul3A_895, %add3A_897 : vector<16xi32>
    %swap3A_899 = arith.constant 5 : i32
    %swap3A_900 = arith.index_cast %swap3A_899 : i32 to index
    %swap3A_901 = arith.constant 64 : index
    %swap3A_902 = tpu.vector_load %arg5[%swap3A_900, %swap3A_901] {strides = array<i32>} : memref<8x128xi32, #tpu.memory_space<vmem>>, vector<1x16xi32>,
    %swap3A_903 = vector.shape_cast %swap3A_902 : vector<1x16xi32> to vector<16xi32>
    %swap3A_904 = vector.shape_cast %add3A_898 : vector<16xi32> to vector<1x16xi32>
    tpu.vector_store %arg5[%swap3A_900, %swap3A_901], %swap3A_904 {strides = array<i32>} : memref<8x128xi32, #tpu.memory_space<vmem>>, vector<1x16xi32>,
    %iota3A_905 = tpu.iota {dimensions = array<i32: 0>} : vector<16xi32>
    %add3A_906 = arith.constant 640 : i32
    %add3A_907 = arith.addi %mul3A_2, %add3A_906 : i32
    %add3A_908 = arith.constant 80 : i32
    %add3A_909 = arith.addi %add3A_907, %add3A_908 : i32
    %add3A_910 = vector.broadcast %add3A_909 : i32 to vector<16xi32>
    %add3A_911 = arith.addi %iota3A_905, %add3A_910 : vector<16xi32>
    %mul3A_912 = arith.constant 32 : i32
    %mul3A_913 = vector.broadcast %mul3A_912 : i32 to vector<16xi32>
    %mul3A_914 = arith.muli %add3A_911, %mul3A_913 : vector<16xi32>
    %add3A_915 = arith.constant 4 : i32
    %add3A_916 = vector.broadcast %add3A_915 : i32 to vector<16xi32>
    %add3A_917 = arith.addi %mul3A_914, %add3A_916 : vector<16xi32>
    %swap3A_918 = arith.constant 5 : i32
    %swap3A_919 = arith.index_cast %swap3A_918 : i32 to index
    %swap3A_920 = arith.constant 80 : index
    %swap3A_921 = tpu.vector_load %arg5[%swap3A_919, %swap3A_920] {strides = array<i32>} : memref<8x128xi32, #tpu.memory_space<vmem>>, vector<1x16xi32>,
    %swap3A_922 = vector.shape_cast %swap3A_921 : vector<1x16xi32> to vector<16xi32>
    %swap3A_923 = vector.shape_cast %add3A_917 : vector<16xi32> to vector<1x16xi32>
    tpu.vector_store %arg5[%swap3A_919, %swap3A_920], %swap3A_923 {strides = array<i32>} : memref<8x128xi32, #tpu.memory_space<vmem>>, vector<1x16xi32>,
    %iota3A_924 = tpu.iota {dimensions = array<i32: 0>} : vector<16xi32>
    %add3A_925 = arith.constant 640 : i32
    %add3A_926 = arith.addi %mul3A_2, %add3A_925 : i32
    %add3A_927 = arith.constant 96 : i32
    %add3A_928 = arith.addi %add3A_926, %add3A_927 : i32
    %add3A_929 = vector.broadcast %add3A_928 : i32 to vector<16xi32>
    %add3A_930 = arith.addi %iota3A_924, %add3A_929 : vector<16xi32>
    %mul3A_931 = arith.constant 32 : i32
    %mul3A_932 = vector.broadcast %mul3A_931 : i32 to vector<16xi32>
    %mul3A_933 = arith.muli %add3A_930, %mul3A_932 : vector<16xi32>
    %add3A_934 = arith.constant 4 : i32
    %add3A_935 = vector.broadcast %add3A_934 : i32 to vector<16xi32>
    %add3A_936 = arith.addi %mul3A_933, %add3A_935 : vector<16xi32>
    %swap3A_937 = arith.constant 5 : i32
    %swap3A_938 = arith.index_cast %swap3A_937 : i32 to index
    %swap3A_939 = arith.constant 96 : index
    %swap3A_940 = tpu.vector_load %arg5[%swap3A_938, %swap3A_939] {strides = array<i32>} : memref<8x128xi32, #tpu.memory_space<vmem>>, vector<1x16xi32>,
    %swap3A_941 = vector.shape_cast %swap3A_940 : vector<1x16xi32> to vector<16xi32>
    %swap3A_942 = vector.shape_cast %add3A_936 : vector<16xi32> to vector<1x16xi32>
    tpu.vector_store %arg5[%swap3A_938, %swap3A_939], %swap3A_942 {strides = array<i32>} : memref<8x128xi32, #tpu.memory_space<vmem>>, vector<1x16xi32>,
    %iota3A_943 = tpu.iota {dimensions = array<i32: 0>} : vector<16xi32>
    %add3A_944 = arith.constant 640 : i32
    %add3A_945 = arith.addi %mul3A_2, %add3A_944 : i32
    %add3A_946 = arith.constant 112 : i32
    %add3A_947 = arith.addi %add3A_945, %add3A_946 : i32
    %add3A_948 = vector.broadcast %add3A_947 : i32 to vector<16xi32>
    %add3A_949 = arith.addi %iota3A_943, %add3A_948 : vector<16xi32>
    %mul3A_950 = arith.constant 32 : i32
    %mul3A_951 = vector.broadcast %mul3A_950 : i32 to vector<16xi32>
    %mul3A_952 = arith.muli %add3A_949, %mul3A_951 : vector<16xi32>
    %add3A_953 = arith.constant 4 : i32
    %add3A_954 = vector.broadcast %add3A_953 : i32 to vector<16xi32>
    %add3A_955 = arith.addi %mul3A_952, %add3A_954 : vector<16xi32>
    %swap3A_956 = arith.constant 5 : i32
    %swap3A_957 = arith.index_cast %swap3A_956 : i32 to index
    %swap3A_958 = arith.constant 112 : index
    %swap3A_959 = tpu.vector_load %arg5[%swap3A_957, %swap3A_958] {strides = array<i32>} : memref<8x128xi32, #tpu.memory_space<vmem>>, vector<1x16xi32>,
    %swap3A_960 = vector.shape_cast %swap3A_959 : vector<1x16xi32> to vector<16xi32>
    %swap3A_961 = vector.shape_cast %add3A_955 : vector<16xi32> to vector<1x16xi32>
    tpu.vector_store %arg5[%swap3A_957, %swap3A_958], %swap3A_961 {strides = array<i32>} : memref<8x128xi32, #tpu.memory_space<vmem>>, vector<1x16xi32>,
    %dma_start3A_962 = arith.constant 5 : i32
    %dma_start3A_963 = arith.constant 5 : i32
    %dma_start3A_964 = arith.constant 0 : i32
    %dma_start3A_965 = tpu.memref_slice %arg6[%dma_start3A_963, %dma_start3A_964] : memref<8x128xf32, #tpu.memory_space<vmem>> -> memref<1x128xf32, #tpu.memory_space<vmem>>
    %dma_start3A_966 = tpu.memref_squeeze %dma_start3A_965 : memref<1x128xf32, #tpu.memory_space<vmem>> -> memref<128xf32, #tpu.memory_space<vmem>>
    %dma_start3A_967 = arith.constant 0 : i32
    %dma_start3A_968 = tpu.memref_slice %arg5[%dma_start3A_962, %dma_start3A_967] : memref<8x128xi32, #tpu.memory_space<vmem>> -> memref<1x128xi32, #tpu.memory_space<vmem>>
    %dma_start3A_969 = tpu.memref_squeeze %dma_start3A_968 : memref<1x128xi32, #tpu.memory_space<vmem>> -> memref<128xi32, #tpu.memory_space<vmem>>
    %dma_start3A_970 = arith.constant 0 : i32
    %dma_start3A_971 = tpu.memref_slice %arg2[%dma_start3A_970] : memref<524288xf32, #tpu.memory_space<hbm>> -> memref<524288xf32, #tpu.memory_space<hbm>>
    tpu.enqueue_indirect_dma source(%dma_start3A_971 : memref<524288xf32, #tpu.memory_space<hbm>>) target(%dma_start3A_966 : memref<128xf32, #tpu.memory_space<vmem>>) offsets(%dma_start3A_969 : memref<128xi32, #tpu.memory_space<vmem>>) semaphore(%arg14 : memref<!tpu.dma_semaphore, #tpu.memory_space<semaphore_mem>>)
    %iota3A_972 = tpu.iota {dimensions = array<i32: 0>} : vector<16xi32>
    %add3A_973 = arith.constant 768 : i32
    %add3A_974 = arith.addi %mul3A_2, %add3A_973 : i32
    %add3A_975 = arith.constant 0 : i32
    %add3A_976 = arith.addi %add3A_974, %add3A_975 : i32
    %add3A_977 = vector.broadcast %add3A_976 : i32 to vector<16xi32>
    %add3A_978 = arith.addi %iota3A_972, %add3A_977 : vector<16xi32>
    %mul3A_979 = arith.constant 32 : i32
    %mul3A_980 = vector.broadcast %mul3A_979 : i32 to vector<16xi32>
    %mul3A_981 = arith.muli %add3A_978, %mul3A_980 : vector<16xi32>
    %add3A_982 = arith.constant 4 : i32
    %add3A_983 = vector.broadcast %add3A_982 : i32 to vector<16xi32>
    %add3A_984 = arith.addi %mul3A_981, %add3A_983 : vector<16xi32>
    %swap3A_985 = arith.constant 6 : i32
    %swap3A_986 = arith.index_cast %swap3A_985 : i32 to index
    %swap3A_987 = arith.constant 0 : index
    %swap3A_988 = tpu.vector_load %arg5[%swap3A_986, %swap3A_987] {strides = array<i32>} : memref<8x128xi32, #tpu.memory_space<vmem>>, vector<1x16xi32>,
    %swap3A_989 = vector.shape_cast %swap3A_988 : vector<1x16xi32> to vector<16xi32>
    %swap3A_990 = vector.shape_cast %add3A_984 : vector<16xi32> to vector<1x16xi32>
    tpu.vector_store %arg5[%swap3A_986, %swap3A_987], %swap3A_990 {strides = array<i32>} : memref<8x128xi32, #tpu.memory_space<vmem>>, vector<1x16xi32>,
    %iota3A_991 = tpu.iota {dimensions = array<i32: 0>} : vector<16xi32>
    %add3A_992 = arith.constant 768 : i32
    %add3A_993 = arith.addi %mul3A_2, %add3A_992 : i32
    %add3A_994 = arith.constant 16 : i32
    %add3A_995 = arith.addi %add3A_993, %add3A_994 : i32
    %add3A_996 = vector.broadcast %add3A_995 : i32 to vector<16xi32>
    %add3A_997 = arith.addi %iota3A_991, %add3A_996 : vector<16xi32>
    %mul3A_998 = arith.constant 32 : i32
    %mul3A_999 = vector.broadcast %mul3A_998 : i32 to vector<16xi32>
    %mul3A_1000 = arith.muli %add3A_997, %mul3A_999 : vector<16xi32>
    %add3A_1001 = arith.constant 4 : i32
    %add3A_1002 = vector.broadcast %add3A_1001 : i32 to vector<16xi32>
    %add3A_1003 = arith.addi %mul3A_1000, %add3A_1002 : vector<16xi32>
    %swap3A_1004 = arith.constant 6 : i32
    %swap3A_1005 = arith.index_cast %swap3A_1004 : i32 to index
    %swap3A_1006 = arith.constant 16 : index
    %swap3A_1007 = tpu.vector_load %arg5[%swap3A_1005, %swap3A_1006] {strides = array<i32>} : memref<8x128xi32, #tpu.memory_space<vmem>>, vector<1x16xi32>,
    %swap3A_1008 = vector.shape_cast %swap3A_1007 : vector<1x16xi32> to vector<16xi32>
    %swap3A_1009 = vector.shape_cast %add3A_1003 : vector<16xi32> to vector<1x16xi32>
    tpu.vector_store %arg5[%swap3A_1005, %swap3A_1006], %swap3A_1009 {strides = array<i32>} : memref<8x128xi32, #tpu.memory_space<vmem>>, vector<1x16xi32>,
    %iota3A_1010 = tpu.iota {dimensions = array<i32: 0>} : vector<16xi32>
    %add3A_1011 = arith.constant 768 : i32
    %add3A_1012 = arith.addi %mul3A_2, %add3A_1011 : i32
    %add3A_1013 = arith.constant 32 : i32
    %add3A_1014 = arith.addi %add3A_1012, %add3A_1013 : i32
    %add3A_1015 = vector.broadcast %add3A_1014 : i32 to vector<16xi32>
    %add3A_1016 = arith.addi %iota3A_1010, %add3A_1015 : vector<16xi32>
    %mul3A_1017 = arith.constant 32 : i32
    %mul3A_1018 = vector.broadcast %mul3A_1017 : i32 to vector<16xi32>
    %mul3A_1019 = arith.muli %add3A_1016, %mul3A_1018 : vector<16xi32>
    %add3A_1020 = arith.constant 4 : i32
    %add3A_1021 = vector.broadcast %add3A_1020 : i32 to vector<16xi32>
    %add3A_1022 = arith.addi %mul3A_1019, %add3A_1021 : vector<16xi32>
    %swap3A_1023 = arith.constant 6 : i32
    %swap3A_1024 = arith.index_cast %swap3A_1023 : i32 to index
    %swap3A_1025 = arith.constant 32 : index
    %swap3A_1026 = tpu.vector_load %arg5[%swap3A_1024, %swap3A_1025] {strides = array<i32>} : memref<8x128xi32, #tpu.memory_space<vmem>>, vector<1x16xi32>,
    %swap3A_1027 = vector.shape_cast %swap3A_1026 : vector<1x16xi32> to vector<16xi32>
    %swap3A_1028 = vector.shape_cast %add3A_1022 : vector<16xi32> to vector<1x16xi32>
    tpu.vector_store %arg5[%swap3A_1024, %swap3A_1025], %swap3A_1028 {strides = array<i32>} : memref<8x128xi32, #tpu.memory_space<vmem>>, vector<1x16xi32>,
    %iota3A_1029 = tpu.iota {dimensions = array<i32: 0>} : vector<16xi32>
    %add3A_1030 = arith.constant 768 : i32
    %add3A_1031 = arith.addi %mul3A_2, %add3A_1030 : i32
    %add3A_1032 = arith.constant 48 : i32
    %add3A_1033 = arith.addi %add3A_1031, %add3A_1032 : i32
    %add3A_1034 = vector.broadcast %add3A_1033 : i32 to vector<16xi32>
    %add3A_1035 = arith.addi %iota3A_1029, %add3A_1034 : vector<16xi32>
    %mul3A_1036 = arith.constant 32 : i32
    %mul3A_1037 = vector.broadcast %mul3A_1036 : i32 to vector<16xi32>
    %mul3A_1038 = arith.muli %add3A_1035, %mul3A_1037 : vector<16xi32>
    %add3A_1039 = arith.constant 4 : i32
    %add3A_1040 = vector.broadcast %add3A_1039 : i32 to vector<16xi32>
    %add3A_1041 = arith.addi %mul3A_1038, %add3A_1040 : vector<16xi32>
    %swap3A_1042 = arith.constant 6 : i32
    %swap3A_1043 = arith.index_cast %swap3A_1042 : i32 to index
    %swap3A_1044 = arith.constant 48 : index
    %swap3A_1045 = tpu.vector_load %arg5[%swap3A_1043, %swap3A_1044] {strides = array<i32>} : memref<8x128xi32, #tpu.memory_space<vmem>>, vector<1x16xi32>,
    %swap3A_1046 = vector.shape_cast %swap3A_1045 : vector<1x16xi32> to vector<16xi32>
    %swap3A_1047 = vector.shape_cast %add3A_1041 : vector<16xi32> to vector<1x16xi32>
    tpu.vector_store %arg5[%swap3A_1043, %swap3A_1044], %swap3A_1047 {strides = array<i32>} : memref<8x128xi32, #tpu.memory_space<vmem>>, vector<1x16xi32>,
    %iota3A_1048 = tpu.iota {dimensions = array<i32: 0>} : vector<16xi32>
    %add3A_1049 = arith.constant 768 : i32
    %add3A_1050 = arith.addi %mul3A_2, %add3A_1049 : i32
    %add3A_1051 = arith.constant 64 : i32
    %add3A_1052 = arith.addi %add3A_1050, %add3A_1051 : i32
    %add3A_1053 = vector.broadcast %add3A_1052 : i32 to vector<16xi32>
    %add3A_1054 = arith.addi %iota3A_1048, %add3A_1053 : vector<16xi32>
    %mul3A_1055 = arith.constant 32 : i32
    %mul3A_1056 = vector.broadcast %mul3A_1055 : i32 to vector<16xi32>
    %mul3A_1057 = arith.muli %add3A_1054, %mul3A_1056 : vector<16xi32>
    %add3A_1058 = arith.constant 4 : i32
    %add3A_1059 = vector.broadcast %add3A_1058 : i32 to vector<16xi32>
    %add3A_1060 = arith.addi %mul3A_1057, %add3A_1059 : vector<16xi32>
    %swap3A_1061 = arith.constant 6 : i32
    %swap3A_1062 = arith.index_cast %swap3A_1061 : i32 to index
    %swap3A_1063 = arith.constant 64 : index
    %swap3A_1064 = tpu.vector_load %arg5[%swap3A_1062, %swap3A_1063] {strides = array<i32>} : memref<8x128xi32, #tpu.memory_space<vmem>>, vector<1x16xi32>,
    %swap3A_1065 = vector.shape_cast %swap3A_1064 : vector<1x16xi32> to vector<16xi32>
    %swap3A_1066 = vector.shape_cast %add3A_1060 : vector<16xi32> to vector<1x16xi32>
    tpu.vector_store %arg5[%swap3A_1062, %swap3A_1063], %swap3A_1066 {strides = array<i32>} : memref<8x128xi32, #tpu.memory_space<vmem>>, vector<1x16xi32>,
    %iota3A_1067 = tpu.iota {dimensions = array<i32: 0>} : vector<16xi32>
    %add3A_1068 = arith.constant 768 : i32
    %add3A_1069 = arith.addi %mul3A_2, %add3A_1068 : i32
    %add3A_1070 = arith.constant 80 : i32
    %add3A_1071 = arith.addi %add3A_1069, %add3A_1070 : i32
    %add3A_1072 = vector.broadcast %add3A_1071 : i32 to vector<16xi32>
    %add3A_1073 = arith.addi %iota3A_1067, %add3A_1072 : vector<16xi32>
    %mul3A_1074 = arith.constant 32 : i32
    %mul3A_1075 = vector.broadcast %mul3A_1074 : i32 to vector<16xi32>
    %mul3A_1076 = arith.muli %add3A_1073, %mul3A_1075 : vector<16xi32>
    %add3A_1077 = arith.constant 4 : i32
    %add3A_1078 = vector.broadcast %add3A_1077 : i32 to vector<16xi32>
    %add3A_1079 = arith.addi %mul3A_1076, %add3A_1078 : vector<16xi32>
    %swap3A_1080 = arith.constant 6 : i32
    %swap3A_1081 = arith.index_cast %swap3A_1080 : i32 to index
    %swap3A_1082 = arith.constant 80 : index
    %swap3A_1083 = tpu.vector_load %arg5[%swap3A_1081, %swap3A_1082] {strides = array<i32>} : memref<8x128xi32, #tpu.memory_space<vmem>>, vector<1x16xi32>,
    %swap3A_1084 = vector.shape_cast %swap3A_1083 : vector<1x16xi32> to vector<16xi32>
    %swap3A_1085 = vector.shape_cast %add3A_1079 : vector<16xi32> to vector<1x16xi32>
    tpu.vector_store %arg5[%swap3A_1081, %swap3A_1082], %swap3A_1085 {strides = array<i32>} : memref<8x128xi32, #tpu.memory_space<vmem>>, vector<1x16xi32>,
    %iota3A_1086 = tpu.iota {dimensions = array<i32: 0>} : vector<16xi32>
    %add3A_1087 = arith.constant 768 : i32
    %add3A_1088 = arith.addi %mul3A_2, %add3A_1087 : i32
    %add3A_1089 = arith.constant 96 : i32
    %add3A_1090 = arith.addi %add3A_1088, %add3A_1089 : i32
    %add3A_1091 = vector.broadcast %add3A_1090 : i32 to vector<16xi32>
    %add3A_1092 = arith.addi %iota3A_1086, %add3A_1091 : vector<16xi32>
    %mul3A_1093 = arith.constant 32 : i32
    %mul3A_1094 = vector.broadcast %mul3A_1093 : i32 to vector<16xi32>
    %mul3A_1095 = arith.muli %add3A_1092, %mul3A_1094 : vector<16xi32>
    %add3A_1096 = arith.constant 4 : i32
    %add3A_1097 = vector.broadcast %add3A_1096 : i32 to vector<16xi32>
    %add3A_1098 = arith.addi %mul3A_1095, %add3A_1097 : vector<16xi32>
    %swap3A_1099 = arith.constant 6 : i32
    %swap3A_1100 = arith.index_cast %swap3A_1099 : i32 to index
    %swap3A_1101 = arith.constant 96 : index
    %swap3A_1102 = tpu.vector_load %arg5[%swap3A_1100, %swap3A_1101] {strides = array<i32>} : memref<8x128xi32, #tpu.memory_space<vmem>>, vector<1x16xi32>,
    %swap3A_1103 = vector.shape_cast %swap3A_1102 : vector<1x16xi32> to vector<16xi32>
    %swap3A_1104 = vector.shape_cast %add3A_1098 : vector<16xi32> to vector<1x16xi32>
    tpu.vector_store %arg5[%swap3A_1100, %swap3A_1101], %swap3A_1104 {strides = array<i32>} : memref<8x128xi32, #tpu.memory_space<vmem>>, vector<1x16xi32>,
    %iota3A_1105 = tpu.iota {dimensions = array<i32: 0>} : vector<16xi32>
    %add3A_1106 = arith.constant 768 : i32
    %add3A_1107 = arith.addi %mul3A_2, %add3A_1106 : i32
    %add3A_1108 = arith.constant 112 : i32
    %add3A_1109 = arith.addi %add3A_1107, %add3A_1108 : i32
    %add3A_1110 = vector.broadcast %add3A_1109 : i32 to vector<16xi32>
    %add3A_1111 = arith.addi %iota3A_1105, %add3A_1110 : vector<16xi32>
    %mul3A_1112 = arith.constant 32 : i32
    %mul3A_1113 = vector.broadcast %mul3A_1112 : i32 to vector<16xi32>
    %mul3A_1114 = arith.muli %add3A_1111, %mul3A_1113 : vector<16xi32>
    %add3A_1115 = arith.constant 4 : i32
    %add3A_1116 = vector.broadcast %add3A_1115 : i32 to vector<16xi32>
    %add3A_1117 = arith.addi %mul3A_1114, %add3A_1116 : vector<16xi32>
    %swap3A_1118 = arith.constant 6 : i32
    %swap3A_1119 = arith.index_cast %swap3A_1118 : i32 to index
    %swap3A_1120 = arith.constant 112 : index
    %swap3A_1121 = tpu.vector_load %arg5[%swap3A_1119, %swap3A_1120] {strides = array<i32>} : memref<8x128xi32, #tpu.memory_space<vmem>>, vector<1x16xi32>,
    %swap3A_1122 = vector.shape_cast %swap3A_1121 : vector<1x16xi32> to vector<16xi32>
    %swap3A_1123 = vector.shape_cast %add3A_1117 : vector<16xi32> to vector<1x16xi32>
    tpu.vector_store %arg5[%swap3A_1119, %swap3A_1120], %swap3A_1123 {strides = array<i32>} : memref<8x128xi32, #tpu.memory_space<vmem>>, vector<1x16xi32>,
    %dma_start3A_1124 = arith.constant 6 : i32
    %dma_start3A_1125 = arith.constant 6 : i32
    %dma_start3A_1126 = arith.constant 0 : i32
    %dma_start3A_1127 = tpu.memref_slice %arg6[%dma_start3A_1125, %dma_start3A_1126] : memref<8x128xf32, #tpu.memory_space<vmem>> -> memref<1x128xf32, #tpu.memory_space<vmem>>
    %dma_start3A_1128 = tpu.memref_squeeze %dma_start3A_1127 : memref<1x128xf32, #tpu.memory_space<vmem>> -> memref<128xf32, #tpu.memory_space<vmem>>
    %dma_start3A_1129 = arith.constant 0 : i32
    %dma_start3A_1130 = tpu.memref_slice %arg5[%dma_start3A_1124, %dma_start3A_1129] : memref<8x128xi32, #tpu.memory_space<vmem>> -> memref<1x128xi32, #tpu.memory_space<vmem>>
    %dma_start3A_1131 = tpu.memref_squeeze %dma_start3A_1130 : memref<1x128xi32, #tpu.memory_space<vmem>> -> memref<128xi32, #tpu.memory_space<vmem>>
    %dma_start3A_1132 = arith.constant 0 : i32
    %dma_start3A_1133 = tpu.memref_slice %arg2[%dma_start3A_1132] : memref<524288xf32, #tpu.memory_space<hbm>> -> memref<524288xf32, #tpu.memory_space<hbm>>
    tpu.enqueue_indirect_dma source(%dma_start3A_1133 : memref<524288xf32, #tpu.memory_space<hbm>>) target(%dma_start3A_1128 : memref<128xf32, #tpu.memory_space<vmem>>) offsets(%dma_start3A_1131 : memref<128xi32, #tpu.memory_space<vmem>>) semaphore(%arg15 : memref<!tpu.dma_semaphore, #tpu.memory_space<semaphore_mem>>)
    %iota3A_1134 = tpu.iota {dimensions = array<i32: 0>} : vector<16xi32>
    %add3A_1135 = arith.constant 896 : i32
    %add3A_1136 = arith.addi %mul3A_2, %add3A_1135 : i32
    %add3A_1137 = arith.constant 0 : i32
    %add3A_1138 = arith.addi %add3A_1136, %add3A_1137 : i32
    %add3A_1139 = vector.broadcast %add3A_1138 : i32 to vector<16xi32>
    %add3A_1140 = arith.addi %iota3A_1134, %add3A_1139 : vector<16xi32>
    %mul3A_1141 = arith.constant 32 : i32
    %mul3A_1142 = vector.broadcast %mul3A_1141 : i32 to vector<16xi32>
    %mul3A_1143 = arith.muli %add3A_1140, %mul3A_1142 : vector<16xi32>
    %add3A_1144 = arith.constant 4 : i32
    %add3A_1145 = vector.broadcast %add3A_1144 : i32 to vector<16xi32>
    %add3A_1146 = arith.addi %mul3A_1143, %add3A_1145 : vector<16xi32>
    %swap3A_1147 = arith.constant 7 : i32
    %swap3A_1148 = arith.index_cast %swap3A_1147 : i32 to index
    %swap3A_1149 = arith.constant 0 : index
    %swap3A_1150 = tpu.vector_load %arg5[%swap3A_1148, %swap3A_1149] {strides = array<i32>} : memref<8x128xi32, #tpu.memory_space<vmem>>, vector<1x16xi32>,
    %swap3A_1151 = vector.shape_cast %swap3A_1150 : vector<1x16xi32> to vector<16xi32>
    %swap3A_1152 = vector.shape_cast %add3A_1146 : vector<16xi32> to vector<1x16xi32>
    tpu.vector_store %arg5[%swap3A_1148, %swap3A_1149], %swap3A_1152 {strides = array<i32>} : memref<8x128xi32, #tpu.memory_space<vmem>>, vector<1x16xi32>,
    %iota3A_1153 = tpu.iota {dimensions = array<i32: 0>} : vector<16xi32>
    %add3A_1154 = arith.constant 896 : i32
    %add3A_1155 = arith.addi %mul3A_2, %add3A_1154 : i32
    %add3A_1156 = arith.constant 16 : i32
    %add3A_1157 = arith.addi %add3A_1155, %add3A_1156 : i32
    %add3A_1158 = vector.broadcast %add3A_1157 : i32 to vector<16xi32>
    %add3A_1159 = arith.addi %iota3A_1153, %add3A_1158 : vector<16xi32>
    %mul3A_1160 = arith.constant 32 : i32
    %mul3A_1161 = vector.broadcast %mul3A_1160 : i32 to vector<16xi32>
    %mul3A_1162 = arith.muli %add3A_1159, %mul3A_1161 : vector<16xi32>
    %add3A_1163 = arith.constant 4 : i32
    %add3A_1164 = vector.broadcast %add3A_1163 : i32 to vector<16xi32>
    %add3A_1165 = arith.addi %mul3A_1162, %add3A_1164 : vector<16xi32>
    %swap3A_1166 = arith.constant 7 : i32
    %swap3A_1167 = arith.index_cast %swap3A_1166 : i32 to index
    %swap3A_1168 = arith.constant 16 : index
    %swap3A_1169 = tpu.vector_load %arg5[%swap3A_1167, %swap3A_1168] {strides = array<i32>} : memref<8x128xi32, #tpu.memory_space<vmem>>, vector<1x16xi32>,
    %swap3A_1170 = vector.shape_cast %swap3A_1169 : vector<1x16xi32> to vector<16xi32>
    %swap3A_1171 = vector.shape_cast %add3A_1165 : vector<16xi32> to vector<1x16xi32>
    tpu.vector_store %arg5[%swap3A_1167, %swap3A_1168], %swap3A_1171 {strides = array<i32>} : memref<8x128xi32, #tpu.memory_space<vmem>>, vector<1x16xi32>,
    %iota3A_1172 = tpu.iota {dimensions = array<i32: 0>} : vector<16xi32>
    %add3A_1173 = arith.constant 896 : i32
    %add3A_1174 = arith.addi %mul3A_2, %add3A_1173 : i32
    %add3A_1175 = arith.constant 32 : i32
    %add3A_1176 = arith.addi %add3A_1174, %add3A_1175 : i32
    %add3A_1177 = vector.broadcast %add3A_1176 : i32 to vector<16xi32>
    %add3A_1178 = arith.addi %iota3A_1172, %add3A_1177 : vector<16xi32>
    %mul3A_1179 = arith.constant 32 : i32
    %mul3A_1180 = vector.broadcast %mul3A_1179 : i32 to vector<16xi32>
    %mul3A_1181 = arith.muli %add3A_1178, %mul3A_1180 : vector<16xi32>
    %add3A_1182 = arith.constant 4 : i32
    %add3A_1183 = vector.broadcast %add3A_1182 : i32 to vector<16xi32>
    %add3A_1184 = arith.addi %mul3A_1181, %add3A_1183 : vector<16xi32>
    %swap3A_1185 = arith.constant 7 : i32
    %swap3A_1186 = arith.index_cast %swap3A_1185 : i32 to index
    %swap3A_1187 = arith.constant 32 : index
    %swap3A_1188 = tpu.vector_load %arg5[%swap3A_1186, %swap3A_1187] {strides = array<i32>} : memref<8x128xi32, #tpu.memory_space<vmem>>, vector<1x16xi32>,
    %swap3A_1189 = vector.shape_cast %swap3A_1188 : vector<1x16xi32> to vector<16xi32>
    %swap3A_1190 = vector.shape_cast %add3A_1184 : vector<16xi32> to vector<1x16xi32>
    tpu.vector_store %arg5[%swap3A_1186, %swap3A_1187], %swap3A_1190 {strides = array<i32>} : memref<8x128xi32, #tpu.memory_space<vmem>>, vector<1x16xi32>,
    %iota3A_1191 = tpu.iota {dimensions = array<i32: 0>} : vector<16xi32>
    %add3A_1192 = arith.constant 896 : i32
    %add3A_1193 = arith.addi %mul3A_2, %add3A_1192 : i32
    %add3A_1194 = arith.constant 48 : i32
    %add3A_1195 = arith.addi %add3A_1193, %add3A_1194 : i32
    %add3A_1196 = vector.broadcast %add3A_1195 : i32 to vector<16xi32>
    %add3A_1197 = arith.addi %iota3A_1191, %add3A_1196 : vector<16xi32>
    %mul3A_1198 = arith.constant 32 : i32
    %mul3A_1199 = vector.broadcast %mul3A_1198 : i32 to vector<16xi32>
    %mul3A_1200 = arith.muli %add3A_1197, %mul3A_1199 : vector<16xi32>
    %add3A_1201 = arith.constant 4 : i32
    %add3A_1202 = vector.broadcast %add3A_1201 : i32 to vector<16xi32>
    %add3A_1203 = arith.addi %mul3A_1200, %add3A_1202 : vector<16xi32>
    %swap3A_1204 = arith.constant 7 : i32
    %swap3A_1205 = arith.index_cast %swap3A_1204 : i32 to index
    %swap3A_1206 = arith.constant 48 : index
    %swap3A_1207 = tpu.vector_load %arg5[%swap3A_1205, %swap3A_1206] {strides = array<i32>} : memref<8x128xi32, #tpu.memory_space<vmem>>, vector<1x16xi32>,
    %swap3A_1208 = vector.shape_cast %swap3A_1207 : vector<1x16xi32> to vector<16xi32>
    %swap3A_1209 = vector.shape_cast %add3A_1203 : vector<16xi32> to vector<1x16xi32>
    tpu.vector_store %arg5[%swap3A_1205, %swap3A_1206], %swap3A_1209 {strides = array<i32>} : memref<8x128xi32, #tpu.memory_space<vmem>>, vector<1x16xi32>,
    %iota3A_1210 = tpu.iota {dimensions = array<i32: 0>} : vector<16xi32>
    %add3A_1211 = arith.constant 896 : i32
    %add3A_1212 = arith.addi %mul3A_2, %add3A_1211 : i32
    %add3A_1213 = arith.constant 64 : i32
    %add3A_1214 = arith.addi %add3A_1212, %add3A_1213 : i32
    %add3A_1215 = vector.broadcast %add3A_1214 : i32 to vector<16xi32>
    %add3A_1216 = arith.addi %iota3A_1210, %add3A_1215 : vector<16xi32>
    %mul3A_1217 = arith.constant 32 : i32
    %mul3A_1218 = vector.broadcast %mul3A_1217 : i32 to vector<16xi32>
    %mul3A_1219 = arith.muli %add3A_1216, %mul3A_1218 : vector<16xi32>
    %add3A_1220 = arith.constant 4 : i32
    %add3A_1221 = vector.broadcast %add3A_1220 : i32 to vector<16xi32>
    %add3A_1222 = arith.addi %mul3A_1219, %add3A_1221 : vector<16xi32>
    %swap3A_1223 = arith.constant 7 : i32
    %swap3A_1224 = arith.index_cast %swap3A_1223 : i32 to index
    %swap3A_1225 = arith.constant 64 : index
    %swap3A_1226 = tpu.vector_load %arg5[%swap3A_1224, %swap3A_1225] {strides = array<i32>} : memref<8x128xi32, #tpu.memory_space<vmem>>, vector<1x16xi32>,
    %swap3A_1227 = vector.shape_cast %swap3A_1226 : vector<1x16xi32> to vector<16xi32>
    %swap3A_1228 = vector.shape_cast %add3A_1222 : vector<16xi32> to vector<1x16xi32>
    tpu.vector_store %arg5[%swap3A_1224, %swap3A_1225], %swap3A_1228 {strides = array<i32>} : memref<8x128xi32, #tpu.memory_space<vmem>>, vector<1x16xi32>,
    %iota3A_1229 = tpu.iota {dimensions = array<i32: 0>} : vector<16xi32>
    %add3A_1230 = arith.constant 896 : i32
    %add3A_1231 = arith.addi %mul3A_2, %add3A_1230 : i32
    %add3A_1232 = arith.constant 80 : i32
    %add3A_1233 = arith.addi %add3A_1231, %add3A_1232 : i32
    %add3A_1234 = vector.broadcast %add3A_1233 : i32 to vector<16xi32>
    %add3A_1235 = arith.addi %iota3A_1229, %add3A_1234 : vector<16xi32>
    %mul3A_1236 = arith.constant 32 : i32
    %mul3A_1237 = vector.broadcast %mul3A_1236 : i32 to vector<16xi32>
    %mul3A_1238 = arith.muli %add3A_1235, %mul3A_1237 : vector<16xi32>
    %add3A_1239 = arith.constant 4 : i32
    %add3A_1240 = vector.broadcast %add3A_1239 : i32 to vector<16xi32>
    %add3A_1241 = arith.addi %mul3A_1238, %add3A_1240 : vector<16xi32>
    %swap3A_1242 = arith.constant 7 : i32
    %swap3A_1243 = arith.index_cast %swap3A_1242 : i32 to index
    %swap3A_1244 = arith.constant 80 : index
    %swap3A_1245 = tpu.vector_load %arg5[%swap3A_1243, %swap3A_1244] {strides = array<i32>} : memref<8x128xi32, #tpu.memory_space<vmem>>, vector<1x16xi32>,
    %swap3A_1246 = vector.shape_cast %swap3A_1245 : vector<1x16xi32> to vector<16xi32>
    %swap3A_1247 = vector.shape_cast %add3A_1241 : vector<16xi32> to vector<1x16xi32>
    tpu.vector_store %arg5[%swap3A_1243, %swap3A_1244], %swap3A_1247 {strides = array<i32>} : memref<8x128xi32, #tpu.memory_space<vmem>>, vector<1x16xi32>,
    %iota3A_1248 = tpu.iota {dimensions = array<i32: 0>} : vector<16xi32>
    %add3A_1249 = arith.constant 896 : i32
    %add3A_1250 = arith.addi %mul3A_2, %add3A_1249 : i32
    %add3A_1251 = arith.constant 96 : i32
    %add3A_1252 = arith.addi %add3A_1250, %add3A_1251 : i32
    %add3A_1253 = vector.broadcast %add3A_1252 : i32 to vector<16xi32>
    %add3A_1254 = arith.addi %iota3A_1248, %add3A_1253 : vector<16xi32>
    %mul3A_1255 = arith.constant 32 : i32
    %mul3A_1256 = vector.broadcast %mul3A_1255 : i32 to vector<16xi32>
    %mul3A_1257 = arith.muli %add3A_1254, %mul3A_1256 : vector<16xi32>
    %add3A_1258 = arith.constant 4 : i32
    %add3A_1259 = vector.broadcast %add3A_1258 : i32 to vector<16xi32>
    %add3A_1260 = arith.addi %mul3A_1257, %add3A_1259 : vector<16xi32>
    %swap3A_1261 = arith.constant 7 : i32
    %swap3A_1262 = arith.index_cast %swap3A_1261 : i32 to index
    %swap3A_1263 = arith.constant 96 : index
    %swap3A_1264 = tpu.vector_load %arg5[%swap3A_1262, %swap3A_1263] {strides = array<i32>} : memref<8x128xi32, #tpu.memory_space<vmem>>, vector<1x16xi32>,
    %swap3A_1265 = vector.shape_cast %swap3A_1264 : vector<1x16xi32> to vector<16xi32>
    %swap3A_1266 = vector.shape_cast %add3A_1260 : vector<16xi32> to vector<1x16xi32>
    tpu.vector_store %arg5[%swap3A_1262, %swap3A_1263], %swap3A_1266 {strides = array<i32>} : memref<8x128xi32, #tpu.memory_space<vmem>>, vector<1x16xi32>,
    %iota3A_1267 = tpu.iota {dimensions = array<i32: 0>} : vector<16xi32>
    %add3A_1268 = arith.constant 896 : i32
    %add3A_1269 = arith.addi %mul3A_2, %add3A_1268 : i32
    %add3A_1270 = arith.constant 112 : i32
    %add3A_1271 = arith.addi %add3A_1269, %add3A_1270 : i32
    %add3A_1272 = vector.broadcast %add3A_1271 : i32 to vector<16xi32>
    %add3A_1273 = arith.addi %iota3A_1267, %add3A_1272 : vector<16xi32>
    %mul3A_1274 = arith.constant 32 : i32
    %mul3A_1275 = vector.broadcast %mul3A_1274 : i32 to vector<16xi32>
    %mul3A_1276 = arith.muli %add3A_1273, %mul3A_1275 : vector<16xi32>
    %add3A_1277 = arith.constant 4 : i32
    %add3A_1278 = vector.broadcast %add3A_1277 : i32 to vector<16xi32>
    %add3A_1279 = arith.addi %mul3A_1276, %add3A_1278 : vector<16xi32>
    %swap3A_1280 = arith.constant 7 : i32
    %swap3A_1281 = arith.index_cast %swap3A_1280 : i32 to index
    %swap3A_1282 = arith.constant 112 : index
    %swap3A_1283 = tpu.vector_load %arg5[%swap3A_1281, %swap3A_1282] {strides = array<i32>} : memref<8x128xi32, #tpu.memory_space<vmem>>, vector<1x16xi32>,
    %swap3A_1284 = vector.shape_cast %swap3A_1283 : vector<1x16xi32> to vector<16xi32>
    %swap3A_1285 = vector.shape_cast %add3A_1279 : vector<16xi32> to vector<1x16xi32>
    tpu.vector_store %arg5[%swap3A_1281, %swap3A_1282], %swap3A_1285 {strides = array<i32>} : memref<8x128xi32, #tpu.memory_space<vmem>>, vector<1x16xi32>,
    %dma_start3A_1286 = arith.constant 7 : i32
    %dma_start3A_1287 = arith.constant 7 : i32
    %dma_start3A_1288 = arith.constant 0 : i32
    %dma_start3A_1289 = tpu.memref_slice %arg6[%dma_start3A_1287, %dma_start3A_1288] : memref<8x128xf32, #tpu.memory_space<vmem>> -> memref<1x128xf32, #tpu.memory_space<vmem>>
    %dma_start3A_1290 = tpu.memref_squeeze %dma_start3A_1289 : memref<1x128xf32, #tpu.memory_space<vmem>> -> memref<128xf32, #tpu.memory_space<vmem>>
    %dma_start3A_1291 = arith.constant 0 : i32
    %dma_start3A_1292 = tpu.memref_slice %arg5[%dma_start3A_1286, %dma_start3A_1291] : memref<8x128xi32, #tpu.memory_space<vmem>> -> memref<1x128xi32, #tpu.memory_space<vmem>>
    %dma_start3A_1293 = tpu.memref_squeeze %dma_start3A_1292 : memref<1x128xi32, #tpu.memory_space<vmem>> -> memref<128xi32, #tpu.memory_space<vmem>>
    %dma_start3A_1294 = arith.constant 0 : i32
    %dma_start3A_1295 = tpu.memref_slice %arg2[%dma_start3A_1294] : memref<524288xf32, #tpu.memory_space<hbm>> -> memref<524288xf32, #tpu.memory_space<hbm>>
    tpu.enqueue_indirect_dma source(%dma_start3A_1295 : memref<524288xf32, #tpu.memory_space<hbm>>) target(%dma_start3A_1290 : memref<128xf32, #tpu.memory_space<vmem>>) offsets(%dma_start3A_1293 : memref<128xi32, #tpu.memory_space<vmem>>) semaphore(%arg16 : memref<!tpu.dma_semaphore, #tpu.memory_space<semaphore_mem>>)
    %dma_wait3A = arith.constant 0 : i32
    %dma_wait3A_1296 = arith.constant 0 : i32
    %dma_wait3A_1297 = arith.constant 0 : i32
    %dma_wait3A_1298 = tpu.memref_slice %arg6[%dma_wait3A_1296, %dma_wait3A_1297] : memref<8x128xf32, #tpu.memory_space<vmem>> -> memref<1x128xf32, #tpu.memory_space<vmem>>
    %dma_wait3A_1299 = tpu.memref_squeeze %dma_wait3A_1298 : memref<1x128xf32, #tpu.memory_space<vmem>> -> memref<128xf32, #tpu.memory_space<vmem>>
    %dma_wait3A_1300 = arith.constant 0 : i32
    %dma_wait3A_1301 = tpu.memref_slice %arg5[%dma_wait3A, %dma_wait3A_1300] : memref<8x128xi32, #tpu.memory_space<vmem>> -> memref<1x128xi32, #tpu.memory_space<vmem>>
    %dma_wait3A_1302 = tpu.memref_squeeze %dma_wait3A_1301 : memref<1x128xi32, #tpu.memory_space<vmem>> -> memref<128xi32, #tpu.memory_space<vmem>>
    %dma_wait3A_1303 = arith.constant 0 : i32
    %dma_wait3A_1304 = tpu.memref_slice %arg2[%dma_wait3A_1303] : memref<524288xf32, #tpu.memory_space<hbm>> -> memref<524288xf32, #tpu.memory_space<hbm>>
    tpu.wait_indirect_dma semaphore(%arg9 : memref<!tpu.dma_semaphore, #tpu.memory_space<semaphore_mem>>) src(%dma_wait3A_1304 : memref<524288xf32, #tpu.memory_space<hbm>>) dst(%dma_wait3A_1299 : memref<128xf32, #tpu.memory_space<vmem>>)
    %iota3A_1305 = tpu.iota {dimensions = array<i32: 0>} : vector<16xi32>
    %add3A_1306 = arith.constant 0 : i32
    %add3A_1307 = arith.addi %mul3A_2, %add3A_1306 : i32
    %add3A_1308 = arith.constant 0 : i32
    %add3A_1309 = arith.addi %add3A_1307, %add3A_1308 : i32
    %add3A_1310 = vector.broadcast %add3A_1309 : i32 to vector<16xi32>
    %add3A_1311 = arith.addi %iota3A_1305, %add3A_1310 : vector<16xi32>
    %get3A = arith.constant 0 : i32
    %get3A_1312 = arith.index_cast %get3A : i32 to index
    %get3A_1313 = arith.constant 0 : index
    %get3A_1314 = tpu.vector_load %arg6[%get3A_1312, %get3A_1313] {strides = array<i32>} : memref<8x128xf32, #tpu.memory_space<vmem>>, vector<1x16xf32>,
    %get3A_1315 = vector.shape_cast %get3A_1314 : vector<1x16xf32> to vector<16xf32>
    %mul3A_1316 = arith.constant 128 : i32
    %mul3A_1317 = vector.broadcast %mul3A_1316 : i32 to vector<16xi32>
    %mul3A_1318 = arith.muli %add3A_1311, %mul3A_1317 : vector<16xi32>
    %convert_element_type3A = arith.fptosi %get3A_1315 : vector<16xf32> to vector<16xi32>
    %add3A_1319 = arith.addi %mul3A_1318, %convert_element_type3A : vector<16xi32>
    %swap3A_1320 = arith.constant 0 : i32
    %swap3A_1321 = arith.index_cast %swap3A_1320 : i32 to index
    %swap3A_1322 = arith.constant 0 : index
    %swap3A_1323 = tpu.vector_load %arg7[%swap3A_1321, %swap3A_1322] {strides = array<i32>} : memref<8x128xi32, #tpu.memory_space<vmem>>, vector<1x16xi32>,
    %swap3A_1324 = vector.shape_cast %swap3A_1323 : vector<1x16xi32> to vector<16xi32>
    %swap3A_1325 = vector.shape_cast %add3A_1319 : vector<16xi32> to vector<1x16xi32>
    tpu.vector_store %arg7[%swap3A_1321, %swap3A_1322], %swap3A_1325 {strides = array<i32>} : memref<8x128xi32, #tpu.memory_space<vmem>>, vector<1x16xi32>,
    %iota3A_1326 = tpu.iota {dimensions = array<i32: 0>} : vector<16xi32>
    %add3A_1327 = arith.constant 0 : i32
    %add3A_1328 = arith.addi %mul3A_2, %add3A_1327 : i32
    %add3A_1329 = arith.constant 16 : i32
    %add3A_1330 = arith.addi %add3A_1328, %add3A_1329 : i32
    %add3A_1331 = vector.broadcast %add3A_1330 : i32 to vector<16xi32>
    %add3A_1332 = arith.addi %iota3A_1326, %add3A_1331 : vector<16xi32>
    %get3A_1333 = arith.constant 0 : i32
    %get3A_1334 = arith.index_cast %get3A_1333 : i32 to index
    %get3A_1335 = arith.constant 16 : index
    %get3A_1336 = tpu.vector_load %arg6[%get3A_1334, %get3A_1335] {strides = array<i32>} : memref<8x128xf32, #tpu.memory_space<vmem>>, vector<1x16xf32>,
    %get3A_1337 = vector.shape_cast %get3A_1336 : vector<1x16xf32> to vector<16xf32>
    %mul3A_1338 = arith.constant 128 : i32
    %mul3A_1339 = vector.broadcast %mul3A_1338 : i32 to vector<16xi32>
    %mul3A_1340 = arith.muli %add3A_1332, %mul3A_1339 : vector<16xi32>
    %convert_element_type3A_1341 = arith.fptosi %get3A_1337 : vector<16xf32> to vector<16xi32>
    %add3A_1342 = arith.addi %mul3A_1340, %convert_element_type3A_1341 : vector<16xi32>
    %swap3A_1343 = arith.constant 0 : i32
    %swap3A_1344 = arith.index_cast %swap3A_1343 : i32 to index
    %swap3A_1345 = arith.constant 16 : index
    %swap3A_1346 = tpu.vector_load %arg7[%swap3A_1344, %swap3A_1345] {strides = array<i32>} : memref<8x128xi32, #tpu.memory_space<vmem>>, vector<1x16xi32>,
    %swap3A_1347 = vector.shape_cast %swap3A_1346 : vector<1x16xi32> to vector<16xi32>
    %swap3A_1348 = vector.shape_cast %add3A_1342 : vector<16xi32> to vector<1x16xi32>
    tpu.vector_store %arg7[%swap3A_1344, %swap3A_1345], %swap3A_1348 {strides = array<i32>} : memref<8x128xi32, #tpu.memory_space<vmem>>, vector<1x16xi32>,
    %iota3A_1349 = tpu.iota {dimensions = array<i32: 0>} : vector<16xi32>
    %add3A_1350 = arith.constant 0 : i32
    %add3A_1351 = arith.addi %mul3A_2, %add3A_1350 : i32
    %add3A_1352 = arith.constant 32 : i32
    %add3A_1353 = arith.addi %add3A_1351, %add3A_1352 : i32
    %add3A_1354 = vector.broadcast %add3A_1353 : i32 to vector<16xi32>
    %add3A_1355 = arith.addi %iota3A_1349, %add3A_1354 : vector<16xi32>
    %get3A_1356 = arith.constant 0 : i32
    %get3A_1357 = arith.index_cast %get3A_1356 : i32 to index
    %get3A_1358 = arith.constant 32 : index
    %get3A_1359 = tpu.vector_load %arg6[%get3A_1357, %get3A_1358] {strides = array<i32>} : memref<8x128xf32, #tpu.memory_space<vmem>>, vector<1x16xf32>,
    %get3A_1360 = vector.shape_cast %get3A_1359 : vector<1x16xf32> to vector<16xf32>
    %mul3A_1361 = arith.constant 128 : i32
    %mul3A_1362 = vector.broadcast %mul3A_1361 : i32 to vector<16xi32>
    %mul3A_1363 = arith.muli %add3A_1355, %mul3A_1362 : vector<16xi32>
    %convert_element_type3A_1364 = arith.fptosi %get3A_1360 : vector<16xf32> to vector<16xi32>
    %add3A_1365 = arith.addi %mul3A_1363, %convert_element_type3A_1364 : vector<16xi32>
    %swap3A_1366 = arith.constant 0 : i32
    %swap3A_1367 = arith.index_cast %swap3A_1366 : i32 to index
    %swap3A_1368 = arith.constant 32 : index
    %swap3A_1369 = tpu.vector_load %arg7[%swap3A_1367, %swap3A_1368] {strides = array<i32>} : memref<8x128xi32, #tpu.memory_space<vmem>>, vector<1x16xi32>,
    %swap3A_1370 = vector.shape_cast %swap3A_1369 : vector<1x16xi32> to vector<16xi32>
    %swap3A_1371 = vector.shape_cast %add3A_1365 : vector<16xi32> to vector<1x16xi32>
    tpu.vector_store %arg7[%swap3A_1367, %swap3A_1368], %swap3A_1371 {strides = array<i32>} : memref<8x128xi32, #tpu.memory_space<vmem>>, vector<1x16xi32>,
    %iota3A_1372 = tpu.iota {dimensions = array<i32: 0>} : vector<16xi32>
    %add3A_1373 = arith.constant 0 : i32
    %add3A_1374 = arith.addi %mul3A_2, %add3A_1373 : i32
    %add3A_1375 = arith.constant 48 : i32
    %add3A_1376 = arith.addi %add3A_1374, %add3A_1375 : i32
    %add3A_1377 = vector.broadcast %add3A_1376 : i32 to vector<16xi32>
    %add3A_1378 = arith.addi %iota3A_1372, %add3A_1377 : vector<16xi32>
    %get3A_1379 = arith.constant 0 : i32
    %get3A_1380 = arith.index_cast %get3A_1379 : i32 to index
    %get3A_1381 = arith.constant 48 : index
    %get3A_1382 = tpu.vector_load %arg6[%get3A_1380, %get3A_1381] {strides = array<i32>} : memref<8x128xf32, #tpu.memory_space<vmem>>, vector<1x16xf32>,
    %get3A_1383 = vector.shape_cast %get3A_1382 : vector<1x16xf32> to vector<16xf32>
    %mul3A_1384 = arith.constant 128 : i32
    %mul3A_1385 = vector.broadcast %mul3A_1384 : i32 to vector<16xi32>
    %mul3A_1386 = arith.muli %add3A_1378, %mul3A_1385 : vector<16xi32>
    %convert_element_type3A_1387 = arith.fptosi %get3A_1383 : vector<16xf32> to vector<16xi32>
    %add3A_1388 = arith.addi %mul3A_1386, %convert_element_type3A_1387 : vector<16xi32>
    %swap3A_1389 = arith.constant 0 : i32
    %swap3A_1390 = arith.index_cast %swap3A_1389 : i32 to index
    %swap3A_1391 = arith.constant 48 : index
    %swap3A_1392 = tpu.vector_load %arg7[%swap3A_1390, %swap3A_1391] {strides = array<i32>} : memref<8x128xi32, #tpu.memory_space<vmem>>, vector<1x16xi32>,
    %swap3A_1393 = vector.shape_cast %swap3A_1392 : vector<1x16xi32> to vector<16xi32>
    %swap3A_1394 = vector.shape_cast %add3A_1388 : vector<16xi32> to vector<1x16xi32>
    tpu.vector_store %arg7[%swap3A_1390, %swap3A_1391], %swap3A_1394 {strides = array<i32>} : memref<8x128xi32, #tpu.memory_space<vmem>>, vector<1x16xi32>,
    %iota3A_1395 = tpu.iota {dimensions = array<i32: 0>} : vector<16xi32>
    %add3A_1396 = arith.constant 0 : i32
    %add3A_1397 = arith.addi %mul3A_2, %add3A_1396 : i32
    %add3A_1398 = arith.constant 64 : i32
    %add3A_1399 = arith.addi %add3A_1397, %add3A_1398 : i32
    %add3A_1400 = vector.broadcast %add3A_1399 : i32 to vector<16xi32>
    %add3A_1401 = arith.addi %iota3A_1395, %add3A_1400 : vector<16xi32>
    %get3A_1402 = arith.constant 0 : i32
    %get3A_1403 = arith.index_cast %get3A_1402 : i32 to index
    %get3A_1404 = arith.constant 64 : index
    %get3A_1405 = tpu.vector_load %arg6[%get3A_1403, %get3A_1404] {strides = array<i32>} : memref<8x128xf32, #tpu.memory_space<vmem>>, vector<1x16xf32>,
    %get3A_1406 = vector.shape_cast %get3A_1405 : vector<1x16xf32> to vector<16xf32>
    %mul3A_1407 = arith.constant 128 : i32
    %mul3A_1408 = vector.broadcast %mul3A_1407 : i32 to vector<16xi32>
    %mul3A_1409 = arith.muli %add3A_1401, %mul3A_1408 : vector<16xi32>
    %convert_element_type3A_1410 = arith.fptosi %get3A_1406 : vector<16xf32> to vector<16xi32>
    %add3A_1411 = arith.addi %mul3A_1409, %convert_element_type3A_1410 : vector<16xi32>
    %swap3A_1412 = arith.constant 0 : i32
    %swap3A_1413 = arith.index_cast %swap3A_1412 : i32 to index
    %swap3A_1414 = arith.constant 64 : index
    %swap3A_1415 = tpu.vector_load %arg7[%swap3A_1413, %swap3A_1414] {strides = array<i32>} : memref<8x128xi32, #tpu.memory_space<vmem>>, vector<1x16xi32>,
    %swap3A_1416 = vector.shape_cast %swap3A_1415 : vector<1x16xi32> to vector<16xi32>
    %swap3A_1417 = vector.shape_cast %add3A_1411 : vector<16xi32> to vector<1x16xi32>
    tpu.vector_store %arg7[%swap3A_1413, %swap3A_1414], %swap3A_1417 {strides = array<i32>} : memref<8x128xi32, #tpu.memory_space<vmem>>, vector<1x16xi32>,
    %iota3A_1418 = tpu.iota {dimensions = array<i32: 0>} : vector<16xi32>
    %add3A_1419 = arith.constant 0 : i32
    %add3A_1420 = arith.addi %mul3A_2, %add3A_1419 : i32
    %add3A_1421 = arith.constant 80 : i32
    %add3A_1422 = arith.addi %add3A_1420, %add3A_1421 : i32
    %add3A_1423 = vector.broadcast %add3A_1422 : i32 to vector<16xi32>
    %add3A_1424 = arith.addi %iota3A_1418, %add3A_1423 : vector<16xi32>
    %get3A_1425 = arith.constant 0 : i32
    %get3A_1426 = arith.index_cast %get3A_1425 : i32 to index
    %get3A_1427 = arith.constant 80 : index
    %get3A_1428 = tpu.vector_load %arg6[%get3A_1426, %get3A_1427] {strides = array<i32>} : memref<8x128xf32, #tpu.memory_space<vmem>>, vector<1x16xf32>,
    %get3A_1429 = vector.shape_cast %get3A_1428 : vector<1x16xf32> to vector<16xf32>
    %mul3A_1430 = arith.constant 128 : i32
    %mul3A_1431 = vector.broadcast %mul3A_1430 : i32 to vector<16xi32>
    %mul3A_1432 = arith.muli %add3A_1424, %mul3A_1431 : vector<16xi32>
    %convert_element_type3A_1433 = arith.fptosi %get3A_1429 : vector<16xf32> to vector<16xi32>
    %add3A_1434 = arith.addi %mul3A_1432, %convert_element_type3A_1433 : vector<16xi32>
    %swap3A_1435 = arith.constant 0 : i32
    %swap3A_1436 = arith.index_cast %swap3A_1435 : i32 to index
    %swap3A_1437 = arith.constant 80 : index
    %swap3A_1438 = tpu.vector_load %arg7[%swap3A_1436, %swap3A_1437] {strides = array<i32>} : memref<8x128xi32, #tpu.memory_space<vmem>>, vector<1x16xi32>,
    %swap3A_1439 = vector.shape_cast %swap3A_1438 : vector<1x16xi32> to vector<16xi32>
    %swap3A_1440 = vector.shape_cast %add3A_1434 : vector<16xi32> to vector<1x16xi32>
    tpu.vector_store %arg7[%swap3A_1436, %swap3A_1437], %swap3A_1440 {strides = array<i32>} : memref<8x128xi32, #tpu.memory_space<vmem>>, vector<1x16xi32>,
    %iota3A_1441 = tpu.iota {dimensions = array<i32: 0>} : vector<16xi32>
    %add3A_1442 = arith.constant 0 : i32
    %add3A_1443 = arith.addi %mul3A_2, %add3A_1442 : i32
    %add3A_1444 = arith.constant 96 : i32
    %add3A_1445 = arith.addi %add3A_1443, %add3A_1444 : i32
    %add3A_1446 = vector.broadcast %add3A_1445 : i32 to vector<16xi32>
    %add3A_1447 = arith.addi %iota3A_1441, %add3A_1446 : vector<16xi32>
    %get3A_1448 = arith.constant 0 : i32
    %get3A_1449 = arith.index_cast %get3A_1448 : i32 to index
    %get3A_1450 = arith.constant 96 : index
    %get3A_1451 = tpu.vector_load %arg6[%get3A_1449, %get3A_1450] {strides = array<i32>} : memref<8x128xf32, #tpu.memory_space<vmem>>, vector<1x16xf32>,
    %get3A_1452 = vector.shape_cast %get3A_1451 : vector<1x16xf32> to vector<16xf32>
    %mul3A_1453 = arith.constant 128 : i32
    %mul3A_1454 = vector.broadcast %mul3A_1453 : i32 to vector<16xi32>
    %mul3A_1455 = arith.muli %add3A_1447, %mul3A_1454 : vector<16xi32>
    %convert_element_type3A_1456 = arith.fptosi %get3A_1452 : vector<16xf32> to vector<16xi32>
    %add3A_1457 = arith.addi %mul3A_1455, %convert_element_type3A_1456 : vector<16xi32>
    %swap3A_1458 = arith.constant 0 : i32
    %swap3A_1459 = arith.index_cast %swap3A_1458 : i32 to index
    %swap3A_1460 = arith.constant 96 : index
    %swap3A_1461 = tpu.vector_load %arg7[%swap3A_1459, %swap3A_1460] {strides = array<i32>} : memref<8x128xi32, #tpu.memory_space<vmem>>, vector<1x16xi32>,
    %swap3A_1462 = vector.shape_cast %swap3A_1461 : vector<1x16xi32> to vector<16xi32>
    %swap3A_1463 = vector.shape_cast %add3A_1457 : vector<16xi32> to vector<1x16xi32>
    tpu.vector_store %arg7[%swap3A_1459, %swap3A_1460], %swap3A_1463 {strides = array<i32>} : memref<8x128xi32, #tpu.memory_space<vmem>>, vector<1x16xi32>,
    %iota3A_1464 = tpu.iota {dimensions = array<i32: 0>} : vector<16xi32>
    %add3A_1465 = arith.constant 0 : i32
    %add3A_1466 = arith.addi %mul3A_2, %add3A_1465 : i32
    %add3A_1467 = arith.constant 112 : i32
    %add3A_1468 = arith.addi %add3A_1466, %add3A_1467 : i32
    %add3A_1469 = vector.broadcast %add3A_1468 : i32 to vector<16xi32>
    %add3A_1470 = arith.addi %iota3A_1464, %add3A_1469 : vector<16xi32>
    %get3A_1471 = arith.constant 0 : i32
    %get3A_1472 = arith.index_cast %get3A_1471 : i32 to index
    %get3A_1473 = arith.constant 112 : index
    %get3A_1474 = tpu.vector_load %arg6[%get3A_1472, %get3A_1473] {strides = array<i32>} : memref<8x128xf32, #tpu.memory_space<vmem>>, vector<1x16xf32>,
    %get3A_1475 = vector.shape_cast %get3A_1474 : vector<1x16xf32> to vector<16xf32>
    %mul3A_1476 = arith.constant 128 : i32
    %mul3A_1477 = vector.broadcast %mul3A_1476 : i32 to vector<16xi32>
    %mul3A_1478 = arith.muli %add3A_1470, %mul3A_1477 : vector<16xi32>
    %convert_element_type3A_1479 = arith.fptosi %get3A_1475 : vector<16xf32> to vector<16xi32>
    %add3A_1480 = arith.addi %mul3A_1478, %convert_element_type3A_1479 : vector<16xi32>
    %swap3A_1481 = arith.constant 0 : i32
    %swap3A_1482 = arith.index_cast %swap3A_1481 : i32 to index
    %swap3A_1483 = arith.constant 112 : index
    %swap3A_1484 = tpu.vector_load %arg7[%swap3A_1482, %swap3A_1483] {strides = array<i32>} : memref<8x128xi32, #tpu.memory_space<vmem>>, vector<1x16xi32>,
    %swap3A_1485 = vector.shape_cast %swap3A_1484 : vector<1x16xi32> to vector<16xi32>
    %swap3A_1486 = vector.shape_cast %add3A_1480 : vector<16xi32> to vector<1x16xi32>
    tpu.vector_store %arg7[%swap3A_1482, %swap3A_1483], %swap3A_1486 {strides = array<i32>} : memref<8x128xi32, #tpu.memory_space<vmem>>, vector<1x16xi32>,
    %dma_start3A_1487 = arith.constant 0 : i32
    %dma_start3A_1488 = arith.constant 0 : i32
    %dma_start3A_1489 = arith.constant 0 : i32
    %dma_start3A_1490 = tpu.memref_slice %arg8[%dma_start3A_1488, %dma_start3A_1489] : memref<8x128xf32, #tpu.memory_space<vmem>> -> memref<1x128xf32, #tpu.memory_space<vmem>>
    %dma_start3A_1491 = tpu.memref_squeeze %dma_start3A_1490 : memref<1x128xf32, #tpu.memory_space<vmem>> -> memref<128xf32, #tpu.memory_space<vmem>>
    %dma_start3A_1492 = arith.constant 0 : i32
    %dma_start3A_1493 = tpu.memref_slice %arg7[%dma_start3A_1487, %dma_start3A_1492] : memref<8x128xi32, #tpu.memory_space<vmem>> -> memref<1x128xi32, #tpu.memory_space<vmem>>
    %dma_start3A_1494 = tpu.memref_squeeze %dma_start3A_1493 : memref<1x128xi32, #tpu.memory_space<vmem>> -> memref<128xi32, #tpu.memory_space<vmem>>
    %dma_start3A_1495 = arith.constant 0 : i32
    %dma_start3A_1496 = tpu.memref_slice %arg3[%dma_start3A_1495] : memref<2097152xf32, #tpu.memory_space<hbm>> -> memref<2097152xf32, #tpu.memory_space<hbm>>
    tpu.enqueue_indirect_dma source(%dma_start3A_1496 : memref<2097152xf32, #tpu.memory_space<hbm>>) target(%dma_start3A_1491 : memref<128xf32, #tpu.memory_space<vmem>>) offsets(%dma_start3A_1494 : memref<128xi32, #tpu.memory_space<vmem>>) semaphore(%arg17 : memref<!tpu.dma_semaphore, #tpu.memory_space<semaphore_mem>>)
    %dma_wait3A_1497 = arith.constant 1 : i32
    %dma_wait3A_1498 = arith.constant 1 : i32
    %dma_wait3A_1499 = arith.constant 0 : i32
    %dma_wait3A_1500 = tpu.memref_slice %arg6[%dma_wait3A_1498, %dma_wait3A_1499] : memref<8x128xf32, #tpu.memory_space<vmem>> -> memref<1x128xf32, #tpu.memory_space<vmem>>
    %dma_wait3A_1501 = tpu.memref_squeeze %dma_wait3A_1500 : memref<1x128xf32, #tpu.memory_space<vmem>> -> memref<128xf32, #tpu.memory_space<vmem>>
    %dma_wait3A_1502 = arith.constant 0 : i32
    %dma_wait3A_1503 = tpu.memref_slice %arg5[%dma_wait3A_1497, %dma_wait3A_1502] : memref<8x128xi32, #tpu.memory_space<vmem>> -> memref<1x128xi32, #tpu.memory_space<vmem>>
    %dma_wait3A_1504 = tpu.memref_squeeze %dma_wait3A_1503 : memref<1x128xi32, #tpu.memory_space<vmem>> -> memref<128xi32, #tpu.memory_space<vmem>>
    %dma_wait3A_1505 = arith.constant 0 : i32
    %dma_wait3A_1506 = tpu.memref_slice %arg2[%dma_wait3A_1505] : memref<524288xf32, #tpu.memory_space<hbm>> -> memref<524288xf32, #tpu.memory_space<hbm>>
    tpu.wait_indirect_dma semaphore(%arg10 : memref<!tpu.dma_semaphore, #tpu.memory_space<semaphore_mem>>) src(%dma_wait3A_1506 : memref<524288xf32, #tpu.memory_space<hbm>>) dst(%dma_wait3A_1501 : memref<128xf32, #tpu.memory_space<vmem>>)
    %iota3A_1507 = tpu.iota {dimensions = array<i32: 0>} : vector<16xi32>
    %add3A_1508 = arith.constant 128 : i32
    %add3A_1509 = arith.addi %mul3A_2, %add3A_1508 : i32
    %add3A_1510 = arith.constant 0 : i32
    %add3A_1511 = arith.addi %add3A_1509, %add3A_1510 : i32
    %add3A_1512 = vector.broadcast %add3A_1511 : i32 to vector<16xi32>
    %add3A_1513 = arith.addi %iota3A_1507, %add3A_1512 : vector<16xi32>
    %get3A_1514 = arith.constant 1 : i32
    %get3A_1515 = arith.index_cast %get3A_1514 : i32 to index
    %get3A_1516 = arith.constant 0 : index
    %get3A_1517 = tpu.vector_load %arg6[%get3A_1515, %get3A_1516] {strides = array<i32>} : memref<8x128xf32, #tpu.memory_space<vmem>>, vector<1x16xf32>,
    %get3A_1518 = vector.shape_cast %get3A_1517 : vector<1x16xf32> to vector<16xf32>
    %mul3A_1519 = arith.constant 128 : i32
    %mul3A_1520 = vector.broadcast %mul3A_1519 : i32 to vector<16xi32>
    %mul3A_1521 = arith.muli %add3A_1513, %mul3A_1520 : vector<16xi32>
    %convert_element_type3A_1522 = arith.fptosi %get3A_1518 : vector<16xf32> to vector<16xi32>
    %add3A_1523 = arith.addi %mul3A_1521, %convert_element_type3A_1522 : vector<16xi32>
    %swap3A_1524 = arith.constant 1 : i32
    %swap3A_1525 = arith.index_cast %swap3A_1524 : i32 to index
    %swap3A_1526 = arith.constant 0 : index
    %swap3A_1527 = tpu.vector_load %arg7[%swap3A_1525, %swap3A_1526] {strides = array<i32>} : memref<8x128xi32, #tpu.memory_space<vmem>>, vector<1x16xi32>,
    %swap3A_1528 = vector.shape_cast %swap3A_1527 : vector<1x16xi32> to vector<16xi32>
    %swap3A_1529 = vector.shape_cast %add3A_1523 : vector<16xi32> to vector<1x16xi32>
    tpu.vector_store %arg7[%swap3A_1525, %swap3A_1526], %swap3A_1529 {strides = array<i32>} : memref<8x128xi32, #tpu.memory_space<vmem>>, vector<1x16xi32>,
    %iota3A_1530 = tpu.iota {dimensions = array<i32: 0>} : vector<16xi32>
    %add3A_1531 = arith.constant 128 : i32
    %add3A_1532 = arith.addi %mul3A_2, %add3A_1531 : i32
    %add3A_1533 = arith.constant 16 : i32
    %add3A_1534 = arith.addi %add3A_1532, %add3A_1533 : i32
    %add3A_1535 = vector.broadcast %add3A_1534 : i32 to vector<16xi32>
    %add3A_1536 = arith.addi %iota3A_1530, %add3A_1535 : vector<16xi32>
    %get3A_1537 = arith.constant 1 : i32
    %get3A_1538 = arith.index_cast %get3A_1537 : i32 to index
    %get3A_1539 = arith.constant 16 : index
    %get3A_1540 = tpu.vector_load %arg6[%get3A_1538, %get3A_1539] {strides = array<i32>} : memref<8x128xf32, #tpu.memory_space<vmem>>, vector<1x16xf32>,
    %get3A_1541 = vector.shape_cast %get3A_1540 : vector<1x16xf32> to vector<16xf32>
    %mul3A_1542 = arith.constant 128 : i32
    %mul3A_1543 = vector.broadcast %mul3A_1542 : i32 to vector<16xi32>
    %mul3A_1544 = arith.muli %add3A_1536, %mul3A_1543 : vector<16xi32>
    %convert_element_type3A_1545 = arith.fptosi %get3A_1541 : vector<16xf32> to vector<16xi32>
    %add3A_1546 = arith.addi %mul3A_1544, %convert_element_type3A_1545 : vector<16xi32>
    %swap3A_1547 = arith.constant 1 : i32
    %swap3A_1548 = arith.index_cast %swap3A_1547 : i32 to index
    %swap3A_1549 = arith.constant 16 : index
    %swap3A_1550 = tpu.vector_load %arg7[%swap3A_1548, %swap3A_1549] {strides = array<i32>} : memref<8x128xi32, #tpu.memory_space<vmem>>, vector<1x16xi32>,
    %swap3A_1551 = vector.shape_cast %swap3A_1550 : vector<1x16xi32> to vector<16xi32>
    %swap3A_1552 = vector.shape_cast %add3A_1546 : vector<16xi32> to vector<1x16xi32>
    tpu.vector_store %arg7[%swap3A_1548, %swap3A_1549], %swap3A_1552 {strides = array<i32>} : memref<8x128xi32, #tpu.memory_space<vmem>>, vector<1x16xi32>,
    %iota3A_1553 = tpu.iota {dimensions = array<i32: 0>} : vector<16xi32>
    %add3A_1554 = arith.constant 128 : i32
    %add3A_1555 = arith.addi %mul3A_2, %add3A_1554 : i32
    %add3A_1556 = arith.constant 32 : i32
    %add3A_1557 = arith.addi %add3A_1555, %add3A_1556 : i32
    %add3A_1558 = vector.broadcast %add3A_1557 : i32 to vector<16xi32>
    %add3A_1559 = arith.addi %iota3A_1553, %add3A_1558 : vector<16xi32>
    %get3A_1560 = arith.constant 1 : i32
    %get3A_1561 = arith.index_cast %get3A_1560 : i32 to index
    %get3A_1562 = arith.constant 32 : index
    %get3A_1563 = tpu.vector_load %arg6[%get3A_1561, %get3A_1562] {strides = array<i32>} : memref<8x128xf32, #tpu.memory_space<vmem>>, vector<1x16xf32>,
    %get3A_1564 = vector.shape_cast %get3A_1563 : vector<1x16xf32> to vector<16xf32>
    %mul3A_1565 = arith.constant 128 : i32
    %mul3A_1566 = vector.broadcast %mul3A_1565 : i32 to vector<16xi32>
    %mul3A_1567 = arith.muli %add3A_1559, %mul3A_1566 : vector<16xi32>
    %convert_element_type3A_1568 = arith.fptosi %get3A_1564 : vector<16xf32> to vector<16xi32>
    %add3A_1569 = arith.addi %mul3A_1567, %convert_element_type3A_1568 : vector<16xi32>
    %swap3A_1570 = arith.constant 1 : i32
    %swap3A_1571 = arith.index_cast %swap3A_1570 : i32 to index
    %swap3A_1572 = arith.constant 32 : index
    %swap3A_1573 = tpu.vector_load %arg7[%swap3A_1571, %swap3A_1572] {strides = array<i32>} : memref<8x128xi32, #tpu.memory_space<vmem>>, vector<1x16xi32>,
    %swap3A_1574 = vector.shape_cast %swap3A_1573 : vector<1x16xi32> to vector<16xi32>
    %swap3A_1575 = vector.shape_cast %add3A_1569 : vector<16xi32> to vector<1x16xi32>
    tpu.vector_store %arg7[%swap3A_1571, %swap3A_1572], %swap3A_1575 {strides = array<i32>} : memref<8x128xi32, #tpu.memory_space<vmem>>, vector<1x16xi32>,
    %iota3A_1576 = tpu.iota {dimensions = array<i32: 0>} : vector<16xi32>
    %add3A_1577 = arith.constant 128 : i32
    %add3A_1578 = arith.addi %mul3A_2, %add3A_1577 : i32
    %add3A_1579 = arith.constant 48 : i32
    %add3A_1580 = arith.addi %add3A_1578, %add3A_1579 : i32
    %add3A_1581 = vector.broadcast %add3A_1580 : i32 to vector<16xi32>
    %add3A_1582 = arith.addi %iota3A_1576, %add3A_1581 : vector<16xi32>
    %get3A_1583 = arith.constant 1 : i32
    %get3A_1584 = arith.index_cast %get3A_1583 : i32 to index
    %get3A_1585 = arith.constant 48 : index
    %get3A_1586 = tpu.vector_load %arg6[%get3A_1584, %get3A_1585] {strides = array<i32>} : memref<8x128xf32, #tpu.memory_space<vmem>>, vector<1x16xf32>,
    %get3A_1587 = vector.shape_cast %get3A_1586 : vector<1x16xf32> to vector<16xf32>
    %mul3A_1588 = arith.constant 128 : i32
    %mul3A_1589 = vector.broadcast %mul3A_1588 : i32 to vector<16xi32>
    %mul3A_1590 = arith.muli %add3A_1582, %mul3A_1589 : vector<16xi32>
    %convert_element_type3A_1591 = arith.fptosi %get3A_1587 : vector<16xf32> to vector<16xi32>
    %add3A_1592 = arith.addi %mul3A_1590, %convert_element_type3A_1591 : vector<16xi32>
    %swap3A_1593 = arith.constant 1 : i32
    %swap3A_1594 = arith.index_cast %swap3A_1593 : i32 to index
    %swap3A_1595 = arith.constant 48 : index
    %swap3A_1596 = tpu.vector_load %arg7[%swap3A_1594, %swap3A_1595] {strides = array<i32>} : memref<8x128xi32, #tpu.memory_space<vmem>>, vector<1x16xi32>,
    %swap3A_1597 = vector.shape_cast %swap3A_1596 : vector<1x16xi32> to vector<16xi32>
    %swap3A_1598 = vector.shape_cast %add3A_1592 : vector<16xi32> to vector<1x16xi32>
    tpu.vector_store %arg7[%swap3A_1594, %swap3A_1595], %swap3A_1598 {strides = array<i32>} : memref<8x128xi32, #tpu.memory_space<vmem>>, vector<1x16xi32>,
    %iota3A_1599 = tpu.iota {dimensions = array<i32: 0>} : vector<16xi32>
    %add3A_1600 = arith.constant 128 : i32
    %add3A_1601 = arith.addi %mul3A_2, %add3A_1600 : i32
    %add3A_1602 = arith.constant 64 : i32
    %add3A_1603 = arith.addi %add3A_1601, %add3A_1602 : i32
    %add3A_1604 = vector.broadcast %add3A_1603 : i32 to vector<16xi32>
    %add3A_1605 = arith.addi %iota3A_1599, %add3A_1604 : vector<16xi32>
    %get3A_1606 = arith.constant 1 : i32
    %get3A_1607 = arith.index_cast %get3A_1606 : i32 to index
    %get3A_1608 = arith.constant 64 : index
    %get3A_1609 = tpu.vector_load %arg6[%get3A_1607, %get3A_1608] {strides = array<i32>} : memref<8x128xf32, #tpu.memory_space<vmem>>, vector<1x16xf32>,
    %get3A_1610 = vector.shape_cast %get3A_1609 : vector<1x16xf32> to vector<16xf32>
    %mul3A_1611 = arith.constant 128 : i32
    %mul3A_1612 = vector.broadcast %mul3A_1611 : i32 to vector<16xi32>
    %mul3A_1613 = arith.muli %add3A_1605, %mul3A_1612 : vector<16xi32>
    %convert_element_type3A_1614 = arith.fptosi %get3A_1610 : vector<16xf32> to vector<16xi32>
    %add3A_1615 = arith.addi %mul3A_1613, %convert_element_type3A_1614 : vector<16xi32>
    %swap3A_1616 = arith.constant 1 : i32
    %swap3A_1617 = arith.index_cast %swap3A_1616 : i32 to index
    %swap3A_1618 = arith.constant 64 : index
    %swap3A_1619 = tpu.vector_load %arg7[%swap3A_1617, %swap3A_1618] {strides = array<i32>} : memref<8x128xi32, #tpu.memory_space<vmem>>, vector<1x16xi32>,
    %swap3A_1620 = vector.shape_cast %swap3A_1619 : vector<1x16xi32> to vector<16xi32>
    %swap3A_1621 = vector.shape_cast %add3A_1615 : vector<16xi32> to vector<1x16xi32>
    tpu.vector_store %arg7[%swap3A_1617, %swap3A_1618], %swap3A_1621 {strides = array<i32>} : memref<8x128xi32, #tpu.memory_space<vmem>>, vector<1x16xi32>,
    %iota3A_1622 = tpu.iota {dimensions = array<i32: 0>} : vector<16xi32>
    %add3A_1623 = arith.constant 128 : i32
    %add3A_1624 = arith.addi %mul3A_2, %add3A_1623 : i32
    %add3A_1625 = arith.constant 80 : i32
    %add3A_1626 = arith.addi %add3A_1624, %add3A_1625 : i32
    %add3A_1627 = vector.broadcast %add3A_1626 : i32 to vector<16xi32>
    %add3A_1628 = arith.addi %iota3A_1622, %add3A_1627 : vector<16xi32>
    %get3A_1629 = arith.constant 1 : i32
    %get3A_1630 = arith.index_cast %get3A_1629 : i32 to index
    %get3A_1631 = arith.constant 80 : index
    %get3A_1632 = tpu.vector_load %arg6[%get3A_1630, %get3A_1631] {strides = array<i32>} : memref<8x128xf32, #tpu.memory_space<vmem>>, vector<1x16xf32>,
    %get3A_1633 = vector.shape_cast %get3A_1632 : vector<1x16xf32> to vector<16xf32>
    %mul3A_1634 = arith.constant 128 : i32
    %mul3A_1635 = vector.broadcast %mul3A_1634 : i32 to vector<16xi32>
    %mul3A_1636 = arith.muli %add3A_1628, %mul3A_1635 : vector<16xi32>
    %convert_element_type3A_1637 = arith.fptosi %get3A_1633 : vector<16xf32> to vector<16xi32>
    %add3A_1638 = arith.addi %mul3A_1636, %convert_element_type3A_1637 : vector<16xi32>
    %swap3A_1639 = arith.constant 1 : i32
    %swap3A_1640 = arith.index_cast %swap3A_1639 : i32 to index
    %swap3A_1641 = arith.constant 80 : index
    %swap3A_1642 = tpu.vector_load %arg7[%swap3A_1640, %swap3A_1641] {strides = array<i32>} : memref<8x128xi32, #tpu.memory_space<vmem>>, vector<1x16xi32>,
    %swap3A_1643 = vector.shape_cast %swap3A_1642 : vector<1x16xi32> to vector<16xi32>
    %swap3A_1644 = vector.shape_cast %add3A_1638 : vector<16xi32> to vector<1x16xi32>
    tpu.vector_store %arg7[%swap3A_1640, %swap3A_1641], %swap3A_1644 {strides = array<i32>} : memref<8x128xi32, #tpu.memory_space<vmem>>, vector<1x16xi32>,
    %iota3A_1645 = tpu.iota {dimensions = array<i32: 0>} : vector<16xi32>
    %add3A_1646 = arith.constant 128 : i32
    %add3A_1647 = arith.addi %mul3A_2, %add3A_1646 : i32
    %add3A_1648 = arith.constant 96 : i32
    %add3A_1649 = arith.addi %add3A_1647, %add3A_1648 : i32
    %add3A_1650 = vector.broadcast %add3A_1649 : i32 to vector<16xi32>
    %add3A_1651 = arith.addi %iota3A_1645, %add3A_1650 : vector<16xi32>
    %get3A_1652 = arith.constant 1 : i32
    %get3A_1653 = arith.index_cast %get3A_1652 : i32 to index
    %get3A_1654 = arith.constant 96 : index
    %get3A_1655 = tpu.vector_load %arg6[%get3A_1653, %get3A_1654] {strides = array<i32>} : memref<8x128xf32, #tpu.memory_space<vmem>>, vector<1x16xf32>,
    %get3A_1656 = vector.shape_cast %get3A_1655 : vector<1x16xf32> to vector<16xf32>
    %mul3A_1657 = arith.constant 128 : i32
    %mul3A_1658 = vector.broadcast %mul3A_1657 : i32 to vector<16xi32>
    %mul3A_1659 = arith.muli %add3A_1651, %mul3A_1658 : vector<16xi32>
    %convert_element_type3A_1660 = arith.fptosi %get3A_1656 : vector<16xf32> to vector<16xi32>
    %add3A_1661 = arith.addi %mul3A_1659, %convert_element_type3A_1660 : vector<16xi32>
    %swap3A_1662 = arith.constant 1 : i32
    %swap3A_1663 = arith.index_cast %swap3A_1662 : i32 to index
    %swap3A_1664 = arith.constant 96 : index
    %swap3A_1665 = tpu.vector_load %arg7[%swap3A_1663, %swap3A_1664] {strides = array<i32>} : memref<8x128xi32, #tpu.memory_space<vmem>>, vector<1x16xi32>,
    %swap3A_1666 = vector.shape_cast %swap3A_1665 : vector<1x16xi32> to vector<16xi32>
    %swap3A_1667 = vector.shape_cast %add3A_1661 : vector<16xi32> to vector<1x16xi32>
    tpu.vector_store %arg7[%swap3A_1663, %swap3A_1664], %swap3A_1667 {strides = array<i32>} : memref<8x128xi32, #tpu.memory_space<vmem>>, vector<1x16xi32>,
    %iota3A_1668 = tpu.iota {dimensions = array<i32: 0>} : vector<16xi32>
    %add3A_1669 = arith.constant 128 : i32
    %add3A_1670 = arith.addi %mul3A_2, %add3A_1669 : i32
    %add3A_1671 = arith.constant 112 : i32
    %add3A_1672 = arith.addi %add3A_1670, %add3A_1671 : i32
    %add3A_1673 = vector.broadcast %add3A_1672 : i32 to vector<16xi32>
    %add3A_1674 = arith.addi %iota3A_1668, %add3A_1673 : vector<16xi32>
    %get3A_1675 = arith.constant 1 : i32
    %get3A_1676 = arith.index_cast %get3A_1675 : i32 to index
    %get3A_1677 = arith.constant 112 : index
    %get3A_1678 = tpu.vector_load %arg6[%get3A_1676, %get3A_1677] {strides = array<i32>} : memref<8x128xf32, #tpu.memory_space<vmem>>, vector<1x16xf32>,
    %get3A_1679 = vector.shape_cast %get3A_1678 : vector<1x16xf32> to vector<16xf32>
    %mul3A_1680 = arith.constant 128 : i32
    %mul3A_1681 = vector.broadcast %mul3A_1680 : i32 to vector<16xi32>
    %mul3A_1682 = arith.muli %add3A_1674, %mul3A_1681 : vector<16xi32>
    %convert_element_type3A_1683 = arith.fptosi %get3A_1679 : vector<16xf32> to vector<16xi32>
    %add3A_1684 = arith.addi %mul3A_1682, %convert_element_type3A_1683 : vector<16xi32>
    %swap3A_1685 = arith.constant 1 : i32
    %swap3A_1686 = arith.index_cast %swap3A_1685 : i32 to index
    %swap3A_1687 = arith.constant 112 : index
    %swap3A_1688 = tpu.vector_load %arg7[%swap3A_1686, %swap3A_1687] {strides = array<i32>} : memref<8x128xi32, #tpu.memory_space<vmem>>, vector<1x16xi32>,
    %swap3A_1689 = vector.shape_cast %swap3A_1688 : vector<1x16xi32> to vector<16xi32>
    %swap3A_1690 = vector.shape_cast %add3A_1684 : vector<16xi32> to vector<1x16xi32>
    tpu.vector_store %arg7[%swap3A_1686, %swap3A_1687], %swap3A_1690 {strides = array<i32>} : memref<8x128xi32, #tpu.memory_space<vmem>>, vector<1x16xi32>,
    %dma_start3A_1691 = arith.constant 1 : i32
    %dma_start3A_1692 = arith.constant 1 : i32
    %dma_start3A_1693 = arith.constant 0 : i32
    %dma_start3A_1694 = tpu.memref_slice %arg8[%dma_start3A_1692, %dma_start3A_1693] : memref<8x128xf32, #tpu.memory_space<vmem>> -> memref<1x128xf32, #tpu.memory_space<vmem>>
    %dma_start3A_1695 = tpu.memref_squeeze %dma_start3A_1694 : memref<1x128xf32, #tpu.memory_space<vmem>> -> memref<128xf32, #tpu.memory_space<vmem>>
    %dma_start3A_1696 = arith.constant 0 : i32
    %dma_start3A_1697 = tpu.memref_slice %arg7[%dma_start3A_1691, %dma_start3A_1696] : memref<8x128xi32, #tpu.memory_space<vmem>> -> memref<1x128xi32, #tpu.memory_space<vmem>>
    %dma_start3A_1698 = tpu.memref_squeeze %dma_start3A_1697 : memref<1x128xi32, #tpu.memory_space<vmem>> -> memref<128xi32, #tpu.memory_space<vmem>>
    %dma_start3A_1699 = arith.constant 0 : i32
    %dma_start3A_1700 = tpu.memref_slice %arg3[%dma_start3A_1699] : memref<2097152xf32, #tpu.memory_space<hbm>> -> memref<2097152xf32, #tpu.memory_space<hbm>>
    tpu.enqueue_indirect_dma source(%dma_start3A_1700 : memref<2097152xf32, #tpu.memory_space<hbm>>) target(%dma_start3A_1695 : memref<128xf32, #tpu.memory_space<vmem>>) offsets(%dma_start3A_1698 : memref<128xi32, #tpu.memory_space<vmem>>) semaphore(%arg18 : memref<!tpu.dma_semaphore, #tpu.memory_space<semaphore_mem>>)
    %dma_wait3A_1701 = arith.constant 2 : i32
    %dma_wait3A_1702 = arith.constant 2 : i32
    %dma_wait3A_1703 = arith.constant 0 : i32
    %dma_wait3A_1704 = tpu.memref_slice %arg6[%dma_wait3A_1702, %dma_wait3A_1703] : memref<8x128xf32, #tpu.memory_space<vmem>> -> memref<1x128xf32, #tpu.memory_space<vmem>>
    %dma_wait3A_1705 = tpu.memref_squeeze %dma_wait3A_1704 : memref<1x128xf32, #tpu.memory_space<vmem>> -> memref<128xf32, #tpu.memory_space<vmem>>
    %dma_wait3A_1706 = arith.constant 0 : i32
    %dma_wait3A_1707 = tpu.memref_slice %arg5[%dma_wait3A_1701, %dma_wait3A_1706] : memref<8x128xi32, #tpu.memory_space<vmem>> -> memref<1x128xi32, #tpu.memory_space<vmem>>
    %dma_wait3A_1708 = tpu.memref_squeeze %dma_wait3A_1707 : memref<1x128xi32, #tpu.memory_space<vmem>> -> memref<128xi32, #tpu.memory_space<vmem>>
    %dma_wait3A_1709 = arith.constant 0 : i32
    %dma_wait3A_1710 = tpu.memref_slice %arg2[%dma_wait3A_1709] : memref<524288xf32, #tpu.memory_space<hbm>> -> memref<524288xf32, #tpu.memory_space<hbm>>
    tpu.wait_indirect_dma semaphore(%arg11 : memref<!tpu.dma_semaphore, #tpu.memory_space<semaphore_mem>>) src(%dma_wait3A_1710 : memref<524288xf32, #tpu.memory_space<hbm>>) dst(%dma_wait3A_1705 : memref<128xf32, #tpu.memory_space<vmem>>)
    %iota3A_1711 = tpu.iota {dimensions = array<i32: 0>} : vector<16xi32>
    %add3A_1712 = arith.constant 256 : i32
    %add3A_1713 = arith.addi %mul3A_2, %add3A_1712 : i32
    %add3A_1714 = arith.constant 0 : i32
    %add3A_1715 = arith.addi %add3A_1713, %add3A_1714 : i32
    %add3A_1716 = vector.broadcast %add3A_1715 : i32 to vector<16xi32>
    %add3A_1717 = arith.addi %iota3A_1711, %add3A_1716 : vector<16xi32>
    %get3A_1718 = arith.constant 2 : i32
    %get3A_1719 = arith.index_cast %get3A_1718 : i32 to index
    %get3A_1720 = arith.constant 0 : index
    %get3A_1721 = tpu.vector_load %arg6[%get3A_1719, %get3A_1720] {strides = array<i32>} : memref<8x128xf32, #tpu.memory_space<vmem>>, vector<1x16xf32>,
    %get3A_1722 = vector.shape_cast %get3A_1721 : vector<1x16xf32> to vector<16xf32>
    %mul3A_1723 = arith.constant 128 : i32
    %mul3A_1724 = vector.broadcast %mul3A_1723 : i32 to vector<16xi32>
    %mul3A_1725 = arith.muli %add3A_1717, %mul3A_1724 : vector<16xi32>
    %convert_element_type3A_1726 = arith.fptosi %get3A_1722 : vector<16xf32> to vector<16xi32>
    %add3A_1727 = arith.addi %mul3A_1725, %convert_element_type3A_1726 : vector<16xi32>
    %swap3A_1728 = arith.constant 2 : i32
    %swap3A_1729 = arith.index_cast %swap3A_1728 : i32 to index
    %swap3A_1730 = arith.constant 0 : index
    %swap3A_1731 = tpu.vector_load %arg7[%swap3A_1729, %swap3A_1730] {strides = array<i32>} : memref<8x128xi32, #tpu.memory_space<vmem>>, vector<1x16xi32>,
    %swap3A_1732 = vector.shape_cast %swap3A_1731 : vector<1x16xi32> to vector<16xi32>
    %swap3A_1733 = vector.shape_cast %add3A_1727 : vector<16xi32> to vector<1x16xi32>
    tpu.vector_store %arg7[%swap3A_1729, %swap3A_1730], %swap3A_1733 {strides = array<i32>} : memref<8x128xi32, #tpu.memory_space<vmem>>, vector<1x16xi32>,
    %iota3A_1734 = tpu.iota {dimensions = array<i32: 0>} : vector<16xi32>
    %add3A_1735 = arith.constant 256 : i32
    %add3A_1736 = arith.addi %mul3A_2, %add3A_1735 : i32
    %add3A_1737 = arith.constant 16 : i32
    %add3A_1738 = arith.addi %add3A_1736, %add3A_1737 : i32
    %add3A_1739 = vector.broadcast %add3A_1738 : i32 to vector<16xi32>
    %add3A_1740 = arith.addi %iota3A_1734, %add3A_1739 : vector<16xi32>
    %get3A_1741 = arith.constant 2 : i32
    %get3A_1742 = arith.index_cast %get3A_1741 : i32 to index
    %get3A_1743 = arith.constant 16 : index
    %get3A_1744 = tpu.vector_load %arg6[%get3A_1742, %get3A_1743] {strides = array<i32>} : memref<8x128xf32, #tpu.memory_space<vmem>>, vector<1x16xf32>,
    %get3A_1745 = vector.shape_cast %get3A_1744 : vector<1x16xf32> to vector<16xf32>
    %mul3A_1746 = arith.constant 128 : i32
    %mul3A_1747 = vector.broadcast %mul3A_1746 : i32 to vector<16xi32>
    %mul3A_1748 = arith.muli %add3A_1740, %mul3A_1747 : vector<16xi32>
    %convert_element_type3A_1749 = arith.fptosi %get3A_1745 : vector<16xf32> to vector<16xi32>
    %add3A_1750 = arith.addi %mul3A_1748, %convert_element_type3A_1749 : vector<16xi32>
    %swap3A_1751 = arith.constant 2 : i32
    %swap3A_1752 = arith.index_cast %swap3A_1751 : i32 to index
    %swap3A_1753 = arith.constant 16 : index
    %swap3A_1754 = tpu.vector_load %arg7[%swap3A_1752, %swap3A_1753] {strides = array<i32>} : memref<8x128xi32, #tpu.memory_space<vmem>>, vector<1x16xi32>,
    %swap3A_1755 = vector.shape_cast %swap3A_1754 : vector<1x16xi32> to vector<16xi32>
    %swap3A_1756 = vector.shape_cast %add3A_1750 : vector<16xi32> to vector<1x16xi32>
    tpu.vector_store %arg7[%swap3A_1752, %swap3A_1753], %swap3A_1756 {strides = array<i32>} : memref<8x128xi32, #tpu.memory_space<vmem>>, vector<1x16xi32>,
    %iota3A_1757 = tpu.iota {dimensions = array<i32: 0>} : vector<16xi32>
    %add3A_1758 = arith.constant 256 : i32
    %add3A_1759 = arith.addi %mul3A_2, %add3A_1758 : i32
    %add3A_1760 = arith.constant 32 : i32
    %add3A_1761 = arith.addi %add3A_1759, %add3A_1760 : i32
    %add3A_1762 = vector.broadcast %add3A_1761 : i32 to vector<16xi32>
    %add3A_1763 = arith.addi %iota3A_1757, %add3A_1762 : vector<16xi32>
    %get3A_1764 = arith.constant 2 : i32
    %get3A_1765 = arith.index_cast %get3A_1764 : i32 to index
    %get3A_1766 = arith.constant 32 : index
    %get3A_1767 = tpu.vector_load %arg6[%get3A_1765, %get3A_1766] {strides = array<i32>} : memref<8x128xf32, #tpu.memory_space<vmem>>, vector<1x16xf32>,
    %get3A_1768 = vector.shape_cast %get3A_1767 : vector<1x16xf32> to vector<16xf32>
    %mul3A_1769 = arith.constant 128 : i32
    %mul3A_1770 = vector.broadcast %mul3A_1769 : i32 to vector<16xi32>
    %mul3A_1771 = arith.muli %add3A_1763, %mul3A_1770 : vector<16xi32>
    %convert_element_type3A_1772 = arith.fptosi %get3A_1768 : vector<16xf32> to vector<16xi32>
    %add3A_1773 = arith.addi %mul3A_1771, %convert_element_type3A_1772 : vector<16xi32>
    %swap3A_1774 = arith.constant 2 : i32
    %swap3A_1775 = arith.index_cast %swap3A_1774 : i32 to index
    %swap3A_1776 = arith.constant 32 : index
    %swap3A_1777 = tpu.vector_load %arg7[%swap3A_1775, %swap3A_1776] {strides = array<i32>} : memref<8x128xi32, #tpu.memory_space<vmem>>, vector<1x16xi32>,
    %swap3A_1778 = vector.shape_cast %swap3A_1777 : vector<1x16xi32> to vector<16xi32>
    %swap3A_1779 = vector.shape_cast %add3A_1773 : vector<16xi32> to vector<1x16xi32>
    tpu.vector_store %arg7[%swap3A_1775, %swap3A_1776], %swap3A_1779 {strides = array<i32>} : memref<8x128xi32, #tpu.memory_space<vmem>>, vector<1x16xi32>,
    %iota3A_1780 = tpu.iota {dimensions = array<i32: 0>} : vector<16xi32>
    %add3A_1781 = arith.constant 256 : i32
    %add3A_1782 = arith.addi %mul3A_2, %add3A_1781 : i32
    %add3A_1783 = arith.constant 48 : i32
    %add3A_1784 = arith.addi %add3A_1782, %add3A_1783 : i32
    %add3A_1785 = vector.broadcast %add3A_1784 : i32 to vector<16xi32>
    %add3A_1786 = arith.addi %iota3A_1780, %add3A_1785 : vector<16xi32>
    %get3A_1787 = arith.constant 2 : i32
    %get3A_1788 = arith.index_cast %get3A_1787 : i32 to index
    %get3A_1789 = arith.constant 48 : index
    %get3A_1790 = tpu.vector_load %arg6[%get3A_1788, %get3A_1789] {strides = array<i32>} : memref<8x128xf32, #tpu.memory_space<vmem>>, vector<1x16xf32>,
    %get3A_1791 = vector.shape_cast %get3A_1790 : vector<1x16xf32> to vector<16xf32>
    %mul3A_1792 = arith.constant 128 : i32
    %mul3A_1793 = vector.broadcast %mul3A_1792 : i32 to vector<16xi32>
    %mul3A_1794 = arith.muli %add3A_1786, %mul3A_1793 : vector<16xi32>
    %convert_element_type3A_1795 = arith.fptosi %get3A_1791 : vector<16xf32> to vector<16xi32>
    %add3A_1796 = arith.addi %mul3A_1794, %convert_element_type3A_1795 : vector<16xi32>
    %swap3A_1797 = arith.constant 2 : i32
    %swap3A_1798 = arith.index_cast %swap3A_1797 : i32 to index
    %swap3A_1799 = arith.constant 48 : index
    %swap3A_1800 = tpu.vector_load %arg7[%swap3A_1798, %swap3A_1799] {strides = array<i32>} : memref<8x128xi32, #tpu.memory_space<vmem>>, vector<1x16xi32>,
    %swap3A_1801 = vector.shape_cast %swap3A_1800 : vector<1x16xi32> to vector<16xi32>
    %swap3A_1802 = vector.shape_cast %add3A_1796 : vector<16xi32> to vector<1x16xi32>
    tpu.vector_store %arg7[%swap3A_1798, %swap3A_1799], %swap3A_1802 {strides = array<i32>} : memref<8x128xi32, #tpu.memory_space<vmem>>, vector<1x16xi32>,
    %iota3A_1803 = tpu.iota {dimensions = array<i32: 0>} : vector<16xi32>
    %add3A_1804 = arith.constant 256 : i32
    %add3A_1805 = arith.addi %mul3A_2, %add3A_1804 : i32
    %add3A_1806 = arith.constant 64 : i32
    %add3A_1807 = arith.addi %add3A_1805, %add3A_1806 : i32
    %add3A_1808 = vector.broadcast %add3A_1807 : i32 to vector<16xi32>
    %add3A_1809 = arith.addi %iota3A_1803, %add3A_1808 : vector<16xi32>
    %get3A_1810 = arith.constant 2 : i32
    %get3A_1811 = arith.index_cast %get3A_1810 : i32 to index
    %get3A_1812 = arith.constant 64 : index
    %get3A_1813 = tpu.vector_load %arg6[%get3A_1811, %get3A_1812] {strides = array<i32>} : memref<8x128xf32, #tpu.memory_space<vmem>>, vector<1x16xf32>,
    %get3A_1814 = vector.shape_cast %get3A_1813 : vector<1x16xf32> to vector<16xf32>
    %mul3A_1815 = arith.constant 128 : i32
    %mul3A_1816 = vector.broadcast %mul3A_1815 : i32 to vector<16xi32>
    %mul3A_1817 = arith.muli %add3A_1809, %mul3A_1816 : vector<16xi32>
    %convert_element_type3A_1818 = arith.fptosi %get3A_1814 : vector<16xf32> to vector<16xi32>
    %add3A_1819 = arith.addi %mul3A_1817, %convert_element_type3A_1818 : vector<16xi32>
    %swap3A_1820 = arith.constant 2 : i32
    %swap3A_1821 = arith.index_cast %swap3A_1820 : i32 to index
    %swap3A_1822 = arith.constant 64 : index
    %swap3A_1823 = tpu.vector_load %arg7[%swap3A_1821, %swap3A_1822] {strides = array<i32>} : memref<8x128xi32, #tpu.memory_space<vmem>>, vector<1x16xi32>,
    %swap3A_1824 = vector.shape_cast %swap3A_1823 : vector<1x16xi32> to vector<16xi32>
    %swap3A_1825 = vector.shape_cast %add3A_1819 : vector<16xi32> to vector<1x16xi32>
    tpu.vector_store %arg7[%swap3A_1821, %swap3A_1822], %swap3A_1825 {strides = array<i32>} : memref<8x128xi32, #tpu.memory_space<vmem>>, vector<1x16xi32>,
    %iota3A_1826 = tpu.iota {dimensions = array<i32: 0>} : vector<16xi32>
    %add3A_1827 = arith.constant 256 : i32
    %add3A_1828 = arith.addi %mul3A_2, %add3A_1827 : i32
    %add3A_1829 = arith.constant 80 : i32
    %add3A_1830 = arith.addi %add3A_1828, %add3A_1829 : i32
    %add3A_1831 = vector.broadcast %add3A_1830 : i32 to vector<16xi32>
    %add3A_1832 = arith.addi %iota3A_1826, %add3A_1831 : vector<16xi32>
    %get3A_1833 = arith.constant 2 : i32
    %get3A_1834 = arith.index_cast %get3A_1833 : i32 to index
    %get3A_1835 = arith.constant 80 : index
    %get3A_1836 = tpu.vector_load %arg6[%get3A_1834, %get3A_1835] {strides = array<i32>} : memref<8x128xf32, #tpu.memory_space<vmem>>, vector<1x16xf32>,
    %get3A_1837 = vector.shape_cast %get3A_1836 : vector<1x16xf32> to vector<16xf32>
    %mul3A_1838 = arith.constant 128 : i32
    %mul3A_1839 = vector.broadcast %mul3A_1838 : i32 to vector<16xi32>
    %mul3A_1840 = arith.muli %add3A_1832, %mul3A_1839 : vector<16xi32>
    %convert_element_type3A_1841 = arith.fptosi %get3A_1837 : vector<16xf32> to vector<16xi32>
    %add3A_1842 = arith.addi %mul3A_1840, %convert_element_type3A_1841 : vector<16xi32>
    %swap3A_1843 = arith.constant 2 : i32
    %swap3A_1844 = arith.index_cast %swap3A_1843 : i32 to index
    %swap3A_1845 = arith.constant 80 : index
    %swap3A_1846 = tpu.vector_load %arg7[%swap3A_1844, %swap3A_1845] {strides = array<i32>} : memref<8x128xi32, #tpu.memory_space<vmem>>, vector<1x16xi32>,
    %swap3A_1847 = vector.shape_cast %swap3A_1846 : vector<1x16xi32> to vector<16xi32>
    %swap3A_1848 = vector.shape_cast %add3A_1842 : vector<16xi32> to vector<1x16xi32>
    tpu.vector_store %arg7[%swap3A_1844, %swap3A_1845], %swap3A_1848 {strides = array<i32>} : memref<8x128xi32, #tpu.memory_space<vmem>>, vector<1x16xi32>,
    %iota3A_1849 = tpu.iota {dimensions = array<i32: 0>} : vector<16xi32>
    %add3A_1850 = arith.constant 256 : i32
    %add3A_1851 = arith.addi %mul3A_2, %add3A_1850 : i32
    %add3A_1852 = arith.constant 96 : i32
    %add3A_1853 = arith.addi %add3A_1851, %add3A_1852 : i32
    %add3A_1854 = vector.broadcast %add3A_1853 : i32 to vector<16xi32>
    %add3A_1855 = arith.addi %iota3A_1849, %add3A_1854 : vector<16xi32>
    %get3A_1856 = arith.constant 2 : i32
    %get3A_1857 = arith.index_cast %get3A_1856 : i32 to index
    %get3A_1858 = arith.constant 96 : index
    %get3A_1859 = tpu.vector_load %arg6[%get3A_1857, %get3A_1858] {strides = array<i32>} : memref<8x128xf32, #tpu.memory_space<vmem>>, vector<1x16xf32>,
    %get3A_1860 = vector.shape_cast %get3A_1859 : vector<1x16xf32> to vector<16xf32>
    %mul3A_1861 = arith.constant 128 : i32
    %mul3A_1862 = vector.broadcast %mul3A_1861 : i32 to vector<16xi32>
    %mul3A_1863 = arith.muli %add3A_1855, %mul3A_1862 : vector<16xi32>
    %convert_element_type3A_1864 = arith.fptosi %get3A_1860 : vector<16xf32> to vector<16xi32>
    %add3A_1865 = arith.addi %mul3A_1863, %convert_element_type3A_1864 : vector<16xi32>
    %swap3A_1866 = arith.constant 2 : i32
    %swap3A_1867 = arith.index_cast %swap3A_1866 : i32 to index
    %swap3A_1868 = arith.constant 96 : index
    %swap3A_1869 = tpu.vector_load %arg7[%swap3A_1867, %swap3A_1868] {strides = array<i32>} : memref<8x128xi32, #tpu.memory_space<vmem>>, vector<1x16xi32>,
    %swap3A_1870 = vector.shape_cast %swap3A_1869 : vector<1x16xi32> to vector<16xi32>
    %swap3A_1871 = vector.shape_cast %add3A_1865 : vector<16xi32> to vector<1x16xi32>
    tpu.vector_store %arg7[%swap3A_1867, %swap3A_1868], %swap3A_1871 {strides = array<i32>} : memref<8x128xi32, #tpu.memory_space<vmem>>, vector<1x16xi32>,
    %iota3A_1872 = tpu.iota {dimensions = array<i32: 0>} : vector<16xi32>
    %add3A_1873 = arith.constant 256 : i32
    %add3A_1874 = arith.addi %mul3A_2, %add3A_1873 : i32
    %add3A_1875 = arith.constant 112 : i32
    %add3A_1876 = arith.addi %add3A_1874, %add3A_1875 : i32
    %add3A_1877 = vector.broadcast %add3A_1876 : i32 to vector<16xi32>
    %add3A_1878 = arith.addi %iota3A_1872, %add3A_1877 : vector<16xi32>
    %get3A_1879 = arith.constant 2 : i32
    %get3A_1880 = arith.index_cast %get3A_1879 : i32 to index
    %get3A_1881 = arith.constant 112 : index
    %get3A_1882 = tpu.vector_load %arg6[%get3A_1880, %get3A_1881] {strides = array<i32>} : memref<8x128xf32, #tpu.memory_space<vmem>>, vector<1x16xf32>,
    %get3A_1883 = vector.shape_cast %get3A_1882 : vector<1x16xf32> to vector<16xf32>
    %mul3A_1884 = arith.constant 128 : i32
    %mul3A_1885 = vector.broadcast %mul3A_1884 : i32 to vector<16xi32>
    %mul3A_1886 = arith.muli %add3A_1878, %mul3A_1885 : vector<16xi32>
    %convert_element_type3A_1887 = arith.fptosi %get3A_1883 : vector<16xf32> to vector<16xi32>
    %add3A_1888 = arith.addi %mul3A_1886, %convert_element_type3A_1887 : vector<16xi32>
    %swap3A_1889 = arith.constant 2 : i32
    %swap3A_1890 = arith.index_cast %swap3A_1889 : i32 to index
    %swap3A_1891 = arith.constant 112 : index
    %swap3A_1892 = tpu.vector_load %arg7[%swap3A_1890, %swap3A_1891] {strides = array<i32>} : memref<8x128xi32, #tpu.memory_space<vmem>>, vector<1x16xi32>,
    %swap3A_1893 = vector.shape_cast %swap3A_1892 : vector<1x16xi32> to vector<16xi32>
    %swap3A_1894 = vector.shape_cast %add3A_1888 : vector<16xi32> to vector<1x16xi32>
    tpu.vector_store %arg7[%swap3A_1890, %swap3A_1891], %swap3A_1894 {strides = array<i32>} : memref<8x128xi32, #tpu.memory_space<vmem>>, vector<1x16xi32>,
    %dma_start3A_1895 = arith.constant 2 : i32
    %dma_start3A_1896 = arith.constant 2 : i32
    %dma_start3A_1897 = arith.constant 0 : i32
    %dma_start3A_1898 = tpu.memref_slice %arg8[%dma_start3A_1896, %dma_start3A_1897] : memref<8x128xf32, #tpu.memory_space<vmem>> -> memref<1x128xf32, #tpu.memory_space<vmem>>
    %dma_start3A_1899 = tpu.memref_squeeze %dma_start3A_1898 : memref<1x128xf32, #tpu.memory_space<vmem>> -> memref<128xf32, #tpu.memory_space<vmem>>
    %dma_start3A_1900 = arith.constant 0 : i32
    %dma_start3A_1901 = tpu.memref_slice %arg7[%dma_start3A_1895, %dma_start3A_1900] : memref<8x128xi32, #tpu.memory_space<vmem>> -> memref<1x128xi32, #tpu.memory_space<vmem>>
    %dma_start3A_1902 = tpu.memref_squeeze %dma_start3A_1901 : memref<1x128xi32, #tpu.memory_space<vmem>> -> memref<128xi32, #tpu.memory_space<vmem>>
    %dma_start3A_1903 = arith.constant 0 : i32
    %dma_start3A_1904 = tpu.memref_slice %arg3[%dma_start3A_1903] : memref<2097152xf32, #tpu.memory_space<hbm>> -> memref<2097152xf32, #tpu.memory_space<hbm>>
    tpu.enqueue_indirect_dma source(%dma_start3A_1904 : memref<2097152xf32, #tpu.memory_space<hbm>>) target(%dma_start3A_1899 : memref<128xf32, #tpu.memory_space<vmem>>) offsets(%dma_start3A_1902 : memref<128xi32, #tpu.memory_space<vmem>>) semaphore(%arg19 : memref<!tpu.dma_semaphore, #tpu.memory_space<semaphore_mem>>)
    %dma_wait3A_1905 = arith.constant 3 : i32
    %dma_wait3A_1906 = arith.constant 3 : i32
    %dma_wait3A_1907 = arith.constant 0 : i32
    %dma_wait3A_1908 = tpu.memref_slice %arg6[%dma_wait3A_1906, %dma_wait3A_1907] : memref<8x128xf32, #tpu.memory_space<vmem>> -> memref<1x128xf32, #tpu.memory_space<vmem>>
    %dma_wait3A_1909 = tpu.memref_squeeze %dma_wait3A_1908 : memref<1x128xf32, #tpu.memory_space<vmem>> -> memref<128xf32, #tpu.memory_space<vmem>>
    %dma_wait3A_1910 = arith.constant 0 : i32
    %dma_wait3A_1911 = tpu.memref_slice %arg5[%dma_wait3A_1905, %dma_wait3A_1910] : memref<8x128xi32, #tpu.memory_space<vmem>> -> memref<1x128xi32, #tpu.memory_space<vmem>>
    %dma_wait3A_1912 = tpu.memref_squeeze %dma_wait3A_1911 : memref<1x128xi32, #tpu.memory_space<vmem>> -> memref<128xi32, #tpu.memory_space<vmem>>
    %dma_wait3A_1913 = arith.constant 0 : i32
    %dma_wait3A_1914 = tpu.memref_slice %arg2[%dma_wait3A_1913] : memref<524288xf32, #tpu.memory_space<hbm>> -> memref<524288xf32, #tpu.memory_space<hbm>>
    tpu.wait_indirect_dma semaphore(%arg12 : memref<!tpu.dma_semaphore, #tpu.memory_space<semaphore_mem>>) src(%dma_wait3A_1914 : memref<524288xf32, #tpu.memory_space<hbm>>) dst(%dma_wait3A_1909 : memref<128xf32, #tpu.memory_space<vmem>>)
    %iota3A_1915 = tpu.iota {dimensions = array<i32: 0>} : vector<16xi32>
    %add3A_1916 = arith.constant 384 : i32
    %add3A_1917 = arith.addi %mul3A_2, %add3A_1916 : i32
    %add3A_1918 = arith.constant 0 : i32
    %add3A_1919 = arith.addi %add3A_1917, %add3A_1918 : i32
    %add3A_1920 = vector.broadcast %add3A_1919 : i32 to vector<16xi32>
    %add3A_1921 = arith.addi %iota3A_1915, %add3A_1920 : vector<16xi32>
    %get3A_1922 = arith.constant 3 : i32
    %get3A_1923 = arith.index_cast %get3A_1922 : i32 to index
    %get3A_1924 = arith.constant 0 : index
    %get3A_1925 = tpu.vector_load %arg6[%get3A_1923, %get3A_1924] {strides = array<i32>} : memref<8x128xf32, #tpu.memory_space<vmem>>, vector<1x16xf32>,
    %get3A_1926 = vector.shape_cast %get3A_1925 : vector<1x16xf32> to vector<16xf32>
    %mul3A_1927 = arith.constant 128 : i32
    %mul3A_1928 = vector.broadcast %mul3A_1927 : i32 to vector<16xi32>
    %mul3A_1929 = arith.muli %add3A_1921, %mul3A_1928 : vector<16xi32>
    %convert_element_type3A_1930 = arith.fptosi %get3A_1926 : vector<16xf32> to vector<16xi32>
    %add3A_1931 = arith.addi %mul3A_1929, %convert_element_type3A_1930 : vector<16xi32>
    %swap3A_1932 = arith.constant 3 : i32
    %swap3A_1933 = arith.index_cast %swap3A_1932 : i32 to index
    %swap3A_1934 = arith.constant 0 : index
    %swap3A_1935 = tpu.vector_load %arg7[%swap3A_1933, %swap3A_1934] {strides = array<i32>} : memref<8x128xi32, #tpu.memory_space<vmem>>, vector<1x16xi32>,
    %swap3A_1936 = vector.shape_cast %swap3A_1935 : vector<1x16xi32> to vector<16xi32>
    %swap3A_1937 = vector.shape_cast %add3A_1931 : vector<16xi32> to vector<1x16xi32>
    tpu.vector_store %arg7[%swap3A_1933, %swap3A_1934], %swap3A_1937 {strides = array<i32>} : memref<8x128xi32, #tpu.memory_space<vmem>>, vector<1x16xi32>,
    %iota3A_1938 = tpu.iota {dimensions = array<i32: 0>} : vector<16xi32>
    %add3A_1939 = arith.constant 384 : i32
    %add3A_1940 = arith.addi %mul3A_2, %add3A_1939 : i32
    %add3A_1941 = arith.constant 16 : i32
    %add3A_1942 = arith.addi %add3A_1940, %add3A_1941 : i32
    %add3A_1943 = vector.broadcast %add3A_1942 : i32 to vector<16xi32>
    %add3A_1944 = arith.addi %iota3A_1938, %add3A_1943 : vector<16xi32>
    %get3A_1945 = arith.constant 3 : i32
    %get3A_1946 = arith.index_cast %get3A_1945 : i32 to index
    %get3A_1947 = arith.constant 16 : index
    %get3A_1948 = tpu.vector_load %arg6[%get3A_1946, %get3A_1947] {strides = array<i32>} : memref<8x128xf32, #tpu.memory_space<vmem>>, vector<1x16xf32>,
    %get3A_1949 = vector.shape_cast %get3A_1948 : vector<1x16xf32> to vector<16xf32>
    %mul3A_1950 = arith.constant 128 : i32
    %mul3A_1951 = vector.broadcast %mul3A_1950 : i32 to vector<16xi32>
    %mul3A_1952 = arith.muli %add3A_1944, %mul3A_1951 : vector<16xi32>
    %convert_element_type3A_1953 = arith.fptosi %get3A_1949 : vector<16xf32> to vector<16xi32>
    %add3A_1954 = arith.addi %mul3A_1952, %convert_element_type3A_1953 : vector<16xi32>
    %swap3A_1955 = arith.constant 3 : i32
    %swap3A_1956 = arith.index_cast %swap3A_1955 : i32 to index
    %swap3A_1957 = arith.constant 16 : index
    %swap3A_1958 = tpu.vector_load %arg7[%swap3A_1956, %swap3A_1957] {strides = array<i32>} : memref<8x128xi32, #tpu.memory_space<vmem>>, vector<1x16xi32>,
    %swap3A_1959 = vector.shape_cast %swap3A_1958 : vector<1x16xi32> to vector<16xi32>
    %swap3A_1960 = vector.shape_cast %add3A_1954 : vector<16xi32> to vector<1x16xi32>
    tpu.vector_store %arg7[%swap3A_1956, %swap3A_1957], %swap3A_1960 {strides = array<i32>} : memref<8x128xi32, #tpu.memory_space<vmem>>, vector<1x16xi32>,
    %iota3A_1961 = tpu.iota {dimensions = array<i32: 0>} : vector<16xi32>
    %add3A_1962 = arith.constant 384 : i32
    %add3A_1963 = arith.addi %mul3A_2, %add3A_1962 : i32
    %add3A_1964 = arith.constant 32 : i32
    %add3A_1965 = arith.addi %add3A_1963, %add3A_1964 : i32
    %add3A_1966 = vector.broadcast %add3A_1965 : i32 to vector<16xi32>
    %add3A_1967 = arith.addi %iota3A_1961, %add3A_1966 : vector<16xi32>
    %get3A_1968 = arith.constant 3 : i32
    %get3A_1969 = arith.index_cast %get3A_1968 : i32 to index
    %get3A_1970 = arith.constant 32 : index
    %get3A_1971 = tpu.vector_load %arg6[%get3A_1969, %get3A_1970] {strides = array<i32>} : memref<8x128xf32, #tpu.memory_space<vmem>>, vector<1x16xf32>,
    %get3A_1972 = vector.shape_cast %get3A_1971 : vector<1x16xf32> to vector<16xf32>
    %mul3A_1973 = arith.constant 128 : i32
    %mul3A_1974 = vector.broadcast %mul3A_1973 : i32 to vector<16xi32>
    %mul3A_1975 = arith.muli %add3A_1967, %mul3A_1974 : vector<16xi32>
    %convert_element_type3A_1976 = arith.fptosi %get3A_1972 : vector<16xf32> to vector<16xi32>
    %add3A_1977 = arith.addi %mul3A_1975, %convert_element_type3A_1976 : vector<16xi32>
    %swap3A_1978 = arith.constant 3 : i32
    %swap3A_1979 = arith.index_cast %swap3A_1978 : i32 to index
    %swap3A_1980 = arith.constant 32 : index
    %swap3A_1981 = tpu.vector_load %arg7[%swap3A_1979, %swap3A_1980] {strides = array<i32>} : memref<8x128xi32, #tpu.memory_space<vmem>>, vector<1x16xi32>,
    %swap3A_1982 = vector.shape_cast %swap3A_1981 : vector<1x16xi32> to vector<16xi32>
    %swap3A_1983 = vector.shape_cast %add3A_1977 : vector<16xi32> to vector<1x16xi32>
    tpu.vector_store %arg7[%swap3A_1979, %swap3A_1980], %swap3A_1983 {strides = array<i32>} : memref<8x128xi32, #tpu.memory_space<vmem>>, vector<1x16xi32>,
    %iota3A_1984 = tpu.iota {dimensions = array<i32: 0>} : vector<16xi32>
    %add3A_1985 = arith.constant 384 : i32
    %add3A_1986 = arith.addi %mul3A_2, %add3A_1985 : i32
    %add3A_1987 = arith.constant 48 : i32
    %add3A_1988 = arith.addi %add3A_1986, %add3A_1987 : i32
    %add3A_1989 = vector.broadcast %add3A_1988 : i32 to vector<16xi32>
    %add3A_1990 = arith.addi %iota3A_1984, %add3A_1989 : vector<16xi32>
    %get3A_1991 = arith.constant 3 : i32
    %get3A_1992 = arith.index_cast %get3A_1991 : i32 to index
    %get3A_1993 = arith.constant 48 : index
    %get3A_1994 = tpu.vector_load %arg6[%get3A_1992, %get3A_1993] {strides = array<i32>} : memref<8x128xf32, #tpu.memory_space<vmem>>, vector<1x16xf32>,
    %get3A_1995 = vector.shape_cast %get3A_1994 : vector<1x16xf32> to vector<16xf32>
    %mul3A_1996 = arith.constant 128 : i32
    %mul3A_1997 = vector.broadcast %mul3A_1996 : i32 to vector<16xi32>
    %mul3A_1998 = arith.muli %add3A_1990, %mul3A_1997 : vector<16xi32>
    %convert_element_type3A_1999 = arith.fptosi %get3A_1995 : vector<16xf32> to vector<16xi32>
    %add3A_2000 = arith.addi %mul3A_1998, %convert_element_type3A_1999 : vector<16xi32>
    %swap3A_2001 = arith.constant 3 : i32
    %swap3A_2002 = arith.index_cast %swap3A_2001 : i32 to index
    %swap3A_2003 = arith.constant 48 : index
    %swap3A_2004 = tpu.vector_load %arg7[%swap3A_2002, %swap3A_2003] {strides = array<i32>} : memref<8x128xi32, #tpu.memory_space<vmem>>, vector<1x16xi32>,
    %swap3A_2005 = vector.shape_cast %swap3A_2004 : vector<1x16xi32> to vector<16xi32>
    %swap3A_2006 = vector.shape_cast %add3A_2000 : vector<16xi32> to vector<1x16xi32>
    tpu.vector_store %arg7[%swap3A_2002, %swap3A_2003], %swap3A_2006 {strides = array<i32>} : memref<8x128xi32, #tpu.memory_space<vmem>>, vector<1x16xi32>,
    %iota3A_2007 = tpu.iota {dimensions = array<i32: 0>} : vector<16xi32>
    %add3A_2008 = arith.constant 384 : i32
    %add3A_2009 = arith.addi %mul3A_2, %add3A_2008 : i32
    %add3A_2010 = arith.constant 64 : i32
    %add3A_2011 = arith.addi %add3A_2009, %add3A_2010 : i32
    %add3A_2012 = vector.broadcast %add3A_2011 : i32 to vector<16xi32>
    %add3A_2013 = arith.addi %iota3A_2007, %add3A_2012 : vector<16xi32>
    %get3A_2014 = arith.constant 3 : i32
    %get3A_2015 = arith.index_cast %get3A_2014 : i32 to index
    %get3A_2016 = arith.constant 64 : index
    %get3A_2017 = tpu.vector_load %arg6[%get3A_2015, %get3A_2016] {strides = array<i32>} : memref<8x128xf32, #tpu.memory_space<vmem>>, vector<1x16xf32>,
    %get3A_2018 = vector.shape_cast %get3A_2017 : vector<1x16xf32> to vector<16xf32>
    %mul3A_2019 = arith.constant 128 : i32
    %mul3A_2020 = vector.broadcast %mul3A_2019 : i32 to vector<16xi32>
    %mul3A_2021 = arith.muli %add3A_2013, %mul3A_2020 : vector<16xi32>
    %convert_element_type3A_2022 = arith.fptosi %get3A_2018 : vector<16xf32> to vector<16xi32>
    %add3A_2023 = arith.addi %mul3A_2021, %convert_element_type3A_2022 : vector<16xi32>
    %swap3A_2024 = arith.constant 3 : i32
    %swap3A_2025 = arith.index_cast %swap3A_2024 : i32 to index
    %swap3A_2026 = arith.constant 64 : index
    %swap3A_2027 = tpu.vector_load %arg7[%swap3A_2025, %swap3A_2026] {strides = array<i32>} : memref<8x128xi32, #tpu.memory_space<vmem>>, vector<1x16xi32>,
    %swap3A_2028 = vector.shape_cast %swap3A_2027 : vector<1x16xi32> to vector<16xi32>
    %swap3A_2029 = vector.shape_cast %add3A_2023 : vector<16xi32> to vector<1x16xi32>
    tpu.vector_store %arg7[%swap3A_2025, %swap3A_2026], %swap3A_2029 {strides = array<i32>} : memref<8x128xi32, #tpu.memory_space<vmem>>, vector<1x16xi32>,
    %iota3A_2030 = tpu.iota {dimensions = array<i32: 0>} : vector<16xi32>
    %add3A_2031 = arith.constant 384 : i32
    %add3A_2032 = arith.addi %mul3A_2, %add3A_2031 : i32
    %add3A_2033 = arith.constant 80 : i32
    %add3A_2034 = arith.addi %add3A_2032, %add3A_2033 : i32
    %add3A_2035 = vector.broadcast %add3A_2034 : i32 to vector<16xi32>
    %add3A_2036 = arith.addi %iota3A_2030, %add3A_2035 : vector<16xi32>
    %get3A_2037 = arith.constant 3 : i32
    %get3A_2038 = arith.index_cast %get3A_2037 : i32 to index
    %get3A_2039 = arith.constant 80 : index
    %get3A_2040 = tpu.vector_load %arg6[%get3A_2038, %get3A_2039] {strides = array<i32>} : memref<8x128xf32, #tpu.memory_space<vmem>>, vector<1x16xf32>,
    %get3A_2041 = vector.shape_cast %get3A_2040 : vector<1x16xf32> to vector<16xf32>
    %mul3A_2042 = arith.constant 128 : i32
    %mul3A_2043 = vector.broadcast %mul3A_2042 : i32 to vector<16xi32>
    %mul3A_2044 = arith.muli %add3A_2036, %mul3A_2043 : vector<16xi32>
    %convert_element_type3A_2045 = arith.fptosi %get3A_2041 : vector<16xf32> to vector<16xi32>
    %add3A_2046 = arith.addi %mul3A_2044, %convert_element_type3A_2045 : vector<16xi32>
    %swap3A_2047 = arith.constant 3 : i32
    %swap3A_2048 = arith.index_cast %swap3A_2047 : i32 to index
    %swap3A_2049 = arith.constant 80 : index
    %swap3A_2050 = tpu.vector_load %arg7[%swap3A_2048, %swap3A_2049] {strides = array<i32>} : memref<8x128xi32, #tpu.memory_space<vmem>>, vector<1x16xi32>,
    %swap3A_2051 = vector.shape_cast %swap3A_2050 : vector<1x16xi32> to vector<16xi32>
    %swap3A_2052 = vector.shape_cast %add3A_2046 : vector<16xi32> to vector<1x16xi32>
    tpu.vector_store %arg7[%swap3A_2048, %swap3A_2049], %swap3A_2052 {strides = array<i32>} : memref<8x128xi32, #tpu.memory_space<vmem>>, vector<1x16xi32>,
    %iota3A_2053 = tpu.iota {dimensions = array<i32: 0>} : vector<16xi32>
    %add3A_2054 = arith.constant 384 : i32
    %add3A_2055 = arith.addi %mul3A_2, %add3A_2054 : i32
    %add3A_2056 = arith.constant 96 : i32
    %add3A_2057 = arith.addi %add3A_2055, %add3A_2056 : i32
    %add3A_2058 = vector.broadcast %add3A_2057 : i32 to vector<16xi32>
    %add3A_2059 = arith.addi %iota3A_2053, %add3A_2058 : vector<16xi32>
    %get3A_2060 = arith.constant 3 : i32
    %get3A_2061 = arith.index_cast %get3A_2060 : i32 to index
    %get3A_2062 = arith.constant 96 : index
    %get3A_2063 = tpu.vector_load %arg6[%get3A_2061, %get3A_2062] {strides = array<i32>} : memref<8x128xf32, #tpu.memory_space<vmem>>, vector<1x16xf32>,
    %get3A_2064 = vector.shape_cast %get3A_2063 : vector<1x16xf32> to vector<16xf32>
    %mul3A_2065 = arith.constant 128 : i32
    %mul3A_2066 = vector.broadcast %mul3A_2065 : i32 to vector<16xi32>
    %mul3A_2067 = arith.muli %add3A_2059, %mul3A_2066 : vector<16xi32>
    %convert_element_type3A_2068 = arith.fptosi %get3A_2064 : vector<16xf32> to vector<16xi32>
    %add3A_2069 = arith.addi %mul3A_2067, %convert_element_type3A_2068 : vector<16xi32>
    %swap3A_2070 = arith.constant 3 : i32
    %swap3A_2071 = arith.index_cast %swap3A_2070 : i32 to index
    %swap3A_2072 = arith.constant 96 : index
    %swap3A_2073 = tpu.vector_load %arg7[%swap3A_2071, %swap3A_2072] {strides = array<i32>} : memref<8x128xi32, #tpu.memory_space<vmem>>, vector<1x16xi32>,
    %swap3A_2074 = vector.shape_cast %swap3A_2073 : vector<1x16xi32> to vector<16xi32>
    %swap3A_2075 = vector.shape_cast %add3A_2069 : vector<16xi32> to vector<1x16xi32>
    tpu.vector_store %arg7[%swap3A_2071, %swap3A_2072], %swap3A_2075 {strides = array<i32>} : memref<8x128xi32, #tpu.memory_space<vmem>>, vector<1x16xi32>,
    %iota3A_2076 = tpu.iota {dimensions = array<i32: 0>} : vector<16xi32>
    %add3A_2077 = arith.constant 384 : i32
    %add3A_2078 = arith.addi %mul3A_2, %add3A_2077 : i32
    %add3A_2079 = arith.constant 112 : i32
    %add3A_2080 = arith.addi %add3A_2078, %add3A_2079 : i32
    %add3A_2081 = vector.broadcast %add3A_2080 : i32 to vector<16xi32>
    %add3A_2082 = arith.addi %iota3A_2076, %add3A_2081 : vector<16xi32>
    %get3A_2083 = arith.constant 3 : i32
    %get3A_2084 = arith.index_cast %get3A_2083 : i32 to index
    %get3A_2085 = arith.constant 112 : index
    %get3A_2086 = tpu.vector_load %arg6[%get3A_2084, %get3A_2085] {strides = array<i32>} : memref<8x128xf32, #tpu.memory_space<vmem>>, vector<1x16xf32>,
    %get3A_2087 = vector.shape_cast %get3A_2086 : vector<1x16xf32> to vector<16xf32>
    %mul3A_2088 = arith.constant 128 : i32
    %mul3A_2089 = vector.broadcast %mul3A_2088 : i32 to vector<16xi32>
    %mul3A_2090 = arith.muli %add3A_2082, %mul3A_2089 : vector<16xi32>
    %convert_element_type3A_2091 = arith.fptosi %get3A_2087 : vector<16xf32> to vector<16xi32>
    %add3A_2092 = arith.addi %mul3A_2090, %convert_element_type3A_2091 : vector<16xi32>
    %swap3A_2093 = arith.constant 3 : i32
    %swap3A_2094 = arith.index_cast %swap3A_2093 : i32 to index
    %swap3A_2095 = arith.constant 112 : index
    %swap3A_2096 = tpu.vector_load %arg7[%swap3A_2094, %swap3A_2095] {strides = array<i32>} : memref<8x128xi32, #tpu.memory_space<vmem>>, vector<1x16xi32>,
    %swap3A_2097 = vector.shape_cast %swap3A_2096 : vector<1x16xi32> to vector<16xi32>
    %swap3A_2098 = vector.shape_cast %add3A_2092 : vector<16xi32> to vector<1x16xi32>
    tpu.vector_store %arg7[%swap3A_2094, %swap3A_2095], %swap3A_2098 {strides = array<i32>} : memref<8x128xi32, #tpu.memory_space<vmem>>, vector<1x16xi32>,
    %dma_start3A_2099 = arith.constant 3 : i32
    %dma_start3A_2100 = arith.constant 3 : i32
    %dma_start3A_2101 = arith.constant 0 : i32
    %dma_start3A_2102 = tpu.memref_slice %arg8[%dma_start3A_2100, %dma_start3A_2101] : memref<8x128xf32, #tpu.memory_space<vmem>> -> memref<1x128xf32, #tpu.memory_space<vmem>>
    %dma_start3A_2103 = tpu.memref_squeeze %dma_start3A_2102 : memref<1x128xf32, #tpu.memory_space<vmem>> -> memref<128xf32, #tpu.memory_space<vmem>>
    %dma_start3A_2104 = arith.constant 0 : i32
    %dma_start3A_2105 = tpu.memref_slice %arg7[%dma_start3A_2099, %dma_start3A_2104] : memref<8x128xi32, #tpu.memory_space<vmem>> -> memref<1x128xi32, #tpu.memory_space<vmem>>
    %dma_start3A_2106 = tpu.memref_squeeze %dma_start3A_2105 : memref<1x128xi32, #tpu.memory_space<vmem>> -> memref<128xi32, #tpu.memory_space<vmem>>
    %dma_start3A_2107 = arith.constant 0 : i32
    %dma_start3A_2108 = tpu.memref_slice %arg3[%dma_start3A_2107] : memref<2097152xf32, #tpu.memory_space<hbm>> -> memref<2097152xf32, #tpu.memory_space<hbm>>
    tpu.enqueue_indirect_dma source(%dma_start3A_2108 : memref<2097152xf32, #tpu.memory_space<hbm>>) target(%dma_start3A_2103 : memref<128xf32, #tpu.memory_space<vmem>>) offsets(%dma_start3A_2106 : memref<128xi32, #tpu.memory_space<vmem>>) semaphore(%arg20 : memref<!tpu.dma_semaphore, #tpu.memory_space<semaphore_mem>>)
    %dma_wait3A_2109 = arith.constant 4 : i32
    %dma_wait3A_2110 = arith.constant 4 : i32
    %dma_wait3A_2111 = arith.constant 0 : i32
    %dma_wait3A_2112 = tpu.memref_slice %arg6[%dma_wait3A_2110, %dma_wait3A_2111] : memref<8x128xf32, #tpu.memory_space<vmem>> -> memref<1x128xf32, #tpu.memory_space<vmem>>
    %dma_wait3A_2113 = tpu.memref_squeeze %dma_wait3A_2112 : memref<1x128xf32, #tpu.memory_space<vmem>> -> memref<128xf32, #tpu.memory_space<vmem>>
    %dma_wait3A_2114 = arith.constant 0 : i32
    %dma_wait3A_2115 = tpu.memref_slice %arg5[%dma_wait3A_2109, %dma_wait3A_2114] : memref<8x128xi32, #tpu.memory_space<vmem>> -> memref<1x128xi32, #tpu.memory_space<vmem>>
    %dma_wait3A_2116 = tpu.memref_squeeze %dma_wait3A_2115 : memref<1x128xi32, #tpu.memory_space<vmem>> -> memref<128xi32, #tpu.memory_space<vmem>>
    %dma_wait3A_2117 = arith.constant 0 : i32
    %dma_wait3A_2118 = tpu.memref_slice %arg2[%dma_wait3A_2117] : memref<524288xf32, #tpu.memory_space<hbm>> -> memref<524288xf32, #tpu.memory_space<hbm>>
    tpu.wait_indirect_dma semaphore(%arg13 : memref<!tpu.dma_semaphore, #tpu.memory_space<semaphore_mem>>) src(%dma_wait3A_2118 : memref<524288xf32, #tpu.memory_space<hbm>>) dst(%dma_wait3A_2113 : memref<128xf32, #tpu.memory_space<vmem>>)
    %iota3A_2119 = tpu.iota {dimensions = array<i32: 0>} : vector<16xi32>
    %add3A_2120 = arith.constant 512 : i32
    %add3A_2121 = arith.addi %mul3A_2, %add3A_2120 : i32
    %add3A_2122 = arith.constant 0 : i32
    %add3A_2123 = arith.addi %add3A_2121, %add3A_2122 : i32
    %add3A_2124 = vector.broadcast %add3A_2123 : i32 to vector<16xi32>
    %add3A_2125 = arith.addi %iota3A_2119, %add3A_2124 : vector<16xi32>
    %get3A_2126 = arith.constant 4 : i32
    %get3A_2127 = arith.index_cast %get3A_2126 : i32 to index
    %get3A_2128 = arith.constant 0 : index
    %get3A_2129 = tpu.vector_load %arg6[%get3A_2127, %get3A_2128] {strides = array<i32>} : memref<8x128xf32, #tpu.memory_space<vmem>>, vector<1x16xf32>,
    %get3A_2130 = vector.shape_cast %get3A_2129 : vector<1x16xf32> to vector<16xf32>
    %mul3A_2131 = arith.constant 128 : i32
    %mul3A_2132 = vector.broadcast %mul3A_2131 : i32 to vector<16xi32>
    %mul3A_2133 = arith.muli %add3A_2125, %mul3A_2132 : vector<16xi32>
    %convert_element_type3A_2134 = arith.fptosi %get3A_2130 : vector<16xf32> to vector<16xi32>
    %add3A_2135 = arith.addi %mul3A_2133, %convert_element_type3A_2134 : vector<16xi32>
    %swap3A_2136 = arith.constant 4 : i32
    %swap3A_2137 = arith.index_cast %swap3A_2136 : i32 to index
    %swap3A_2138 = arith.constant 0 : index
    %swap3A_2139 = tpu.vector_load %arg7[%swap3A_2137, %swap3A_2138] {strides = array<i32>} : memref<8x128xi32, #tpu.memory_space<vmem>>, vector<1x16xi32>,
    %swap3A_2140 = vector.shape_cast %swap3A_2139 : vector<1x16xi32> to vector<16xi32>
    %swap3A_2141 = vector.shape_cast %add3A_2135 : vector<16xi32> to vector<1x16xi32>
    tpu.vector_store %arg7[%swap3A_2137, %swap3A_2138], %swap3A_2141 {strides = array<i32>} : memref<8x128xi32, #tpu.memory_space<vmem>>, vector<1x16xi32>,
    %iota3A_2142 = tpu.iota {dimensions = array<i32: 0>} : vector<16xi32>
    %add3A_2143 = arith.constant 512 : i32
    %add3A_2144 = arith.addi %mul3A_2, %add3A_2143 : i32
    %add3A_2145 = arith.constant 16 : i32
    %add3A_2146 = arith.addi %add3A_2144, %add3A_2145 : i32
    %add3A_2147 = vector.broadcast %add3A_2146 : i32 to vector<16xi32>
    %add3A_2148 = arith.addi %iota3A_2142, %add3A_2147 : vector<16xi32>
    %get3A_2149 = arith.constant 4 : i32
    %get3A_2150 = arith.index_cast %get3A_2149 : i32 to index
    %get3A_2151 = arith.constant 16 : index
    %get3A_2152 = tpu.vector_load %arg6[%get3A_2150, %get3A_2151] {strides = array<i32>} : memref<8x128xf32, #tpu.memory_space<vmem>>, vector<1x16xf32>,
    %get3A_2153 = vector.shape_cast %get3A_2152 : vector<1x16xf32> to vector<16xf32>
    %mul3A_2154 = arith.constant 128 : i32
    %mul3A_2155 = vector.broadcast %mul3A_2154 : i32 to vector<16xi32>
    %mul3A_2156 = arith.muli %add3A_2148, %mul3A_2155 : vector<16xi32>
    %convert_element_type3A_2157 = arith.fptosi %get3A_2153 : vector<16xf32> to vector<16xi32>
    %add3A_2158 = arith.addi %mul3A_2156, %convert_element_type3A_2157 : vector<16xi32>
    %swap3A_2159 = arith.constant 4 : i32
    %swap3A_2160 = arith.index_cast %swap3A_2159 : i32 to index
    %swap3A_2161 = arith.constant 16 : index
    %swap3A_2162 = tpu.vector_load %arg7[%swap3A_2160, %swap3A_2161] {strides = array<i32>} : memref<8x128xi32, #tpu.memory_space<vmem>>, vector<1x16xi32>,
    %swap3A_2163 = vector.shape_cast %swap3A_2162 : vector<1x16xi32> to vector<16xi32>
    %swap3A_2164 = vector.shape_cast %add3A_2158 : vector<16xi32> to vector<1x16xi32>
    tpu.vector_store %arg7[%swap3A_2160, %swap3A_2161], %swap3A_2164 {strides = array<i32>} : memref<8x128xi32, #tpu.memory_space<vmem>>, vector<1x16xi32>,
    %iota3A_2165 = tpu.iota {dimensions = array<i32: 0>} : vector<16xi32>
    %add3A_2166 = arith.constant 512 : i32
    %add3A_2167 = arith.addi %mul3A_2, %add3A_2166 : i32
    %add3A_2168 = arith.constant 32 : i32
    %add3A_2169 = arith.addi %add3A_2167, %add3A_2168 : i32
    %add3A_2170 = vector.broadcast %add3A_2169 : i32 to vector<16xi32>
    %add3A_2171 = arith.addi %iota3A_2165, %add3A_2170 : vector<16xi32>
    %get3A_2172 = arith.constant 4 : i32
    %get3A_2173 = arith.index_cast %get3A_2172 : i32 to index
    %get3A_2174 = arith.constant 32 : index
    %get3A_2175 = tpu.vector_load %arg6[%get3A_2173, %get3A_2174] {strides = array<i32>} : memref<8x128xf32, #tpu.memory_space<vmem>>, vector<1x16xf32>,
    %get3A_2176 = vector.shape_cast %get3A_2175 : vector<1x16xf32> to vector<16xf32>
    %mul3A_2177 = arith.constant 128 : i32
    %mul3A_2178 = vector.broadcast %mul3A_2177 : i32 to vector<16xi32>
    %mul3A_2179 = arith.muli %add3A_2171, %mul3A_2178 : vector<16xi32>
    %convert_element_type3A_2180 = arith.fptosi %get3A_2176 : vector<16xf32> to vector<16xi32>
    %add3A_2181 = arith.addi %mul3A_2179, %convert_element_type3A_2180 : vector<16xi32>
    %swap3A_2182 = arith.constant 4 : i32
    %swap3A_2183 = arith.index_cast %swap3A_2182 : i32 to index
    %swap3A_2184 = arith.constant 32 : index
    %swap3A_2185 = tpu.vector_load %arg7[%swap3A_2183, %swap3A_2184] {strides = array<i32>} : memref<8x128xi32, #tpu.memory_space<vmem>>, vector<1x16xi32>,
    %swap3A_2186 = vector.shape_cast %swap3A_2185 : vector<1x16xi32> to vector<16xi32>
    %swap3A_2187 = vector.shape_cast %add3A_2181 : vector<16xi32> to vector<1x16xi32>
    tpu.vector_store %arg7[%swap3A_2183, %swap3A_2184], %swap3A_2187 {strides = array<i32>} : memref<8x128xi32, #tpu.memory_space<vmem>>, vector<1x16xi32>,
    %iota3A_2188 = tpu.iota {dimensions = array<i32: 0>} : vector<16xi32>
    %add3A_2189 = arith.constant 512 : i32
    %add3A_2190 = arith.addi %mul3A_2, %add3A_2189 : i32
    %add3A_2191 = arith.constant 48 : i32
    %add3A_2192 = arith.addi %add3A_2190, %add3A_2191 : i32
    %add3A_2193 = vector.broadcast %add3A_2192 : i32 to vector<16xi32>
    %add3A_2194 = arith.addi %iota3A_2188, %add3A_2193 : vector<16xi32>
    %get3A_2195 = arith.constant 4 : i32
    %get3A_2196 = arith.index_cast %get3A_2195 : i32 to index
    %get3A_2197 = arith.constant 48 : index
    %get3A_2198 = tpu.vector_load %arg6[%get3A_2196, %get3A_2197] {strides = array<i32>} : memref<8x128xf32, #tpu.memory_space<vmem>>, vector<1x16xf32>,
    %get3A_2199 = vector.shape_cast %get3A_2198 : vector<1x16xf32> to vector<16xf32>
    %mul3A_2200 = arith.constant 128 : i32
    %mul3A_2201 = vector.broadcast %mul3A_2200 : i32 to vector<16xi32>
    %mul3A_2202 = arith.muli %add3A_2194, %mul3A_2201 : vector<16xi32>
    %convert_element_type3A_2203 = arith.fptosi %get3A_2199 : vector<16xf32> to vector<16xi32>
    %add3A_2204 = arith.addi %mul3A_2202, %convert_element_type3A_2203 : vector<16xi32>
    %swap3A_2205 = arith.constant 4 : i32
    %swap3A_2206 = arith.index_cast %swap3A_2205 : i32 to index
    %swap3A_2207 = arith.constant 48 : index
    %swap3A_2208 = tpu.vector_load %arg7[%swap3A_2206, %swap3A_2207] {strides = array<i32>} : memref<8x128xi32, #tpu.memory_space<vmem>>, vector<1x16xi32>,
    %swap3A_2209 = vector.shape_cast %swap3A_2208 : vector<1x16xi32> to vector<16xi32>
    %swap3A_2210 = vector.shape_cast %add3A_2204 : vector<16xi32> to vector<1x16xi32>
    tpu.vector_store %arg7[%swap3A_2206, %swap3A_2207], %swap3A_2210 {strides = array<i32>} : memref<8x128xi32, #tpu.memory_space<vmem>>, vector<1x16xi32>,
    %iota3A_2211 = tpu.iota {dimensions = array<i32: 0>} : vector<16xi32>
    %add3A_2212 = arith.constant 512 : i32
    %add3A_2213 = arith.addi %mul3A_2, %add3A_2212 : i32
    %add3A_2214 = arith.constant 64 : i32
    %add3A_2215 = arith.addi %add3A_2213, %add3A_2214 : i32
    %add3A_2216 = vector.broadcast %add3A_2215 : i32 to vector<16xi32>
    %add3A_2217 = arith.addi %iota3A_2211, %add3A_2216 : vector<16xi32>
    %get3A_2218 = arith.constant 4 : i32
    %get3A_2219 = arith.index_cast %get3A_2218 : i32 to index
    %get3A_2220 = arith.constant 64 : index
    %get3A_2221 = tpu.vector_load %arg6[%get3A_2219, %get3A_2220] {strides = array<i32>} : memref<8x128xf32, #tpu.memory_space<vmem>>, vector<1x16xf32>,
    %get3A_2222 = vector.shape_cast %get3A_2221 : vector<1x16xf32> to vector<16xf32>
    %mul3A_2223 = arith.constant 128 : i32
    %mul3A_2224 = vector.broadcast %mul3A_2223 : i32 to vector<16xi32>
    %mul3A_2225 = arith.muli %add3A_2217, %mul3A_2224 : vector<16xi32>
    %convert_element_type3A_2226 = arith.fptosi %get3A_2222 : vector<16xf32> to vector<16xi32>
    %add3A_2227 = arith.addi %mul3A_2225, %convert_element_type3A_2226 : vector<16xi32>
    %swap3A_2228 = arith.constant 4 : i32
    %swap3A_2229 = arith.index_cast %swap3A_2228 : i32 to index
    %swap3A_2230 = arith.constant 64 : index
    %swap3A_2231 = tpu.vector_load %arg7[%swap3A_2229, %swap3A_2230] {strides = array<i32>} : memref<8x128xi32, #tpu.memory_space<vmem>>, vector<1x16xi32>,
    %swap3A_2232 = vector.shape_cast %swap3A_2231 : vector<1x16xi32> to vector<16xi32>
    %swap3A_2233 = vector.shape_cast %add3A_2227 : vector<16xi32> to vector<1x16xi32>
    tpu.vector_store %arg7[%swap3A_2229, %swap3A_2230], %swap3A_2233 {strides = array<i32>} : memref<8x128xi32, #tpu.memory_space<vmem>>, vector<1x16xi32>,
    %iota3A_2234 = tpu.iota {dimensions = array<i32: 0>} : vector<16xi32>
    %add3A_2235 = arith.constant 512 : i32
    %add3A_2236 = arith.addi %mul3A_2, %add3A_2235 : i32
    %add3A_2237 = arith.constant 80 : i32
    %add3A_2238 = arith.addi %add3A_2236, %add3A_2237 : i32
    %add3A_2239 = vector.broadcast %add3A_2238 : i32 to vector<16xi32>
    %add3A_2240 = arith.addi %iota3A_2234, %add3A_2239 : vector<16xi32>
    %get3A_2241 = arith.constant 4 : i32
    %get3A_2242 = arith.index_cast %get3A_2241 : i32 to index
    %get3A_2243 = arith.constant 80 : index
    %get3A_2244 = tpu.vector_load %arg6[%get3A_2242, %get3A_2243] {strides = array<i32>} : memref<8x128xf32, #tpu.memory_space<vmem>>, vector<1x16xf32>,
    %get3A_2245 = vector.shape_cast %get3A_2244 : vector<1x16xf32> to vector<16xf32>
    %mul3A_2246 = arith.constant 128 : i32
    %mul3A_2247 = vector.broadcast %mul3A_2246 : i32 to vector<16xi32>
    %mul3A_2248 = arith.muli %add3A_2240, %mul3A_2247 : vector<16xi32>
    %convert_element_type3A_2249 = arith.fptosi %get3A_2245 : vector<16xf32> to vector<16xi32>
    %add3A_2250 = arith.addi %mul3A_2248, %convert_element_type3A_2249 : vector<16xi32>
    %swap3A_2251 = arith.constant 4 : i32
    %swap3A_2252 = arith.index_cast %swap3A_2251 : i32 to index
    %swap3A_2253 = arith.constant 80 : index
    %swap3A_2254 = tpu.vector_load %arg7[%swap3A_2252, %swap3A_2253] {strides = array<i32>} : memref<8x128xi32, #tpu.memory_space<vmem>>, vector<1x16xi32>,
    %swap3A_2255 = vector.shape_cast %swap3A_2254 : vector<1x16xi32> to vector<16xi32>
    %swap3A_2256 = vector.shape_cast %add3A_2250 : vector<16xi32> to vector<1x16xi32>
    tpu.vector_store %arg7[%swap3A_2252, %swap3A_2253], %swap3A_2256 {strides = array<i32>} : memref<8x128xi32, #tpu.memory_space<vmem>>, vector<1x16xi32>,
    %iota3A_2257 = tpu.iota {dimensions = array<i32: 0>} : vector<16xi32>
    %add3A_2258 = arith.constant 512 : i32
    %add3A_2259 = arith.addi %mul3A_2, %add3A_2258 : i32
    %add3A_2260 = arith.constant 96 : i32
    %add3A_2261 = arith.addi %add3A_2259, %add3A_2260 : i32
    %add3A_2262 = vector.broadcast %add3A_2261 : i32 to vector<16xi32>
    %add3A_2263 = arith.addi %iota3A_2257, %add3A_2262 : vector<16xi32>
    %get3A_2264 = arith.constant 4 : i32
    %get3A_2265 = arith.index_cast %get3A_2264 : i32 to index
    %get3A_2266 = arith.constant 96 : index
    %get3A_2267 = tpu.vector_load %arg6[%get3A_2265, %get3A_2266] {strides = array<i32>} : memref<8x128xf32, #tpu.memory_space<vmem>>, vector<1x16xf32>,
    %get3A_2268 = vector.shape_cast %get3A_2267 : vector<1x16xf32> to vector<16xf32>
    %mul3A_2269 = arith.constant 128 : i32
    %mul3A_2270 = vector.broadcast %mul3A_2269 : i32 to vector<16xi32>
    %mul3A_2271 = arith.muli %add3A_2263, %mul3A_2270 : vector<16xi32>
    %convert_element_type3A_2272 = arith.fptosi %get3A_2268 : vector<16xf32> to vector<16xi32>
    %add3A_2273 = arith.addi %mul3A_2271, %convert_element_type3A_2272 : vector<16xi32>
    %swap3A_2274 = arith.constant 4 : i32
    %swap3A_2275 = arith.index_cast %swap3A_2274 : i32 to index
    %swap3A_2276 = arith.constant 96 : index
    %swap3A_2277 = tpu.vector_load %arg7[%swap3A_2275, %swap3A_2276] {strides = array<i32>} : memref<8x128xi32, #tpu.memory_space<vmem>>, vector<1x16xi32>,
    %swap3A_2278 = vector.shape_cast %swap3A_2277 : vector<1x16xi32> to vector<16xi32>
    %swap3A_2279 = vector.shape_cast %add3A_2273 : vector<16xi32> to vector<1x16xi32>
    tpu.vector_store %arg7[%swap3A_2275, %swap3A_2276], %swap3A_2279 {strides = array<i32>} : memref<8x128xi32, #tpu.memory_space<vmem>>, vector<1x16xi32>,
    %iota3A_2280 = tpu.iota {dimensions = array<i32: 0>} : vector<16xi32>
    %add3A_2281 = arith.constant 512 : i32
    %add3A_2282 = arith.addi %mul3A_2, %add3A_2281 : i32
    %add3A_2283 = arith.constant 112 : i32
    %add3A_2284 = arith.addi %add3A_2282, %add3A_2283 : i32
    %add3A_2285 = vector.broadcast %add3A_2284 : i32 to vector<16xi32>
    %add3A_2286 = arith.addi %iota3A_2280, %add3A_2285 : vector<16xi32>
    %get3A_2287 = arith.constant 4 : i32
    %get3A_2288 = arith.index_cast %get3A_2287 : i32 to index
    %get3A_2289 = arith.constant 112 : index
    %get3A_2290 = tpu.vector_load %arg6[%get3A_2288, %get3A_2289] {strides = array<i32>} : memref<8x128xf32, #tpu.memory_space<vmem>>, vector<1x16xf32>,
    %get3A_2291 = vector.shape_cast %get3A_2290 : vector<1x16xf32> to vector<16xf32>
    %mul3A_2292 = arith.constant 128 : i32
    %mul3A_2293 = vector.broadcast %mul3A_2292 : i32 to vector<16xi32>
    %mul3A_2294 = arith.muli %add3A_2286, %mul3A_2293 : vector<16xi32>
    %convert_element_type3A_2295 = arith.fptosi %get3A_2291 : vector<16xf32> to vector<16xi32>
    %add3A_2296 = arith.addi %mul3A_2294, %convert_element_type3A_2295 : vector<16xi32>
    %swap3A_2297 = arith.constant 4 : i32
    %swap3A_2298 = arith.index_cast %swap3A_2297 : i32 to index
    %swap3A_2299 = arith.constant 112 : index
    %swap3A_2300 = tpu.vector_load %arg7[%swap3A_2298, %swap3A_2299] {strides = array<i32>} : memref<8x128xi32, #tpu.memory_space<vmem>>, vector<1x16xi32>,
    %swap3A_2301 = vector.shape_cast %swap3A_2300 : vector<1x16xi32> to vector<16xi32>
    %swap3A_2302 = vector.shape_cast %add3A_2296 : vector<16xi32> to vector<1x16xi32>
    tpu.vector_store %arg7[%swap3A_2298, %swap3A_2299], %swap3A_2302 {strides = array<i32>} : memref<8x128xi32, #tpu.memory_space<vmem>>, vector<1x16xi32>,
    %dma_start3A_2303 = arith.constant 4 : i32
    %dma_start3A_2304 = arith.constant 4 : i32
    %dma_start3A_2305 = arith.constant 0 : i32
    %dma_start3A_2306 = tpu.memref_slice %arg8[%dma_start3A_2304, %dma_start3A_2305] : memref<8x128xf32, #tpu.memory_space<vmem>> -> memref<1x128xf32, #tpu.memory_space<vmem>>
    %dma_start3A_2307 = tpu.memref_squeeze %dma_start3A_2306 : memref<1x128xf32, #tpu.memory_space<vmem>> -> memref<128xf32, #tpu.memory_space<vmem>>
    %dma_start3A_2308 = arith.constant 0 : i32
    %dma_start3A_2309 = tpu.memref_slice %arg7[%dma_start3A_2303, %dma_start3A_2308] : memref<8x128xi32, #tpu.memory_space<vmem>> -> memref<1x128xi32, #tpu.memory_space<vmem>>
    %dma_start3A_2310 = tpu.memref_squeeze %dma_start3A_2309 : memref<1x128xi32, #tpu.memory_space<vmem>> -> memref<128xi32, #tpu.memory_space<vmem>>
    %dma_start3A_2311 = arith.constant 0 : i32
    %dma_start3A_2312 = tpu.memref_slice %arg3[%dma_start3A_2311] : memref<2097152xf32, #tpu.memory_space<hbm>> -> memref<2097152xf32, #tpu.memory_space<hbm>>
    tpu.enqueue_indirect_dma source(%dma_start3A_2312 : memref<2097152xf32, #tpu.memory_space<hbm>>) target(%dma_start3A_2307 : memref<128xf32, #tpu.memory_space<vmem>>) offsets(%dma_start3A_2310 : memref<128xi32, #tpu.memory_space<vmem>>) semaphore(%arg21 : memref<!tpu.dma_semaphore, #tpu.memory_space<semaphore_mem>>)
    %dma_wait3A_2313 = arith.constant 5 : i32
    %dma_wait3A_2314 = arith.constant 5 : i32
    %dma_wait3A_2315 = arith.constant 0 : i32
    %dma_wait3A_2316 = tpu.memref_slice %arg6[%dma_wait3A_2314, %dma_wait3A_2315] : memref<8x128xf32, #tpu.memory_space<vmem>> -> memref<1x128xf32, #tpu.memory_space<vmem>>
    %dma_wait3A_2317 = tpu.memref_squeeze %dma_wait3A_2316 : memref<1x128xf32, #tpu.memory_space<vmem>> -> memref<128xf32, #tpu.memory_space<vmem>>
    %dma_wait3A_2318 = arith.constant 0 : i32
    %dma_wait3A_2319 = tpu.memref_slice %arg5[%dma_wait3A_2313, %dma_wait3A_2318] : memref<8x128xi32, #tpu.memory_space<vmem>> -> memref<1x128xi32, #tpu.memory_space<vmem>>
    %dma_wait3A_2320 = tpu.memref_squeeze %dma_wait3A_2319 : memref<1x128xi32, #tpu.memory_space<vmem>> -> memref<128xi32, #tpu.memory_space<vmem>>
    %dma_wait3A_2321 = arith.constant 0 : i32
    %dma_wait3A_2322 = tpu.memref_slice %arg2[%dma_wait3A_2321] : memref<524288xf32, #tpu.memory_space<hbm>> -> memref<524288xf32, #tpu.memory_space<hbm>>
    tpu.wait_indirect_dma semaphore(%arg14 : memref<!tpu.dma_semaphore, #tpu.memory_space<semaphore_mem>>) src(%dma_wait3A_2322 : memref<524288xf32, #tpu.memory_space<hbm>>) dst(%dma_wait3A_2317 : memref<128xf32, #tpu.memory_space<vmem>>)
    %iota3A_2323 = tpu.iota {dimensions = array<i32: 0>} : vector<16xi32>
    %add3A_2324 = arith.constant 640 : i32
    %add3A_2325 = arith.addi %mul3A_2, %add3A_2324 : i32
    %add3A_2326 = arith.constant 0 : i32
    %add3A_2327 = arith.addi %add3A_2325, %add3A_2326 : i32
    %add3A_2328 = vector.broadcast %add3A_2327 : i32 to vector<16xi32>
    %add3A_2329 = arith.addi %iota3A_2323, %add3A_2328 : vector<16xi32>
    %get3A_2330 = arith.constant 5 : i32
    %get3A_2331 = arith.index_cast %get3A_2330 : i32 to index
    %get3A_2332 = arith.constant 0 : index
    %get3A_2333 = tpu.vector_load %arg6[%get3A_2331, %get3A_2332] {strides = array<i32>} : memref<8x128xf32, #tpu.memory_space<vmem>>, vector<1x16xf32>,
    %get3A_2334 = vector.shape_cast %get3A_2333 : vector<1x16xf32> to vector<16xf32>
    %mul3A_2335 = arith.constant 128 : i32
    %mul3A_2336 = vector.broadcast %mul3A_2335 : i32 to vector<16xi32>
    %mul3A_2337 = arith.muli %add3A_2329, %mul3A_2336 : vector<16xi32>
    %convert_element_type3A_2338 = arith.fptosi %get3A_2334 : vector<16xf32> to vector<16xi32>
    %add3A_2339 = arith.addi %mul3A_2337, %convert_element_type3A_2338 : vector<16xi32>
    %swap3A_2340 = arith.constant 5 : i32
    %swap3A_2341 = arith.index_cast %swap3A_2340 : i32 to index
    %swap3A_2342 = arith.constant 0 : index
    %swap3A_2343 = tpu.vector_load %arg7[%swap3A_2341, %swap3A_2342] {strides = array<i32>} : memref<8x128xi32, #tpu.memory_space<vmem>>, vector<1x16xi32>,
    %swap3A_2344 = vector.shape_cast %swap3A_2343 : vector<1x16xi32> to vector<16xi32>
    %swap3A_2345 = vector.shape_cast %add3A_2339 : vector<16xi32> to vector<1x16xi32>
    tpu.vector_store %arg7[%swap3A_2341, %swap3A_2342], %swap3A_2345 {strides = array<i32>} : memref<8x128xi32, #tpu.memory_space<vmem>>, vector<1x16xi32>,
    %iota3A_2346 = tpu.iota {dimensions = array<i32: 0>} : vector<16xi32>
    %add3A_2347 = arith.constant 640 : i32
    %add3A_2348 = arith.addi %mul3A_2, %add3A_2347 : i32
    %add3A_2349 = arith.constant 16 : i32
    %add3A_2350 = arith.addi %add3A_2348, %add3A_2349 : i32
    %add3A_2351 = vector.broadcast %add3A_2350 : i32 to vector<16xi32>
    %add3A_2352 = arith.addi %iota3A_2346, %add3A_2351 : vector<16xi32>
    %get3A_2353 = arith.constant 5 : i32
    %get3A_2354 = arith.index_cast %get3A_2353 : i32 to index
    %get3A_2355 = arith.constant 16 : index
    %get3A_2356 = tpu.vector_load %arg6[%get3A_2354, %get3A_2355] {strides = array<i32>} : memref<8x128xf32, #tpu.memory_space<vmem>>, vector<1x16xf32>,
    %get3A_2357 = vector.shape_cast %get3A_2356 : vector<1x16xf32> to vector<16xf32>
    %mul3A_2358 = arith.constant 128 : i32
    %mul3A_2359 = vector.broadcast %mul3A_2358 : i32 to vector<16xi32>
    %mul3A_2360 = arith.muli %add3A_2352, %mul3A_2359 : vector<16xi32>
    %convert_element_type3A_2361 = arith.fptosi %get3A_2357 : vector<16xf32> to vector<16xi32>
    %add3A_2362 = arith.addi %mul3A_2360, %convert_element_type3A_2361 : vector<16xi32>
    %swap3A_2363 = arith.constant 5 : i32
    %swap3A_2364 = arith.index_cast %swap3A_2363 : i32 to index
    %swap3A_2365 = arith.constant 16 : index
    %swap3A_2366 = tpu.vector_load %arg7[%swap3A_2364, %swap3A_2365] {strides = array<i32>} : memref<8x128xi32, #tpu.memory_space<vmem>>, vector<1x16xi32>,
    %swap3A_2367 = vector.shape_cast %swap3A_2366 : vector<1x16xi32> to vector<16xi32>
    %swap3A_2368 = vector.shape_cast %add3A_2362 : vector<16xi32> to vector<1x16xi32>
    tpu.vector_store %arg7[%swap3A_2364, %swap3A_2365], %swap3A_2368 {strides = array<i32>} : memref<8x128xi32, #tpu.memory_space<vmem>>, vector<1x16xi32>,
    %iota3A_2369 = tpu.iota {dimensions = array<i32: 0>} : vector<16xi32>
    %add3A_2370 = arith.constant 640 : i32
    %add3A_2371 = arith.addi %mul3A_2, %add3A_2370 : i32
    %add3A_2372 = arith.constant 32 : i32
    %add3A_2373 = arith.addi %add3A_2371, %add3A_2372 : i32
    %add3A_2374 = vector.broadcast %add3A_2373 : i32 to vector<16xi32>
    %add3A_2375 = arith.addi %iota3A_2369, %add3A_2374 : vector<16xi32>
    %get3A_2376 = arith.constant 5 : i32
    %get3A_2377 = arith.index_cast %get3A_2376 : i32 to index
    %get3A_2378 = arith.constant 32 : index
    %get3A_2379 = tpu.vector_load %arg6[%get3A_2377, %get3A_2378] {strides = array<i32>} : memref<8x128xf32, #tpu.memory_space<vmem>>, vector<1x16xf32>,
    %get3A_2380 = vector.shape_cast %get3A_2379 : vector<1x16xf32> to vector<16xf32>
    %mul3A_2381 = arith.constant 128 : i32
    %mul3A_2382 = vector.broadcast %mul3A_2381 : i32 to vector<16xi32>
    %mul3A_2383 = arith.muli %add3A_2375, %mul3A_2382 : vector<16xi32>
    %convert_element_type3A_2384 = arith.fptosi %get3A_2380 : vector<16xf32> to vector<16xi32>
    %add3A_2385 = arith.addi %mul3A_2383, %convert_element_type3A_2384 : vector<16xi32>
    %swap3A_2386 = arith.constant 5 : i32
    %swap3A_2387 = arith.index_cast %swap3A_2386 : i32 to index
    %swap3A_2388 = arith.constant 32 : index
    %swap3A_2389 = tpu.vector_load %arg7[%swap3A_2387, %swap3A_2388] {strides = array<i32>} : memref<8x128xi32, #tpu.memory_space<vmem>>, vector<1x16xi32>,
    %swap3A_2390 = vector.shape_cast %swap3A_2389 : vector<1x16xi32> to vector<16xi32>
    %swap3A_2391 = vector.shape_cast %add3A_2385 : vector<16xi32> to vector<1x16xi32>
    tpu.vector_store %arg7[%swap3A_2387, %swap3A_2388], %swap3A_2391 {strides = array<i32>} : memref<8x128xi32, #tpu.memory_space<vmem>>, vector<1x16xi32>,
    %iota3A_2392 = tpu.iota {dimensions = array<i32: 0>} : vector<16xi32>
    %add3A_2393 = arith.constant 640 : i32
    %add3A_2394 = arith.addi %mul3A_2, %add3A_2393 : i32
    %add3A_2395 = arith.constant 48 : i32
    %add3A_2396 = arith.addi %add3A_2394, %add3A_2395 : i32
    %add3A_2397 = vector.broadcast %add3A_2396 : i32 to vector<16xi32>
    %add3A_2398 = arith.addi %iota3A_2392, %add3A_2397 : vector<16xi32>
    %get3A_2399 = arith.constant 5 : i32
    %get3A_2400 = arith.index_cast %get3A_2399 : i32 to index
    %get3A_2401 = arith.constant 48 : index
    %get3A_2402 = tpu.vector_load %arg6[%get3A_2400, %get3A_2401] {strides = array<i32>} : memref<8x128xf32, #tpu.memory_space<vmem>>, vector<1x16xf32>,
    %get3A_2403 = vector.shape_cast %get3A_2402 : vector<1x16xf32> to vector<16xf32>
    %mul3A_2404 = arith.constant 128 : i32
    %mul3A_2405 = vector.broadcast %mul3A_2404 : i32 to vector<16xi32>
    %mul3A_2406 = arith.muli %add3A_2398, %mul3A_2405 : vector<16xi32>
    %convert_element_type3A_2407 = arith.fptosi %get3A_2403 : vector<16xf32> to vector<16xi32>
    %add3A_2408 = arith.addi %mul3A_2406, %convert_element_type3A_2407 : vector<16xi32>
    %swap3A_2409 = arith.constant 5 : i32
    %swap3A_2410 = arith.index_cast %swap3A_2409 : i32 to index
    %swap3A_2411 = arith.constant 48 : index
    %swap3A_2412 = tpu.vector_load %arg7[%swap3A_2410, %swap3A_2411] {strides = array<i32>} : memref<8x128xi32, #tpu.memory_space<vmem>>, vector<1x16xi32>,
    %swap3A_2413 = vector.shape_cast %swap3A_2412 : vector<1x16xi32> to vector<16xi32>
    %swap3A_2414 = vector.shape_cast %add3A_2408 : vector<16xi32> to vector<1x16xi32>
    tpu.vector_store %arg7[%swap3A_2410, %swap3A_2411], %swap3A_2414 {strides = array<i32>} : memref<8x128xi32, #tpu.memory_space<vmem>>, vector<1x16xi32>,
    %iota3A_2415 = tpu.iota {dimensions = array<i32: 0>} : vector<16xi32>
    %add3A_2416 = arith.constant 640 : i32
    %add3A_2417 = arith.addi %mul3A_2, %add3A_2416 : i32
    %add3A_2418 = arith.constant 64 : i32
    %add3A_2419 = arith.addi %add3A_2417, %add3A_2418 : i32
    %add3A_2420 = vector.broadcast %add3A_2419 : i32 to vector<16xi32>
    %add3A_2421 = arith.addi %iota3A_2415, %add3A_2420 : vector<16xi32>
    %get3A_2422 = arith.constant 5 : i32
    %get3A_2423 = arith.index_cast %get3A_2422 : i32 to index
    %get3A_2424 = arith.constant 64 : index
    %get3A_2425 = tpu.vector_load %arg6[%get3A_2423, %get3A_2424] {strides = array<i32>} : memref<8x128xf32, #tpu.memory_space<vmem>>, vector<1x16xf32>,
    %get3A_2426 = vector.shape_cast %get3A_2425 : vector<1x16xf32> to vector<16xf32>
    %mul3A_2427 = arith.constant 128 : i32
    %mul3A_2428 = vector.broadcast %mul3A_2427 : i32 to vector<16xi32>
    %mul3A_2429 = arith.muli %add3A_2421, %mul3A_2428 : vector<16xi32>
    %convert_element_type3A_2430 = arith.fptosi %get3A_2426 : vector<16xf32> to vector<16xi32>
    %add3A_2431 = arith.addi %mul3A_2429, %convert_element_type3A_2430 : vector<16xi32>
    %swap3A_2432 = arith.constant 5 : i32
    %swap3A_2433 = arith.index_cast %swap3A_2432 : i32 to index
    %swap3A_2434 = arith.constant 64 : index
    %swap3A_2435 = tpu.vector_load %arg7[%swap3A_2433, %swap3A_2434] {strides = array<i32>} : memref<8x128xi32, #tpu.memory_space<vmem>>, vector<1x16xi32>,
    %swap3A_2436 = vector.shape_cast %swap3A_2435 : vector<1x16xi32> to vector<16xi32>
    %swap3A_2437 = vector.shape_cast %add3A_2431 : vector<16xi32> to vector<1x16xi32>
    tpu.vector_store %arg7[%swap3A_2433, %swap3A_2434], %swap3A_2437 {strides = array<i32>} : memref<8x128xi32, #tpu.memory_space<vmem>>, vector<1x16xi32>,
    %iota3A_2438 = tpu.iota {dimensions = array<i32: 0>} : vector<16xi32>
    %add3A_2439 = arith.constant 640 : i32
    %add3A_2440 = arith.addi %mul3A_2, %add3A_2439 : i32
    %add3A_2441 = arith.constant 80 : i32
    %add3A_2442 = arith.addi %add3A_2440, %add3A_2441 : i32
    %add3A_2443 = vector.broadcast %add3A_2442 : i32 to vector<16xi32>
    %add3A_2444 = arith.addi %iota3A_2438, %add3A_2443 : vector<16xi32>
    %get3A_2445 = arith.constant 5 : i32
    %get3A_2446 = arith.index_cast %get3A_2445 : i32 to index
    %get3A_2447 = arith.constant 80 : index
    %get3A_2448 = tpu.vector_load %arg6[%get3A_2446, %get3A_2447] {strides = array<i32>} : memref<8x128xf32, #tpu.memory_space<vmem>>, vector<1x16xf32>,
    %get3A_2449 = vector.shape_cast %get3A_2448 : vector<1x16xf32> to vector<16xf32>
    %mul3A_2450 = arith.constant 128 : i32
    %mul3A_2451 = vector.broadcast %mul3A_2450 : i32 to vector<16xi32>
    %mul3A_2452 = arith.muli %add3A_2444, %mul3A_2451 : vector<16xi32>
    %convert_element_type3A_2453 = arith.fptosi %get3A_2449 : vector<16xf32> to vector<16xi32>
    %add3A_2454 = arith.addi %mul3A_2452, %convert_element_type3A_2453 : vector<16xi32>
    %swap3A_2455 = arith.constant 5 : i32
    %swap3A_2456 = arith.index_cast %swap3A_2455 : i32 to index
    %swap3A_2457 = arith.constant 80 : index
    %swap3A_2458 = tpu.vector_load %arg7[%swap3A_2456, %swap3A_2457] {strides = array<i32>} : memref<8x128xi32, #tpu.memory_space<vmem>>, vector<1x16xi32>,
    %swap3A_2459 = vector.shape_cast %swap3A_2458 : vector<1x16xi32> to vector<16xi32>
    %swap3A_2460 = vector.shape_cast %add3A_2454 : vector<16xi32> to vector<1x16xi32>
    tpu.vector_store %arg7[%swap3A_2456, %swap3A_2457], %swap3A_2460 {strides = array<i32>} : memref<8x128xi32, #tpu.memory_space<vmem>>, vector<1x16xi32>,
    %iota3A_2461 = tpu.iota {dimensions = array<i32: 0>} : vector<16xi32>
    %add3A_2462 = arith.constant 640 : i32
    %add3A_2463 = arith.addi %mul3A_2, %add3A_2462 : i32
    %add3A_2464 = arith.constant 96 : i32
    %add3A_2465 = arith.addi %add3A_2463, %add3A_2464 : i32
    %add3A_2466 = vector.broadcast %add3A_2465 : i32 to vector<16xi32>
    %add3A_2467 = arith.addi %iota3A_2461, %add3A_2466 : vector<16xi32>
    %get3A_2468 = arith.constant 5 : i32
    %get3A_2469 = arith.index_cast %get3A_2468 : i32 to index
    %get3A_2470 = arith.constant 96 : index
    %get3A_2471 = tpu.vector_load %arg6[%get3A_2469, %get3A_2470] {strides = array<i32>} : memref<8x128xf32, #tpu.memory_space<vmem>>, vector<1x16xf32>,
    %get3A_2472 = vector.shape_cast %get3A_2471 : vector<1x16xf32> to vector<16xf32>
    %mul3A_2473 = arith.constant 128 : i32
    %mul3A_2474 = vector.broadcast %mul3A_2473 : i32 to vector<16xi32>
    %mul3A_2475 = arith.muli %add3A_2467, %mul3A_2474 : vector<16xi32>
    %convert_element_type3A_2476 = arith.fptosi %get3A_2472 : vector<16xf32> to vector<16xi32>
    %add3A_2477 = arith.addi %mul3A_2475, %convert_element_type3A_2476 : vector<16xi32>
    %swap3A_2478 = arith.constant 5 : i32
    %swap3A_2479 = arith.index_cast %swap3A_2478 : i32 to index
    %swap3A_2480 = arith.constant 96 : index
    %swap3A_2481 = tpu.vector_load %arg7[%swap3A_2479, %swap3A_2480] {strides = array<i32>} : memref<8x128xi32, #tpu.memory_space<vmem>>, vector<1x16xi32>,
    %swap3A_2482 = vector.shape_cast %swap3A_2481 : vector<1x16xi32> to vector<16xi32>
    %swap3A_2483 = vector.shape_cast %add3A_2477 : vector<16xi32> to vector<1x16xi32>
    tpu.vector_store %arg7[%swap3A_2479, %swap3A_2480], %swap3A_2483 {strides = array<i32>} : memref<8x128xi32, #tpu.memory_space<vmem>>, vector<1x16xi32>,
    %iota3A_2484 = tpu.iota {dimensions = array<i32: 0>} : vector<16xi32>
    %add3A_2485 = arith.constant 640 : i32
    %add3A_2486 = arith.addi %mul3A_2, %add3A_2485 : i32
    %add3A_2487 = arith.constant 112 : i32
    %add3A_2488 = arith.addi %add3A_2486, %add3A_2487 : i32
    %add3A_2489 = vector.broadcast %add3A_2488 : i32 to vector<16xi32>
    %add3A_2490 = arith.addi %iota3A_2484, %add3A_2489 : vector<16xi32>
    %get3A_2491 = arith.constant 5 : i32
    %get3A_2492 = arith.index_cast %get3A_2491 : i32 to index
    %get3A_2493 = arith.constant 112 : index
    %get3A_2494 = tpu.vector_load %arg6[%get3A_2492, %get3A_2493] {strides = array<i32>} : memref<8x128xf32, #tpu.memory_space<vmem>>, vector<1x16xf32>,
    %get3A_2495 = vector.shape_cast %get3A_2494 : vector<1x16xf32> to vector<16xf32>
    %mul3A_2496 = arith.constant 128 : i32
    %mul3A_2497 = vector.broadcast %mul3A_2496 : i32 to vector<16xi32>
    %mul3A_2498 = arith.muli %add3A_2490, %mul3A_2497 : vector<16xi32>
    %convert_element_type3A_2499 = arith.fptosi %get3A_2495 : vector<16xf32> to vector<16xi32>
    %add3A_2500 = arith.addi %mul3A_2498, %convert_element_type3A_2499 : vector<16xi32>
    %swap3A_2501 = arith.constant 5 : i32
    %swap3A_2502 = arith.index_cast %swap3A_2501 : i32 to index
    %swap3A_2503 = arith.constant 112 : index
    %swap3A_2504 = tpu.vector_load %arg7[%swap3A_2502, %swap3A_2503] {strides = array<i32>} : memref<8x128xi32, #tpu.memory_space<vmem>>, vector<1x16xi32>,
    %swap3A_2505 = vector.shape_cast %swap3A_2504 : vector<1x16xi32> to vector<16xi32>
    %swap3A_2506 = vector.shape_cast %add3A_2500 : vector<16xi32> to vector<1x16xi32>
    tpu.vector_store %arg7[%swap3A_2502, %swap3A_2503], %swap3A_2506 {strides = array<i32>} : memref<8x128xi32, #tpu.memory_space<vmem>>, vector<1x16xi32>,
    %dma_start3A_2507 = arith.constant 5 : i32
    %dma_start3A_2508 = arith.constant 5 : i32
    %dma_start3A_2509 = arith.constant 0 : i32
    %dma_start3A_2510 = tpu.memref_slice %arg8[%dma_start3A_2508, %dma_start3A_2509] : memref<8x128xf32, #tpu.memory_space<vmem>> -> memref<1x128xf32, #tpu.memory_space<vmem>>
    %dma_start3A_2511 = tpu.memref_squeeze %dma_start3A_2510 : memref<1x128xf32, #tpu.memory_space<vmem>> -> memref<128xf32, #tpu.memory_space<vmem>>
    %dma_start3A_2512 = arith.constant 0 : i32
    %dma_start3A_2513 = tpu.memref_slice %arg7[%dma_start3A_2507, %dma_start3A_2512] : memref<8x128xi32, #tpu.memory_space<vmem>> -> memref<1x128xi32, #tpu.memory_space<vmem>>
    %dma_start3A_2514 = tpu.memref_squeeze %dma_start3A_2513 : memref<1x128xi32, #tpu.memory_space<vmem>> -> memref<128xi32, #tpu.memory_space<vmem>>
    %dma_start3A_2515 = arith.constant 0 : i32
    %dma_start3A_2516 = tpu.memref_slice %arg3[%dma_start3A_2515] : memref<2097152xf32, #tpu.memory_space<hbm>> -> memref<2097152xf32, #tpu.memory_space<hbm>>
    tpu.enqueue_indirect_dma source(%dma_start3A_2516 : memref<2097152xf32, #tpu.memory_space<hbm>>) target(%dma_start3A_2511 : memref<128xf32, #tpu.memory_space<vmem>>) offsets(%dma_start3A_2514 : memref<128xi32, #tpu.memory_space<vmem>>) semaphore(%arg22 : memref<!tpu.dma_semaphore, #tpu.memory_space<semaphore_mem>>)
    %dma_wait3A_2517 = arith.constant 6 : i32
    %dma_wait3A_2518 = arith.constant 6 : i32
    %dma_wait3A_2519 = arith.constant 0 : i32
    %dma_wait3A_2520 = tpu.memref_slice %arg6[%dma_wait3A_2518, %dma_wait3A_2519] : memref<8x128xf32, #tpu.memory_space<vmem>> -> memref<1x128xf32, #tpu.memory_space<vmem>>
    %dma_wait3A_2521 = tpu.memref_squeeze %dma_wait3A_2520 : memref<1x128xf32, #tpu.memory_space<vmem>> -> memref<128xf32, #tpu.memory_space<vmem>>
    %dma_wait3A_2522 = arith.constant 0 : i32
    %dma_wait3A_2523 = tpu.memref_slice %arg5[%dma_wait3A_2517, %dma_wait3A_2522] : memref<8x128xi32, #tpu.memory_space<vmem>> -> memref<1x128xi32, #tpu.memory_space<vmem>>
    %dma_wait3A_2524 = tpu.memref_squeeze %dma_wait3A_2523 : memref<1x128xi32, #tpu.memory_space<vmem>> -> memref<128xi32, #tpu.memory_space<vmem>>
    %dma_wait3A_2525 = arith.constant 0 : i32
    %dma_wait3A_2526 = tpu.memref_slice %arg2[%dma_wait3A_2525] : memref<524288xf32, #tpu.memory_space<hbm>> -> memref<524288xf32, #tpu.memory_space<hbm>>
    tpu.wait_indirect_dma semaphore(%arg15 : memref<!tpu.dma_semaphore, #tpu.memory_space<semaphore_mem>>) src(%dma_wait3A_2526 : memref<524288xf32, #tpu.memory_space<hbm>>) dst(%dma_wait3A_2521 : memref<128xf32, #tpu.memory_space<vmem>>)
    %iota3A_2527 = tpu.iota {dimensions = array<i32: 0>} : vector<16xi32>
    %add3A_2528 = arith.constant 768 : i32
    %add3A_2529 = arith.addi %mul3A_2, %add3A_2528 : i32
    %add3A_2530 = arith.constant 0 : i32
    %add3A_2531 = arith.addi %add3A_2529, %add3A_2530 : i32
    %add3A_2532 = vector.broadcast %add3A_2531 : i32 to vector<16xi32>
    %add3A_2533 = arith.addi %iota3A_2527, %add3A_2532 : vector<16xi32>
    %get3A_2534 = arith.constant 6 : i32
    %get3A_2535 = arith.index_cast %get3A_2534 : i32 to index
    %get3A_2536 = arith.constant 0 : index
    %get3A_2537 = tpu.vector_load %arg6[%get3A_2535, %get3A_2536] {strides = array<i32>} : memref<8x128xf32, #tpu.memory_space<vmem>>, vector<1x16xf32>,
    %get3A_2538 = vector.shape_cast %get3A_2537 : vector<1x16xf32> to vector<16xf32>
    %mul3A_2539 = arith.constant 128 : i32
    %mul3A_2540 = vector.broadcast %mul3A_2539 : i32 to vector<16xi32>
    %mul3A_2541 = arith.muli %add3A_2533, %mul3A_2540 : vector<16xi32>
    %convert_element_type3A_2542 = arith.fptosi %get3A_2538 : vector<16xf32> to vector<16xi32>
    %add3A_2543 = arith.addi %mul3A_2541, %convert_element_type3A_2542 : vector<16xi32>
    %swap3A_2544 = arith.constant 6 : i32
    %swap3A_2545 = arith.index_cast %swap3A_2544 : i32 to index
    %swap3A_2546 = arith.constant 0 : index
    %swap3A_2547 = tpu.vector_load %arg7[%swap3A_2545, %swap3A_2546] {strides = array<i32>} : memref<8x128xi32, #tpu.memory_space<vmem>>, vector<1x16xi32>,
    %swap3A_2548 = vector.shape_cast %swap3A_2547 : vector<1x16xi32> to vector<16xi32>
    %swap3A_2549 = vector.shape_cast %add3A_2543 : vector<16xi32> to vector<1x16xi32>
    tpu.vector_store %arg7[%swap3A_2545, %swap3A_2546], %swap3A_2549 {strides = array<i32>} : memref<8x128xi32, #tpu.memory_space<vmem>>, vector<1x16xi32>,
    %iota3A_2550 = tpu.iota {dimensions = array<i32: 0>} : vector<16xi32>
    %add3A_2551 = arith.constant 768 : i32
    %add3A_2552 = arith.addi %mul3A_2, %add3A_2551 : i32
    %add3A_2553 = arith.constant 16 : i32
    %add3A_2554 = arith.addi %add3A_2552, %add3A_2553 : i32
    %add3A_2555 = vector.broadcast %add3A_2554 : i32 to vector<16xi32>
    %add3A_2556 = arith.addi %iota3A_2550, %add3A_2555 : vector<16xi32>
    %get3A_2557 = arith.constant 6 : i32
    %get3A_2558 = arith.index_cast %get3A_2557 : i32 to index
    %get3A_2559 = arith.constant 16 : index
    %get3A_2560 = tpu.vector_load %arg6[%get3A_2558, %get3A_2559] {strides = array<i32>} : memref<8x128xf32, #tpu.memory_space<vmem>>, vector<1x16xf32>,
    %get3A_2561 = vector.shape_cast %get3A_2560 : vector<1x16xf32> to vector<16xf32>
    %mul3A_2562 = arith.constant 128 : i32
    %mul3A_2563 = vector.broadcast %mul3A_2562 : i32 to vector<16xi32>
    %mul3A_2564 = arith.muli %add3A_2556, %mul3A_2563 : vector<16xi32>
    %convert_element_type3A_2565 = arith.fptosi %get3A_2561 : vector<16xf32> to vector<16xi32>
    %add3A_2566 = arith.addi %mul3A_2564, %convert_element_type3A_2565 : vector<16xi32>
    %swap3A_2567 = arith.constant 6 : i32
    %swap3A_2568 = arith.index_cast %swap3A_2567 : i32 to index
    %swap3A_2569 = arith.constant 16 : index
    %swap3A_2570 = tpu.vector_load %arg7[%swap3A_2568, %swap3A_2569] {strides = array<i32>} : memref<8x128xi32, #tpu.memory_space<vmem>>, vector<1x16xi32>,
    %swap3A_2571 = vector.shape_cast %swap3A_2570 : vector<1x16xi32> to vector<16xi32>
    %swap3A_2572 = vector.shape_cast %add3A_2566 : vector<16xi32> to vector<1x16xi32>
    tpu.vector_store %arg7[%swap3A_2568, %swap3A_2569], %swap3A_2572 {strides = array<i32>} : memref<8x128xi32, #tpu.memory_space<vmem>>, vector<1x16xi32>,
    %iota3A_2573 = tpu.iota {dimensions = array<i32: 0>} : vector<16xi32>
    %add3A_2574 = arith.constant 768 : i32
    %add3A_2575 = arith.addi %mul3A_2, %add3A_2574 : i32
    %add3A_2576 = arith.constant 32 : i32
    %add3A_2577 = arith.addi %add3A_2575, %add3A_2576 : i32
    %add3A_2578 = vector.broadcast %add3A_2577 : i32 to vector<16xi32>
    %add3A_2579 = arith.addi %iota3A_2573, %add3A_2578 : vector<16xi32>
    %get3A_2580 = arith.constant 6 : i32
    %get3A_2581 = arith.index_cast %get3A_2580 : i32 to index
    %get3A_2582 = arith.constant 32 : index
    %get3A_2583 = tpu.vector_load %arg6[%get3A_2581, %get3A_2582] {strides = array<i32>} : memref<8x128xf32, #tpu.memory_space<vmem>>, vector<1x16xf32>,
    %get3A_2584 = vector.shape_cast %get3A_2583 : vector<1x16xf32> to vector<16xf32>
    %mul3A_2585 = arith.constant 128 : i32
    %mul3A_2586 = vector.broadcast %mul3A_2585 : i32 to vector<16xi32>
    %mul3A_2587 = arith.muli %add3A_2579, %mul3A_2586 : vector<16xi32>
    %convert_element_type3A_2588 = arith.fptosi %get3A_2584 : vector<16xf32> to vector<16xi32>
    %add3A_2589 = arith.addi %mul3A_2587, %convert_element_type3A_2588 : vector<16xi32>
    %swap3A_2590 = arith.constant 6 : i32
    %swap3A_2591 = arith.index_cast %swap3A_2590 : i32 to index
    %swap3A_2592 = arith.constant 32 : index
    %swap3A_2593 = tpu.vector_load %arg7[%swap3A_2591, %swap3A_2592] {strides = array<i32>} : memref<8x128xi32, #tpu.memory_space<vmem>>, vector<1x16xi32>,
    %swap3A_2594 = vector.shape_cast %swap3A_2593 : vector<1x16xi32> to vector<16xi32>
    %swap3A_2595 = vector.shape_cast %add3A_2589 : vector<16xi32> to vector<1x16xi32>
    tpu.vector_store %arg7[%swap3A_2591, %swap3A_2592], %swap3A_2595 {strides = array<i32>} : memref<8x128xi32, #tpu.memory_space<vmem>>, vector<1x16xi32>,
    %iota3A_2596 = tpu.iota {dimensions = array<i32: 0>} : vector<16xi32>
    %add3A_2597 = arith.constant 768 : i32
    %add3A_2598 = arith.addi %mul3A_2, %add3A_2597 : i32
    %add3A_2599 = arith.constant 48 : i32
    %add3A_2600 = arith.addi %add3A_2598, %add3A_2599 : i32
    %add3A_2601 = vector.broadcast %add3A_2600 : i32 to vector<16xi32>
    %add3A_2602 = arith.addi %iota3A_2596, %add3A_2601 : vector<16xi32>
    %get3A_2603 = arith.constant 6 : i32
    %get3A_2604 = arith.index_cast %get3A_2603 : i32 to index
    %get3A_2605 = arith.constant 48 : index
    %get3A_2606 = tpu.vector_load %arg6[%get3A_2604, %get3A_2605] {strides = array<i32>} : memref<8x128xf32, #tpu.memory_space<vmem>>, vector<1x16xf32>,
    %get3A_2607 = vector.shape_cast %get3A_2606 : vector<1x16xf32> to vector<16xf32>
    %mul3A_2608 = arith.constant 128 : i32
    %mul3A_2609 = vector.broadcast %mul3A_2608 : i32 to vector<16xi32>
    %mul3A_2610 = arith.muli %add3A_2602, %mul3A_2609 : vector<16xi32>
    %convert_element_type3A_2611 = arith.fptosi %get3A_2607 : vector<16xf32> to vector<16xi32>
    %add3A_2612 = arith.addi %mul3A_2610, %convert_element_type3A_2611 : vector<16xi32>
    %swap3A_2613 = arith.constant 6 : i32
    %swap3A_2614 = arith.index_cast %swap3A_2613 : i32 to index
    %swap3A_2615 = arith.constant 48 : index
    %swap3A_2616 = tpu.vector_load %arg7[%swap3A_2614, %swap3A_2615] {strides = array<i32>} : memref<8x128xi32, #tpu.memory_space<vmem>>, vector<1x16xi32>,
    %swap3A_2617 = vector.shape_cast %swap3A_2616 : vector<1x16xi32> to vector<16xi32>
    %swap3A_2618 = vector.shape_cast %add3A_2612 : vector<16xi32> to vector<1x16xi32>
    tpu.vector_store %arg7[%swap3A_2614, %swap3A_2615], %swap3A_2618 {strides = array<i32>} : memref<8x128xi32, #tpu.memory_space<vmem>>, vector<1x16xi32>,
    %iota3A_2619 = tpu.iota {dimensions = array<i32: 0>} : vector<16xi32>
    %add3A_2620 = arith.constant 768 : i32
    %add3A_2621 = arith.addi %mul3A_2, %add3A_2620 : i32
    %add3A_2622 = arith.constant 64 : i32
    %add3A_2623 = arith.addi %add3A_2621, %add3A_2622 : i32
    %add3A_2624 = vector.broadcast %add3A_2623 : i32 to vector<16xi32>
    %add3A_2625 = arith.addi %iota3A_2619, %add3A_2624 : vector<16xi32>
    %get3A_2626 = arith.constant 6 : i32
    %get3A_2627 = arith.index_cast %get3A_2626 : i32 to index
    %get3A_2628 = arith.constant 64 : index
    %get3A_2629 = tpu.vector_load %arg6[%get3A_2627, %get3A_2628] {strides = array<i32>} : memref<8x128xf32, #tpu.memory_space<vmem>>, vector<1x16xf32>,
    %get3A_2630 = vector.shape_cast %get3A_2629 : vector<1x16xf32> to vector<16xf32>
    %mul3A_2631 = arith.constant 128 : i32
    %mul3A_2632 = vector.broadcast %mul3A_2631 : i32 to vector<16xi32>
    %mul3A_2633 = arith.muli %add3A_2625, %mul3A_2632 : vector<16xi32>
    %convert_element_type3A_2634 = arith.fptosi %get3A_2630 : vector<16xf32> to vector<16xi32>
    %add3A_2635 = arith.addi %mul3A_2633, %convert_element_type3A_2634 : vector<16xi32>
    %swap3A_2636 = arith.constant 6 : i32
    %swap3A_2637 = arith.index_cast %swap3A_2636 : i32 to index
    %swap3A_2638 = arith.constant 64 : index
    %swap3A_2639 = tpu.vector_load %arg7[%swap3A_2637, %swap3A_2638] {strides = array<i32>} : memref<8x128xi32, #tpu.memory_space<vmem>>, vector<1x16xi32>,
    %swap3A_2640 = vector.shape_cast %swap3A_2639 : vector<1x16xi32> to vector<16xi32>
    %swap3A_2641 = vector.shape_cast %add3A_2635 : vector<16xi32> to vector<1x16xi32>
    tpu.vector_store %arg7[%swap3A_2637, %swap3A_2638], %swap3A_2641 {strides = array<i32>} : memref<8x128xi32, #tpu.memory_space<vmem>>, vector<1x16xi32>,
    %iota3A_2642 = tpu.iota {dimensions = array<i32: 0>} : vector<16xi32>
    %add3A_2643 = arith.constant 768 : i32
    %add3A_2644 = arith.addi %mul3A_2, %add3A_2643 : i32
    %add3A_2645 = arith.constant 80 : i32
    %add3A_2646 = arith.addi %add3A_2644, %add3A_2645 : i32
    %add3A_2647 = vector.broadcast %add3A_2646 : i32 to vector<16xi32>
    %add3A_2648 = arith.addi %iota3A_2642, %add3A_2647 : vector<16xi32>
    %get3A_2649 = arith.constant 6 : i32
    %get3A_2650 = arith.index_cast %get3A_2649 : i32 to index
    %get3A_2651 = arith.constant 80 : index
    %get3A_2652 = tpu.vector_load %arg6[%get3A_2650, %get3A_2651] {strides = array<i32>} : memref<8x128xf32, #tpu.memory_space<vmem>>, vector<1x16xf32>,
    %get3A_2653 = vector.shape_cast %get3A_2652 : vector<1x16xf32> to vector<16xf32>
    %mul3A_2654 = arith.constant 128 : i32
    %mul3A_2655 = vector.broadcast %mul3A_2654 : i32 to vector<16xi32>
    %mul3A_2656 = arith.muli %add3A_2648, %mul3A_2655 : vector<16xi32>
    %convert_element_type3A_2657 = arith.fptosi %get3A_2653 : vector<16xf32> to vector<16xi32>
    %add3A_2658 = arith.addi %mul3A_2656, %convert_element_type3A_2657 : vector<16xi32>
    %swap3A_2659 = arith.constant 6 : i32
    %swap3A_2660 = arith.index_cast %swap3A_2659 : i32 to index
    %swap3A_2661 = arith.constant 80 : index
    %swap3A_2662 = tpu.vector_load %arg7[%swap3A_2660, %swap3A_2661] {strides = array<i32>} : memref<8x128xi32, #tpu.memory_space<vmem>>, vector<1x16xi32>,
    %swap3A_2663 = vector.shape_cast %swap3A_2662 : vector<1x16xi32> to vector<16xi32>
    %swap3A_2664 = vector.shape_cast %add3A_2658 : vector<16xi32> to vector<1x16xi32>
    tpu.vector_store %arg7[%swap3A_2660, %swap3A_2661], %swap3A_2664 {strides = array<i32>} : memref<8x128xi32, #tpu.memory_space<vmem>>, vector<1x16xi32>,
    %iota3A_2665 = tpu.iota {dimensions = array<i32: 0>} : vector<16xi32>
    %add3A_2666 = arith.constant 768 : i32
    %add3A_2667 = arith.addi %mul3A_2, %add3A_2666 : i32
    %add3A_2668 = arith.constant 96 : i32
    %add3A_2669 = arith.addi %add3A_2667, %add3A_2668 : i32
    %add3A_2670 = vector.broadcast %add3A_2669 : i32 to vector<16xi32>
    %add3A_2671 = arith.addi %iota3A_2665, %add3A_2670 : vector<16xi32>
    %get3A_2672 = arith.constant 6 : i32
    %get3A_2673 = arith.index_cast %get3A_2672 : i32 to index
    %get3A_2674 = arith.constant 96 : index
    %get3A_2675 = tpu.vector_load %arg6[%get3A_2673, %get3A_2674] {strides = array<i32>} : memref<8x128xf32, #tpu.memory_space<vmem>>, vector<1x16xf32>,
    %get3A_2676 = vector.shape_cast %get3A_2675 : vector<1x16xf32> to vector<16xf32>
    %mul3A_2677 = arith.constant 128 : i32
    %mul3A_2678 = vector.broadcast %mul3A_2677 : i32 to vector<16xi32>
    %mul3A_2679 = arith.muli %add3A_2671, %mul3A_2678 : vector<16xi32>
    %convert_element_type3A_2680 = arith.fptosi %get3A_2676 : vector<16xf32> to vector<16xi32>
    %add3A_2681 = arith.addi %mul3A_2679, %convert_element_type3A_2680 : vector<16xi32>
    %swap3A_2682 = arith.constant 6 : i32
    %swap3A_2683 = arith.index_cast %swap3A_2682 : i32 to index
    %swap3A_2684 = arith.constant 96 : index
    %swap3A_2685 = tpu.vector_load %arg7[%swap3A_2683, %swap3A_2684] {strides = array<i32>} : memref<8x128xi32, #tpu.memory_space<vmem>>, vector<1x16xi32>,
    %swap3A_2686 = vector.shape_cast %swap3A_2685 : vector<1x16xi32> to vector<16xi32>
    %swap3A_2687 = vector.shape_cast %add3A_2681 : vector<16xi32> to vector<1x16xi32>
    tpu.vector_store %arg7[%swap3A_2683, %swap3A_2684], %swap3A_2687 {strides = array<i32>} : memref<8x128xi32, #tpu.memory_space<vmem>>, vector<1x16xi32>,
    %iota3A_2688 = tpu.iota {dimensions = array<i32: 0>} : vector<16xi32>
    %add3A_2689 = arith.constant 768 : i32
    %add3A_2690 = arith.addi %mul3A_2, %add3A_2689 : i32
    %add3A_2691 = arith.constant 112 : i32
    %add3A_2692 = arith.addi %add3A_2690, %add3A_2691 : i32
    %add3A_2693 = vector.broadcast %add3A_2692 : i32 to vector<16xi32>
    %add3A_2694 = arith.addi %iota3A_2688, %add3A_2693 : vector<16xi32>
    %get3A_2695 = arith.constant 6 : i32
    %get3A_2696 = arith.index_cast %get3A_2695 : i32 to index
    %get3A_2697 = arith.constant 112 : index
    %get3A_2698 = tpu.vector_load %arg6[%get3A_2696, %get3A_2697] {strides = array<i32>} : memref<8x128xf32, #tpu.memory_space<vmem>>, vector<1x16xf32>,
    %get3A_2699 = vector.shape_cast %get3A_2698 : vector<1x16xf32> to vector<16xf32>
    %mul3A_2700 = arith.constant 128 : i32
    %mul3A_2701 = vector.broadcast %mul3A_2700 : i32 to vector<16xi32>
    %mul3A_2702 = arith.muli %add3A_2694, %mul3A_2701 : vector<16xi32>
    %convert_element_type3A_2703 = arith.fptosi %get3A_2699 : vector<16xf32> to vector<16xi32>
    %add3A_2704 = arith.addi %mul3A_2702, %convert_element_type3A_2703 : vector<16xi32>
    %swap3A_2705 = arith.constant 6 : i32
    %swap3A_2706 = arith.index_cast %swap3A_2705 : i32 to index
    %swap3A_2707 = arith.constant 112 : index
    %swap3A_2708 = tpu.vector_load %arg7[%swap3A_2706, %swap3A_2707] {strides = array<i32>} : memref<8x128xi32, #tpu.memory_space<vmem>>, vector<1x16xi32>,
    %swap3A_2709 = vector.shape_cast %swap3A_2708 : vector<1x16xi32> to vector<16xi32>
    %swap3A_2710 = vector.shape_cast %add3A_2704 : vector<16xi32> to vector<1x16xi32>
    tpu.vector_store %arg7[%swap3A_2706, %swap3A_2707], %swap3A_2710 {strides = array<i32>} : memref<8x128xi32, #tpu.memory_space<vmem>>, vector<1x16xi32>,
    %dma_start3A_2711 = arith.constant 6 : i32
    %dma_start3A_2712 = arith.constant 6 : i32
    %dma_start3A_2713 = arith.constant 0 : i32
    %dma_start3A_2714 = tpu.memref_slice %arg8[%dma_start3A_2712, %dma_start3A_2713] : memref<8x128xf32, #tpu.memory_space<vmem>> -> memref<1x128xf32, #tpu.memory_space<vmem>>
    %dma_start3A_2715 = tpu.memref_squeeze %dma_start3A_2714 : memref<1x128xf32, #tpu.memory_space<vmem>> -> memref<128xf32, #tpu.memory_space<vmem>>
    %dma_start3A_2716 = arith.constant 0 : i32
    %dma_start3A_2717 = tpu.memref_slice %arg7[%dma_start3A_2711, %dma_start3A_2716] : memref<8x128xi32, #tpu.memory_space<vmem>> -> memref<1x128xi32, #tpu.memory_space<vmem>>
    %dma_start3A_2718 = tpu.memref_squeeze %dma_start3A_2717 : memref<1x128xi32, #tpu.memory_space<vmem>> -> memref<128xi32, #tpu.memory_space<vmem>>
    %dma_start3A_2719 = arith.constant 0 : i32
    %dma_start3A_2720 = tpu.memref_slice %arg3[%dma_start3A_2719] : memref<2097152xf32, #tpu.memory_space<hbm>> -> memref<2097152xf32, #tpu.memory_space<hbm>>
    tpu.enqueue_indirect_dma source(%dma_start3A_2720 : memref<2097152xf32, #tpu.memory_space<hbm>>) target(%dma_start3A_2715 : memref<128xf32, #tpu.memory_space<vmem>>) offsets(%dma_start3A_2718 : memref<128xi32, #tpu.memory_space<vmem>>) semaphore(%arg23 : memref<!tpu.dma_semaphore, #tpu.memory_space<semaphore_mem>>)
    %dma_wait3A_2721 = arith.constant 7 : i32
    %dma_wait3A_2722 = arith.constant 7 : i32
    %dma_wait3A_2723 = arith.constant 0 : i32
    %dma_wait3A_2724 = tpu.memref_slice %arg6[%dma_wait3A_2722, %dma_wait3A_2723] : memref<8x128xf32, #tpu.memory_space<vmem>> -> memref<1x128xf32, #tpu.memory_space<vmem>>
    %dma_wait3A_2725 = tpu.memref_squeeze %dma_wait3A_2724 : memref<1x128xf32, #tpu.memory_space<vmem>> -> memref<128xf32, #tpu.memory_space<vmem>>
    %dma_wait3A_2726 = arith.constant 0 : i32
    %dma_wait3A_2727 = tpu.memref_slice %arg5[%dma_wait3A_2721, %dma_wait3A_2726] : memref<8x128xi32, #tpu.memory_space<vmem>> -> memref<1x128xi32, #tpu.memory_space<vmem>>
    %dma_wait3A_2728 = tpu.memref_squeeze %dma_wait3A_2727 : memref<1x128xi32, #tpu.memory_space<vmem>> -> memref<128xi32, #tpu.memory_space<vmem>>
    %dma_wait3A_2729 = arith.constant 0 : i32
    %dma_wait3A_2730 = tpu.memref_slice %arg2[%dma_wait3A_2729] : memref<524288xf32, #tpu.memory_space<hbm>> -> memref<524288xf32, #tpu.memory_space<hbm>>
    tpu.wait_indirect_dma semaphore(%arg16 : memref<!tpu.dma_semaphore, #tpu.memory_space<semaphore_mem>>) src(%dma_wait3A_2730 : memref<524288xf32, #tpu.memory_space<hbm>>) dst(%dma_wait3A_2725 : memref<128xf32, #tpu.memory_space<vmem>>)
    %iota3A_2731 = tpu.iota {dimensions = array<i32: 0>} : vector<16xi32>
    %add3A_2732 = arith.constant 896 : i32
    %add3A_2733 = arith.addi %mul3A_2, %add3A_2732 : i32
    %add3A_2734 = arith.constant 0 : i32
    %add3A_2735 = arith.addi %add3A_2733, %add3A_2734 : i32
    %add3A_2736 = vector.broadcast %add3A_2735 : i32 to vector<16xi32>
    %add3A_2737 = arith.addi %iota3A_2731, %add3A_2736 : vector<16xi32>
    %get3A_2738 = arith.constant 7 : i32
    %get3A_2739 = arith.index_cast %get3A_2738 : i32 to index
    %get3A_2740 = arith.constant 0 : index
    %get3A_2741 = tpu.vector_load %arg6[%get3A_2739, %get3A_2740] {strides = array<i32>} : memref<8x128xf32, #tpu.memory_space<vmem>>, vector<1x16xf32>,
    %get3A_2742 = vector.shape_cast %get3A_2741 : vector<1x16xf32> to vector<16xf32>
    %mul3A_2743 = arith.constant 128 : i32
    %mul3A_2744 = vector.broadcast %mul3A_2743 : i32 to vector<16xi32>
    %mul3A_2745 = arith.muli %add3A_2737, %mul3A_2744 : vector<16xi32>
    %convert_element_type3A_2746 = arith.fptosi %get3A_2742 : vector<16xf32> to vector<16xi32>
    %add3A_2747 = arith.addi %mul3A_2745, %convert_element_type3A_2746 : vector<16xi32>
    %swap3A_2748 = arith.constant 7 : i32
    %swap3A_2749 = arith.index_cast %swap3A_2748 : i32 to index
    %swap3A_2750 = arith.constant 0 : index
    %swap3A_2751 = tpu.vector_load %arg7[%swap3A_2749, %swap3A_2750] {strides = array<i32>} : memref<8x128xi32, #tpu.memory_space<vmem>>, vector<1x16xi32>,
    %swap3A_2752 = vector.shape_cast %swap3A_2751 : vector<1x16xi32> to vector<16xi32>
    %swap3A_2753 = vector.shape_cast %add3A_2747 : vector<16xi32> to vector<1x16xi32>
    tpu.vector_store %arg7[%swap3A_2749, %swap3A_2750], %swap3A_2753 {strides = array<i32>} : memref<8x128xi32, #tpu.memory_space<vmem>>, vector<1x16xi32>,
    %iota3A_2754 = tpu.iota {dimensions = array<i32: 0>} : vector<16xi32>
    %add3A_2755 = arith.constant 896 : i32
    %add3A_2756 = arith.addi %mul3A_2, %add3A_2755 : i32
    %add3A_2757 = arith.constant 16 : i32
    %add3A_2758 = arith.addi %add3A_2756, %add3A_2757 : i32
    %add3A_2759 = vector.broadcast %add3A_2758 : i32 to vector<16xi32>
    %add3A_2760 = arith.addi %iota3A_2754, %add3A_2759 : vector<16xi32>
    %get3A_2761 = arith.constant 7 : i32
    %get3A_2762 = arith.index_cast %get3A_2761 : i32 to index
    %get3A_2763 = arith.constant 16 : index
    %get3A_2764 = tpu.vector_load %arg6[%get3A_2762, %get3A_2763] {strides = array<i32>} : memref<8x128xf32, #tpu.memory_space<vmem>>, vector<1x16xf32>,
    %get3A_2765 = vector.shape_cast %get3A_2764 : vector<1x16xf32> to vector<16xf32>
    %mul3A_2766 = arith.constant 128 : i32
    %mul3A_2767 = vector.broadcast %mul3A_2766 : i32 to vector<16xi32>
    %mul3A_2768 = arith.muli %add3A_2760, %mul3A_2767 : vector<16xi32>
    %convert_element_type3A_2769 = arith.fptosi %get3A_2765 : vector<16xf32> to vector<16xi32>
    %add3A_2770 = arith.addi %mul3A_2768, %convert_element_type3A_2769 : vector<16xi32>
    %swap3A_2771 = arith.constant 7 : i32
    %swap3A_2772 = arith.index_cast %swap3A_2771 : i32 to index
    %swap3A_2773 = arith.constant 16 : index
    %swap3A_2774 = tpu.vector_load %arg7[%swap3A_2772, %swap3A_2773] {strides = array<i32>} : memref<8x128xi32, #tpu.memory_space<vmem>>, vector<1x16xi32>,
    %swap3A_2775 = vector.shape_cast %swap3A_2774 : vector<1x16xi32> to vector<16xi32>
    %swap3A_2776 = vector.shape_cast %add3A_2770 : vector<16xi32> to vector<1x16xi32>
    tpu.vector_store %arg7[%swap3A_2772, %swap3A_2773], %swap3A_2776 {strides = array<i32>} : memref<8x128xi32, #tpu.memory_space<vmem>>, vector<1x16xi32>,
    %iota3A_2777 = tpu.iota {dimensions = array<i32: 0>} : vector<16xi32>
    %add3A_2778 = arith.constant 896 : i32
    %add3A_2779 = arith.addi %mul3A_2, %add3A_2778 : i32
    %add3A_2780 = arith.constant 32 : i32
    %add3A_2781 = arith.addi %add3A_2779, %add3A_2780 : i32
    %add3A_2782 = vector.broadcast %add3A_2781 : i32 to vector<16xi32>
    %add3A_2783 = arith.addi %iota3A_2777, %add3A_2782 : vector<16xi32>
    %get3A_2784 = arith.constant 7 : i32
    %get3A_2785 = arith.index_cast %get3A_2784 : i32 to index
    %get3A_2786 = arith.constant 32 : index
    %get3A_2787 = tpu.vector_load %arg6[%get3A_2785, %get3A_2786] {strides = array<i32>} : memref<8x128xf32, #tpu.memory_space<vmem>>, vector<1x16xf32>,
    %get3A_2788 = vector.shape_cast %get3A_2787 : vector<1x16xf32> to vector<16xf32>
    %mul3A_2789 = arith.constant 128 : i32
    %mul3A_2790 = vector.broadcast %mul3A_2789 : i32 to vector<16xi32>
    %mul3A_2791 = arith.muli %add3A_2783, %mul3A_2790 : vector<16xi32>
    %convert_element_type3A_2792 = arith.fptosi %get3A_2788 : vector<16xf32> to vector<16xi32>
    %add3A_2793 = arith.addi %mul3A_2791, %convert_element_type3A_2792 : vector<16xi32>
    %swap3A_2794 = arith.constant 7 : i32
    %swap3A_2795 = arith.index_cast %swap3A_2794 : i32 to index
    %swap3A_2796 = arith.constant 32 : index
    %swap3A_2797 = tpu.vector_load %arg7[%swap3A_2795, %swap3A_2796] {strides = array<i32>} : memref<8x128xi32, #tpu.memory_space<vmem>>, vector<1x16xi32>,
    %swap3A_2798 = vector.shape_cast %swap3A_2797 : vector<1x16xi32> to vector<16xi32>
    %swap3A_2799 = vector.shape_cast %add3A_2793 : vector<16xi32> to vector<1x16xi32>
    tpu.vector_store %arg7[%swap3A_2795, %swap3A_2796], %swap3A_2799 {strides = array<i32>} : memref<8x128xi32, #tpu.memory_space<vmem>>, vector<1x16xi32>,
    %iota3A_2800 = tpu.iota {dimensions = array<i32: 0>} : vector<16xi32>
    %add3A_2801 = arith.constant 896 : i32
    %add3A_2802 = arith.addi %mul3A_2, %add3A_2801 : i32
    %add3A_2803 = arith.constant 48 : i32
    %add3A_2804 = arith.addi %add3A_2802, %add3A_2803 : i32
    %add3A_2805 = vector.broadcast %add3A_2804 : i32 to vector<16xi32>
    %add3A_2806 = arith.addi %iota3A_2800, %add3A_2805 : vector<16xi32>
    %get3A_2807 = arith.constant 7 : i32
    %get3A_2808 = arith.index_cast %get3A_2807 : i32 to index
    %get3A_2809 = arith.constant 48 : index
    %get3A_2810 = tpu.vector_load %arg6[%get3A_2808, %get3A_2809] {strides = array<i32>} : memref<8x128xf32, #tpu.memory_space<vmem>>, vector<1x16xf32>,
    %get3A_2811 = vector.shape_cast %get3A_2810 : vector<1x16xf32> to vector<16xf32>
    %mul3A_2812 = arith.constant 128 : i32
    %mul3A_2813 = vector.broadcast %mul3A_2812 : i32 to vector<16xi32>
    %mul3A_2814 = arith.muli %add3A_2806, %mul3A_2813 : vector<16xi32>
    %convert_element_type3A_2815 = arith.fptosi %get3A_2811 : vector<16xf32> to vector<16xi32>
    %add3A_2816 = arith.addi %mul3A_2814, %convert_element_type3A_2815 : vector<16xi32>
    %swap3A_2817 = arith.constant 7 : i32
    %swap3A_2818 = arith.index_cast %swap3A_2817 : i32 to index
    %swap3A_2819 = arith.constant 48 : index
    %swap3A_2820 = tpu.vector_load %arg7[%swap3A_2818, %swap3A_2819] {strides = array<i32>} : memref<8x128xi32, #tpu.memory_space<vmem>>, vector<1x16xi32>,
    %swap3A_2821 = vector.shape_cast %swap3A_2820 : vector<1x16xi32> to vector<16xi32>
    %swap3A_2822 = vector.shape_cast %add3A_2816 : vector<16xi32> to vector<1x16xi32>
    tpu.vector_store %arg7[%swap3A_2818, %swap3A_2819], %swap3A_2822 {strides = array<i32>} : memref<8x128xi32, #tpu.memory_space<vmem>>, vector<1x16xi32>,
    %iota3A_2823 = tpu.iota {dimensions = array<i32: 0>} : vector<16xi32>
    %add3A_2824 = arith.constant 896 : i32
    %add3A_2825 = arith.addi %mul3A_2, %add3A_2824 : i32
    %add3A_2826 = arith.constant 64 : i32
    %add3A_2827 = arith.addi %add3A_2825, %add3A_2826 : i32
    %add3A_2828 = vector.broadcast %add3A_2827 : i32 to vector<16xi32>
    %add3A_2829 = arith.addi %iota3A_2823, %add3A_2828 : vector<16xi32>
    %get3A_2830 = arith.constant 7 : i32
    %get3A_2831 = arith.index_cast %get3A_2830 : i32 to index
    %get3A_2832 = arith.constant 64 : index
    %get3A_2833 = tpu.vector_load %arg6[%get3A_2831, %get3A_2832] {strides = array<i32>} : memref<8x128xf32, #tpu.memory_space<vmem>>, vector<1x16xf32>,
    %get3A_2834 = vector.shape_cast %get3A_2833 : vector<1x16xf32> to vector<16xf32>
    %mul3A_2835 = arith.constant 128 : i32
    %mul3A_2836 = vector.broadcast %mul3A_2835 : i32 to vector<16xi32>
    %mul3A_2837 = arith.muli %add3A_2829, %mul3A_2836 : vector<16xi32>
    %convert_element_type3A_2838 = arith.fptosi %get3A_2834 : vector<16xf32> to vector<16xi32>
    %add3A_2839 = arith.addi %mul3A_2837, %convert_element_type3A_2838 : vector<16xi32>
    %swap3A_2840 = arith.constant 7 : i32
    %swap3A_2841 = arith.index_cast %swap3A_2840 : i32 to index
    %swap3A_2842 = arith.constant 64 : index
    %swap3A_2843 = tpu.vector_load %arg7[%swap3A_2841, %swap3A_2842] {strides = array<i32>} : memref<8x128xi32, #tpu.memory_space<vmem>>, vector<1x16xi32>,
    %swap3A_2844 = vector.shape_cast %swap3A_2843 : vector<1x16xi32> to vector<16xi32>
    %swap3A_2845 = vector.shape_cast %add3A_2839 : vector<16xi32> to vector<1x16xi32>
    tpu.vector_store %arg7[%swap3A_2841, %swap3A_2842], %swap3A_2845 {strides = array<i32>} : memref<8x128xi32, #tpu.memory_space<vmem>>, vector<1x16xi32>,
    %iota3A_2846 = tpu.iota {dimensions = array<i32: 0>} : vector<16xi32>
    %add3A_2847 = arith.constant 896 : i32
    %add3A_2848 = arith.addi %mul3A_2, %add3A_2847 : i32
    %add3A_2849 = arith.constant 80 : i32
    %add3A_2850 = arith.addi %add3A_2848, %add3A_2849 : i32
    %add3A_2851 = vector.broadcast %add3A_2850 : i32 to vector<16xi32>
    %add3A_2852 = arith.addi %iota3A_2846, %add3A_2851 : vector<16xi32>
    %get3A_2853 = arith.constant 7 : i32
    %get3A_2854 = arith.index_cast %get3A_2853 : i32 to index
    %get3A_2855 = arith.constant 80 : index
    %get3A_2856 = tpu.vector_load %arg6[%get3A_2854, %get3A_2855] {strides = array<i32>} : memref<8x128xf32, #tpu.memory_space<vmem>>, vector<1x16xf32>,
    %get3A_2857 = vector.shape_cast %get3A_2856 : vector<1x16xf32> to vector<16xf32>
    %mul3A_2858 = arith.constant 128 : i32
    %mul3A_2859 = vector.broadcast %mul3A_2858 : i32 to vector<16xi32>
    %mul3A_2860 = arith.muli %add3A_2852, %mul3A_2859 : vector<16xi32>
    %convert_element_type3A_2861 = arith.fptosi %get3A_2857 : vector<16xf32> to vector<16xi32>
    %add3A_2862 = arith.addi %mul3A_2860, %convert_element_type3A_2861 : vector<16xi32>
    %swap3A_2863 = arith.constant 7 : i32
    %swap3A_2864 = arith.index_cast %swap3A_2863 : i32 to index
    %swap3A_2865 = arith.constant 80 : index
    %swap3A_2866 = tpu.vector_load %arg7[%swap3A_2864, %swap3A_2865] {strides = array<i32>} : memref<8x128xi32, #tpu.memory_space<vmem>>, vector<1x16xi32>,
    %swap3A_2867 = vector.shape_cast %swap3A_2866 : vector<1x16xi32> to vector<16xi32>
    %swap3A_2868 = vector.shape_cast %add3A_2862 : vector<16xi32> to vector<1x16xi32>
    tpu.vector_store %arg7[%swap3A_2864, %swap3A_2865], %swap3A_2868 {strides = array<i32>} : memref<8x128xi32, #tpu.memory_space<vmem>>, vector<1x16xi32>,
    %iota3A_2869 = tpu.iota {dimensions = array<i32: 0>} : vector<16xi32>
    %add3A_2870 = arith.constant 896 : i32
    %add3A_2871 = arith.addi %mul3A_2, %add3A_2870 : i32
    %add3A_2872 = arith.constant 96 : i32
    %add3A_2873 = arith.addi %add3A_2871, %add3A_2872 : i32
    %add3A_2874 = vector.broadcast %add3A_2873 : i32 to vector<16xi32>
    %add3A_2875 = arith.addi %iota3A_2869, %add3A_2874 : vector<16xi32>
    %get3A_2876 = arith.constant 7 : i32
    %get3A_2877 = arith.index_cast %get3A_2876 : i32 to index
    %get3A_2878 = arith.constant 96 : index
    %get3A_2879 = tpu.vector_load %arg6[%get3A_2877, %get3A_2878] {strides = array<i32>} : memref<8x128xf32, #tpu.memory_space<vmem>>, vector<1x16xf32>,
    %get3A_2880 = vector.shape_cast %get3A_2879 : vector<1x16xf32> to vector<16xf32>
    %mul3A_2881 = arith.constant 128 : i32
    %mul3A_2882 = vector.broadcast %mul3A_2881 : i32 to vector<16xi32>
    %mul3A_2883 = arith.muli %add3A_2875, %mul3A_2882 : vector<16xi32>
    %convert_element_type3A_2884 = arith.fptosi %get3A_2880 : vector<16xf32> to vector<16xi32>
    %add3A_2885 = arith.addi %mul3A_2883, %convert_element_type3A_2884 : vector<16xi32>
    %swap3A_2886 = arith.constant 7 : i32
    %swap3A_2887 = arith.index_cast %swap3A_2886 : i32 to index
    %swap3A_2888 = arith.constant 96 : index
    %swap3A_2889 = tpu.vector_load %arg7[%swap3A_2887, %swap3A_2888] {strides = array<i32>} : memref<8x128xi32, #tpu.memory_space<vmem>>, vector<1x16xi32>,
    %swap3A_2890 = vector.shape_cast %swap3A_2889 : vector<1x16xi32> to vector<16xi32>
    %swap3A_2891 = vector.shape_cast %add3A_2885 : vector<16xi32> to vector<1x16xi32>
    tpu.vector_store %arg7[%swap3A_2887, %swap3A_2888], %swap3A_2891 {strides = array<i32>} : memref<8x128xi32, #tpu.memory_space<vmem>>, vector<1x16xi32>,
    %iota3A_2892 = tpu.iota {dimensions = array<i32: 0>} : vector<16xi32>
    %add3A_2893 = arith.constant 896 : i32
    %add3A_2894 = arith.addi %mul3A_2, %add3A_2893 : i32
    %add3A_2895 = arith.constant 112 : i32
    %add3A_2896 = arith.addi %add3A_2894, %add3A_2895 : i32
    %add3A_2897 = vector.broadcast %add3A_2896 : i32 to vector<16xi32>
    %add3A_2898 = arith.addi %iota3A_2892, %add3A_2897 : vector<16xi32>
    %get3A_2899 = arith.constant 7 : i32
    %get3A_2900 = arith.index_cast %get3A_2899 : i32 to index
    %get3A_2901 = arith.constant 112 : index
    %get3A_2902 = tpu.vector_load %arg6[%get3A_2900, %get3A_2901] {strides = array<i32>} : memref<8x128xf32, #tpu.memory_space<vmem>>, vector<1x16xf32>,
    %get3A_2903 = vector.shape_cast %get3A_2902 : vector<1x16xf32> to vector<16xf32>
    %mul3A_2904 = arith.constant 128 : i32
    %mul3A_2905 = vector.broadcast %mul3A_2904 : i32 to vector<16xi32>
    %mul3A_2906 = arith.muli %add3A_2898, %mul3A_2905 : vector<16xi32>
    %convert_element_type3A_2907 = arith.fptosi %get3A_2903 : vector<16xf32> to vector<16xi32>
    %add3A_2908 = arith.addi %mul3A_2906, %convert_element_type3A_2907 : vector<16xi32>
    %swap3A_2909 = arith.constant 7 : i32
    %swap3A_2910 = arith.index_cast %swap3A_2909 : i32 to index
    %swap3A_2911 = arith.constant 112 : index
    %swap3A_2912 = tpu.vector_load %arg7[%swap3A_2910, %swap3A_2911] {strides = array<i32>} : memref<8x128xi32, #tpu.memory_space<vmem>>, vector<1x16xi32>,
    %swap3A_2913 = vector.shape_cast %swap3A_2912 : vector<1x16xi32> to vector<16xi32>
    %swap3A_2914 = vector.shape_cast %add3A_2908 : vector<16xi32> to vector<1x16xi32>
    tpu.vector_store %arg7[%swap3A_2910, %swap3A_2911], %swap3A_2914 {strides = array<i32>} : memref<8x128xi32, #tpu.memory_space<vmem>>, vector<1x16xi32>,
    %dma_start3A_2915 = arith.constant 7 : i32
    %dma_start3A_2916 = arith.constant 7 : i32
    %dma_start3A_2917 = arith.constant 0 : i32
    %dma_start3A_2918 = tpu.memref_slice %arg8[%dma_start3A_2916, %dma_start3A_2917] : memref<8x128xf32, #tpu.memory_space<vmem>> -> memref<1x128xf32, #tpu.memory_space<vmem>>
    %dma_start3A_2919 = tpu.memref_squeeze %dma_start3A_2918 : memref<1x128xf32, #tpu.memory_space<vmem>> -> memref<128xf32, #tpu.memory_space<vmem>>
    %dma_start3A_2920 = arith.constant 0 : i32
    %dma_start3A_2921 = tpu.memref_slice %arg7[%dma_start3A_2915, %dma_start3A_2920] : memref<8x128xi32, #tpu.memory_space<vmem>> -> memref<1x128xi32, #tpu.memory_space<vmem>>
    %dma_start3A_2922 = tpu.memref_squeeze %dma_start3A_2921 : memref<1x128xi32, #tpu.memory_space<vmem>> -> memref<128xi32, #tpu.memory_space<vmem>>
    %dma_start3A_2923 = arith.constant 0 : i32
    %dma_start3A_2924 = tpu.memref_slice %arg3[%dma_start3A_2923] : memref<2097152xf32, #tpu.memory_space<hbm>> -> memref<2097152xf32, #tpu.memory_space<hbm>>
    tpu.enqueue_indirect_dma source(%dma_start3A_2924 : memref<2097152xf32, #tpu.memory_space<hbm>>) target(%dma_start3A_2919 : memref<128xf32, #tpu.memory_space<vmem>>) offsets(%dma_start3A_2922 : memref<128xi32, #tpu.memory_space<vmem>>) semaphore(%arg24 : memref<!tpu.dma_semaphore, #tpu.memory_space<semaphore_mem>>)
    %broadcast_in_dim3A = arith.constant 9.990000e-01 : f32
    %broadcast_in_dim3A_2925 = vector.broadcast %broadcast_in_dim3A : f32 to vector<16xf32>
    %dma_wait3A_2926 = arith.constant 0 : i32
    %dma_wait3A_2927 = arith.constant 0 : i32
    %dma_wait3A_2928 = arith.constant 0 : i32
    %dma_wait3A_2929 = tpu.memref_slice %arg8[%dma_wait3A_2927, %dma_wait3A_2928] : memref<8x128xf32, #tpu.memory_space<vmem>> -> memref<1x128xf32, #tpu.memory_space<vmem>>
    %dma_wait3A_2930 = tpu.memref_squeeze %dma_wait3A_2929 : memref<1x128xf32, #tpu.memory_space<vmem>> -> memref<128xf32, #tpu.memory_space<vmem>>
    %dma_wait3A_2931 = arith.constant 0 : i32
    %dma_wait3A_2932 = tpu.memref_slice %arg7[%dma_wait3A_2926, %dma_wait3A_2931] : memref<8x128xi32, #tpu.memory_space<vmem>> -> memref<1x128xi32, #tpu.memory_space<vmem>>
    %dma_wait3A_2933 = tpu.memref_squeeze %dma_wait3A_2932 : memref<1x128xi32, #tpu.memory_space<vmem>> -> memref<128xi32, #tpu.memory_space<vmem>>
    %dma_wait3A_2934 = arith.constant 0 : i32
    %dma_wait3A_2935 = tpu.memref_slice %arg3[%dma_wait3A_2934] : memref<2097152xf32, #tpu.memory_space<hbm>> -> memref<2097152xf32, #tpu.memory_space<hbm>>
    tpu.wait_indirect_dma semaphore(%arg17 : memref<!tpu.dma_semaphore, #tpu.memory_space<semaphore_mem>>) src(%dma_wait3A_2935 : memref<2097152xf32, #tpu.memory_space<hbm>>) dst(%dma_wait3A_2930 : memref<128xf32, #tpu.memory_space<vmem>>)
    %get3A_2936 = arith.constant 0 : i32
    %get3A_2937 = arith.index_cast %get3A_2936 : i32 to index
    %get3A_2938 = arith.constant 0 : index
    %get3A_2939 = tpu.vector_load %arg8[%get3A_2937, %get3A_2938] {strides = array<i32>} : memref<8x128xf32, #tpu.memory_space<vmem>>, vector<1x16xf32>,
    %get3A_2940 = vector.shape_cast %get3A_2939 : vector<1x16xf32> to vector<16xf32>
    %mul3A_2941 = arith.mulf %get3A_2940, %broadcast_in_dim3A_2925 : vector<16xf32>
    %swap3A_2942 = arith.constant 0 : i32
    %swap3A_2943 = arith.index_cast %swap3A_2942 : i32 to index
    %swap3A_2944 = arith.constant 0 : index
    %swap3A_2945 = tpu.vector_load %arg8[%swap3A_2943, %swap3A_2944] {strides = array<i32>} : memref<8x128xf32, #tpu.memory_space<vmem>>, vector<1x16xf32>,
    %swap3A_2946 = vector.shape_cast %swap3A_2945 : vector<1x16xf32> to vector<16xf32>
    %swap3A_2947 = vector.shape_cast %mul3A_2941 : vector<16xf32> to vector<1x16xf32>
    tpu.vector_store %arg8[%swap3A_2943, %swap3A_2944], %swap3A_2947 {strides = array<i32>} : memref<8x128xf32, #tpu.memory_space<vmem>>, vector<1x16xf32>,
    %get3A_2948 = arith.constant 0 : i32
    %get3A_2949 = arith.index_cast %get3A_2948 : i32 to index
    %get3A_2950 = arith.constant 16 : index
    %get3A_2951 = tpu.vector_load %arg8[%get3A_2949, %get3A_2950] {strides = array<i32>} : memref<8x128xf32, #tpu.memory_space<vmem>>, vector<1x16xf32>,
    %get3A_2952 = vector.shape_cast %get3A_2951 : vector<1x16xf32> to vector<16xf32>
    %mul3A_2953 = arith.mulf %get3A_2952, %broadcast_in_dim3A_2925 : vector<16xf32>
    %swap3A_2954 = arith.constant 0 : i32
    %swap3A_2955 = arith.index_cast %swap3A_2954 : i32 to index
    %swap3A_2956 = arith.constant 16 : index
    %swap3A_2957 = tpu.vector_load %arg8[%swap3A_2955, %swap3A_2956] {strides = array<i32>} : memref<8x128xf32, #tpu.memory_space<vmem>>, vector<1x16xf32>,
    %swap3A_2958 = vector.shape_cast %swap3A_2957 : vector<1x16xf32> to vector<16xf32>
    %swap3A_2959 = vector.shape_cast %mul3A_2953 : vector<16xf32> to vector<1x16xf32>
    tpu.vector_store %arg8[%swap3A_2955, %swap3A_2956], %swap3A_2959 {strides = array<i32>} : memref<8x128xf32, #tpu.memory_space<vmem>>, vector<1x16xf32>,
    %get3A_2960 = arith.constant 0 : i32
    %get3A_2961 = arith.index_cast %get3A_2960 : i32 to index
    %get3A_2962 = arith.constant 32 : index
    %get3A_2963 = tpu.vector_load %arg8[%get3A_2961, %get3A_2962] {strides = array<i32>} : memref<8x128xf32, #tpu.memory_space<vmem>>, vector<1x16xf32>,
    %get3A_2964 = vector.shape_cast %get3A_2963 : vector<1x16xf32> to vector<16xf32>
    %mul3A_2965 = arith.mulf %get3A_2964, %broadcast_in_dim3A_2925 : vector<16xf32>
    %swap3A_2966 = arith.constant 0 : i32
    %swap3A_2967 = arith.index_cast %swap3A_2966 : i32 to index
    %swap3A_2968 = arith.constant 32 : index
    %swap3A_2969 = tpu.vector_load %arg8[%swap3A_2967, %swap3A_2968] {strides = array<i32>} : memref<8x128xf32, #tpu.memory_space<vmem>>, vector<1x16xf32>,
    %swap3A_2970 = vector.shape_cast %swap3A_2969 : vector<1x16xf32> to vector<16xf32>
    %swap3A_2971 = vector.shape_cast %mul3A_2965 : vector<16xf32> to vector<1x16xf32>
    tpu.vector_store %arg8[%swap3A_2967, %swap3A_2968], %swap3A_2971 {strides = array<i32>} : memref<8x128xf32, #tpu.memory_space<vmem>>, vector<1x16xf32>,
    %get3A_2972 = arith.constant 0 : i32
    %get3A_2973 = arith.index_cast %get3A_2972 : i32 to index
    %get3A_2974 = arith.constant 48 : index
    %get3A_2975 = tpu.vector_load %arg8[%get3A_2973, %get3A_2974] {strides = array<i32>} : memref<8x128xf32, #tpu.memory_space<vmem>>, vector<1x16xf32>,
    %get3A_2976 = vector.shape_cast %get3A_2975 : vector<1x16xf32> to vector<16xf32>
    %mul3A_2977 = arith.mulf %get3A_2976, %broadcast_in_dim3A_2925 : vector<16xf32>
    %swap3A_2978 = arith.constant 0 : i32
    %swap3A_2979 = arith.index_cast %swap3A_2978 : i32 to index
    %swap3A_2980 = arith.constant 48 : index
    %swap3A_2981 = tpu.vector_load %arg8[%swap3A_2979, %swap3A_2980] {strides = array<i32>} : memref<8x128xf32, #tpu.memory_space<vmem>>, vector<1x16xf32>,
    %swap3A_2982 = vector.shape_cast %swap3A_2981 : vector<1x16xf32> to vector<16xf32>
    %swap3A_2983 = vector.shape_cast %mul3A_2977 : vector<16xf32> to vector<1x16xf32>
    tpu.vector_store %arg8[%swap3A_2979, %swap3A_2980], %swap3A_2983 {strides = array<i32>} : memref<8x128xf32, #tpu.memory_space<vmem>>, vector<1x16xf32>,
    %get3A_2984 = arith.constant 0 : i32
    %get3A_2985 = arith.index_cast %get3A_2984 : i32 to index
    %get3A_2986 = arith.constant 64 : index
    %get3A_2987 = tpu.vector_load %arg8[%get3A_2985, %get3A_2986] {strides = array<i32>} : memref<8x128xf32, #tpu.memory_space<vmem>>, vector<1x16xf32>,
    %get3A_2988 = vector.shape_cast %get3A_2987 : vector<1x16xf32> to vector<16xf32>
    %mul3A_2989 = arith.mulf %get3A_2988, %broadcast_in_dim3A_2925 : vector<16xf32>
    %swap3A_2990 = arith.constant 0 : i32
    %swap3A_2991 = arith.index_cast %swap3A_2990 : i32 to index
    %swap3A_2992 = arith.constant 64 : index
    %swap3A_2993 = tpu.vector_load %arg8[%swap3A_2991, %swap3A_2992] {strides = array<i32>} : memref<8x128xf32, #tpu.memory_space<vmem>>, vector<1x16xf32>,
    %swap3A_2994 = vector.shape_cast %swap3A_2993 : vector<1x16xf32> to vector<16xf32>
    %swap3A_2995 = vector.shape_cast %mul3A_2989 : vector<16xf32> to vector<1x16xf32>
    tpu.vector_store %arg8[%swap3A_2991, %swap3A_2992], %swap3A_2995 {strides = array<i32>} : memref<8x128xf32, #tpu.memory_space<vmem>>, vector<1x16xf32>,
    %get3A_2996 = arith.constant 0 : i32
    %get3A_2997 = arith.index_cast %get3A_2996 : i32 to index
    %get3A_2998 = arith.constant 80 : index
    %get3A_2999 = tpu.vector_load %arg8[%get3A_2997, %get3A_2998] {strides = array<i32>} : memref<8x128xf32, #tpu.memory_space<vmem>>, vector<1x16xf32>,
    %get3A_3000 = vector.shape_cast %get3A_2999 : vector<1x16xf32> to vector<16xf32>
    %mul3A_3001 = arith.mulf %get3A_3000, %broadcast_in_dim3A_2925 : vector<16xf32>
    %swap3A_3002 = arith.constant 0 : i32
    %swap3A_3003 = arith.index_cast %swap3A_3002 : i32 to index
    %swap3A_3004 = arith.constant 80 : index
    %swap3A_3005 = tpu.vector_load %arg8[%swap3A_3003, %swap3A_3004] {strides = array<i32>} : memref<8x128xf32, #tpu.memory_space<vmem>>, vector<1x16xf32>,
    %swap3A_3006 = vector.shape_cast %swap3A_3005 : vector<1x16xf32> to vector<16xf32>
    %swap3A_3007 = vector.shape_cast %mul3A_3001 : vector<16xf32> to vector<1x16xf32>
    tpu.vector_store %arg8[%swap3A_3003, %swap3A_3004], %swap3A_3007 {strides = array<i32>} : memref<8x128xf32, #tpu.memory_space<vmem>>, vector<1x16xf32>,
    %get3A_3008 = arith.constant 0 : i32
    %get3A_3009 = arith.index_cast %get3A_3008 : i32 to index
    %get3A_3010 = arith.constant 96 : index
    %get3A_3011 = tpu.vector_load %arg8[%get3A_3009, %get3A_3010] {strides = array<i32>} : memref<8x128xf32, #tpu.memory_space<vmem>>, vector<1x16xf32>,
    %get3A_3012 = vector.shape_cast %get3A_3011 : vector<1x16xf32> to vector<16xf32>
    %mul3A_3013 = arith.mulf %get3A_3012, %broadcast_in_dim3A_2925 : vector<16xf32>
    %swap3A_3014 = arith.constant 0 : i32
    %swap3A_3015 = arith.index_cast %swap3A_3014 : i32 to index
    %swap3A_3016 = arith.constant 96 : index
    %swap3A_3017 = tpu.vector_load %arg8[%swap3A_3015, %swap3A_3016] {strides = array<i32>} : memref<8x128xf32, #tpu.memory_space<vmem>>, vector<1x16xf32>,
    %swap3A_3018 = vector.shape_cast %swap3A_3017 : vector<1x16xf32> to vector<16xf32>
    %swap3A_3019 = vector.shape_cast %mul3A_3013 : vector<16xf32> to vector<1x16xf32>
    tpu.vector_store %arg8[%swap3A_3015, %swap3A_3016], %swap3A_3019 {strides = array<i32>} : memref<8x128xf32, #tpu.memory_space<vmem>>, vector<1x16xf32>,
    %get3A_3020 = arith.constant 0 : i32
    %get3A_3021 = arith.index_cast %get3A_3020 : i32 to index
    %get3A_3022 = arith.constant 112 : index
    %get3A_3023 = tpu.vector_load %arg8[%get3A_3021, %get3A_3022] {strides = array<i32>} : memref<8x128xf32, #tpu.memory_space<vmem>>, vector<1x16xf32>,
    %get3A_3024 = vector.shape_cast %get3A_3023 : vector<1x16xf32> to vector<16xf32>
    %mul3A_3025 = arith.mulf %get3A_3024, %broadcast_in_dim3A_2925 : vector<16xf32>
    %swap3A_3026 = arith.constant 0 : i32
    %swap3A_3027 = arith.index_cast %swap3A_3026 : i32 to index
    %swap3A_3028 = arith.constant 112 : index
    %swap3A_3029 = tpu.vector_load %arg8[%swap3A_3027, %swap3A_3028] {strides = array<i32>} : memref<8x128xf32, #tpu.memory_space<vmem>>, vector<1x16xf32>,
    %swap3A_3030 = vector.shape_cast %swap3A_3029 : vector<1x16xf32> to vector<16xf32>
    %swap3A_3031 = vector.shape_cast %mul3A_3025 : vector<16xf32> to vector<1x16xf32>
    tpu.vector_store %arg8[%swap3A_3027, %swap3A_3028], %swap3A_3031 {strides = array<i32>} : memref<8x128xf32, #tpu.memory_space<vmem>>, vector<1x16xf32>,
    %dma_wait3A_3032 = arith.constant 1 : i32
    %dma_wait3A_3033 = arith.constant 1 : i32
    %dma_wait3A_3034 = arith.constant 0 : i32
    %dma_wait3A_3035 = tpu.memref_slice %arg8[%dma_wait3A_3033, %dma_wait3A_3034] : memref<8x128xf32, #tpu.memory_space<vmem>> -> memref<1x128xf32, #tpu.memory_space<vmem>>
    %dma_wait3A_3036 = tpu.memref_squeeze %dma_wait3A_3035 : memref<1x128xf32, #tpu.memory_space<vmem>> -> memref<128xf32, #tpu.memory_space<vmem>>
    %dma_wait3A_3037 = arith.constant 0 : i32
    %dma_wait3A_3038 = tpu.memref_slice %arg7[%dma_wait3A_3032, %dma_wait3A_3037] : memref<8x128xi32, #tpu.memory_space<vmem>> -> memref<1x128xi32, #tpu.memory_space<vmem>>
    %dma_wait3A_3039 = tpu.memref_squeeze %dma_wait3A_3038 : memref<1x128xi32, #tpu.memory_space<vmem>> -> memref<128xi32, #tpu.memory_space<vmem>>
    %dma_wait3A_3040 = arith.constant 0 : i32
    %dma_wait3A_3041 = tpu.memref_slice %arg3[%dma_wait3A_3040] : memref<2097152xf32, #tpu.memory_space<hbm>> -> memref<2097152xf32, #tpu.memory_space<hbm>>
    tpu.wait_indirect_dma semaphore(%arg18 : memref<!tpu.dma_semaphore, #tpu.memory_space<semaphore_mem>>) src(%dma_wait3A_3041 : memref<2097152xf32, #tpu.memory_space<hbm>>) dst(%dma_wait3A_3036 : memref<128xf32, #tpu.memory_space<vmem>>)
    %get3A_3042 = arith.constant 1 : i32
    %get3A_3043 = arith.index_cast %get3A_3042 : i32 to index
    %get3A_3044 = arith.constant 0 : index
    %get3A_3045 = tpu.vector_load %arg8[%get3A_3043, %get3A_3044] {strides = array<i32>} : memref<8x128xf32, #tpu.memory_space<vmem>>, vector<1x16xf32>,
    %get3A_3046 = vector.shape_cast %get3A_3045 : vector<1x16xf32> to vector<16xf32>
    %mul3A_3047 = arith.mulf %get3A_3046, %broadcast_in_dim3A_2925 : vector<16xf32>
    %swap3A_3048 = arith.constant 1 : i32
    %swap3A_3049 = arith.index_cast %swap3A_3048 : i32 to index
    %swap3A_3050 = arith.constant 0 : index
    %swap3A_3051 = tpu.vector_load %arg8[%swap3A_3049, %swap3A_3050] {strides = array<i32>} : memref<8x128xf32, #tpu.memory_space<vmem>>, vector<1x16xf32>,
    %swap3A_3052 = vector.shape_cast %swap3A_3051 : vector<1x16xf32> to vector<16xf32>
    %swap3A_3053 = vector.shape_cast %mul3A_3047 : vector<16xf32> to vector<1x16xf32>
    tpu.vector_store %arg8[%swap3A_3049, %swap3A_3050], %swap3A_3053 {strides = array<i32>} : memref<8x128xf32, #tpu.memory_space<vmem>>, vector<1x16xf32>,
    %get3A_3054 = arith.constant 1 : i32
    %get3A_3055 = arith.index_cast %get3A_3054 : i32 to index
    %get3A_3056 = arith.constant 16 : index
    %get3A_3057 = tpu.vector_load %arg8[%get3A_3055, %get3A_3056] {strides = array<i32>} : memref<8x128xf32, #tpu.memory_space<vmem>>, vector<1x16xf32>,
    %get3A_3058 = vector.shape_cast %get3A_3057 : vector<1x16xf32> to vector<16xf32>
    %mul3A_3059 = arith.mulf %get3A_3058, %broadcast_in_dim3A_2925 : vector<16xf32>
    %swap3A_3060 = arith.constant 1 : i32
    %swap3A_3061 = arith.index_cast %swap3A_3060 : i32 to index
    %swap3A_3062 = arith.constant 16 : index
    %swap3A_3063 = tpu.vector_load %arg8[%swap3A_3061, %swap3A_3062] {strides = array<i32>} : memref<8x128xf32, #tpu.memory_space<vmem>>, vector<1x16xf32>,
    %swap3A_3064 = vector.shape_cast %swap3A_3063 : vector<1x16xf32> to vector<16xf32>
    %swap3A_3065 = vector.shape_cast %mul3A_3059 : vector<16xf32> to vector<1x16xf32>
    tpu.vector_store %arg8[%swap3A_3061, %swap3A_3062], %swap3A_3065 {strides = array<i32>} : memref<8x128xf32, #tpu.memory_space<vmem>>, vector<1x16xf32>,
    %get3A_3066 = arith.constant 1 : i32
    %get3A_3067 = arith.index_cast %get3A_3066 : i32 to index
    %get3A_3068 = arith.constant 32 : index
    %get3A_3069 = tpu.vector_load %arg8[%get3A_3067, %get3A_3068] {strides = array<i32>} : memref<8x128xf32, #tpu.memory_space<vmem>>, vector<1x16xf32>,
    %get3A_3070 = vector.shape_cast %get3A_3069 : vector<1x16xf32> to vector<16xf32>
    %mul3A_3071 = arith.mulf %get3A_3070, %broadcast_in_dim3A_2925 : vector<16xf32>
    %swap3A_3072 = arith.constant 1 : i32
    %swap3A_3073 = arith.index_cast %swap3A_3072 : i32 to index
    %swap3A_3074 = arith.constant 32 : index
    %swap3A_3075 = tpu.vector_load %arg8[%swap3A_3073, %swap3A_3074] {strides = array<i32>} : memref<8x128xf32, #tpu.memory_space<vmem>>, vector<1x16xf32>,
    %swap3A_3076 = vector.shape_cast %swap3A_3075 : vector<1x16xf32> to vector<16xf32>
    %swap3A_3077 = vector.shape_cast %mul3A_3071 : vector<16xf32> to vector<1x16xf32>
    tpu.vector_store %arg8[%swap3A_3073, %swap3A_3074], %swap3A_3077 {strides = array<i32>} : memref<8x128xf32, #tpu.memory_space<vmem>>, vector<1x16xf32>,
    %get3A_3078 = arith.constant 1 : i32
    %get3A_3079 = arith.index_cast %get3A_3078 : i32 to index
    %get3A_3080 = arith.constant 48 : index
    %get3A_3081 = tpu.vector_load %arg8[%get3A_3079, %get3A_3080] {strides = array<i32>} : memref<8x128xf32, #tpu.memory_space<vmem>>, vector<1x16xf32>,
    %get3A_3082 = vector.shape_cast %get3A_3081 : vector<1x16xf32> to vector<16xf32>
    %mul3A_3083 = arith.mulf %get3A_3082, %broadcast_in_dim3A_2925 : vector<16xf32>
    %swap3A_3084 = arith.constant 1 : i32
    %swap3A_3085 = arith.index_cast %swap3A_3084 : i32 to index
    %swap3A_3086 = arith.constant 48 : index
    %swap3A_3087 = tpu.vector_load %arg8[%swap3A_3085, %swap3A_3086] {strides = array<i32>} : memref<8x128xf32, #tpu.memory_space<vmem>>, vector<1x16xf32>,
    %swap3A_3088 = vector.shape_cast %swap3A_3087 : vector<1x16xf32> to vector<16xf32>
    %swap3A_3089 = vector.shape_cast %mul3A_3083 : vector<16xf32> to vector<1x16xf32>
    tpu.vector_store %arg8[%swap3A_3085, %swap3A_3086], %swap3A_3089 {strides = array<i32>} : memref<8x128xf32, #tpu.memory_space<vmem>>, vector<1x16xf32>,
    %get3A_3090 = arith.constant 1 : i32
    %get3A_3091 = arith.index_cast %get3A_3090 : i32 to index
    %get3A_3092 = arith.constant 64 : index
    %get3A_3093 = tpu.vector_load %arg8[%get3A_3091, %get3A_3092] {strides = array<i32>} : memref<8x128xf32, #tpu.memory_space<vmem>>, vector<1x16xf32>,
    %get3A_3094 = vector.shape_cast %get3A_3093 : vector<1x16xf32> to vector<16xf32>
    %mul3A_3095 = arith.mulf %get3A_3094, %broadcast_in_dim3A_2925 : vector<16xf32>
    %swap3A_3096 = arith.constant 1 : i32
    %swap3A_3097 = arith.index_cast %swap3A_3096 : i32 to index
    %swap3A_3098 = arith.constant 64 : index
    %swap3A_3099 = tpu.vector_load %arg8[%swap3A_3097, %swap3A_3098] {strides = array<i32>} : memref<8x128xf32, #tpu.memory_space<vmem>>, vector<1x16xf32>,
    %swap3A_3100 = vector.shape_cast %swap3A_3099 : vector<1x16xf32> to vector<16xf32>
    %swap3A_3101 = vector.shape_cast %mul3A_3095 : vector<16xf32> to vector<1x16xf32>
    tpu.vector_store %arg8[%swap3A_3097, %swap3A_3098], %swap3A_3101 {strides = array<i32>} : memref<8x128xf32, #tpu.memory_space<vmem>>, vector<1x16xf32>,
    %get3A_3102 = arith.constant 1 : i32
    %get3A_3103 = arith.index_cast %get3A_3102 : i32 to index
    %get3A_3104 = arith.constant 80 : index
    %get3A_3105 = tpu.vector_load %arg8[%get3A_3103, %get3A_3104] {strides = array<i32>} : memref<8x128xf32, #tpu.memory_space<vmem>>, vector<1x16xf32>,
    %get3A_3106 = vector.shape_cast %get3A_3105 : vector<1x16xf32> to vector<16xf32>
    %mul3A_3107 = arith.mulf %get3A_3106, %broadcast_in_dim3A_2925 : vector<16xf32>
    %swap3A_3108 = arith.constant 1 : i32
    %swap3A_3109 = arith.index_cast %swap3A_3108 : i32 to index
    %swap3A_3110 = arith.constant 80 : index
    %swap3A_3111 = tpu.vector_load %arg8[%swap3A_3109, %swap3A_3110] {strides = array<i32>} : memref<8x128xf32, #tpu.memory_space<vmem>>, vector<1x16xf32>,
    %swap3A_3112 = vector.shape_cast %swap3A_3111 : vector<1x16xf32> to vector<16xf32>
    %swap3A_3113 = vector.shape_cast %mul3A_3107 : vector<16xf32> to vector<1x16xf32>
    tpu.vector_store %arg8[%swap3A_3109, %swap3A_3110], %swap3A_3113 {strides = array<i32>} : memref<8x128xf32, #tpu.memory_space<vmem>>, vector<1x16xf32>,
    %get3A_3114 = arith.constant 1 : i32
    %get3A_3115 = arith.index_cast %get3A_3114 : i32 to index
    %get3A_3116 = arith.constant 96 : index
    %get3A_3117 = tpu.vector_load %arg8[%get3A_3115, %get3A_3116] {strides = array<i32>} : memref<8x128xf32, #tpu.memory_space<vmem>>, vector<1x16xf32>,
    %get3A_3118 = vector.shape_cast %get3A_3117 : vector<1x16xf32> to vector<16xf32>
    %mul3A_3119 = arith.mulf %get3A_3118, %broadcast_in_dim3A_2925 : vector<16xf32>
    %swap3A_3120 = arith.constant 1 : i32
    %swap3A_3121 = arith.index_cast %swap3A_3120 : i32 to index
    %swap3A_3122 = arith.constant 96 : index
    %swap3A_3123 = tpu.vector_load %arg8[%swap3A_3121, %swap3A_3122] {strides = array<i32>} : memref<8x128xf32, #tpu.memory_space<vmem>>, vector<1x16xf32>,
    %swap3A_3124 = vector.shape_cast %swap3A_3123 : vector<1x16xf32> to vector<16xf32>
    %swap3A_3125 = vector.shape_cast %mul3A_3119 : vector<16xf32> to vector<1x16xf32>
    tpu.vector_store %arg8[%swap3A_3121, %swap3A_3122], %swap3A_3125 {strides = array<i32>} : memref<8x128xf32, #tpu.memory_space<vmem>>, vector<1x16xf32>,
    %get3A_3126 = arith.constant 1 : i32
    %get3A_3127 = arith.index_cast %get3A_3126 : i32 to index
    %get3A_3128 = arith.constant 112 : index
    %get3A_3129 = tpu.vector_load %arg8[%get3A_3127, %get3A_3128] {strides = array<i32>} : memref<8x128xf32, #tpu.memory_space<vmem>>, vector<1x16xf32>,
    %get3A_3130 = vector.shape_cast %get3A_3129 : vector<1x16xf32> to vector<16xf32>
    %mul3A_3131 = arith.mulf %get3A_3130, %broadcast_in_dim3A_2925 : vector<16xf32>
    %swap3A_3132 = arith.constant 1 : i32
    %swap3A_3133 = arith.index_cast %swap3A_3132 : i32 to index
    %swap3A_3134 = arith.constant 112 : index
    %swap3A_3135 = tpu.vector_load %arg8[%swap3A_3133, %swap3A_3134] {strides = array<i32>} : memref<8x128xf32, #tpu.memory_space<vmem>>, vector<1x16xf32>,
    %swap3A_3136 = vector.shape_cast %swap3A_3135 : vector<1x16xf32> to vector<16xf32>
    %swap3A_3137 = vector.shape_cast %mul3A_3131 : vector<16xf32> to vector<1x16xf32>
    tpu.vector_store %arg8[%swap3A_3133, %swap3A_3134], %swap3A_3137 {strides = array<i32>} : memref<8x128xf32, #tpu.memory_space<vmem>>, vector<1x16xf32>,
    %dma_wait3A_3138 = arith.constant 2 : i32
    %dma_wait3A_3139 = arith.constant 2 : i32
    %dma_wait3A_3140 = arith.constant 0 : i32
    %dma_wait3A_3141 = tpu.memref_slice %arg8[%dma_wait3A_3139, %dma_wait3A_3140] : memref<8x128xf32, #tpu.memory_space<vmem>> -> memref<1x128xf32, #tpu.memory_space<vmem>>
    %dma_wait3A_3142 = tpu.memref_squeeze %dma_wait3A_3141 : memref<1x128xf32, #tpu.memory_space<vmem>> -> memref<128xf32, #tpu.memory_space<vmem>>
    %dma_wait3A_3143 = arith.constant 0 : i32
    %dma_wait3A_3144 = tpu.memref_slice %arg7[%dma_wait3A_3138, %dma_wait3A_3143] : memref<8x128xi32, #tpu.memory_space<vmem>> -> memref<1x128xi32, #tpu.memory_space<vmem>>
    %dma_wait3A_3145 = tpu.memref_squeeze %dma_wait3A_3144 : memref<1x128xi32, #tpu.memory_space<vmem>> -> memref<128xi32, #tpu.memory_space<vmem>>
    %dma_wait3A_3146 = arith.constant 0 : i32
    %dma_wait3A_3147 = tpu.memref_slice %arg3[%dma_wait3A_3146] : memref<2097152xf32, #tpu.memory_space<hbm>> -> memref<2097152xf32, #tpu.memory_space<hbm>>
    tpu.wait_indirect_dma semaphore(%arg19 : memref<!tpu.dma_semaphore, #tpu.memory_space<semaphore_mem>>) src(%dma_wait3A_3147 : memref<2097152xf32, #tpu.memory_space<hbm>>) dst(%dma_wait3A_3142 : memref<128xf32, #tpu.memory_space<vmem>>)
    %get3A_3148 = arith.constant 2 : i32
    %get3A_3149 = arith.index_cast %get3A_3148 : i32 to index
    %get3A_3150 = arith.constant 0 : index
    %get3A_3151 = tpu.vector_load %arg8[%get3A_3149, %get3A_3150] {strides = array<i32>} : memref<8x128xf32, #tpu.memory_space<vmem>>, vector<1x16xf32>,
    %get3A_3152 = vector.shape_cast %get3A_3151 : vector<1x16xf32> to vector<16xf32>
    %mul3A_3153 = arith.mulf %get3A_3152, %broadcast_in_dim3A_2925 : vector<16xf32>
    %swap3A_3154 = arith.constant 2 : i32
    %swap3A_3155 = arith.index_cast %swap3A_3154 : i32 to index
    %swap3A_3156 = arith.constant 0 : index
    %swap3A_3157 = tpu.vector_load %arg8[%swap3A_3155, %swap3A_3156] {strides = array<i32>} : memref<8x128xf32, #tpu.memory_space<vmem>>, vector<1x16xf32>,
    %swap3A_3158 = vector.shape_cast %swap3A_3157 : vector<1x16xf32> to vector<16xf32>
    %swap3A_3159 = vector.shape_cast %mul3A_3153 : vector<16xf32> to vector<1x16xf32>
    tpu.vector_store %arg8[%swap3A_3155, %swap3A_3156], %swap3A_3159 {strides = array<i32>} : memref<8x128xf32, #tpu.memory_space<vmem>>, vector<1x16xf32>,
    %get3A_3160 = arith.constant 2 : i32
    %get3A_3161 = arith.index_cast %get3A_3160 : i32 to index
    %get3A_3162 = arith.constant 16 : index
    %get3A_3163 = tpu.vector_load %arg8[%get3A_3161, %get3A_3162] {strides = array<i32>} : memref<8x128xf32, #tpu.memory_space<vmem>>, vector<1x16xf32>,
    %get3A_3164 = vector.shape_cast %get3A_3163 : vector<1x16xf32> to vector<16xf32>
    %mul3A_3165 = arith.mulf %get3A_3164, %broadcast_in_dim3A_2925 : vector<16xf32>
    %swap3A_3166 = arith.constant 2 : i32
    %swap3A_3167 = arith.index_cast %swap3A_3166 : i32 to index
    %swap3A_3168 = arith.constant 16 : index
    %swap3A_3169 = tpu.vector_load %arg8[%swap3A_3167, %swap3A_3168] {strides = array<i32>} : memref<8x128xf32, #tpu.memory_space<vmem>>, vector<1x16xf32>,
    %swap3A_3170 = vector.shape_cast %swap3A_3169 : vector<1x16xf32> to vector<16xf32>
    %swap3A_3171 = vector.shape_cast %mul3A_3165 : vector<16xf32> to vector<1x16xf32>
    tpu.vector_store %arg8[%swap3A_3167, %swap3A_3168], %swap3A_3171 {strides = array<i32>} : memref<8x128xf32, #tpu.memory_space<vmem>>, vector<1x16xf32>,
    %get3A_3172 = arith.constant 2 : i32
    %get3A_3173 = arith.index_cast %get3A_3172 : i32 to index
    %get3A_3174 = arith.constant 32 : index
    %get3A_3175 = tpu.vector_load %arg8[%get3A_3173, %get3A_3174] {strides = array<i32>} : memref<8x128xf32, #tpu.memory_space<vmem>>, vector<1x16xf32>,
    %get3A_3176 = vector.shape_cast %get3A_3175 : vector<1x16xf32> to vector<16xf32>
    %mul3A_3177 = arith.mulf %get3A_3176, %broadcast_in_dim3A_2925 : vector<16xf32>
    %swap3A_3178 = arith.constant 2 : i32
    %swap3A_3179 = arith.index_cast %swap3A_3178 : i32 to index
    %swap3A_3180 = arith.constant 32 : index
    %swap3A_3181 = tpu.vector_load %arg8[%swap3A_3179, %swap3A_3180] {strides = array<i32>} : memref<8x128xf32, #tpu.memory_space<vmem>>, vector<1x16xf32>,
    %swap3A_3182 = vector.shape_cast %swap3A_3181 : vector<1x16xf32> to vector<16xf32>
    %swap3A_3183 = vector.shape_cast %mul3A_3177 : vector<16xf32> to vector<1x16xf32>
    tpu.vector_store %arg8[%swap3A_3179, %swap3A_3180], %swap3A_3183 {strides = array<i32>} : memref<8x128xf32, #tpu.memory_space<vmem>>, vector<1x16xf32>,
    %get3A_3184 = arith.constant 2 : i32
    %get3A_3185 = arith.index_cast %get3A_3184 : i32 to index
    %get3A_3186 = arith.constant 48 : index
    %get3A_3187 = tpu.vector_load %arg8[%get3A_3185, %get3A_3186] {strides = array<i32>} : memref<8x128xf32, #tpu.memory_space<vmem>>, vector<1x16xf32>,
    %get3A_3188 = vector.shape_cast %get3A_3187 : vector<1x16xf32> to vector<16xf32>
    %mul3A_3189 = arith.mulf %get3A_3188, %broadcast_in_dim3A_2925 : vector<16xf32>
    %swap3A_3190 = arith.constant 2 : i32
    %swap3A_3191 = arith.index_cast %swap3A_3190 : i32 to index
    %swap3A_3192 = arith.constant 48 : index
    %swap3A_3193 = tpu.vector_load %arg8[%swap3A_3191, %swap3A_3192] {strides = array<i32>} : memref<8x128xf32, #tpu.memory_space<vmem>>, vector<1x16xf32>,
    %swap3A_3194 = vector.shape_cast %swap3A_3193 : vector<1x16xf32> to vector<16xf32>
    %swap3A_3195 = vector.shape_cast %mul3A_3189 : vector<16xf32> to vector<1x16xf32>
    tpu.vector_store %arg8[%swap3A_3191, %swap3A_3192], %swap3A_3195 {strides = array<i32>} : memref<8x128xf32, #tpu.memory_space<vmem>>, vector<1x16xf32>,
    %get3A_3196 = arith.constant 2 : i32
    %get3A_3197 = arith.index_cast %get3A_3196 : i32 to index
    %get3A_3198 = arith.constant 64 : index
    %get3A_3199 = tpu.vector_load %arg8[%get3A_3197, %get3A_3198] {strides = array<i32>} : memref<8x128xf32, #tpu.memory_space<vmem>>, vector<1x16xf32>,
    %get3A_3200 = vector.shape_cast %get3A_3199 : vector<1x16xf32> to vector<16xf32>
    %mul3A_3201 = arith.mulf %get3A_3200, %broadcast_in_dim3A_2925 : vector<16xf32>
    %swap3A_3202 = arith.constant 2 : i32
    %swap3A_3203 = arith.index_cast %swap3A_3202 : i32 to index
    %swap3A_3204 = arith.constant 64 : index
    %swap3A_3205 = tpu.vector_load %arg8[%swap3A_3203, %swap3A_3204] {strides = array<i32>} : memref<8x128xf32, #tpu.memory_space<vmem>>, vector<1x16xf32>,
    %swap3A_3206 = vector.shape_cast %swap3A_3205 : vector<1x16xf32> to vector<16xf32>
    %swap3A_3207 = vector.shape_cast %mul3A_3201 : vector<16xf32> to vector<1x16xf32>
    tpu.vector_store %arg8[%swap3A_3203, %swap3A_3204], %swap3A_3207 {strides = array<i32>} : memref<8x128xf32, #tpu.memory_space<vmem>>, vector<1x16xf32>,
    %get3A_3208 = arith.constant 2 : i32
    %get3A_3209 = arith.index_cast %get3A_3208 : i32 to index
    %get3A_3210 = arith.constant 80 : index
    %get3A_3211 = tpu.vector_load %arg8[%get3A_3209, %get3A_3210] {strides = array<i32>} : memref<8x128xf32, #tpu.memory_space<vmem>>, vector<1x16xf32>,
    %get3A_3212 = vector.shape_cast %get3A_3211 : vector<1x16xf32> to vector<16xf32>
    %mul3A_3213 = arith.mulf %get3A_3212, %broadcast_in_dim3A_2925 : vector<16xf32>
    %swap3A_3214 = arith.constant 2 : i32
    %swap3A_3215 = arith.index_cast %swap3A_3214 : i32 to index
    %swap3A_3216 = arith.constant 80 : index
    %swap3A_3217 = tpu.vector_load %arg8[%swap3A_3215, %swap3A_3216] {strides = array<i32>} : memref<8x128xf32, #tpu.memory_space<vmem>>, vector<1x16xf32>,
    %swap3A_3218 = vector.shape_cast %swap3A_3217 : vector<1x16xf32> to vector<16xf32>
    %swap3A_3219 = vector.shape_cast %mul3A_3213 : vector<16xf32> to vector<1x16xf32>
    tpu.vector_store %arg8[%swap3A_3215, %swap3A_3216], %swap3A_3219 {strides = array<i32>} : memref<8x128xf32, #tpu.memory_space<vmem>>, vector<1x16xf32>,
    %get3A_3220 = arith.constant 2 : i32
    %get3A_3221 = arith.index_cast %get3A_3220 : i32 to index
    %get3A_3222 = arith.constant 96 : index
    %get3A_3223 = tpu.vector_load %arg8[%get3A_3221, %get3A_3222] {strides = array<i32>} : memref<8x128xf32, #tpu.memory_space<vmem>>, vector<1x16xf32>,
    %get3A_3224 = vector.shape_cast %get3A_3223 : vector<1x16xf32> to vector<16xf32>
    %mul3A_3225 = arith.mulf %get3A_3224, %broadcast_in_dim3A_2925 : vector<16xf32>
    %swap3A_3226 = arith.constant 2 : i32
    %swap3A_3227 = arith.index_cast %swap3A_3226 : i32 to index
    %swap3A_3228 = arith.constant 96 : index
    %swap3A_3229 = tpu.vector_load %arg8[%swap3A_3227, %swap3A_3228] {strides = array<i32>} : memref<8x128xf32, #tpu.memory_space<vmem>>, vector<1x16xf32>,
    %swap3A_3230 = vector.shape_cast %swap3A_3229 : vector<1x16xf32> to vector<16xf32>
    %swap3A_3231 = vector.shape_cast %mul3A_3225 : vector<16xf32> to vector<1x16xf32>
    tpu.vector_store %arg8[%swap3A_3227, %swap3A_3228], %swap3A_3231 {strides = array<i32>} : memref<8x128xf32, #tpu.memory_space<vmem>>, vector<1x16xf32>,
    %get3A_3232 = arith.constant 2 : i32
    %get3A_3233 = arith.index_cast %get3A_3232 : i32 to index
    %get3A_3234 = arith.constant 112 : index
    %get3A_3235 = tpu.vector_load %arg8[%get3A_3233, %get3A_3234] {strides = array<i32>} : memref<8x128xf32, #tpu.memory_space<vmem>>, vector<1x16xf32>,
    %get3A_3236 = vector.shape_cast %get3A_3235 : vector<1x16xf32> to vector<16xf32>
    %mul3A_3237 = arith.mulf %get3A_3236, %broadcast_in_dim3A_2925 : vector<16xf32>
    %swap3A_3238 = arith.constant 2 : i32
    %swap3A_3239 = arith.index_cast %swap3A_3238 : i32 to index
    %swap3A_3240 = arith.constant 112 : index
    %swap3A_3241 = tpu.vector_load %arg8[%swap3A_3239, %swap3A_3240] {strides = array<i32>} : memref<8x128xf32, #tpu.memory_space<vmem>>, vector<1x16xf32>,
    %swap3A_3242 = vector.shape_cast %swap3A_3241 : vector<1x16xf32> to vector<16xf32>
    %swap3A_3243 = vector.shape_cast %mul3A_3237 : vector<16xf32> to vector<1x16xf32>
    tpu.vector_store %arg8[%swap3A_3239, %swap3A_3240], %swap3A_3243 {strides = array<i32>} : memref<8x128xf32, #tpu.memory_space<vmem>>, vector<1x16xf32>,
    %dma_wait3A_3244 = arith.constant 3 : i32
    %dma_wait3A_3245 = arith.constant 3 : i32
    %dma_wait3A_3246 = arith.constant 0 : i32
    %dma_wait3A_3247 = tpu.memref_slice %arg8[%dma_wait3A_3245, %dma_wait3A_3246] : memref<8x128xf32, #tpu.memory_space<vmem>> -> memref<1x128xf32, #tpu.memory_space<vmem>>
    %dma_wait3A_3248 = tpu.memref_squeeze %dma_wait3A_3247 : memref<1x128xf32, #tpu.memory_space<vmem>> -> memref<128xf32, #tpu.memory_space<vmem>>
    %dma_wait3A_3249 = arith.constant 0 : i32
    %dma_wait3A_3250 = tpu.memref_slice %arg7[%dma_wait3A_3244, %dma_wait3A_3249] : memref<8x128xi32, #tpu.memory_space<vmem>> -> memref<1x128xi32, #tpu.memory_space<vmem>>
    %dma_wait3A_3251 = tpu.memref_squeeze %dma_wait3A_3250 : memref<1x128xi32, #tpu.memory_space<vmem>> -> memref<128xi32, #tpu.memory_space<vmem>>
    %dma_wait3A_3252 = arith.constant 0 : i32
    %dma_wait3A_3253 = tpu.memref_slice %arg3[%dma_wait3A_3252] : memref<2097152xf32, #tpu.memory_space<hbm>> -> memref<2097152xf32, #tpu.memory_space<hbm>>
    tpu.wait_indirect_dma semaphore(%arg20 : memref<!tpu.dma_semaphore, #tpu.memory_space<semaphore_mem>>) src(%dma_wait3A_3253 : memref<2097152xf32, #tpu.memory_space<hbm>>) dst(%dma_wait3A_3248 : memref<128xf32, #tpu.memory_space<vmem>>)
    %get3A_3254 = arith.constant 3 : i32
    %get3A_3255 = arith.index_cast %get3A_3254 : i32 to index
    %get3A_3256 = arith.constant 0 : index
    %get3A_3257 = tpu.vector_load %arg8[%get3A_3255, %get3A_3256] {strides = array<i32>} : memref<8x128xf32, #tpu.memory_space<vmem>>, vector<1x16xf32>,
    %get3A_3258 = vector.shape_cast %get3A_3257 : vector<1x16xf32> to vector<16xf32>
    %mul3A_3259 = arith.mulf %get3A_3258, %broadcast_in_dim3A_2925 : vector<16xf32>
    %swap3A_3260 = arith.constant 3 : i32
    %swap3A_3261 = arith.index_cast %swap3A_3260 : i32 to index
    %swap3A_3262 = arith.constant 0 : index
    %swap3A_3263 = tpu.vector_load %arg8[%swap3A_3261, %swap3A_3262] {strides = array<i32>} : memref<8x128xf32, #tpu.memory_space<vmem>>, vector<1x16xf32>,
    %swap3A_3264 = vector.shape_cast %swap3A_3263 : vector<1x16xf32> to vector<16xf32>
    %swap3A_3265 = vector.shape_cast %mul3A_3259 : vector<16xf32> to vector<1x16xf32>
    tpu.vector_store %arg8[%swap3A_3261, %swap3A_3262], %swap3A_3265 {strides = array<i32>} : memref<8x128xf32, #tpu.memory_space<vmem>>, vector<1x16xf32>,
    %get3A_3266 = arith.constant 3 : i32
    %get3A_3267 = arith.index_cast %get3A_3266 : i32 to index
    %get3A_3268 = arith.constant 16 : index
    %get3A_3269 = tpu.vector_load %arg8[%get3A_3267, %get3A_3268] {strides = array<i32>} : memref<8x128xf32, #tpu.memory_space<vmem>>, vector<1x16xf32>,
    %get3A_3270 = vector.shape_cast %get3A_3269 : vector<1x16xf32> to vector<16xf32>
    %mul3A_3271 = arith.mulf %get3A_3270, %broadcast_in_dim3A_2925 : vector<16xf32>
    %swap3A_3272 = arith.constant 3 : i32
    %swap3A_3273 = arith.index_cast %swap3A_3272 : i32 to index
    %swap3A_3274 = arith.constant 16 : index
    %swap3A_3275 = tpu.vector_load %arg8[%swap3A_3273, %swap3A_3274] {strides = array<i32>} : memref<8x128xf32, #tpu.memory_space<vmem>>, vector<1x16xf32>,
    %swap3A_3276 = vector.shape_cast %swap3A_3275 : vector<1x16xf32> to vector<16xf32>
    %swap3A_3277 = vector.shape_cast %mul3A_3271 : vector<16xf32> to vector<1x16xf32>
    tpu.vector_store %arg8[%swap3A_3273, %swap3A_3274], %swap3A_3277 {strides = array<i32>} : memref<8x128xf32, #tpu.memory_space<vmem>>, vector<1x16xf32>,
    %get3A_3278 = arith.constant 3 : i32
    %get3A_3279 = arith.index_cast %get3A_3278 : i32 to index
    %get3A_3280 = arith.constant 32 : index
    %get3A_3281 = tpu.vector_load %arg8[%get3A_3279, %get3A_3280] {strides = array<i32>} : memref<8x128xf32, #tpu.memory_space<vmem>>, vector<1x16xf32>,
    %get3A_3282 = vector.shape_cast %get3A_3281 : vector<1x16xf32> to vector<16xf32>
    %mul3A_3283 = arith.mulf %get3A_3282, %broadcast_in_dim3A_2925 : vector<16xf32>
    %swap3A_3284 = arith.constant 3 : i32
    %swap3A_3285 = arith.index_cast %swap3A_3284 : i32 to index
    %swap3A_3286 = arith.constant 32 : index
    %swap3A_3287 = tpu.vector_load %arg8[%swap3A_3285, %swap3A_3286] {strides = array<i32>} : memref<8x128xf32, #tpu.memory_space<vmem>>, vector<1x16xf32>,
    %swap3A_3288 = vector.shape_cast %swap3A_3287 : vector<1x16xf32> to vector<16xf32>
    %swap3A_3289 = vector.shape_cast %mul3A_3283 : vector<16xf32> to vector<1x16xf32>
    tpu.vector_store %arg8[%swap3A_3285, %swap3A_3286], %swap3A_3289 {strides = array<i32>} : memref<8x128xf32, #tpu.memory_space<vmem>>, vector<1x16xf32>,
    %get3A_3290 = arith.constant 3 : i32
    %get3A_3291 = arith.index_cast %get3A_3290 : i32 to index
    %get3A_3292 = arith.constant 48 : index
    %get3A_3293 = tpu.vector_load %arg8[%get3A_3291, %get3A_3292] {strides = array<i32>} : memref<8x128xf32, #tpu.memory_space<vmem>>, vector<1x16xf32>,
    %get3A_3294 = vector.shape_cast %get3A_3293 : vector<1x16xf32> to vector<16xf32>
    %mul3A_3295 = arith.mulf %get3A_3294, %broadcast_in_dim3A_2925 : vector<16xf32>
    %swap3A_3296 = arith.constant 3 : i32
    %swap3A_3297 = arith.index_cast %swap3A_3296 : i32 to index
    %swap3A_3298 = arith.constant 48 : index
    %swap3A_3299 = tpu.vector_load %arg8[%swap3A_3297, %swap3A_3298] {strides = array<i32>} : memref<8x128xf32, #tpu.memory_space<vmem>>, vector<1x16xf32>,
    %swap3A_3300 = vector.shape_cast %swap3A_3299 : vector<1x16xf32> to vector<16xf32>
    %swap3A_3301 = vector.shape_cast %mul3A_3295 : vector<16xf32> to vector<1x16xf32>
    tpu.vector_store %arg8[%swap3A_3297, %swap3A_3298], %swap3A_3301 {strides = array<i32>} : memref<8x128xf32, #tpu.memory_space<vmem>>, vector<1x16xf32>,
    %get3A_3302 = arith.constant 3 : i32
    %get3A_3303 = arith.index_cast %get3A_3302 : i32 to index
    %get3A_3304 = arith.constant 64 : index
    %get3A_3305 = tpu.vector_load %arg8[%get3A_3303, %get3A_3304] {strides = array<i32>} : memref<8x128xf32, #tpu.memory_space<vmem>>, vector<1x16xf32>,
    %get3A_3306 = vector.shape_cast %get3A_3305 : vector<1x16xf32> to vector<16xf32>
    %mul3A_3307 = arith.mulf %get3A_3306, %broadcast_in_dim3A_2925 : vector<16xf32>
    %swap3A_3308 = arith.constant 3 : i32
    %swap3A_3309 = arith.index_cast %swap3A_3308 : i32 to index
    %swap3A_3310 = arith.constant 64 : index
    %swap3A_3311 = tpu.vector_load %arg8[%swap3A_3309, %swap3A_3310] {strides = array<i32>} : memref<8x128xf32, #tpu.memory_space<vmem>>, vector<1x16xf32>,
    %swap3A_3312 = vector.shape_cast %swap3A_3311 : vector<1x16xf32> to vector<16xf32>
    %swap3A_3313 = vector.shape_cast %mul3A_3307 : vector<16xf32> to vector<1x16xf32>
    tpu.vector_store %arg8[%swap3A_3309, %swap3A_3310], %swap3A_3313 {strides = array<i32>} : memref<8x128xf32, #tpu.memory_space<vmem>>, vector<1x16xf32>,
    %get3A_3314 = arith.constant 3 : i32
    %get3A_3315 = arith.index_cast %get3A_3314 : i32 to index
    %get3A_3316 = arith.constant 80 : index
    %get3A_3317 = tpu.vector_load %arg8[%get3A_3315, %get3A_3316] {strides = array<i32>} : memref<8x128xf32, #tpu.memory_space<vmem>>, vector<1x16xf32>,
    %get3A_3318 = vector.shape_cast %get3A_3317 : vector<1x16xf32> to vector<16xf32>
    %mul3A_3319 = arith.mulf %get3A_3318, %broadcast_in_dim3A_2925 : vector<16xf32>
    %swap3A_3320 = arith.constant 3 : i32
    %swap3A_3321 = arith.index_cast %swap3A_3320 : i32 to index
    %swap3A_3322 = arith.constant 80 : index
    %swap3A_3323 = tpu.vector_load %arg8[%swap3A_3321, %swap3A_3322] {strides = array<i32>} : memref<8x128xf32, #tpu.memory_space<vmem>>, vector<1x16xf32>,
    %swap3A_3324 = vector.shape_cast %swap3A_3323 : vector<1x16xf32> to vector<16xf32>
    %swap3A_3325 = vector.shape_cast %mul3A_3319 : vector<16xf32> to vector<1x16xf32>
    tpu.vector_store %arg8[%swap3A_3321, %swap3A_3322], %swap3A_3325 {strides = array<i32>} : memref<8x128xf32, #tpu.memory_space<vmem>>, vector<1x16xf32>,
    %get3A_3326 = arith.constant 3 : i32
    %get3A_3327 = arith.index_cast %get3A_3326 : i32 to index
    %get3A_3328 = arith.constant 96 : index
    %get3A_3329 = tpu.vector_load %arg8[%get3A_3327, %get3A_3328] {strides = array<i32>} : memref<8x128xf32, #tpu.memory_space<vmem>>, vector<1x16xf32>,
    %get3A_3330 = vector.shape_cast %get3A_3329 : vector<1x16xf32> to vector<16xf32>
    %mul3A_3331 = arith.mulf %get3A_3330, %broadcast_in_dim3A_2925 : vector<16xf32>
    %swap3A_3332 = arith.constant 3 : i32
    %swap3A_3333 = arith.index_cast %swap3A_3332 : i32 to index
    %swap3A_3334 = arith.constant 96 : index
    %swap3A_3335 = tpu.vector_load %arg8[%swap3A_3333, %swap3A_3334] {strides = array<i32>} : memref<8x128xf32, #tpu.memory_space<vmem>>, vector<1x16xf32>,
    %swap3A_3336 = vector.shape_cast %swap3A_3335 : vector<1x16xf32> to vector<16xf32>
    %swap3A_3337 = vector.shape_cast %mul3A_3331 : vector<16xf32> to vector<1x16xf32>
    tpu.vector_store %arg8[%swap3A_3333, %swap3A_3334], %swap3A_3337 {strides = array<i32>} : memref<8x128xf32, #tpu.memory_space<vmem>>, vector<1x16xf32>,
    %get3A_3338 = arith.constant 3 : i32
    %get3A_3339 = arith.index_cast %get3A_3338 : i32 to index
    %get3A_3340 = arith.constant 112 : index
    %get3A_3341 = tpu.vector_load %arg8[%get3A_3339, %get3A_3340] {strides = array<i32>} : memref<8x128xf32, #tpu.memory_space<vmem>>, vector<1x16xf32>,
    %get3A_3342 = vector.shape_cast %get3A_3341 : vector<1x16xf32> to vector<16xf32>
    %mul3A_3343 = arith.mulf %get3A_3342, %broadcast_in_dim3A_2925 : vector<16xf32>
    %swap3A_3344 = arith.constant 3 : i32
    %swap3A_3345 = arith.index_cast %swap3A_3344 : i32 to index
    %swap3A_3346 = arith.constant 112 : index
    %swap3A_3347 = tpu.vector_load %arg8[%swap3A_3345, %swap3A_3346] {strides = array<i32>} : memref<8x128xf32, #tpu.memory_space<vmem>>, vector<1x16xf32>,
    %swap3A_3348 = vector.shape_cast %swap3A_3347 : vector<1x16xf32> to vector<16xf32>
    %swap3A_3349 = vector.shape_cast %mul3A_3343 : vector<16xf32> to vector<1x16xf32>
    tpu.vector_store %arg8[%swap3A_3345, %swap3A_3346], %swap3A_3349 {strides = array<i32>} : memref<8x128xf32, #tpu.memory_space<vmem>>, vector<1x16xf32>,
    %dma_wait3A_3350 = arith.constant 4 : i32
    %dma_wait3A_3351 = arith.constant 4 : i32
    %dma_wait3A_3352 = arith.constant 0 : i32
    %dma_wait3A_3353 = tpu.memref_slice %arg8[%dma_wait3A_3351, %dma_wait3A_3352] : memref<8x128xf32, #tpu.memory_space<vmem>> -> memref<1x128xf32, #tpu.memory_space<vmem>>
    %dma_wait3A_3354 = tpu.memref_squeeze %dma_wait3A_3353 : memref<1x128xf32, #tpu.memory_space<vmem>> -> memref<128xf32, #tpu.memory_space<vmem>>
    %dma_wait3A_3355 = arith.constant 0 : i32
    %dma_wait3A_3356 = tpu.memref_slice %arg7[%dma_wait3A_3350, %dma_wait3A_3355] : memref<8x128xi32, #tpu.memory_space<vmem>> -> memref<1x128xi32, #tpu.memory_space<vmem>>
    %dma_wait3A_3357 = tpu.memref_squeeze %dma_wait3A_3356 : memref<1x128xi32, #tpu.memory_space<vmem>> -> memref<128xi32, #tpu.memory_space<vmem>>
    %dma_wait3A_3358 = arith.constant 0 : i32
    %dma_wait3A_3359 = tpu.memref_slice %arg3[%dma_wait3A_3358] : memref<2097152xf32, #tpu.memory_space<hbm>> -> memref<2097152xf32, #tpu.memory_space<hbm>>
    tpu.wait_indirect_dma semaphore(%arg21 : memref<!tpu.dma_semaphore, #tpu.memory_space<semaphore_mem>>) src(%dma_wait3A_3359 : memref<2097152xf32, #tpu.memory_space<hbm>>) dst(%dma_wait3A_3354 : memref<128xf32, #tpu.memory_space<vmem>>)
    %get3A_3360 = arith.constant 4 : i32
    %get3A_3361 = arith.index_cast %get3A_3360 : i32 to index
    %get3A_3362 = arith.constant 0 : index
    %get3A_3363 = tpu.vector_load %arg8[%get3A_3361, %get3A_3362] {strides = array<i32>} : memref<8x128xf32, #tpu.memory_space<vmem>>, vector<1x16xf32>,
    %get3A_3364 = vector.shape_cast %get3A_3363 : vector<1x16xf32> to vector<16xf32>
    %mul3A_3365 = arith.mulf %get3A_3364, %broadcast_in_dim3A_2925 : vector<16xf32>
    %swap3A_3366 = arith.constant 4 : i32
    %swap3A_3367 = arith.index_cast %swap3A_3366 : i32 to index
    %swap3A_3368 = arith.constant 0 : index
    %swap3A_3369 = tpu.vector_load %arg8[%swap3A_3367, %swap3A_3368] {strides = array<i32>} : memref<8x128xf32, #tpu.memory_space<vmem>>, vector<1x16xf32>,
    %swap3A_3370 = vector.shape_cast %swap3A_3369 : vector<1x16xf32> to vector<16xf32>
    %swap3A_3371 = vector.shape_cast %mul3A_3365 : vector<16xf32> to vector<1x16xf32>
    tpu.vector_store %arg8[%swap3A_3367, %swap3A_3368], %swap3A_3371 {strides = array<i32>} : memref<8x128xf32, #tpu.memory_space<vmem>>, vector<1x16xf32>,
    %get3A_3372 = arith.constant 4 : i32
    %get3A_3373 = arith.index_cast %get3A_3372 : i32 to index
    %get3A_3374 = arith.constant 16 : index
    %get3A_3375 = tpu.vector_load %arg8[%get3A_3373, %get3A_3374] {strides = array<i32>} : memref<8x128xf32, #tpu.memory_space<vmem>>, vector<1x16xf32>,
    %get3A_3376 = vector.shape_cast %get3A_3375 : vector<1x16xf32> to vector<16xf32>
    %mul3A_3377 = arith.mulf %get3A_3376, %broadcast_in_dim3A_2925 : vector<16xf32>
    %swap3A_3378 = arith.constant 4 : i32
    %swap3A_3379 = arith.index_cast %swap3A_3378 : i32 to index
    %swap3A_3380 = arith.constant 16 : index
    %swap3A_3381 = tpu.vector_load %arg8[%swap3A_3379, %swap3A_3380] {strides = array<i32>} : memref<8x128xf32, #tpu.memory_space<vmem>>, vector<1x16xf32>,
    %swap3A_3382 = vector.shape_cast %swap3A_3381 : vector<1x16xf32> to vector<16xf32>
    %swap3A_3383 = vector.shape_cast %mul3A_3377 : vector<16xf32> to vector<1x16xf32>
    tpu.vector_store %arg8[%swap3A_3379, %swap3A_3380], %swap3A_3383 {strides = array<i32>} : memref<8x128xf32, #tpu.memory_space<vmem>>, vector<1x16xf32>,
    %get3A_3384 = arith.constant 4 : i32
    %get3A_3385 = arith.index_cast %get3A_3384 : i32 to index
    %get3A_3386 = arith.constant 32 : index
    %get3A_3387 = tpu.vector_load %arg8[%get3A_3385, %get3A_3386] {strides = array<i32>} : memref<8x128xf32, #tpu.memory_space<vmem>>, vector<1x16xf32>,
    %get3A_3388 = vector.shape_cast %get3A_3387 : vector<1x16xf32> to vector<16xf32>
    %mul3A_3389 = arith.mulf %get3A_3388, %broadcast_in_dim3A_2925 : vector<16xf32>
    %swap3A_3390 = arith.constant 4 : i32
    %swap3A_3391 = arith.index_cast %swap3A_3390 : i32 to index
    %swap3A_3392 = arith.constant 32 : index
    %swap3A_3393 = tpu.vector_load %arg8[%swap3A_3391, %swap3A_3392] {strides = array<i32>} : memref<8x128xf32, #tpu.memory_space<vmem>>, vector<1x16xf32>,
    %swap3A_3394 = vector.shape_cast %swap3A_3393 : vector<1x16xf32> to vector<16xf32>
    %swap3A_3395 = vector.shape_cast %mul3A_3389 : vector<16xf32> to vector<1x16xf32>
    tpu.vector_store %arg8[%swap3A_3391, %swap3A_3392], %swap3A_3395 {strides = array<i32>} : memref<8x128xf32, #tpu.memory_space<vmem>>, vector<1x16xf32>,
    %get3A_3396 = arith.constant 4 : i32
    %get3A_3397 = arith.index_cast %get3A_3396 : i32 to index
    %get3A_3398 = arith.constant 48 : index
    %get3A_3399 = tpu.vector_load %arg8[%get3A_3397, %get3A_3398] {strides = array<i32>} : memref<8x128xf32, #tpu.memory_space<vmem>>, vector<1x16xf32>,
    %get3A_3400 = vector.shape_cast %get3A_3399 : vector<1x16xf32> to vector<16xf32>
    %mul3A_3401 = arith.mulf %get3A_3400, %broadcast_in_dim3A_2925 : vector<16xf32>
    %swap3A_3402 = arith.constant 4 : i32
    %swap3A_3403 = arith.index_cast %swap3A_3402 : i32 to index
    %swap3A_3404 = arith.constant 48 : index
    %swap3A_3405 = tpu.vector_load %arg8[%swap3A_3403, %swap3A_3404] {strides = array<i32>} : memref<8x128xf32, #tpu.memory_space<vmem>>, vector<1x16xf32>,
    %swap3A_3406 = vector.shape_cast %swap3A_3405 : vector<1x16xf32> to vector<16xf32>
    %swap3A_3407 = vector.shape_cast %mul3A_3401 : vector<16xf32> to vector<1x16xf32>
    tpu.vector_store %arg8[%swap3A_3403, %swap3A_3404], %swap3A_3407 {strides = array<i32>} : memref<8x128xf32, #tpu.memory_space<vmem>>, vector<1x16xf32>,
    %get3A_3408 = arith.constant 4 : i32
    %get3A_3409 = arith.index_cast %get3A_3408 : i32 to index
    %get3A_3410 = arith.constant 64 : index
    %get3A_3411 = tpu.vector_load %arg8[%get3A_3409, %get3A_3410] {strides = array<i32>} : memref<8x128xf32, #tpu.memory_space<vmem>>, vector<1x16xf32>,
    %get3A_3412 = vector.shape_cast %get3A_3411 : vector<1x16xf32> to vector<16xf32>
    %mul3A_3413 = arith.mulf %get3A_3412, %broadcast_in_dim3A_2925 : vector<16xf32>
    %swap3A_3414 = arith.constant 4 : i32
    %swap3A_3415 = arith.index_cast %swap3A_3414 : i32 to index
    %swap3A_3416 = arith.constant 64 : index
    %swap3A_3417 = tpu.vector_load %arg8[%swap3A_3415, %swap3A_3416] {strides = array<i32>} : memref<8x128xf32, #tpu.memory_space<vmem>>, vector<1x16xf32>,
    %swap3A_3418 = vector.shape_cast %swap3A_3417 : vector<1x16xf32> to vector<16xf32>
    %swap3A_3419 = vector.shape_cast %mul3A_3413 : vector<16xf32> to vector<1x16xf32>
    tpu.vector_store %arg8[%swap3A_3415, %swap3A_3416], %swap3A_3419 {strides = array<i32>} : memref<8x128xf32, #tpu.memory_space<vmem>>, vector<1x16xf32>,
    %get3A_3420 = arith.constant 4 : i32
    %get3A_3421 = arith.index_cast %get3A_3420 : i32 to index
    %get3A_3422 = arith.constant 80 : index
    %get3A_3423 = tpu.vector_load %arg8[%get3A_3421, %get3A_3422] {strides = array<i32>} : memref<8x128xf32, #tpu.memory_space<vmem>>, vector<1x16xf32>,
    %get3A_3424 = vector.shape_cast %get3A_3423 : vector<1x16xf32> to vector<16xf32>
    %mul3A_3425 = arith.mulf %get3A_3424, %broadcast_in_dim3A_2925 : vector<16xf32>
    %swap3A_3426 = arith.constant 4 : i32
    %swap3A_3427 = arith.index_cast %swap3A_3426 : i32 to index
    %swap3A_3428 = arith.constant 80 : index
    %swap3A_3429 = tpu.vector_load %arg8[%swap3A_3427, %swap3A_3428] {strides = array<i32>} : memref<8x128xf32, #tpu.memory_space<vmem>>, vector<1x16xf32>,
    %swap3A_3430 = vector.shape_cast %swap3A_3429 : vector<1x16xf32> to vector<16xf32>
    %swap3A_3431 = vector.shape_cast %mul3A_3425 : vector<16xf32> to vector<1x16xf32>
    tpu.vector_store %arg8[%swap3A_3427, %swap3A_3428], %swap3A_3431 {strides = array<i32>} : memref<8x128xf32, #tpu.memory_space<vmem>>, vector<1x16xf32>,
    %get3A_3432 = arith.constant 4 : i32
    %get3A_3433 = arith.index_cast %get3A_3432 : i32 to index
    %get3A_3434 = arith.constant 96 : index
    %get3A_3435 = tpu.vector_load %arg8[%get3A_3433, %get3A_3434] {strides = array<i32>} : memref<8x128xf32, #tpu.memory_space<vmem>>, vector<1x16xf32>,
    %get3A_3436 = vector.shape_cast %get3A_3435 : vector<1x16xf32> to vector<16xf32>
    %mul3A_3437 = arith.mulf %get3A_3436, %broadcast_in_dim3A_2925 : vector<16xf32>
    %swap3A_3438 = arith.constant 4 : i32
    %swap3A_3439 = arith.index_cast %swap3A_3438 : i32 to index
    %swap3A_3440 = arith.constant 96 : index
    %swap3A_3441 = tpu.vector_load %arg8[%swap3A_3439, %swap3A_3440] {strides = array<i32>} : memref<8x128xf32, #tpu.memory_space<vmem>>, vector<1x16xf32>,
    %swap3A_3442 = vector.shape_cast %swap3A_3441 : vector<1x16xf32> to vector<16xf32>
    %swap3A_3443 = vector.shape_cast %mul3A_3437 : vector<16xf32> to vector<1x16xf32>
    tpu.vector_store %arg8[%swap3A_3439, %swap3A_3440], %swap3A_3443 {strides = array<i32>} : memref<8x128xf32, #tpu.memory_space<vmem>>, vector<1x16xf32>,
    %get3A_3444 = arith.constant 4 : i32
    %get3A_3445 = arith.index_cast %get3A_3444 : i32 to index
    %get3A_3446 = arith.constant 112 : index
    %get3A_3447 = tpu.vector_load %arg8[%get3A_3445, %get3A_3446] {strides = array<i32>} : memref<8x128xf32, #tpu.memory_space<vmem>>, vector<1x16xf32>,
    %get3A_3448 = vector.shape_cast %get3A_3447 : vector<1x16xf32> to vector<16xf32>
    %mul3A_3449 = arith.mulf %get3A_3448, %broadcast_in_dim3A_2925 : vector<16xf32>
    %swap3A_3450 = arith.constant 4 : i32
    %swap3A_3451 = arith.index_cast %swap3A_3450 : i32 to index
    %swap3A_3452 = arith.constant 112 : index
    %swap3A_3453 = tpu.vector_load %arg8[%swap3A_3451, %swap3A_3452] {strides = array<i32>} : memref<8x128xf32, #tpu.memory_space<vmem>>, vector<1x16xf32>,
    %swap3A_3454 = vector.shape_cast %swap3A_3453 : vector<1x16xf32> to vector<16xf32>
    %swap3A_3455 = vector.shape_cast %mul3A_3449 : vector<16xf32> to vector<1x16xf32>
    tpu.vector_store %arg8[%swap3A_3451, %swap3A_3452], %swap3A_3455 {strides = array<i32>} : memref<8x128xf32, #tpu.memory_space<vmem>>, vector<1x16xf32>,
    %dma_wait3A_3456 = arith.constant 5 : i32
    %dma_wait3A_3457 = arith.constant 5 : i32
    %dma_wait3A_3458 = arith.constant 0 : i32
    %dma_wait3A_3459 = tpu.memref_slice %arg8[%dma_wait3A_3457, %dma_wait3A_3458] : memref<8x128xf32, #tpu.memory_space<vmem>> -> memref<1x128xf32, #tpu.memory_space<vmem>>
    %dma_wait3A_3460 = tpu.memref_squeeze %dma_wait3A_3459 : memref<1x128xf32, #tpu.memory_space<vmem>> -> memref<128xf32, #tpu.memory_space<vmem>>
    %dma_wait3A_3461 = arith.constant 0 : i32
    %dma_wait3A_3462 = tpu.memref_slice %arg7[%dma_wait3A_3456, %dma_wait3A_3461] : memref<8x128xi32, #tpu.memory_space<vmem>> -> memref<1x128xi32, #tpu.memory_space<vmem>>
    %dma_wait3A_3463 = tpu.memref_squeeze %dma_wait3A_3462 : memref<1x128xi32, #tpu.memory_space<vmem>> -> memref<128xi32, #tpu.memory_space<vmem>>
    %dma_wait3A_3464 = arith.constant 0 : i32
    %dma_wait3A_3465 = tpu.memref_slice %arg3[%dma_wait3A_3464] : memref<2097152xf32, #tpu.memory_space<hbm>> -> memref<2097152xf32, #tpu.memory_space<hbm>>
    tpu.wait_indirect_dma semaphore(%arg22 : memref<!tpu.dma_semaphore, #tpu.memory_space<semaphore_mem>>) src(%dma_wait3A_3465 : memref<2097152xf32, #tpu.memory_space<hbm>>) dst(%dma_wait3A_3460 : memref<128xf32, #tpu.memory_space<vmem>>)
    %get3A_3466 = arith.constant 5 : i32
    %get3A_3467 = arith.index_cast %get3A_3466 : i32 to index
    %get3A_3468 = arith.constant 0 : index
    %get3A_3469 = tpu.vector_load %arg8[%get3A_3467, %get3A_3468] {strides = array<i32>} : memref<8x128xf32, #tpu.memory_space<vmem>>, vector<1x16xf32>,
    %get3A_3470 = vector.shape_cast %get3A_3469 : vector<1x16xf32> to vector<16xf32>
    %mul3A_3471 = arith.mulf %get3A_3470, %broadcast_in_dim3A_2925 : vector<16xf32>
    %swap3A_3472 = arith.constant 5 : i32
    %swap3A_3473 = arith.index_cast %swap3A_3472 : i32 to index
    %swap3A_3474 = arith.constant 0 : index
    %swap3A_3475 = tpu.vector_load %arg8[%swap3A_3473, %swap3A_3474] {strides = array<i32>} : memref<8x128xf32, #tpu.memory_space<vmem>>, vector<1x16xf32>,
    %swap3A_3476 = vector.shape_cast %swap3A_3475 : vector<1x16xf32> to vector<16xf32>
    %swap3A_3477 = vector.shape_cast %mul3A_3471 : vector<16xf32> to vector<1x16xf32>
    tpu.vector_store %arg8[%swap3A_3473, %swap3A_3474], %swap3A_3477 {strides = array<i32>} : memref<8x128xf32, #tpu.memory_space<vmem>>, vector<1x16xf32>,
    %get3A_3478 = arith.constant 5 : i32
    %get3A_3479 = arith.index_cast %get3A_3478 : i32 to index
    %get3A_3480 = arith.constant 16 : index
    %get3A_3481 = tpu.vector_load %arg8[%get3A_3479, %get3A_3480] {strides = array<i32>} : memref<8x128xf32, #tpu.memory_space<vmem>>, vector<1x16xf32>,
    %get3A_3482 = vector.shape_cast %get3A_3481 : vector<1x16xf32> to vector<16xf32>
    %mul3A_3483 = arith.mulf %get3A_3482, %broadcast_in_dim3A_2925 : vector<16xf32>
    %swap3A_3484 = arith.constant 5 : i32
    %swap3A_3485 = arith.index_cast %swap3A_3484 : i32 to index
    %swap3A_3486 = arith.constant 16 : index
    %swap3A_3487 = tpu.vector_load %arg8[%swap3A_3485, %swap3A_3486] {strides = array<i32>} : memref<8x128xf32, #tpu.memory_space<vmem>>, vector<1x16xf32>,
    %swap3A_3488 = vector.shape_cast %swap3A_3487 : vector<1x16xf32> to vector<16xf32>
    %swap3A_3489 = vector.shape_cast %mul3A_3483 : vector<16xf32> to vector<1x16xf32>
    tpu.vector_store %arg8[%swap3A_3485, %swap3A_3486], %swap3A_3489 {strides = array<i32>} : memref<8x128xf32, #tpu.memory_space<vmem>>, vector<1x16xf32>,
    %get3A_3490 = arith.constant 5 : i32
    %get3A_3491 = arith.index_cast %get3A_3490 : i32 to index
    %get3A_3492 = arith.constant 32 : index
    %get3A_3493 = tpu.vector_load %arg8[%get3A_3491, %get3A_3492] {strides = array<i32>} : memref<8x128xf32, #tpu.memory_space<vmem>>, vector<1x16xf32>,
    %get3A_3494 = vector.shape_cast %get3A_3493 : vector<1x16xf32> to vector<16xf32>
    %mul3A_3495 = arith.mulf %get3A_3494, %broadcast_in_dim3A_2925 : vector<16xf32>
    %swap3A_3496 = arith.constant 5 : i32
    %swap3A_3497 = arith.index_cast %swap3A_3496 : i32 to index
    %swap3A_3498 = arith.constant 32 : index
    %swap3A_3499 = tpu.vector_load %arg8[%swap3A_3497, %swap3A_3498] {strides = array<i32>} : memref<8x128xf32, #tpu.memory_space<vmem>>, vector<1x16xf32>,
    %swap3A_3500 = vector.shape_cast %swap3A_3499 : vector<1x16xf32> to vector<16xf32>
    %swap3A_3501 = vector.shape_cast %mul3A_3495 : vector<16xf32> to vector<1x16xf32>
    tpu.vector_store %arg8[%swap3A_3497, %swap3A_3498], %swap3A_3501 {strides = array<i32>} : memref<8x128xf32, #tpu.memory_space<vmem>>, vector<1x16xf32>,
    %get3A_3502 = arith.constant 5 : i32
    %get3A_3503 = arith.index_cast %get3A_3502 : i32 to index
    %get3A_3504 = arith.constant 48 : index
    %get3A_3505 = tpu.vector_load %arg8[%get3A_3503, %get3A_3504] {strides = array<i32>} : memref<8x128xf32, #tpu.memory_space<vmem>>, vector<1x16xf32>,
    %get3A_3506 = vector.shape_cast %get3A_3505 : vector<1x16xf32> to vector<16xf32>
    %mul3A_3507 = arith.mulf %get3A_3506, %broadcast_in_dim3A_2925 : vector<16xf32>
    %swap3A_3508 = arith.constant 5 : i32
    %swap3A_3509 = arith.index_cast %swap3A_3508 : i32 to index
    %swap3A_3510 = arith.constant 48 : index
    %swap3A_3511 = tpu.vector_load %arg8[%swap3A_3509, %swap3A_3510] {strides = array<i32>} : memref<8x128xf32, #tpu.memory_space<vmem>>, vector<1x16xf32>,
    %swap3A_3512 = vector.shape_cast %swap3A_3511 : vector<1x16xf32> to vector<16xf32>
    %swap3A_3513 = vector.shape_cast %mul3A_3507 : vector<16xf32> to vector<1x16xf32>
    tpu.vector_store %arg8[%swap3A_3509, %swap3A_3510], %swap3A_3513 {strides = array<i32>} : memref<8x128xf32, #tpu.memory_space<vmem>>, vector<1x16xf32>,
    %get3A_3514 = arith.constant 5 : i32
    %get3A_3515 = arith.index_cast %get3A_3514 : i32 to index
    %get3A_3516 = arith.constant 64 : index
    %get3A_3517 = tpu.vector_load %arg8[%get3A_3515, %get3A_3516] {strides = array<i32>} : memref<8x128xf32, #tpu.memory_space<vmem>>, vector<1x16xf32>,
    %get3A_3518 = vector.shape_cast %get3A_3517 : vector<1x16xf32> to vector<16xf32>
    %mul3A_3519 = arith.mulf %get3A_3518, %broadcast_in_dim3A_2925 : vector<16xf32>
    %swap3A_3520 = arith.constant 5 : i32
    %swap3A_3521 = arith.index_cast %swap3A_3520 : i32 to index
    %swap3A_3522 = arith.constant 64 : index
    %swap3A_3523 = tpu.vector_load %arg8[%swap3A_3521, %swap3A_3522] {strides = array<i32>} : memref<8x128xf32, #tpu.memory_space<vmem>>, vector<1x16xf32>,
    %swap3A_3524 = vector.shape_cast %swap3A_3523 : vector<1x16xf32> to vector<16xf32>
    %swap3A_3525 = vector.shape_cast %mul3A_3519 : vector<16xf32> to vector<1x16xf32>
    tpu.vector_store %arg8[%swap3A_3521, %swap3A_3522], %swap3A_3525 {strides = array<i32>} : memref<8x128xf32, #tpu.memory_space<vmem>>, vector<1x16xf32>,
    %get3A_3526 = arith.constant 5 : i32
    %get3A_3527 = arith.index_cast %get3A_3526 : i32 to index
    %get3A_3528 = arith.constant 80 : index
    %get3A_3529 = tpu.vector_load %arg8[%get3A_3527, %get3A_3528] {strides = array<i32>} : memref<8x128xf32, #tpu.memory_space<vmem>>, vector<1x16xf32>,
    %get3A_3530 = vector.shape_cast %get3A_3529 : vector<1x16xf32> to vector<16xf32>
    %mul3A_3531 = arith.mulf %get3A_3530, %broadcast_in_dim3A_2925 : vector<16xf32>
    %swap3A_3532 = arith.constant 5 : i32
    %swap3A_3533 = arith.index_cast %swap3A_3532 : i32 to index
    %swap3A_3534 = arith.constant 80 : index
    %swap3A_3535 = tpu.vector_load %arg8[%swap3A_3533, %swap3A_3534] {strides = array<i32>} : memref<8x128xf32, #tpu.memory_space<vmem>>, vector<1x16xf32>,
    %swap3A_3536 = vector.shape_cast %swap3A_3535 : vector<1x16xf32> to vector<16xf32>
    %swap3A_3537 = vector.shape_cast %mul3A_3531 : vector<16xf32> to vector<1x16xf32>
    tpu.vector_store %arg8[%swap3A_3533, %swap3A_3534], %swap3A_3537 {strides = array<i32>} : memref<8x128xf32, #tpu.memory_space<vmem>>, vector<1x16xf32>,
    %get3A_3538 = arith.constant 5 : i32
    %get3A_3539 = arith.index_cast %get3A_3538 : i32 to index
    %get3A_3540 = arith.constant 96 : index
    %get3A_3541 = tpu.vector_load %arg8[%get3A_3539, %get3A_3540] {strides = array<i32>} : memref<8x128xf32, #tpu.memory_space<vmem>>, vector<1x16xf32>,
    %get3A_3542 = vector.shape_cast %get3A_3541 : vector<1x16xf32> to vector<16xf32>
    %mul3A_3543 = arith.mulf %get3A_3542, %broadcast_in_dim3A_2925 : vector<16xf32>
    %swap3A_3544 = arith.constant 5 : i32
    %swap3A_3545 = arith.index_cast %swap3A_3544 : i32 to index
    %swap3A_3546 = arith.constant 96 : index
    %swap3A_3547 = tpu.vector_load %arg8[%swap3A_3545, %swap3A_3546] {strides = array<i32>} : memref<8x128xf32, #tpu.memory_space<vmem>>, vector<1x16xf32>,
    %swap3A_3548 = vector.shape_cast %swap3A_3547 : vector<1x16xf32> to vector<16xf32>
    %swap3A_3549 = vector.shape_cast %mul3A_3543 : vector<16xf32> to vector<1x16xf32>
    tpu.vector_store %arg8[%swap3A_3545, %swap3A_3546], %swap3A_3549 {strides = array<i32>} : memref<8x128xf32, #tpu.memory_space<vmem>>, vector<1x16xf32>,
    %get3A_3550 = arith.constant 5 : i32
    %get3A_3551 = arith.index_cast %get3A_3550 : i32 to index
    %get3A_3552 = arith.constant 112 : index
    %get3A_3553 = tpu.vector_load %arg8[%get3A_3551, %get3A_3552] {strides = array<i32>} : memref<8x128xf32, #tpu.memory_space<vmem>>, vector<1x16xf32>,
    %get3A_3554 = vector.shape_cast %get3A_3553 : vector<1x16xf32> to vector<16xf32>
    %mul3A_3555 = arith.mulf %get3A_3554, %broadcast_in_dim3A_2925 : vector<16xf32>
    %swap3A_3556 = arith.constant 5 : i32
    %swap3A_3557 = arith.index_cast %swap3A_3556 : i32 to index
    %swap3A_3558 = arith.constant 112 : index
    %swap3A_3559 = tpu.vector_load %arg8[%swap3A_3557, %swap3A_3558] {strides = array<i32>} : memref<8x128xf32, #tpu.memory_space<vmem>>, vector<1x16xf32>,
    %swap3A_3560 = vector.shape_cast %swap3A_3559 : vector<1x16xf32> to vector<16xf32>
    %swap3A_3561 = vector.shape_cast %mul3A_3555 : vector<16xf32> to vector<1x16xf32>
    tpu.vector_store %arg8[%swap3A_3557, %swap3A_3558], %swap3A_3561 {strides = array<i32>} : memref<8x128xf32, #tpu.memory_space<vmem>>, vector<1x16xf32>,
    %dma_wait3A_3562 = arith.constant 6 : i32
    %dma_wait3A_3563 = arith.constant 6 : i32
    %dma_wait3A_3564 = arith.constant 0 : i32
    %dma_wait3A_3565 = tpu.memref_slice %arg8[%dma_wait3A_3563, %dma_wait3A_3564] : memref<8x128xf32, #tpu.memory_space<vmem>> -> memref<1x128xf32, #tpu.memory_space<vmem>>
    %dma_wait3A_3566 = tpu.memref_squeeze %dma_wait3A_3565 : memref<1x128xf32, #tpu.memory_space<vmem>> -> memref<128xf32, #tpu.memory_space<vmem>>
    %dma_wait3A_3567 = arith.constant 0 : i32
    %dma_wait3A_3568 = tpu.memref_slice %arg7[%dma_wait3A_3562, %dma_wait3A_3567] : memref<8x128xi32, #tpu.memory_space<vmem>> -> memref<1x128xi32, #tpu.memory_space<vmem>>
    %dma_wait3A_3569 = tpu.memref_squeeze %dma_wait3A_3568 : memref<1x128xi32, #tpu.memory_space<vmem>> -> memref<128xi32, #tpu.memory_space<vmem>>
    %dma_wait3A_3570 = arith.constant 0 : i32
    %dma_wait3A_3571 = tpu.memref_slice %arg3[%dma_wait3A_3570] : memref<2097152xf32, #tpu.memory_space<hbm>> -> memref<2097152xf32, #tpu.memory_space<hbm>>
    tpu.wait_indirect_dma semaphore(%arg23 : memref<!tpu.dma_semaphore, #tpu.memory_space<semaphore_mem>>) src(%dma_wait3A_3571 : memref<2097152xf32, #tpu.memory_space<hbm>>) dst(%dma_wait3A_3566 : memref<128xf32, #tpu.memory_space<vmem>>)
    %get3A_3572 = arith.constant 6 : i32
    %get3A_3573 = arith.index_cast %get3A_3572 : i32 to index
    %get3A_3574 = arith.constant 0 : index
    %get3A_3575 = tpu.vector_load %arg8[%get3A_3573, %get3A_3574] {strides = array<i32>} : memref<8x128xf32, #tpu.memory_space<vmem>>, vector<1x16xf32>,
    %get3A_3576 = vector.shape_cast %get3A_3575 : vector<1x16xf32> to vector<16xf32>
    %mul3A_3577 = arith.mulf %get3A_3576, %broadcast_in_dim3A_2925 : vector<16xf32>
    %swap3A_3578 = arith.constant 6 : i32
    %swap3A_3579 = arith.index_cast %swap3A_3578 : i32 to index
    %swap3A_3580 = arith.constant 0 : index
    %swap3A_3581 = tpu.vector_load %arg8[%swap3A_3579, %swap3A_3580] {strides = array<i32>} : memref<8x128xf32, #tpu.memory_space<vmem>>, vector<1x16xf32>,
    %swap3A_3582 = vector.shape_cast %swap3A_3581 : vector<1x16xf32> to vector<16xf32>
    %swap3A_3583 = vector.shape_cast %mul3A_3577 : vector<16xf32> to vector<1x16xf32>
    tpu.vector_store %arg8[%swap3A_3579, %swap3A_3580], %swap3A_3583 {strides = array<i32>} : memref<8x128xf32, #tpu.memory_space<vmem>>, vector<1x16xf32>,
    %get3A_3584 = arith.constant 6 : i32
    %get3A_3585 = arith.index_cast %get3A_3584 : i32 to index
    %get3A_3586 = arith.constant 16 : index
    %get3A_3587 = tpu.vector_load %arg8[%get3A_3585, %get3A_3586] {strides = array<i32>} : memref<8x128xf32, #tpu.memory_space<vmem>>, vector<1x16xf32>,
    %get3A_3588 = vector.shape_cast %get3A_3587 : vector<1x16xf32> to vector<16xf32>
    %mul3A_3589 = arith.mulf %get3A_3588, %broadcast_in_dim3A_2925 : vector<16xf32>
    %swap3A_3590 = arith.constant 6 : i32
    %swap3A_3591 = arith.index_cast %swap3A_3590 : i32 to index
    %swap3A_3592 = arith.constant 16 : index
    %swap3A_3593 = tpu.vector_load %arg8[%swap3A_3591, %swap3A_3592] {strides = array<i32>} : memref<8x128xf32, #tpu.memory_space<vmem>>, vector<1x16xf32>,
    %swap3A_3594 = vector.shape_cast %swap3A_3593 : vector<1x16xf32> to vector<16xf32>
    %swap3A_3595 = vector.shape_cast %mul3A_3589 : vector<16xf32> to vector<1x16xf32>
    tpu.vector_store %arg8[%swap3A_3591, %swap3A_3592], %swap3A_3595 {strides = array<i32>} : memref<8x128xf32, #tpu.memory_space<vmem>>, vector<1x16xf32>,
    %get3A_3596 = arith.constant 6 : i32
    %get3A_3597 = arith.index_cast %get3A_3596 : i32 to index
    %get3A_3598 = arith.constant 32 : index
    %get3A_3599 = tpu.vector_load %arg8[%get3A_3597, %get3A_3598] {strides = array<i32>} : memref<8x128xf32, #tpu.memory_space<vmem>>, vector<1x16xf32>,
    %get3A_3600 = vector.shape_cast %get3A_3599 : vector<1x16xf32> to vector<16xf32>
    %mul3A_3601 = arith.mulf %get3A_3600, %broadcast_in_dim3A_2925 : vector<16xf32>
    %swap3A_3602 = arith.constant 6 : i32
    %swap3A_3603 = arith.index_cast %swap3A_3602 : i32 to index
    %swap3A_3604 = arith.constant 32 : index
    %swap3A_3605 = tpu.vector_load %arg8[%swap3A_3603, %swap3A_3604] {strides = array<i32>} : memref<8x128xf32, #tpu.memory_space<vmem>>, vector<1x16xf32>,
    %swap3A_3606 = vector.shape_cast %swap3A_3605 : vector<1x16xf32> to vector<16xf32>
    %swap3A_3607 = vector.shape_cast %mul3A_3601 : vector<16xf32> to vector<1x16xf32>
    tpu.vector_store %arg8[%swap3A_3603, %swap3A_3604], %swap3A_3607 {strides = array<i32>} : memref<8x128xf32, #tpu.memory_space<vmem>>, vector<1x16xf32>,
    %get3A_3608 = arith.constant 6 : i32
    %get3A_3609 = arith.index_cast %get3A_3608 : i32 to index
    %get3A_3610 = arith.constant 48 : index
    %get3A_3611 = tpu.vector_load %arg8[%get3A_3609, %get3A_3610] {strides = array<i32>} : memref<8x128xf32, #tpu.memory_space<vmem>>, vector<1x16xf32>,
    %get3A_3612 = vector.shape_cast %get3A_3611 : vector<1x16xf32> to vector<16xf32>
    %mul3A_3613 = arith.mulf %get3A_3612, %broadcast_in_dim3A_2925 : vector<16xf32>
    %swap3A_3614 = arith.constant 6 : i32
    %swap3A_3615 = arith.index_cast %swap3A_3614 : i32 to index
    %swap3A_3616 = arith.constant 48 : index
    %swap3A_3617 = tpu.vector_load %arg8[%swap3A_3615, %swap3A_3616] {strides = array<i32>} : memref<8x128xf32, #tpu.memory_space<vmem>>, vector<1x16xf32>,
    %swap3A_3618 = vector.shape_cast %swap3A_3617 : vector<1x16xf32> to vector<16xf32>
    %swap3A_3619 = vector.shape_cast %mul3A_3613 : vector<16xf32> to vector<1x16xf32>
    tpu.vector_store %arg8[%swap3A_3615, %swap3A_3616], %swap3A_3619 {strides = array<i32>} : memref<8x128xf32, #tpu.memory_space<vmem>>, vector<1x16xf32>,
    %get3A_3620 = arith.constant 6 : i32
    %get3A_3621 = arith.index_cast %get3A_3620 : i32 to index
    %get3A_3622 = arith.constant 64 : index
    %get3A_3623 = tpu.vector_load %arg8[%get3A_3621, %get3A_3622] {strides = array<i32>} : memref<8x128xf32, #tpu.memory_space<vmem>>, vector<1x16xf32>,
    %get3A_3624 = vector.shape_cast %get3A_3623 : vector<1x16xf32> to vector<16xf32>
    %mul3A_3625 = arith.mulf %get3A_3624, %broadcast_in_dim3A_2925 : vector<16xf32>
    %swap3A_3626 = arith.constant 6 : i32
    %swap3A_3627 = arith.index_cast %swap3A_3626 : i32 to index
    %swap3A_3628 = arith.constant 64 : index
    %swap3A_3629 = tpu.vector_load %arg8[%swap3A_3627, %swap3A_3628] {strides = array<i32>} : memref<8x128xf32, #tpu.memory_space<vmem>>, vector<1x16xf32>,
    %swap3A_3630 = vector.shape_cast %swap3A_3629 : vector<1x16xf32> to vector<16xf32>
    %swap3A_3631 = vector.shape_cast %mul3A_3625 : vector<16xf32> to vector<1x16xf32>
    tpu.vector_store %arg8[%swap3A_3627, %swap3A_3628], %swap3A_3631 {strides = array<i32>} : memref<8x128xf32, #tpu.memory_space<vmem>>, vector<1x16xf32>,
    %get3A_3632 = arith.constant 6 : i32
    %get3A_3633 = arith.index_cast %get3A_3632 : i32 to index
    %get3A_3634 = arith.constant 80 : index
    %get3A_3635 = tpu.vector_load %arg8[%get3A_3633, %get3A_3634] {strides = array<i32>} : memref<8x128xf32, #tpu.memory_space<vmem>>, vector<1x16xf32>,
    %get3A_3636 = vector.shape_cast %get3A_3635 : vector<1x16xf32> to vector<16xf32>
    %mul3A_3637 = arith.mulf %get3A_3636, %broadcast_in_dim3A_2925 : vector<16xf32>
    %swap3A_3638 = arith.constant 6 : i32
    %swap3A_3639 = arith.index_cast %swap3A_3638 : i32 to index
    %swap3A_3640 = arith.constant 80 : index
    %swap3A_3641 = tpu.vector_load %arg8[%swap3A_3639, %swap3A_3640] {strides = array<i32>} : memref<8x128xf32, #tpu.memory_space<vmem>>, vector<1x16xf32>,
    %swap3A_3642 = vector.shape_cast %swap3A_3641 : vector<1x16xf32> to vector<16xf32>
    %swap3A_3643 = vector.shape_cast %mul3A_3637 : vector<16xf32> to vector<1x16xf32>
    tpu.vector_store %arg8[%swap3A_3639, %swap3A_3640], %swap3A_3643 {strides = array<i32>} : memref<8x128xf32, #tpu.memory_space<vmem>>, vector<1x16xf32>,
    %get3A_3644 = arith.constant 6 : i32
    %get3A_3645 = arith.index_cast %get3A_3644 : i32 to index
    %get3A_3646 = arith.constant 96 : index
    %get3A_3647 = tpu.vector_load %arg8[%get3A_3645, %get3A_3646] {strides = array<i32>} : memref<8x128xf32, #tpu.memory_space<vmem>>, vector<1x16xf32>,
    %get3A_3648 = vector.shape_cast %get3A_3647 : vector<1x16xf32> to vector<16xf32>
    %mul3A_3649 = arith.mulf %get3A_3648, %broadcast_in_dim3A_2925 : vector<16xf32>
    %swap3A_3650 = arith.constant 6 : i32
    %swap3A_3651 = arith.index_cast %swap3A_3650 : i32 to index
    %swap3A_3652 = arith.constant 96 : index
    %swap3A_3653 = tpu.vector_load %arg8[%swap3A_3651, %swap3A_3652] {strides = array<i32>} : memref<8x128xf32, #tpu.memory_space<vmem>>, vector<1x16xf32>,
    %swap3A_3654 = vector.shape_cast %swap3A_3653 : vector<1x16xf32> to vector<16xf32>
    %swap3A_3655 = vector.shape_cast %mul3A_3649 : vector<16xf32> to vector<1x16xf32>
    tpu.vector_store %arg8[%swap3A_3651, %swap3A_3652], %swap3A_3655 {strides = array<i32>} : memref<8x128xf32, #tpu.memory_space<vmem>>, vector<1x16xf32>,
    %get3A_3656 = arith.constant 6 : i32
    %get3A_3657 = arith.index_cast %get3A_3656 : i32 to index
    %get3A_3658 = arith.constant 112 : index
    %get3A_3659 = tpu.vector_load %arg8[%get3A_3657, %get3A_3658] {strides = array<i32>} : memref<8x128xf32, #tpu.memory_space<vmem>>, vector<1x16xf32>,
    %get3A_3660 = vector.shape_cast %get3A_3659 : vector<1x16xf32> to vector<16xf32>
    %mul3A_3661 = arith.mulf %get3A_3660, %broadcast_in_dim3A_2925 : vector<16xf32>
    %swap3A_3662 = arith.constant 6 : i32
    %swap3A_3663 = arith.index_cast %swap3A_3662 : i32 to index
    %swap3A_3664 = arith.constant 112 : index
    %swap3A_3665 = tpu.vector_load %arg8[%swap3A_3663, %swap3A_3664] {strides = array<i32>} : memref<8x128xf32, #tpu.memory_space<vmem>>, vector<1x16xf32>,
    %swap3A_3666 = vector.shape_cast %swap3A_3665 : vector<1x16xf32> to vector<16xf32>
    %swap3A_3667 = vector.shape_cast %mul3A_3661 : vector<16xf32> to vector<1x16xf32>
    tpu.vector_store %arg8[%swap3A_3663, %swap3A_3664], %swap3A_3667 {strides = array<i32>} : memref<8x128xf32, #tpu.memory_space<vmem>>, vector<1x16xf32>,
    %dma_wait3A_3668 = arith.constant 7 : i32
    %dma_wait3A_3669 = arith.constant 7 : i32
    %dma_wait3A_3670 = arith.constant 0 : i32
    %dma_wait3A_3671 = tpu.memref_slice %arg8[%dma_wait3A_3669, %dma_wait3A_3670] : memref<8x128xf32, #tpu.memory_space<vmem>> -> memref<1x128xf32, #tpu.memory_space<vmem>>
    %dma_wait3A_3672 = tpu.memref_squeeze %dma_wait3A_3671 : memref<1x128xf32, #tpu.memory_space<vmem>> -> memref<128xf32, #tpu.memory_space<vmem>>
    %dma_wait3A_3673 = arith.constant 0 : i32
    %dma_wait3A_3674 = tpu.memref_slice %arg7[%dma_wait3A_3668, %dma_wait3A_3673] : memref<8x128xi32, #tpu.memory_space<vmem>> -> memref<1x128xi32, #tpu.memory_space<vmem>>
    %dma_wait3A_3675 = tpu.memref_squeeze %dma_wait3A_3674 : memref<1x128xi32, #tpu.memory_space<vmem>> -> memref<128xi32, #tpu.memory_space<vmem>>
    %dma_wait3A_3676 = arith.constant 0 : i32
    %dma_wait3A_3677 = tpu.memref_slice %arg3[%dma_wait3A_3676] : memref<2097152xf32, #tpu.memory_space<hbm>> -> memref<2097152xf32, #tpu.memory_space<hbm>>
    tpu.wait_indirect_dma semaphore(%arg24 : memref<!tpu.dma_semaphore, #tpu.memory_space<semaphore_mem>>) src(%dma_wait3A_3677 : memref<2097152xf32, #tpu.memory_space<hbm>>) dst(%dma_wait3A_3672 : memref<128xf32, #tpu.memory_space<vmem>>)
    %get3A_3678 = arith.constant 7 : i32
    %get3A_3679 = arith.index_cast %get3A_3678 : i32 to index
    %get3A_3680 = arith.constant 0 : index
    %get3A_3681 = tpu.vector_load %arg8[%get3A_3679, %get3A_3680] {strides = array<i32>} : memref<8x128xf32, #tpu.memory_space<vmem>>, vector<1x16xf32>,
    %get3A_3682 = vector.shape_cast %get3A_3681 : vector<1x16xf32> to vector<16xf32>
    %mul3A_3683 = arith.mulf %get3A_3682, %broadcast_in_dim3A_2925 : vector<16xf32>
    %swap3A_3684 = arith.constant 7 : i32
    %swap3A_3685 = arith.index_cast %swap3A_3684 : i32 to index
    %swap3A_3686 = arith.constant 0 : index
    %swap3A_3687 = tpu.vector_load %arg8[%swap3A_3685, %swap3A_3686] {strides = array<i32>} : memref<8x128xf32, #tpu.memory_space<vmem>>, vector<1x16xf32>,
    %swap3A_3688 = vector.shape_cast %swap3A_3687 : vector<1x16xf32> to vector<16xf32>
    %swap3A_3689 = vector.shape_cast %mul3A_3683 : vector<16xf32> to vector<1x16xf32>
    tpu.vector_store %arg8[%swap3A_3685, %swap3A_3686], %swap3A_3689 {strides = array<i32>} : memref<8x128xf32, #tpu.memory_space<vmem>>, vector<1x16xf32>,
    %get3A_3690 = arith.constant 7 : i32
    %get3A_3691 = arith.index_cast %get3A_3690 : i32 to index
    %get3A_3692 = arith.constant 16 : index
    %get3A_3693 = tpu.vector_load %arg8[%get3A_3691, %get3A_3692] {strides = array<i32>} : memref<8x128xf32, #tpu.memory_space<vmem>>, vector<1x16xf32>,
    %get3A_3694 = vector.shape_cast %get3A_3693 : vector<1x16xf32> to vector<16xf32>
    %mul3A_3695 = arith.mulf %get3A_3694, %broadcast_in_dim3A_2925 : vector<16xf32>
    %swap3A_3696 = arith.constant 7 : i32
    %swap3A_3697 = arith.index_cast %swap3A_3696 : i32 to index
    %swap3A_3698 = arith.constant 16 : index
    %swap3A_3699 = tpu.vector_load %arg8[%swap3A_3697, %swap3A_3698] {strides = array<i32>} : memref<8x128xf32, #tpu.memory_space<vmem>>, vector<1x16xf32>,
    %swap3A_3700 = vector.shape_cast %swap3A_3699 : vector<1x16xf32> to vector<16xf32>
    %swap3A_3701 = vector.shape_cast %mul3A_3695 : vector<16xf32> to vector<1x16xf32>
    tpu.vector_store %arg8[%swap3A_3697, %swap3A_3698], %swap3A_3701 {strides = array<i32>} : memref<8x128xf32, #tpu.memory_space<vmem>>, vector<1x16xf32>,
    %get3A_3702 = arith.constant 7 : i32
    %get3A_3703 = arith.index_cast %get3A_3702 : i32 to index
    %get3A_3704 = arith.constant 32 : index
    %get3A_3705 = tpu.vector_load %arg8[%get3A_3703, %get3A_3704] {strides = array<i32>} : memref<8x128xf32, #tpu.memory_space<vmem>>, vector<1x16xf32>,
    %get3A_3706 = vector.shape_cast %get3A_3705 : vector<1x16xf32> to vector<16xf32>
    %mul3A_3707 = arith.mulf %get3A_3706, %broadcast_in_dim3A_2925 : vector<16xf32>
    %swap3A_3708 = arith.constant 7 : i32
    %swap3A_3709 = arith.index_cast %swap3A_3708 : i32 to index
    %swap3A_3710 = arith.constant 32 : index
    %swap3A_3711 = tpu.vector_load %arg8[%swap3A_3709, %swap3A_3710] {strides = array<i32>} : memref<8x128xf32, #tpu.memory_space<vmem>>, vector<1x16xf32>,
    %swap3A_3712 = vector.shape_cast %swap3A_3711 : vector<1x16xf32> to vector<16xf32>
    %swap3A_3713 = vector.shape_cast %mul3A_3707 : vector<16xf32> to vector<1x16xf32>
    tpu.vector_store %arg8[%swap3A_3709, %swap3A_3710], %swap3A_3713 {strides = array<i32>} : memref<8x128xf32, #tpu.memory_space<vmem>>, vector<1x16xf32>,
    %get3A_3714 = arith.constant 7 : i32
    %get3A_3715 = arith.index_cast %get3A_3714 : i32 to index
    %get3A_3716 = arith.constant 48 : index
    %get3A_3717 = tpu.vector_load %arg8[%get3A_3715, %get3A_3716] {strides = array<i32>} : memref<8x128xf32, #tpu.memory_space<vmem>>, vector<1x16xf32>,
    %get3A_3718 = vector.shape_cast %get3A_3717 : vector<1x16xf32> to vector<16xf32>
    %mul3A_3719 = arith.mulf %get3A_3718, %broadcast_in_dim3A_2925 : vector<16xf32>
    %swap3A_3720 = arith.constant 7 : i32
    %swap3A_3721 = arith.index_cast %swap3A_3720 : i32 to index
    %swap3A_3722 = arith.constant 48 : index
    %swap3A_3723 = tpu.vector_load %arg8[%swap3A_3721, %swap3A_3722] {strides = array<i32>} : memref<8x128xf32, #tpu.memory_space<vmem>>, vector<1x16xf32>,
    %swap3A_3724 = vector.shape_cast %swap3A_3723 : vector<1x16xf32> to vector<16xf32>
    %swap3A_3725 = vector.shape_cast %mul3A_3719 : vector<16xf32> to vector<1x16xf32>
    tpu.vector_store %arg8[%swap3A_3721, %swap3A_3722], %swap3A_3725 {strides = array<i32>} : memref<8x128xf32, #tpu.memory_space<vmem>>, vector<1x16xf32>,
    %get3A_3726 = arith.constant 7 : i32
    %get3A_3727 = arith.index_cast %get3A_3726 : i32 to index
    %get3A_3728 = arith.constant 64 : index
    %get3A_3729 = tpu.vector_load %arg8[%get3A_3727, %get3A_3728] {strides = array<i32>} : memref<8x128xf32, #tpu.memory_space<vmem>>, vector<1x16xf32>,
    %get3A_3730 = vector.shape_cast %get3A_3729 : vector<1x16xf32> to vector<16xf32>
    %mul3A_3731 = arith.mulf %get3A_3730, %broadcast_in_dim3A_2925 : vector<16xf32>
    %swap3A_3732 = arith.constant 7 : i32
    %swap3A_3733 = arith.index_cast %swap3A_3732 : i32 to index
    %swap3A_3734 = arith.constant 64 : index
    %swap3A_3735 = tpu.vector_load %arg8[%swap3A_3733, %swap3A_3734] {strides = array<i32>} : memref<8x128xf32, #tpu.memory_space<vmem>>, vector<1x16xf32>,
    %swap3A_3736 = vector.shape_cast %swap3A_3735 : vector<1x16xf32> to vector<16xf32>
    %swap3A_3737 = vector.shape_cast %mul3A_3731 : vector<16xf32> to vector<1x16xf32>
    tpu.vector_store %arg8[%swap3A_3733, %swap3A_3734], %swap3A_3737 {strides = array<i32>} : memref<8x128xf32, #tpu.memory_space<vmem>>, vector<1x16xf32>,
    %get3A_3738 = arith.constant 7 : i32
    %get3A_3739 = arith.index_cast %get3A_3738 : i32 to index
    %get3A_3740 = arith.constant 80 : index
    %get3A_3741 = tpu.vector_load %arg8[%get3A_3739, %get3A_3740] {strides = array<i32>} : memref<8x128xf32, #tpu.memory_space<vmem>>, vector<1x16xf32>,
    %get3A_3742 = vector.shape_cast %get3A_3741 : vector<1x16xf32> to vector<16xf32>
    %mul3A_3743 = arith.mulf %get3A_3742, %broadcast_in_dim3A_2925 : vector<16xf32>
    %swap3A_3744 = arith.constant 7 : i32
    %swap3A_3745 = arith.index_cast %swap3A_3744 : i32 to index
    %swap3A_3746 = arith.constant 80 : index
    %swap3A_3747 = tpu.vector_load %arg8[%swap3A_3745, %swap3A_3746] {strides = array<i32>} : memref<8x128xf32, #tpu.memory_space<vmem>>, vector<1x16xf32>,
    %swap3A_3748 = vector.shape_cast %swap3A_3747 : vector<1x16xf32> to vector<16xf32>
    %swap3A_3749 = vector.shape_cast %mul3A_3743 : vector<16xf32> to vector<1x16xf32>
    tpu.vector_store %arg8[%swap3A_3745, %swap3A_3746], %swap3A_3749 {strides = array<i32>} : memref<8x128xf32, #tpu.memory_space<vmem>>, vector<1x16xf32>,
    %get3A_3750 = arith.constant 7 : i32
    %get3A_3751 = arith.index_cast %get3A_3750 : i32 to index
    %get3A_3752 = arith.constant 96 : index
    %get3A_3753 = tpu.vector_load %arg8[%get3A_3751, %get3A_3752] {strides = array<i32>} : memref<8x128xf32, #tpu.memory_space<vmem>>, vector<1x16xf32>,
    %get3A_3754 = vector.shape_cast %get3A_3753 : vector<1x16xf32> to vector<16xf32>
    %mul3A_3755 = arith.mulf %get3A_3754, %broadcast_in_dim3A_2925 : vector<16xf32>
    %swap3A_3756 = arith.constant 7 : i32
    %swap3A_3757 = arith.index_cast %swap3A_3756 : i32 to index
    %swap3A_3758 = arith.constant 96 : index
    %swap3A_3759 = tpu.vector_load %arg8[%swap3A_3757, %swap3A_3758] {strides = array<i32>} : memref<8x128xf32, #tpu.memory_space<vmem>>, vector<1x16xf32>,
    %swap3A_3760 = vector.shape_cast %swap3A_3759 : vector<1x16xf32> to vector<16xf32>
    %swap3A_3761 = vector.shape_cast %mul3A_3755 : vector<16xf32> to vector<1x16xf32>
    tpu.vector_store %arg8[%swap3A_3757, %swap3A_3758], %swap3A_3761 {strides = array<i32>} : memref<8x128xf32, #tpu.memory_space<vmem>>, vector<1x16xf32>,
    %get3A_3762 = arith.constant 7 : i32
    %get3A_3763 = arith.index_cast %get3A_3762 : i32 to index
    %get3A_3764 = arith.constant 112 : index
    %get3A_3765 = tpu.vector_load %arg8[%get3A_3763, %get3A_3764] {strides = array<i32>} : memref<8x128xf32, #tpu.memory_space<vmem>>, vector<1x16xf32>,
    %get3A_3766 = vector.shape_cast %get3A_3765 : vector<1x16xf32> to vector<16xf32>
    %mul3A_3767 = arith.mulf %get3A_3766, %broadcast_in_dim3A_2925 : vector<16xf32>
    %swap3A_3768 = arith.constant 7 : i32
    %swap3A_3769 = arith.index_cast %swap3A_3768 : i32 to index
    %swap3A_3770 = arith.constant 112 : index
    %swap3A_3771 = tpu.vector_load %arg8[%swap3A_3769, %swap3A_3770] {strides = array<i32>} : memref<8x128xf32, #tpu.memory_space<vmem>>, vector<1x16xf32>,
    %swap3A_3772 = vector.shape_cast %swap3A_3771 : vector<1x16xf32> to vector<16xf32>
    %swap3A_3773 = vector.shape_cast %mul3A_3767 : vector<16xf32> to vector<1x16xf32>
    tpu.vector_store %arg8[%swap3A_3769, %swap3A_3770], %swap3A_3773 {strides = array<i32>} : memref<8x128xf32, #tpu.memory_space<vmem>>, vector<1x16xf32>,
    %mul3A_3774 = arith.constant 8 : i32
    %mul3A_3775 = arith.muli %add3A, %mul3A_3774 : i32
    "tpu.region"() ({
      %run_scoped3A = tpu.sem_alloc : memref<!tpu.dma_semaphore, #tpu.memory_space<semaphore_mem>>
      %dma_start3A_3776 = arith.constant 0 : i32
      %dma_start3A_3777 = tpu.memref_slice %arg4[%mul3A_3775, %dma_start3A_3776] : memref<128x128xf32, #tpu.memory_space<hbm>> -> memref<8x128xf32, #tpu.memory_space<hbm>>
      %dma_start3A_3778 = arith.constant 0 : i32
      %dma_start3A_3779 = tpu.memref_slice %arg4[%mul3A_3775, %dma_start3A_3778] : memref<128x128xf32, #tpu.memory_space<hbm>> -> memref<8x128xf32, #tpu.memory_space<hbm>>
      tpu.enqueue_dma source(%arg8 : memref<8x128xf32, #tpu.memory_space<vmem>>) target(%dma_start3A_3779 : memref<8x128xf32, #tpu.memory_space<hbm>>) target_semaphore(%run_scoped3A : memref<!tpu.dma_semaphore, #tpu.memory_space<semaphore_mem>>)
      %dma_wait3A_3780 = arith.constant 0 : i32
      %dma_wait3A_3781 = tpu.memref_slice %arg4[%mul3A_3775, %dma_wait3A_3780] : memref<128x128xf32, #tpu.memory_space<hbm>> -> memref<8x128xf32, #tpu.memory_space<hbm>>
      %dma_wait3A_3782 = arith.constant 0 : i32
      %dma_wait3A_3783 = tpu.memref_slice %arg4[%mul3A_3775, %dma_wait3A_3782] : memref<128x128xf32, #tpu.memory_space<hbm>> -> memref<8x128xf32, #tpu.memory_space<hbm>>
      tpu.wait_dma2 semaphore(%run_scoped3A : memref<!tpu.dma_semaphore, #tpu.memory_space<semaphore_mem>>) src(%arg8 : memref<8x128xf32, #tpu.memory_space<vmem>>) dst(%dma_wait3A_3783 : memref<8x128xf32, #tpu.memory_space<hbm>>)
      tpu.yield
    }) : () -> ()
    return
  }
}

</mosaic_0001>

<sc_bundles>
// kernel: kernel.3.cloned.1.call-start
scs
__scs_entry_jumppad:
0x0: {  	(pc) =	sbr.rel $0x88, $3  }
0x1: {  	(tag) =	ssettag $0x0;
	lr =	simm.s32 $0x1  }
0x2: {  	[smem:$0x3F9F] =	sst lr;
	_ =	strace $0xD0000000  }
0x3: {  	_ = 	snop  }
0x4: {  	_ = 	snop  }
0x5: {  	_ = 	snop  }
0x6: {  	_ = 	snop  }
0x7: {  	_ = 	snop  }
__scs_overlays_trampoline_lowered:
0x8: {  	[smem:$0x3FAE] =	sst s0  }
0x9: {  	[smem:$0x3FAF] =	sst s1  }
0xa: {  	[smem:$0x3FB0] =	sst s2  }
0xb: {  	[smem:$0x3FB1] =	sst s3  }
0xc: {  	[smem:$0x3FB2] =	sst s4  }
0xd: {  	[smem:$0x3FB3] =	sst s5  }
0xe: {  	[smem:$0x3FB4] =	sst s6  }
0xf: {  	[smem:$0x3FB5] =	sst s7  }
0x10: {  	[smem:$0x3FB6] =	sst s8  }
0x11: {  	[smem:$0x3FB7] =	sst s9;
	s0 =	simm.s32 @!p0 $0x0  }
0x12: {  	s1 =	sld [smem:$0x3F9D];
	s0 =	simm.s32 @p0 $0x1  }
0x13: {  	[smem:$0x3FB8] =	sst s0;
	s0 =	simm.s32 @!p1 $0x0  }
0x14: {  	s2 =	sld [smem:$0x3F9C];
	s0 =	simm.s32 @p1 $0x1  }
0x15: {  	[smem:$0x3FB9] =	sst s0;
	s0 =	simm.s32 @!p2 $0x0  }
0x16: {  	s3 =	sld [smem:$0x3FDB];
	s0 =	simm.s32 @p2 $0x1  }
0x17: {  	s4 =	simm.s32 $0x1BF5;
	[smem:$0x3FBB] =	sst s0  }
0x18: {  	s0 =	sld [smem:$0x3F9E];
	_ =	swait.ge [sflag:s4], $0x0  }
0x19: {  	s7 =	sld [smem:$0x3F9F]  }
0x1a: {  	s8 =	sadd.s32 $0xFFFFE003, lr  }
0x1b: {  	s9 =	sadd.s32 $0xFFFFFEF7, lr;
	s5 =	simm.s32 $0xFFFFFFFF;
	p2 =	slt.u32 s8, $0xFFFFF086  }
0x1c: {  	p1 =	slt.u32 s9, $0xF7A;
	s5 =	simm.s32 @!p2 $0x0  }
0x1d: {  	s5 =	simm.s32 @p1 $0x1;
	p0 =	seq.s32 s7, s2  }
0x1e: {  	s7 =	smul.u32 @!p0 $0xF7A, s2;
	p2 =	seq.s32 @!p0 s5, $0x0  }
0x1f: {  	s9 =	smul.u32 $0xF7A, s1;
	s8 =	simm.s32 @!p0 $0x1BF5;
	p2 =	por !p2, p0  }
0x20: {  	[sflag:s8] =	ssyncset.s32 @!p0 $0xFFFFF086;
	s6 =	sadd.s32 @!p0 s3, s7;
	s7 =	simm.s32 @!p0 $0x108  }
0x21: {  	s3 =	sadd.s32 s3, s9;
	s6 =	sadd.s32 @!p0 $0x88, s6;
	s7 =	simm.s32 @p2 $0x1082  }
0x22: {  	[simem:s7], [sflag:s8] =	dma.local @!p0 [hbm:s6], $0xF7A  }
0x23: {  	s9 =	sor.u32 $0xD0000000, s2;
	s6 =	simm.s32 $0x108;
	_ =	swait.ge @!p0 [sflag:s8], $0x0  }
0x24: {  	s3 =	sadd.s32 $0x88, s3;
	s6 =	simm.s32 @!p1 $0x1082;
	[sflag:s4] =	ssyncset.s32 $0xFFFFF086  }
0x25: {  	[simem:s6], [sflag:s4] =	dma.local [hbm:s3], $0xF7A  }
0x26: {  	[smem:$0x3F9F] =	sst s1;
	(tag) =	ssettag s2;
	_ =	strace s9  }
0x27: {  	s1 =	sld [smem:$0x3FAF]  }
0x28: {  	s2 =	sld [smem:$0x3FB0]  }
0x29: {  	s4 =	sld [smem:$0x3FB2]  }
0x2a: {  	p0 =	seq.s32 s5, $0x0;
	s5 =	sld [smem:$0x3FB3]  }
0x2b: {  	s6 =	sld [smem:$0x3FB4]  }
0x2c: {  	s7 =	sld [smem:$0x3FB5]  }
0x2d: {  	s3 =	simm.s32 $0x108;
	s8 =	sld [smem:$0x3FB6]  }
0x2e: {  	s3 =	simm.s32 @!p0 $0x1082;
	s9 =	sld [smem:$0x3FB7]  }
0x2f: {  	lr =	sadd.s32 s0, s3;
	s0 =	sld [smem:$0x3FAE]  }
0x30: {  	s3 =	sld [smem:$0x3FB1]  }
0x31: {  	[smem:$0x3FBA] =	sst s10  }
0x32: {  	s10 =	sld [smem:$0x3FB8];
	_ =	sdelay $0x3  }
0x33: {  	p0 =	seq.s32 s10, $0x1;
	s10 =	sld [smem:$0x3FBA];
	_ =	sdelay $0x3  }
0x34: {  	[smem:$0x3FBA] =	sst s10  }
0x35: {  	s10 =	sld [smem:$0x3FB9];
	_ =	sdelay $0x3  }
0x36: {  	p1 =	seq.s32 s10, $0x1;
	s10 =	sld [smem:$0x3FBA];
	_ =	sdelay $0x3  }
0x37: {  	[smem:$0x3FBA] =	sst s10  }
0x38: {  	s10 =	sld [smem:$0x3FBB]  }
0x39: {  	_ = 	snop;
	(pc) =	sbr.ind lr, $3  }
0x3a: {  	_ = 	snop  }
0x3b: {  	_ = 	snop  }
0x3c: {  	p2 =	seq.s32 s10, $0x1;
	s10 =	sld [smem:$0x3FBA]  }
0x3d: {  	_ =	shalt  }
0x3e: {  	_ =	shalt  }
0x3f: {  	_ =	shalt  }
0x40: {  	_ =	shalt  }
0x41: {  	_ =	shalt  }
0x42: {  	_ =	shalt  }
0x43: {  	_ =	shalt  }
0x44: {  	_ =	shalt  }
0x45: {  	_ =	shalt  }
0x46: {  	_ =	shalt  }
0x47: {  	_ =	shalt  }
0x48: {  	_ =	shalt  }
0x49: {  	_ =	shalt  }
0x4a: {  	_ =	shalt  }
0x4b: {  	_ =	shalt  }
0x4c: {  	_ =	shalt  }
0x4d: {  	_ =	shalt  }
0x4e: {  	_ =	shalt  }
0x4f: {  	_ =	shalt  }
0x50: {  	_ =	shalt  }
0x51: {  	_ =	shalt  }
0x52: {  	_ =	shalt  }
0x53: {  	_ =	shalt  }
0x54: {  	_ =	shalt  }
0x55: {  	_ =	shalt  }
0x56: {  	_ =	shalt  }
0x57: {  	_ =	shalt  }
0x58: {  	_ =	shalt  }
0x59: {  	_ =	shalt  }
0x5a: {  	_ =	shalt  }
0x5b: {  	_ =	shalt  }
0x5c: {  	_ =	shalt  }
0x5d: {  	_ =	shalt  }
0x5e: {  	_ =	shalt  }
0x5f: {  	_ =	shalt  }
0x60: {  	_ =	shalt  }
0x61: {  	_ =	shalt  }
0x62: {  	_ =	shalt  }
0x63: {  	_ =	shalt  }
0x64: {  	_ =	shalt  }
0x65: {  	_ =	shalt  }
0x66: {  	_ =	shalt  }
0x67: {  	_ =	shalt  }
0x68: {  	_ =	shalt  }
0x69: {  	_ =	shalt  }
0x6a: {  	_ =	shalt  }
0x6b: {  	_ =	shalt  }
0x6c: {  	_ =	shalt  }
0x6d: {  	_ =	shalt  }
0x6e: {  	_ =	shalt  }
0x6f: {  	_ =	shalt  }
0x70: {  	_ =	shalt  }
0x71: {  	_ =	shalt  }
0x72: {  	_ =	shalt  }
0x73: {  	_ =	shalt  }
0x74: {  	_ =	shalt  }
0x75: {  	_ =	shalt  }
0x76: {  	_ =	shalt  }
0x77: {  	_ =	shalt  }
0x78: {  	_ =	shalt  }
0x79: {  	_ =	shalt  }
0x7a: {  	_ =	shalt  }
0x7b: {  	_ =	shalt  }
0x7c: {  	_ =	shalt  }
0x7d: {  	_ =	shalt  }
0x7e: {  	_ =	shalt  }
0x7f: {  	_ =	shalt  }
0x80: {  	_ =	shalt  }
0x81: {  	_ =	shalt  }
0x82: {  	_ =	shalt  }
0x83: {  	_ =	shalt  }
0x84: {  	_ =	shalt  }
0x85: {  	_ =	shalt  }
0x86: {  	_ =	shalt  }
0x87: {  	_ =	shalt  }
.Lfunc_end0:
.L_simem_size_0:
called_computation_lowered:
.L_overlay_start_0:
0x88: {  	s0 =	sld [smem:$0x3FD9]  }
0x89: {  	s1 =	sld [smem:$0x3FFE];
	_ =	sdelay $0x3  }
0x8a: {  	s0 =	sadd.s32 s1, s0  }
0x8b: {  	[smem:$0x3FC6] =	sst s0  }
0x8c: {  	_ = 	snop  }
0x8d: {  	s0 =	sld [smem:$0x3FC8]  }
0x8e: {  	s16 =	sld [smem:$0x3FD0];
	(tm) =	ssettm $0x1  }
0x8f: {  	s2 =	sld [smem:$0x3FFB];
	_ =	sdelay $0x3  }
0x90: {  	_ =	strace s2  }
0x91: {  	s2 =	sld [smem:$0x3FFC];
	_ =	sdelay $0x3  }
0x92: {  	_ =	strace s2  }
0x93: {  	s2 =	sld [smem:$0x3FFD];
	_ =	sdelay $0x3  }
0x94: {  	_ =	strace s2  }
0x95: {  	_ =	strace $0x8FFFFFFF  }
0x96: {  	s17 =	sld [smem:$0x3FDB];
	_ =	sdelay $0x1  }
0x97: {  	s3 =	simm.s32 $_scs_section_size  }
0x98: {  	s4 =	simm.s32 $_size__tile_overlayer_lowered;
	s5 =	simm.s32 $_tile_overlayer_lowered  }
0x99: {  	s20 =	simm.s32 $0x1BFF;
	s19 =	sshll.u32 s5, $0x1;
	s2 =	sadd.s32 s3, s17  }
0x9a: {  	s6 =	simm.s32 $0x0;
	s18 =	sshll.u32 s4, $0x1;
	s4 =	sadd.s32 s19, s2  }
0x9b: {  	[timem:s6], [sflag:s20] =	dma.local [hbm:s4], s18  }
0x9c: {  	_ =	swait.ge [sflag:s20], s18  }
0x9d: {  	s3 =	ssub.s32 $0x0, s18;
	[sflag:s20] =	ssyncset.done $0x0  }
0x9e: {  	[sflag:s20] =	ssyncadd.s32 s3;
	_ =	sdelay $0x1  }
0x9f: {  	s21 =	simm.s32 $0x1B8B  }
0xa0: {  	_ =	swait.ge [sflag:s21], $0x1  }
0xa1: {  	[sflag:s21] =	ssyncset.done $0x0  }
0xa2: {  	s23 =	simm.s32 $0x1B8E;
	s22 =	sld [smem:$0x3FFE];
	[sflag:s21] =	ssyncadd.s32 $0xFFFFFFFF  }
0xa3: {  	s24 =	simm.s32 $execute0_lowered;
	[smem:$0x3FD2] =	sst s23  }
0xa4: {  	s4 =	sshll.u32 s24, $0x1;
	_ =	strace $0x80000046;
	[dreg:$0x1] =	wrdreg $0xFFFFFFFF  }
0xa5: {  	s25 =	simm.s32 $_size_execute0_lowered;
	s2 =	sadd.s32 s2, s4;
	[dreg:$0x0] =	wrdreg $0x0  }
0xa6: {  	s4 =	sshll.u32 s25, $0x1;
	[dreg:$0x2] =	wrdreg s2  }
0xa7: {  	[dreg:$0x3] =	wrdreg s4  }
0xa8: {  	[dreg:$0x4] =	wrdreg $0xC0  }
0xa9: {  	_ =	task [dreg:s6], $0x5FFFF  }
0xaa: {  	[dreg:$0x1] =	wrdreg $0xFFFFFFFF  }
0xab: {  	[dreg:$0x0] =	wrdreg $0x60  }
0xac: {  	[dreg:$0x2] =	wrdreg s22  }
0xad: {  	[dreg:$0x3] =	wrdreg s0  }
0xae: {  	[dreg:$0x4] =	wrdreg s16  }
0xaf: {  	[dreg:$0x5] =	wrdreg $0x9  }
0xb0: {  	_ =	task.clear_ibuf [dreg:s6], $0x6FFFF;
	_ =	strace $0x90000046  }
0xb1: {  	s26 =	simm.s32 $0x9;
	_ =	strace $0x80000048  }
0xb2: {  	_ =	swait.ge [sflag:s26], $0x1  }
0xb3: {  	[sflag:s26] =	ssyncadd.s32 $0xFFFFFFFF  }
0xb4: {  	_ =	strace $0x90000048  }
0xb5: {  	_ =	sfence  }
0xb6: {  	s28 =	sld [smem:$0x0];
	_ =	sdelay $0x1  }
0xb7: {  	s29 =	srdreg.scid  }
0xb8: {  	s30 =	sshll.u32 s29, $0xD;
	s31 =	sshrl.u32 s29, $0x2  }
0xb9: {  	s1 =	sand.u32 $0x1, s29;
	s2 =	sand.u32 $0x4000, s30;
	s0 =	sadd.s32 s31, s28  }
0xba: {  	s1 =	sor.u32 s2, s1;
	s0 =	sshll.u32 s0, $0x11  }
0xbb: {  	s0 =	sor.u32 s0, s1  }
0xbc: {  	s0 =	sadd.s32 $0x8F2B, s0  }
0xbd: {  	[sflag:s0] =	ssyncadd.remote.s32 $0x1  }
0xbe: {  	_ =	sfence.sel $0xFFFF  }
0xbf: {  	[dreg:$0x0] =	wrdreg $0xFFFFFFFF;
	(pc) =	sbr.abs _section_cstart, $3  }
0xc0: {  	[dreg:$0x1] =	wrdreg $0xFFFFFFFF  }
0xc1: {  	_ =	task.clear_ibuf [dreg:s6], $0x2FFFF;
	_ =	strace $0x9FFFFFFF  }
0xc2: {  	(tm) =	ssettm $0x7FFFFFFF  }
0xc3: {  	_ =	shalt  }
tec
execute0_lowered:
.L_overlay_start_1:
0x0: {  	(tag) =	ssettag $0x1  }
0x1: {  	s0 =	stileid.u32  }
0x2: {  	s5 =	rddreg [dreg:$0x0];
	v4 =	vlaneseq.u32;
	s6 =	sshll.u32 s0, $0xA  }
0x3: {  	s4 =	rddreg [dreg:$0x1];
	v62 =	vor.u32 s6, v4;
	s7 =	sor.u32 $0x10, s6  }
0x4: {  	s2 =	rddreg [dreg:$0x2];
	s3 =	simm.s32 $0x0;
	s14 =	sor.u32 $0x20, s6;
	v0 =	vshll.u32 v62, $0x5;
	v63 =	vor.u32 s7, v4  }
0x5: {  	[smem:$0x7FF] =	sst s3;
	s15 =	sor.u32 $0x30, s6;
	v59 =	vor.u32 s14, v4;
	v0 =	vor.u32 $0x4, v0;
	v1 =	vshll.u32 v63, $0x5  }
0x6: {  	s1 =	rddreg [dreg:$0x3];
	_ =	strace $0x80000047;
	s16 =	sor.u32 $0x40, s6;
	v57 =	vor.u32 s15, v4;
	v2 =	vshll.u32 v59, $0x5;
	v1 =	vor.u32 $0x4, v1;
	[tilespmem:$0x0] =	vst v0  }
0x7: {  	s17 =	sor.u32 $0x50, s6;
	v60 =	vor.u32 s16, v4;
	v32 =	vshll.u32 v57, $0x5;
	v31 =	vor.u32 $0x4, v2;
	[tilespmem:$0x10] =	vst v1  }
0x8: {  	s18 =	sor.u32 $0x60, s6;
	v56 =	vor.u32 s17, v4;
	v34 =	vshll.u32 v60, $0x5;
	v33 =	vor.u32 $0x4, v32;
	[tilespmem:$0x20] =	vst v31  }
0x9: {  	s19 =	sor.u32 $0x70, s6;
	v58 =	vor.u32 s18, v4;
	v36 =	vshll.u32 v56, $0x5;
	v35 =	vor.u32 $0x4, v34;
	[tilespmem:$0x30] =	vst v33  }
0xa: {  	v61 =	vor.u32 s19, v4;
	v38 =	vshll.u32 v58, $0x5;
	v37 =	vor.u32 $0x4, v36;
	[tilespmem:$0x40] =	vst v35  }
0xb: {  	s8 =	sor.u32 $0x80, s6;
	v40 =	vshll.u32 v61, $0x5;
	v39 =	vor.u32 $0x4, v38;
	[tilespmem:$0x50] =	vst v37  }
0xc: {  	s10 =	simm.s32 $0x400;
	s20 =	sor.u32 $0x90, s6;
	s21 =	sor.u32 $0xA0, s6;
	v49 =	vor.u32 s8, v4;
	v41 =	vor.u32 $0x4, v40;
	[tilespmem:$0x60] =	vst v39  }
0xd: {  	s9 =	sor.u32 $0xB0, s6;
	s7 =	sadd.s32 $0x400, s5;
	v54 =	vor.u32 s20, v4;
	s5 =	simm.s32 $0x80;
	v42 =	vshll.u32 v49, $0x5;
	[tilespmem:$0x70] =	vst v41  }
0xe: {  	v52 =	vor.u32 s21, v4;
	v43 =	vshll.u32 v54, $0x5;
	v0 =	vor.u32 $0x4, v42;
	[tilespmem:s10], [sflag:$0x1] =	stream.indirect.gather [hbm4b:s7+s5], $0x1, s3, s5, $0xb8;
	[tilespmem:$0x1000] =	vst v63  }
0xf: {  	s22 =	sor.u32 $0xC0, s6;
	v50 =	vor.u32 s9, v4;
	v44 =	vshll.u32 v52, $0x5;
	v1 =	vor.u32 $0x4, v43;
	[tilespmem:$0x80] =	vst v0  }
0x10: {  	s23 =	sor.u32 $0xD0, s6;
	v53 =	vor.u32 s22, v4;
	v46 =	vshll.u32 v50, $0x5;
	v45 =	vor.u32 $0x4, v44;
	[tilespmem:$0x90] =	vst v1  }
0x11: {  	s24 =	sor.u32 $0xE0, s6;
	v48 =	vor.u32 s23, v4;
	v55 =	vshll.u32 v53, $0x5;
	v47 =	vor.u32 $0x4, v46;
	[tilespmem:$0xA0] =	vst v45  }
0x12: {  	s25 =	sor.u32 $0xF0, s6;
	v51 =	vor.u32 s24, v4;
	v6 =	vshll.u32 v48, $0x5;
	v5 =	vor.u32 $0x4, v55;
	[tilespmem:$0xB0] =	vst v47  }
0x13: {  	v8 =	vshll.u32 v51, $0x5;
	v7 =	vor.u32 $0x4, v6;
	v55 =	vor.u32 s25, v4;
	[tilespmem:$0xC0] =	vst v5  }
0x14: {  	s26 =	sor.u32 $0x100, s6;
	v9 =	vor.u32 $0x4, v8;
	v10 =	vshll.u32 v55, $0x5;
	[tilespmem:$0xD0] =	vst v7  }
0x15: {  	s28 =	sor.u32 $0x110, s6;
	v44 =	vor.u32 s26, v4;
	v11 =	vor.u32 $0x4, v10;
	[tilespmem:$0xE0] =	vst v9  }
0x16: {  	s31 =	simm.s32 $0x480;
	s29 =	sor.u32 $0x120, s6;
	s30 =	sor.u32 $0x130, s6;
	v46 =	vor.u32 s28, v4;
	v12 =	vshll.u32 v44, $0x5;
	[tilespmem:$0xF0] =	vst v11  }
0x17: {  	v40 =	vor.u32 s29, v4;
	v13 =	vshll.u32 v46, $0x5;
	v0 =	vor.u32 $0x4, v12;
	[tilespmem:s31], [sflag:$0x2] =	stream.indirect.gather [hbm4b:s7+s5], $0x1, s5, s5, $0xb8;
	[tilespmem:$0x1000] =	vst v63  }
0x18: {  	s11 =	sor.u32 $0x160, s6;
	v42 =	vor.u32 s30, v4;
	v14 =	vshll.u32 v40, $0x5;
	v1 =	vor.u32 $0x4, v13;
	[tilespmem:$0x100] =	vst v0  }
0x19: {  	s9 =	sor.u32 $0x140, s6;
	v16 =	vshll.u32 v42, $0x5;
	v43 =	vor.u32 s11, v4;
	v15 =	vor.u32 $0x4, v14;
	[tilespmem:$0x110] =	vst v1  }
0x1a: {  	s10 =	sor.u32 $0x150, s6;
	v17 =	vor.u32 $0x4, v16;
	v22 =	vshll.u32 v43, $0x5;
	v45 =	vor.u32 s9, v4;
	[tilespmem:$0x120] =	vst v15  }
0x1b: {  	s12 =	sor.u32 $0x170, s6;
	v41 =	vor.u32 s10, v4;
	v23 =	vor.u32 $0x4, v22;
	v18 =	vshll.u32 v45, $0x5;
	[tilespmem:$0x130] =	vst v17  }
0x1c: {  	v47 =	vor.u32 s12, v4;
	v20 =	vshll.u32 v41, $0x5;
	v19 =	vor.u32 $0x4, v18;
	[tilespmem:$0x160] =	vst v23  }
0x1d: {  	s15 =	sor.u32 $0x180, s6;
	v24 =	vshll.u32 v47, $0x5;
	v21 =	vor.u32 $0x4, v20;
	[tilespmem:$0x140] =	vst v19  }
0x1e: {  	s13 =	simm.s32 $0x100;
	s16 =	sor.u32 $0x190, s6;
	v38 =	vor.u32 s15, v4;
	v25 =	vor.u32 $0x4, v24;
	[tilespmem:$0x150] =	vst v21  }
0x1f: {  	s14 =	simm.s32 $0x500;
	s17 =	sor.u32 $0x1A0, s6;
	s18 =	sor.u32 $0x1B0, s6;
	v26 =	vshll.u32 v38, $0x5;
	v39 =	vor.u32 s16, v4;
	[tilespmem:$0x170] =	vst v25  }
0x20: {  	v35 =	vor.u32 s17, v4;
	v27 =	vshll.u32 v39, $0x5;
	v0 =	vor.u32 $0x4, v26;
	[tilespmem:s14], [sflag:$0x3] =	stream.indirect.gather [hbm4b:s7+s5], $0x1, s13, s5, $0xb8;
	[tilespmem:$0x1000] =	vst v63  }
0x21: {  	s19 =	sor.u32 $0x1C0, s6;
	v33 =	vor.u32 s18, v4;
	v28 =	vshll.u32 v35, $0x5;
	v1 =	vor.u32 $0x4, v27;
	[tilespmem:$0x180] =	vst v0  }
0x22: {  	s20 =	sor.u32 $0x1D0, s6;
	v36 =	vor.u32 s19, v4;
	v34 =	vshll.u32 v33, $0x5;
	v29 =	vor.u32 $0x4, v28;
	[tilespmem:$0x190] =	vst v1  }
0x23: {  	s21 =	sor.u32 $0x1E0, s6;
	v32 =	vor.u32 s20, v4;
	v37 =	vor.u32 $0x4, v34;
	v5 =	vshll.u32 v36, $0x5;
	[tilespmem:$0x1A0] =	vst v29  }
0x24: {  	s22 =	sor.u32 $0x1F0, s6;
	v7 =	vshll.u32 v32, $0x5;
	v34 =	vor.u32 s21, v4;
	v6 =	vor.u32 $0x4, v5;
	[tilespmem:$0x1B0] =	vst v37  }
0x25: {  	v8 =	vor.u32 $0x4, v7;
	v9 =	vshll.u32 v34, $0x5;
	v37 =	vor.u32 s22, v4;
	[tilespmem:$0x1C0] =	vst v6  }
0x26: {  	s25 =	sor.u32 $0x200, s6;
	v10 =	vor.u32 $0x4, v9;
	[tilespmem:$0x1D0] =	vst v8;
	v11 =	vshll.u32 v37, $0x5  }
0x27: {  	s23 =	simm.s32 $0x180;
	s26 =	sor.u32 $0x210, s6;
	v30 =	vor.u32 s25, v4;
	[tilespmem:$0x1E0] =	vst v10;
	v12 =	vor.u32 $0x4, v11  }
0x28: {  	s24 =	simm.s32 $0x580;
	s28 =	sor.u32 $0x220, s6;
	s29 =	sor.u32 $0x230, s6;
	v31 =	vor.u32 s26, v4;
	v13 =	vshll.u32 v30, $0x5;
	[tilespmem:$0x1F0] =	vst v12  }
0x29: {  	v14 =	vshll.u32 v31, $0x5;
	v27 =	vor.u32 s28, v4;
	v0 =	vor.u32 $0x4, v13;
	[tilespmem:s24], [sflag:$0x4] =	stream.indirect.gather [hbm4b:s7+s5], $0x1, s23, s5, $0xb8;
	[tilespmem:$0x1000] =	vst v63  }
0x2a: {  	s30 =	sor.u32 $0x240, s6;
	v15 =	vshll.u32 v27, $0x5;
	v25 =	vor.u32 s29, v4;
	v1 =	vor.u32 $0x4, v14;
	[tilespmem:$0x200] =	vst v0  }
0x2b: {  	v28 =	vor.u32 s30, v4;
	s31 =	sor.u32 $0x250, s6;
	v16 =	vor.u32 $0x4, v15;
	v17 =	vshll.u32 v25, $0x5;
	[tilespmem:$0x210] =	vst v1  }
0x2c: {  	s9 =	sor.u32 $0x260, s6;
	v24 =	vor.u32 s31, v4;
	v19 =	vshll.u32 v28, $0x5;
	v18 =	vor.u32 $0x4, v17;
	[tilespmem:$0x220] =	vst v16  }
0x2d: {  	s10 =	sor.u32 $0x270, s6;
	v26 =	vor.u32 s9, v4;
	v21 =	vshll.u32 v24, $0x5;
	v20 =	vor.u32 $0x4, v19;
	[tilespmem:$0x230] =	vst v18  }
0x2e: {  	v23 =	vshll.u32 v26, $0x5;
	v22 =	vor.u32 $0x4, v21;
	v29 =	vor.u32 s10, v4;
	[tilespmem:$0x240] =	vst v20  }
0x2f: {  	v5 =	vor.u32 $0x4, v23;
	s14 =	sor.u32 $0x290, s6;
	v6 =	vshll.u32 v29, $0x5;
	[tilespmem:$0x250] =	vst v22  }
0x30: {  	s15 =	sor.u32 $0x2A0, s6;
	s20 =	sor.u32 $0x2F0, s6;
	v23 =	vor.u32 s14, v4;
	v7 =	vor.u32 $0x4, v6;
	[tilespmem:$0x260] =	vst v5  }
0x31: {  	s11 =	simm.s32 $0x200;
	s16 =	sor.u32 $0x2B0, s6;
	s12 =	simm.s32 $0x600;
	v19 =	vor.u32 s15, v4;
	v9 =	vshll.u32 v23, $0x5;
	[tilespmem:$0x270] =	vst v7  }
0x32: {  	v10 =	vshll.u32 v19, $0x5;
	v17 =	vor.u32 s16, v4;
	v1 =	vor.u32 $0x4, v9;
	[tilespmem:s12], [sflag:$0x5] =	stream.indirect.gather [hbm4b:s7+s5], $0x1, s11, s5, $0xb8;
	[tilespmem:$0x1000] =	vst v63  }
0x33: {  	v21 =	vor.u32 s20, v4;
	v11 =	vor.u32 $0x4, v10;
	v12 =	vshll.u32 v17, $0x5;
	[tilespmem:$0x290] =	vst v1  }
0x34: {  	s13 =	sor.u32 $0x280, s6;
	v13 =	vor.u32 $0x4, v12;
	v9 =	vshll.u32 v21, $0x5;
	[tilespmem:$0x2A0] =	vst v11  }
0x35: {  	s17 =	sor.u32 $0x2C0, s6;
	v22 =	vor.u32 s13, v4;
	s13 =	sor.u32 $0x3A0, s6;
	v10 =	vor.u32 $0x4, v9;
	[tilespmem:$0x2B0] =	vst v13  }
0x36: {  	s18 =	sor.u32 $0x2D0, s6;
	v20 =	vor.u32 s17, v4;
	v8 =	vshll.u32 v22, $0x5;
	v2 =	vor.u32 s13, v4;
	[tilespmem:$0x2F0] =	vst v10  }
0x37: {  	s19 =	sor.u32 $0x2E0, s6;
	v16 =	vor.u32 s18, v4;
	v14 =	vshll.u32 v20, $0x5;
	v0 =	vor.u32 $0x4, v8;
	[tilespmem:$0x1FFA0] =	vst v2  }
0x38: {  	v18 =	vor.u32 s19, v4;
	v5 =	vshll.u32 v16, $0x5;
	v15 =	vor.u32 $0x4, v14;
	[tilespmem:$0x280] =	vst v0  }
0x39: {  	s23 =	sor.u32 $0x300, s6;
	v7 =	vshll.u32 v18, $0x5;
	v6 =	vor.u32 $0x4, v5;
	[tilespmem:$0x2C0] =	vst v15  }
0x3a: {  	s25 =	sor.u32 $0x320, s6;
	s24 =	sor.u32 $0x310, s6;
	v8 =	vor.u32 $0x4, v7;
	v14 =	vor.u32 s23, v4;
	[tilespmem:$0x2D0] =	vst v6  }
0x3b: {  	s26 =	sor.u32 $0x330, s6;
	s21 =	simm.s32 $0x280;
	s22 =	simm.s32 $0x680;
	[tilespmem:$0x2E0] =	vst v8;
	v11 =	vshll.u32 v14, $0x5;
	v15 =	vor.u32 s24, v4  }
0x3c: {  	[tilespmem:s22], [sflag:$0x6] =	stream.indirect.gather [hbm4b:s7+s5], $0x1, s21, s5, $0xb8;
	v0 =	vor.u32 $0x4, v11;
	v12 =	vshll.u32 v15, $0x5;
	v11 =	vor.u32 s25, v4;
	[tilespmem:$0x1000] =	vst v63  }
0x3d: {  	s28 =	sor.u32 $0x340, s6;
	v9 =	vor.u32 s26, v4;
	v1 =	vor.u32 $0x4, v12;
	v13 =	vshll.u32 v11, $0x5;
	[tilespmem:$0x300] =	vst v0  }
0x3e: {  	s29 =	sor.u32 $0x350, s6;
	v10 =	vshll.u32 v9, $0x5;
	v12 =	vor.u32 s28, v4;
	v5 =	vor.u32 $0x4, v13;
	[tilespmem:$0x310] =	vst v1  }
0x3f: {  	s30 =	sor.u32 $0x360, s6;
	v8 =	vor.u32 s29, v4;
	v1 =	vor.u32 $0x4, v10;
	v13 =	vshll.u32 v12, $0x5;
	[tilespmem:$0x320] =	vst v5  }
0x40: {  	v6 =	vshll.u32 v8, $0x5;
	v10 =	vor.u32 s30, v4;
	v5 =	vor.u32 $0x4, v13;
	[tilespmem:$0x330] =	vst v1  }
0x41: {  	s31 =	sor.u32 $0x370, s6;
	v1 =	vor.u32 $0x4, v6;
	v7 =	vshll.u32 v10, $0x5;
	[tilespmem:$0x340] =	vst v5  }
0x42: {  	s14 =	sor.u32 $0x3B0, s6;
	v13 =	vor.u32 s31, v4;
	v5 =	vor.u32 $0x4, v7;
	[tilespmem:$0x350] =	vst v1  }
0x43: {  	s11 =	sor.u32 $0x380, s6;
	v6 =	vshll.u32 v13, $0x5;
	v1 =	vor.u32 s14, v4;
	[tilespmem:$0x360] =	vst v5  }
0x44: {  	s12 =	sor.u32 $0x390, s6;
	v7 =	vor.u32 $0x4, v6;
	v6 =	vor.u32 s11, v4;
	[tilespmem:$0x1FFB0] =	vst v1  }
0x45: {  	s9 =	simm.s32 $0x300;
	s10 =	simm.s32 $0x700;
	[tilespmem:$0x370] =	vst v7;
	v0 =	vshll.u32 v6, $0x5;
	v7 =	vor.u32 s12, v4  }
0x46: {  	[tilespmem:s10], [sflag:$0x7] =	stream.indirect.gather [hbm4b:s7+s5], $0x1, s9, s5, $0xb8;
	v0 =	vor.u32 $0x4, v0;
	v5 =	vshll.u32 v7, $0x5;
	[tilespmem:$0x1000] =	vst v63  }
0x47: {  	s16 =	sor.u32 $0x3D0, s6;
	v3 =	vor.u32 $0x4, v5;
	[tilespmem:$0x380] =	vst v0  }
0x48: {  	s15 =	sor.u32 $0x3C0, s6;
	v5 =	vshll.u32 v2, $0x5;
	v2 =	vor.u32 s16, v4;
	[tilespmem:$0x390] =	vst v3  }
0x49: {  	v0 =	vor.u32 $0x4, v5;
	v5 =	vshll.u32 v1, $0x5;
	v1 =	vor.u32 s15, v4;
	[tilespmem:$0x1FFD0] =	vst v2  }
0x4a: {  	s17 =	sor.u32 $0x3E0, s6;
	[tilespmem:$0x1FFC0] =	vst v1  }
0x4b: {  	v3 =	vor.u32 s17, v4;
	[tilespmem:$0x3A0] =	vst v0  }
0x4c: {  	v5 =	vor.u32 $0x4, v5;
	v0 =	vshll.u32 v1, $0x5;
	[tilespmem:$0x1FFE0] =	vst v3  }
0x4d: {  	s6 =	sor.u32 $0x3F0, s6;
	[tilespmem:$0x3B0] =	vst v5;
	v1 =	vor.u32 $0x4, v0  }
0x4e: {  	v0 =	vshll.u32 v2, $0x5;
	v2 =	vor.u32 s6, v4;
	[tilespmem:$0x3C0] =	vst v1  }
0x4f: {  	v4 =	vshll.u32 v3, $0x5;
	v0 =	vor.u32 $0x4, v0;
	[tilespmem:$0x1FFF0] =	vst v2  }
0x50: {  	v5 =	vor.u32 $0x4, v4;
	v4 =	vshll.u32 v2, $0x5;
	[tilespmem:$0x3D0] =	vst v0  }
0x51: {  	[tilespmem:$0x3E0] =	vst v5;
	v5 =	vor.u32 $0x4, v4  }
0x52: {  	s20 =	simm.s32 $0x1;
	s18 =	simm.s32 $0x380;
	s19 =	simm.s32 $0x780;
	[tilespmem:$0x3F0] =	vst v5  }
0x53: {  	[tilespmem:s19], [sflag:$0x8] =	stream.indirect.gather [hbm4b:s7+s5], $0x1, s18, s5, $0xb8;
	[tilespmem:$0x1000] =	vst v63  }
0x54: {  	_ =	swait.ge [sflag:s20], $0x80  }
0x55: {  	[sflag:s20] =	ssyncset.done $0x0  }
0x56: {  	[sflag:s20] =	ssyncadd.s32 $0xFFFFFF80  }
0x57: {  	v0 =	vld [tilespmem:$0x400]  }
0x58: {  	v1 =	vld [tilespmem:$0x410];
	_ =	sdelay $0x1  }
0x59: {  	v2 =	vld [tilespmem:$0x420]  }
0x5a: {  	v3 =	vld [tilespmem:$0x430]  }
0x5b: {  	v4 =	vld [tilespmem:$0x440];
	v0 =	vtrunc.f32 v0  }
0x5c: {  	v1 =	vtrunc.f32 v1;
	v0 =	vcvt.f32.s32 v0  }
0x5d: {  	v62 =	vshll.u32 v62, $0x7;
	v5 =	vld [tilespmem:$0x450];
	v1 =	vcvt.f32.s32 v1  }
0x5e: {  	v2 =	vtrunc.f32 v2;
	v0 =	vadd.s32 v0, v62;
	v62 =	vshll.u32 v63, $0x7;
	v63 =	vld [tilespmem:$0x460]  }
0x5f: {  	v3 =	vtrunc.f32 v3;
	v2 =	vcvt.f32.s32 v2;
	v1 =	vadd.s32 v1, v62;
	v62 =	vld [tilespmem:$0x470]  }
0x60: {  	v59 =	vshll.u32 v59, $0x7;
	v4 =	vtrunc.f32 v4;
	v3 =	vcvt.f32.s32 v3  }
0x61: {  	v4 =	vcvt.f32.s32 v4;
	[tilespmem:$0x800] =	vst v0;
	v0 =	vadd.s32 v2, v59;
	v59 =	vshll.u32 v57, $0x7  }
0x62: {  	v60 =	vshll.u32 v60, $0x7;
	v57 =	vtrunc.f32 v5;
	[tilespmem:$0x810] =	vst v1;
	v1 =	vadd.s32 v3, v59  }
0x63: {  	[tilespmem:$0x820] =	vst v0;
	v59 =	vadd.s32 v4, v60;
	v60 =	vcvt.f32.s32 v57;
	v63 =	vtrunc.f32 v63  }
0x64: {  	v56 =	vshll.u32 v56, $0x7;
	[tilespmem:$0x830] =	vst v1;
	v3 =	vcvt.f32.s32 v63;
	v57 =	vtrunc.f32 v62  }
0x65: {  	[tilespmem:$0x840] =	vst v59;
	v59 =	vshll.u32 v58, $0x7;
	v1 =	vadd.s32 v60, v56;
	v60 =	vcvt.f32.s32 v57  }
0x66: {  	v61 =	vshll.u32 v61, $0x7;
	[tilespmem:$0x850] =	vst v1;
	v0 =	vadd.s32 v3, v59  }
0x67: {  	[tilespmem:$0x860] =	vst v0;
	v62 =	vadd.s32 v60, v61  }
0x68: {  	s21 =	simm.s32 $0x800;
	s22 =	simm.s32 $0x2;
	s6 =	simm.s32 $0xC00;
	[tilespmem:$0x870] =	vst v62  }
0x69: {  	[tilespmem:s6], [sflag:$0x9] =	stream.indirect.gather [hbm4b:s4+s5], $0x1, s21, s5, $0xb8;
	[tilespmem:$0x1000] =	vst v63  }
0x6a: {  	_ =	swait.ge [sflag:s22], $0x80  }
0x6b: {  	[sflag:s22] =	ssyncset.done $0x0  }
0x6c: {  	[sflag:s22] =	ssyncadd.s32 $0xFFFFFF80  }
0x6d: {  	v63 =	vld [tilespmem:$0x480]  }
0x6e: {  	v56 =	vld [tilespmem:$0x490]  }
0x6f: {  	v57 =	vld [tilespmem:$0x4A0]  }
0x70: {  	v58 =	vld [tilespmem:$0x4B0]  }
0x71: {  	v59 =	vld [tilespmem:$0x4C0]  }
0x72: {  	v61 =	vld [tilespmem:$0x4D0]  }
0x73: {  	v54 =	vshll.u32 v54, $0x7;
	v62 =	vld [tilespmem:$0x4E0];
	v1 =	vtrunc.f32 v56  }
0x74: {  	v52 =	vshll.u32 v52, $0x7;
	v0 =	vtrunc.f32 v63;
	v1 =	vcvt.f32.s32 v1  }
0x75: {  	v60 =	vshll.u32 v49, $0x7;
	v2 =	vtrunc.f32 v57;
	v0 =	vcvt.f32.s32 v0  }
0x76: {  	v3 =	vtrunc.f32 v58;
	v4 =	vtrunc.f32 v59;
	v1 =	vadd.s32 v1, v54;
	v54 =	vld [tilespmem:$0x4F0]  }
0x77: {  	v58 =	vtrunc.f32 v61;
	v2 =	vcvt.f32.s32 v2;
	v0 =	vadd.s32 v0, v60  }
0x78: {  	v57 =	vshll.u32 v53, $0x7;
	v61 =	vtrunc.f32 v62;
	v4 =	vcvt.f32.s32 v4;
	[tilespmem:$0x880] =	vst v0  }
0x79: {  	v62 =	vshll.u32 v48, $0x7;
	v3 =	vcvt.f32.s32 v3;
	v63 =	vadd.s32 v2, v52;
	[tilespmem:$0x890] =	vst v1  }
0x7a: {  	v52 =	vshll.u32 v50, $0x7;
	v59 =	vadd.s32 v4, v57;
	v60 =	vcvt.f32.s32 v58;
	[tilespmem:$0x8A0] =	vst v63  }
0x7b: {  	v56 =	vadd.s32 v3, v52;
	v3 =	vcvt.f32.s32 v61;
	[tilespmem:$0x8C0] =	vst v59;
	v63 =	vtrunc.f32 v54  }
0x7c: {  	v48 =	vshll.u32 v51, $0x7;
	[tilespmem:$0x8B0] =	vst v56;
	v1 =	vadd.s32 v60, v62;
	v49 =	vcvt.f32.s32 v63  }
0x7d: {  	v50 =	vshll.u32 v55, $0x7;
	[tilespmem:$0x8D0] =	vst v1;
	v0 =	vadd.s32 v3, v48  }
0x7e: {  	[tilespmem:$0x8E0] =	vst v0;
	v51 =	vadd.s32 v49, v50  }
0x7f: {  	s23 =	simm.s32 $0x880;
	s24 =	simm.s32 $0xC80;
	s25 =	simm.s32 $0x3;
	[tilespmem:$0x8F0] =	vst v51  }
0x80: {  	[tilespmem:s24], [sflag:$0xA] =	stream.indirect.gather [hbm4b:s4+s5], $0x1, s23, s5, $0xb8;
	[tilespmem:$0x1000] =	vst v63  }
0x81: {  	_ =	swait.ge [sflag:s25], $0x80  }
0x82: {  	[sflag:s25] =	ssyncset.done $0x0  }
0x83: {  	[sflag:s25] =	ssyncadd.s32 $0xFFFFFF80  }
0x84: {  	v52 =	vld [tilespmem:$0x500]  }
0x85: {  	v53 =	vld [tilespmem:$0x510]  }
0x86: {  	v54 =	vld [tilespmem:$0x520]  }
0x87: {  	v55 =	vld [tilespmem:$0x530]  }
0x88: {  	v56 =	vld [tilespmem:$0x540]  }
0x89: {  	v58 =	vld [tilespmem:$0x550]  }
0x8a: {  	v46 =	vshll.u32 v46, $0x7;
	v60 =	vld [tilespmem:$0x570];
	v0 =	vtrunc.f32 v52  }
0x8b: {  	v40 =	vshll.u32 v40, $0x7;
	v59 =	vld [tilespmem:$0x560];
	v1 =	vtrunc.f32 v53;
	v2 =	vtrunc.f32 v54  }
0x8c: {  	v57 =	vshll.u32 v44, $0x7;
	v3 =	vtrunc.f32 v55;
	v0 =	vcvt.f32.s32 v0  }
0x8d: {  	v62 =	vshll.u32 v42, $0x7;
	v4 =	vtrunc.f32 v56;
	v1 =	vcvt.f32.s32 v1  }
0x8e: {  	v42 =	vtrunc.f32 v58;
	v2 =	vcvt.f32.s32 v2;
	v0 =	vadd.s32 v0, v57  }
0x8f: {  	v50 =	vtrunc.f32 v60;
	v3 =	vcvt.f32.s32 v3;
	v1 =	vadd.s32 v1, v46;
	[tilespmem:$0x900] =	vst v0  }
0x90: {  	v48 =	vtrunc.f32 v59;
	v52 =	vcvt.f32.s32 v50;
	v61 =	vadd.s32 v2, v40;
	[tilespmem:$0x910] =	vst v1  }
0x91: {  	v53 =	vshll.u32 v47, $0x7;
	v4 =	vcvt.f32.s32 v4;
	v63 =	vadd.s32 v3, v62;
	[tilespmem:$0x920] =	vst v61  }
0x92: {  	v40 =	vshll.u32 v45, $0x7;
	v45 =	vcvt.f32.s32 v42;
	v54 =	vadd.s32 v52, v53;
	[tilespmem:$0x930] =	vst v63  }
0x93: {  	v49 =	vshll.u32 v41, $0x7;
	v3 =	vcvt.f32.s32 v48;
	v44 =	vadd.s32 v4, v40;
	[tilespmem:$0x970] =	vst v54  }
0x94: {  	v51 =	vshll.u32 v43, $0x7;
	[tilespmem:$0x940] =	vst v44;
	v1 =	vadd.s32 v45, v49  }
0x95: {  	v0 =	vadd.s32 v3, v51;
	[tilespmem:$0x950] =	vst v1  }
0x96: {  	s26 =	simm.s32 $0x900;
	s29 =	simm.s32 $0x4;
	s28 =	simm.s32 $0xD00;
	[tilespmem:$0x960] =	vst v0  }
0x97: {  	[tilespmem:s28], [sflag:$0xB] =	stream.indirect.gather [hbm4b:s4+s5], $0x1, s26, s5, $0xb8;
	[tilespmem:$0x1000] =	vst v63  }
0x98: {  	_ =	swait.ge [sflag:s29], $0x80  }
0x99: {  	[sflag:s29] =	ssyncset.done $0x0  }
0x9a: {  	[sflag:s29] =	ssyncadd.s32 $0xFFFFFF80  }
0x9b: {  	v55 =	vld [tilespmem:$0x580]  }
0x9c: {  	v56 =	vld [tilespmem:$0x590]  }
0x9d: {  	v57 =	vld [tilespmem:$0x5A0]  }
0x9e: {  	v58 =	vld [tilespmem:$0x5B0]  }
0x9f: {  	v39 =	vshll.u32 v39, $0x7;
	v35 =	vshll.u32 v35, $0x7;
	v59 =	vld [tilespmem:$0x5C0]  }
0xa0: {  	v60 =	vshll.u32 v38, $0x7;
	v42 =	vshll.u32 v33, $0x7;
	v63 =	vld [tilespmem:$0x5F0];
	v0 =	vtrunc.f32 v55  }
0xa1: {  	v53 =	vshll.u32 v37, $0x7;
	v61 =	vld [tilespmem:$0x5D0];
	v1 =	vtrunc.f32 v56;
	v0 =	vcvt.f32.s32 v0  }
0xa2: {  	v44 =	vshll.u32 v36, $0x7;
	v62 =	vld [tilespmem:$0x5E0];
	v2 =	vtrunc.f32 v57;
	v1 =	vcvt.f32.s32 v1  }
0xa3: {  	v3 =	vtrunc.f32 v58;
	v2 =	vcvt.f32.s32 v2;
	v0 =	vadd.s32 v0, v60  }
0xa4: {  	v4 =	vtrunc.f32 v59;
	v3 =	vcvt.f32.s32 v3;
	v1 =	vadd.s32 v1, v39;
	[tilespmem:$0x980] =	vst v0  }
0xa5: {  	v50 =	vtrunc.f32 v63;
	v4 =	vcvt.f32.s32 v4;
	v41 =	vadd.s32 v2, v35;
	[tilespmem:$0x990] =	vst v1  }
0xa6: {  	v45 =	vtrunc.f32 v61;
	v52 =	vcvt.f32.s32 v50;
	v43 =	vadd.s32 v3, v42;
	[tilespmem:$0x9A0] =	vst v41  }
0xa7: {  	v48 =	vtrunc.f32 v62;
	v47 =	vcvt.f32.s32 v45;
	v46 =	vadd.s32 v4, v44;
	[tilespmem:$0x9B0] =	vst v43  }
0xa8: {  	v49 =	vshll.u32 v32, $0x7;
	v3 =	vcvt.f32.s32 v48;
	v54 =	vadd.s32 v52, v53;
	[tilespmem:$0x9C0] =	vst v46  }
0xa9: {  	v51 =	vshll.u32 v34, $0x7;
	v1 =	vadd.s32 v47, v49;
	[tilespmem:$0x9F0] =	vst v54  }
0xaa: {  	[tilespmem:$0x9D0] =	vst v1;
	v0 =	vadd.s32 v3, v51  }
0xab: {  	s30 =	simm.s32 $0x980;
	s31 =	simm.s32 $0xD80;
	s9 =	simm.s32 $0x5;
	[tilespmem:$0x9E0] =	vst v0  }
0xac: {  	[tilespmem:s31], [sflag:$0xC] =	stream.indirect.gather [hbm4b:s4+s5], $0x1, s30, s5, $0xb8;
	[tilespmem:$0x1000] =	vst v63  }
0xad: {  	_ =	swait.ge [sflag:s9], $0x80  }
0xae: {  	[sflag:s9] =	ssyncset.done $0x0  }
0xaf: {  	[sflag:s9] =	ssyncadd.s32 $0xFFFFFF80  }
0xb0: {  	v55 =	vld [tilespmem:$0x600]  }
0xb1: {  	v56 =	vld [tilespmem:$0x610]  }
0xb2: {  	v57 =	vld [tilespmem:$0x620]  }
0xb3: {  	v58 =	vld [tilespmem:$0x630]  }
0xb4: {  	v31 =	vshll.u32 v31, $0x7;
	v27 =	vshll.u32 v27, $0x7;
	v59 =	vld [tilespmem:$0x640]  }
0xb5: {  	v32 =	vshll.u32 v25, $0x7;
	v34 =	vshll.u32 v28, $0x7;
	v63 =	vld [tilespmem:$0x670];
	v0 =	vtrunc.f32 v55  }
0xb6: {  	v60 =	vshll.u32 v30, $0x7;
	v61 =	vld [tilespmem:$0x650];
	v1 =	vtrunc.f32 v56;
	v0 =	vcvt.f32.s32 v0  }
0xb7: {  	v43 =	vshll.u32 v29, $0x7;
	v62 =	vld [tilespmem:$0x660];
	v2 =	vtrunc.f32 v57;
	v1 =	vcvt.f32.s32 v1  }
0xb8: {  	v3 =	vtrunc.f32 v58;
	v2 =	vcvt.f32.s32 v2;
	v0 =	vadd.s32 v0, v60  }
0xb9: {  	v4 =	vtrunc.f32 v59;
	v3 =	vcvt.f32.s32 v3;
	v1 =	vadd.s32 v1, v31;
	[tilespmem:$0xA00] =	vst v0  }
0xba: {  	v40 =	vtrunc.f32 v63;
	v4 =	vcvt.f32.s32 v4;
	v27 =	vadd.s32 v2, v27;
	[tilespmem:$0xA10] =	vst v1  }
0xbb: {  	v35 =	vtrunc.f32 v61;
	v42 =	vcvt.f32.s32 v40;
	v33 =	vadd.s32 v3, v32;
	[tilespmem:$0xA20] =	vst v27  }
0xbc: {  	v38 =	vtrunc.f32 v62;
	v37 =	vcvt.f32.s32 v35;
	v36 =	vadd.s32 v4, v34;
	[tilespmem:$0xA30] =	vst v33  }
0xbd: {  	v39 =	vshll.u32 v24, $0x7;
	v3 =	vcvt.f32.s32 v38;
	v44 =	vadd.s32 v42, v43;
	[tilespmem:$0xA40] =	vst v36  }
0xbe: {  	v41 =	vshll.u32 v26, $0x7;
	v1 =	vadd.s32 v37, v39;
	[tilespmem:$0xA70] =	vst v44  }
0xbf: {  	[tilespmem:$0xA50] =	vst v1;
	v0 =	vadd.s32 v3, v41  }
0xc0: {  	s11 =	simm.s32 $0xE00;
	s12 =	simm.s32 $0x6;
	s10 =	simm.s32 $0xA00;
	[tilespmem:$0xA60] =	vst v0  }
0xc1: {  	[tilespmem:s11], [sflag:$0xD] =	stream.indirect.gather [hbm4b:s4+s5], $0x1, s10, s5, $0xb8;
	[tilespmem:$0x1000] =	vst v63  }
0xc2: {  	_ =	swait.ge [sflag:s12], $0x80  }
0xc3: {  	[sflag:s12] =	ssyncset.done $0x0  }
0xc4: {  	[sflag:s12] =	ssyncadd.s32 $0xFFFFFF80  }
0xc5: {  	v45 =	vld [tilespmem:$0x680]  }
0xc6: {  	v46 =	vld [tilespmem:$0x690]  }
0xc7: {  	v47 =	vld [tilespmem:$0x6A0]  }
0xc8: {  	v19 =	vshll.u32 v19, $0x7;
	v48 =	vld [tilespmem:$0x6B0]  }
0xc9: {  	v23 =	vshll.u32 v23, $0x7;
	v50 =	vshll.u32 v22, $0x7;
	v55 =	vshll.u32 v17, $0x7;
	v49 =	vld [tilespmem:$0x6C0]  }
0xca: {  	v57 =	vshll.u32 v20, $0x7;
	v62 =	vshll.u32 v16, $0x7;
	v53 =	vld [tilespmem:$0x6F0];
	v0 =	vtrunc.f32 v45  }
0xcb: {  	v16 =	vshll.u32 v18, $0x7;
	v51 =	vld [tilespmem:$0x6D0];
	v1 =	vtrunc.f32 v46;
	v0 =	vcvt.f32.s32 v0  }
0xcc: {  	v18 =	vshll.u32 v21, $0x7;
	v52 =	vld [tilespmem:$0x6E0];
	v2 =	vtrunc.f32 v47;
	v1 =	vcvt.f32.s32 v1  }
0xcd: {  	v3 =	vtrunc.f32 v48;
	v2 =	vcvt.f32.s32 v2;
	v0 =	vadd.s32 v0, v50  }
0xce: {  	v4 =	vtrunc.f32 v49;
	v3 =	vcvt.f32.s32 v3;
	v1 =	vadd.s32 v1, v23;
	[tilespmem:$0xA80] =	vst v0  }
0xcf: {  	v63 =	vtrunc.f32 v53;
	v4 =	vcvt.f32.s32 v4;
	v54 =	vadd.s32 v2, v19;
	[tilespmem:$0xA90] =	vst v1  }
0xd0: {  	v58 =	vtrunc.f32 v51;
	v17 =	vcvt.f32.s32 v63;
	v56 =	vadd.s32 v3, v55;
	[tilespmem:$0xAA0] =	vst v54  }
0xd1: {  	v61 =	vtrunc.f32 v52;
	v60 =	vcvt.f32.s32 v58;
	v59 =	vadd.s32 v4, v57;
	[tilespmem:$0xAB0] =	vst v56  }
0xd2: {  	v3 =	vcvt.f32.s32 v61;
	v19 =	vadd.s32 v17, v18;
	[tilespmem:$0xAC0] =	vst v59  }
0xd3: {  	v1 =	vadd.s32 v60, v62;
	[tilespmem:$0xAF0] =	vst v19  }
0xd4: {  	[tilespmem:$0xAD0] =	vst v1;
	v0 =	vadd.s32 v3, v16  }
0xd5: {  	s13 =	simm.s32 $0xA80;
	s14 =	simm.s32 $0xE80;
	s15 =	simm.s32 $0x7;
	[tilespmem:$0xAE0] =	vst v0  }
0xd6: {  	[tilespmem:s14], [sflag:$0xE] =	stream.indirect.gather [hbm4b:s4+s5], $0x1, s13, s5, $0xb8;
	[tilespmem:$0x1000] =	vst v63  }
0xd7: {  	_ =	swait.ge [sflag:s15], $0x80  }
0xd8: {  	[sflag:s15] =	ssyncset.done $0x0  }
0xd9: {  	[sflag:s15] =	ssyncadd.s32 $0xFFFFFF80  }
0xda: {  	v20 =	vld [tilespmem:$0x700]  }
0xdb: {  	v21 =	vld [tilespmem:$0x710]  }
0xdc: {  	v22 =	vld [tilespmem:$0x720]  }
0xdd: {  	v23 =	vld [tilespmem:$0x730]  }
0xde: {  	v15 =	vshll.u32 v15, $0x7;
	v11 =	vshll.u32 v11, $0x7;
	v24 =	vld [tilespmem:$0x740]  }
0xdf: {  	v25 =	vshll.u32 v14, $0x7;
	v30 =	vshll.u32 v9, $0x7;
	v28 =	vld [tilespmem:$0x770];
	v0 =	vtrunc.f32 v20  }
0xe0: {  	v32 =	vshll.u32 v12, $0x7;
	v26 =	vld [tilespmem:$0x750];
	v1 =	vtrunc.f32 v21;
	v0 =	vcvt.f32.s32 v0  }
0xe1: {  	v41 =	vshll.u32 v13, $0x7;
	v27 =	vld [tilespmem:$0x760];
	v2 =	vtrunc.f32 v22;
	v1 =	vcvt.f32.s32 v1  }
0xe2: {  	v3 =	vtrunc.f32 v23;
	v2 =	vcvt.f32.s32 v2;
	v0 =	vadd.s32 v0, v25  }
0xe3: {  	v4 =	vtrunc.f32 v24;
	v3 =	vcvt.f32.s32 v3;
	v1 =	vadd.s32 v1, v15;
	[tilespmem:$0xB00] =	vst v0  }
0xe4: {  	v38 =	vtrunc.f32 v28;
	v4 =	vcvt.f32.s32 v4;
	v29 =	vadd.s32 v2, v11;
	[tilespmem:$0xB10] =	vst v1  }
0xe5: {  	v33 =	vtrunc.f32 v26;
	v40 =	vcvt.f32.s32 v38;
	v31 =	vadd.s32 v3, v30;
	[tilespmem:$0xB20] =	vst v29  }
0xe6: {  	v36 =	vtrunc.f32 v27;
	v35 =	vcvt.f32.s32 v33;
	v34 =	vadd.s32 v4, v32;
	[tilespmem:$0xB30] =	vst v31  }
0xe7: {  	v37 =	vshll.u32 v8, $0x7;
	v3 =	vcvt.f32.s32 v36;
	v42 =	vadd.s32 v40, v41;
	[tilespmem:$0xB40] =	vst v34  }
0xe8: {  	v39 =	vshll.u32 v10, $0x7;
	v1 =	vadd.s32 v35, v37;
	[tilespmem:$0xB70] =	vst v42  }
0xe9: {  	[tilespmem:$0xB50] =	vst v1;
	v0 =	vadd.s32 v3, v39  }
0xea: {  	s16 =	simm.s32 $0xB00;
	s17 =	simm.s32 $0xF00;
	s18 =	simm.s32 $0x8;
	[tilespmem:$0xB60] =	vst v0  }
0xeb: {  	[tilespmem:s17], [sflag:$0xF] =	stream.indirect.gather [hbm4b:s4+s5], $0x1, s16, s5, $0xb8;
	[tilespmem:$0x1000] =	vst v63  }
0xec: {  	_ =	swait.ge [sflag:s18], $0x80  }
0xed: {  	[sflag:s18] =	ssyncset.done $0x0  }
0xee: {  	v52 =	vld [tilespmem:$0x1FFA0];
	[sflag:s18] =	ssyncadd.s32 $0xFFFFFF80  }
0xef: {  	v43 =	vld [tilespmem:$0x780]  }
0xf0: {  	v44 =	vld [tilespmem:$0x790]  }
0xf1: {  	v45 =	vld [tilespmem:$0x7A0]  }
0xf2: {  	v46 =	vld [tilespmem:$0x7B0]  }
0xf3: {  	v47 =	vld [tilespmem:$0x7C0]  }
0xf4: {  	v49 =	vld [tilespmem:$0x7D0]  }
0xf5: {  	v50 =	vld [tilespmem:$0x7E0]  }
0xf6: {  	v51 =	vld [tilespmem:$0x7F0];
	v0 =	vtrunc.f32 v43;
	v1 =	vtrunc.f32 v44  }
0xf7: {  	v7 =	vshll.u32 v7, $0x7;
	v54 =	vld [tilespmem:$0x1FFB0];
	v2 =	vtrunc.f32 v45;
	v3 =	vtrunc.f32 v46  }
0xf8: {  	v48 =	vshll.u32 v6, $0x7;
	v56 =	vld [tilespmem:$0x1FFC0];
	v4 =	vtrunc.f32 v47;
	v0 =	vcvt.f32.s32 v0  }
0xf9: {  	v61 =	vld [tilespmem:$0x1FFD0];
	v8 =	vshll.u32 v52, $0x7;
	v57 =	vtrunc.f32 v49;
	v1 =	vcvt.f32.s32 v1  }
0xfa: {  	v63 =	vld [tilespmem:$0x1FFE0];
	v60 =	vtrunc.f32 v50;
	v2 =	vcvt.f32.s32 v2;
	v0 =	vadd.s32 v0, v48  }
0xfb: {  	v9 =	vld [tilespmem:$0x1FFF0];
	v62 =	vtrunc.f32 v51;
	v3 =	vcvt.f32.s32 v3;
	v1 =	vadd.s32 v1, v7;
	[tilespmem:$0xB80] =	vst v0  }
0xfc: {  	v4 =	vcvt.f32.s32 v4;
	v53 =	vadd.s32 v2, v8;
	v2 =	vshll.u32 v54, $0x7;
	[tilespmem:$0xB90] =	vst v1  }
0xfd: {  	v59 =	vcvt.f32.s32 v57;
	v55 =	vadd.s32 v3, v2;
	v2 =	vshll.u32 v56, $0x7;
	[tilespmem:$0xBA0] =	vst v53  }
0xfe: {  	v1 =	vshll.u32 v61, $0x7;
	v3 =	vcvt.f32.s32 v60;
	v58 =	vadd.s32 v4, v2;
	[tilespmem:$0xBB0] =	vst v55  }
0xff: {  	v5 =	vshll.u32 v63, $0x7;
	v8 =	vcvt.f32.s32 v62;
	v7 =	vadd.s32 v59, v1;
	[tilespmem:$0xBC0] =	vst v58  }
0x100: {  	v2 =	vshll.u32 v9, $0x7;
	[tilespmem:$0xBD0] =	vst v7;
	v10 =	vadd.s32 v3, v5  }
0x101: {  	v11 =	vadd.s32 v8, v2;
	[tilespmem:$0xBE0] =	vst v10  }
0x102: {  	s19 =	simm.s32 $0xB80;
	s20 =	simm.s32 $0xF80;
	s21 =	simm.s32 $0x9;
	[tilespmem:$0xBF0] =	vst v11  }
0x103: {  	[tilespmem:s20], [sflag:$0x10] =	stream.indirect.gather [hbm4b:s4+s5], $0x1, s19, s5, $0xb8;
	[tilespmem:$0x1000] =	vst v63  }
0x104: {  	_ =	swait.ge [sflag:s21], $0x80  }
0x105: {  	[sflag:s21] =	ssyncset.done $0x0  }
0x106: {  	[sflag:s21] =	ssyncadd.s32 $0xFFFFFF80  }
0x107: {  	v12 =	vld [tilespmem:$0xC00]  }
0x108: {  	v13 =	vld [tilespmem:$0xC10]  }
0x109: {  	v14 =	vld [tilespmem:$0xC20]  }
0x10a: {  	v15 =	vld [tilespmem:$0xC30]  }
0x10b: {  	v16 =	vld [tilespmem:$0xC40]  }
0x10c: {  	v17 =	vld [tilespmem:$0xC50];
	v0 =	vmul.f32 $9.990000120e-01, v12  }
0x10d: {  	v18 =	vld [tilespmem:$0xC60];
	v1 =	vmul.f32 $9.990000120e-01, v13  }
0x10e: {  	v20 =	vld [tilespmem:$0xC70];
	v19 =	vmul.f32 $9.990000120e-01, v14;
	[tilespmem:$0xC00] =	vst v0  }
0x10f: {  	v21 =	vmul.f32 $9.990000120e-01, v15;
	[tilespmem:$0xC10] =	vst v1  }
0x110: {  	v22 =	vmul.f32 $9.990000120e-01, v16;
	[tilespmem:$0xC20] =	vst v19  }
0x111: {  	v23 =	vmul.f32 $9.990000120e-01, v17;
	[tilespmem:$0xC30] =	vst v21  }
0x112: {  	v24 =	vmul.f32 $9.990000120e-01, v18;
	[tilespmem:$0xC40] =	vst v22  }
0x113: {  	v25 =	vmul.f32 $9.990000120e-01, v20;
	[tilespmem:$0xC50] =	vst v23  }
0x114: {  	[tilespmem:$0xC60] =	vst v24  }
0x115: {  	s22 =	simm.s32 $0xA;
	[tilespmem:$0xC70] =	vst v25  }
0x116: {  	_ =	swait.ge [sflag:s22], $0x80  }
0x117: {  	[sflag:s22] =	ssyncset.done $0x0  }
0x118: {  	[sflag:s22] =	ssyncadd.s32 $0xFFFFFF80  }
0x119: {  	v26 =	vld [tilespmem:$0xC80]  }
0x11a: {  	v27 =	vld [tilespmem:$0xC90]  }
0x11b: {  	v28 =	vld [tilespmem:$0xCA0]  }
0x11c: {  	v29 =	vld [tilespmem:$0xCB0]  }
0x11d: {  	v30 =	vld [tilespmem:$0xCC0]  }
0x11e: {  	v31 =	vld [tilespmem:$0xCD0];
	v0 =	vmul.f32 $9.990000120e-01, v26  }
0x11f: {  	v32 =	vld [tilespmem:$0xCE0];
	v1 =	vmul.f32 $9.990000120e-01, v27  }
0x120: {  	v34 =	vld [tilespmem:$0xCF0];
	v33 =	vmul.f32 $9.990000120e-01, v28;
	[tilespmem:$0xC80] =	vst v0  }
0x121: {  	v35 =	vmul.f32 $9.990000120e-01, v29;
	[tilespmem:$0xC90] =	vst v1  }
0x122: {  	v36 =	vmul.f32 $9.990000120e-01, v30;
	[tilespmem:$0xCA0] =	vst v33  }
0x123: {  	v37 =	vmul.f32 $9.990000120e-01, v31;
	[tilespmem:$0xCB0] =	vst v35  }
0x124: {  	v38 =	vmul.f32 $9.990000120e-01, v32;
	[tilespmem:$0xCC0] =	vst v36  }
0x125: {  	v39 =	vmul.f32 $9.990000120e-01, v34;
	[tilespmem:$0xCD0] =	vst v37  }
0x126: {  	[tilespmem:$0xCE0] =	vst v38  }
0x127: {  	s23 =	simm.s32 $0xB;
	[tilespmem:$0xCF0] =	vst v39  }
0x128: {  	_ =	swait.ge [sflag:s23], $0x80  }
0x129: {  	[sflag:s23] =	ssyncset.done $0x0  }
0x12a: {  	[sflag:s23] =	ssyncadd.s32 $0xFFFFFF80  }
0x12b: {  	v40 =	vld [tilespmem:$0xD00]  }
0x12c: {  	v41 =	vld [tilespmem:$0xD10]  }
0x12d: {  	v42 =	vld [tilespmem:$0xD20]  }
0x12e: {  	v43 =	vld [tilespmem:$0xD30]  }
0x12f: {  	v44 =	vld [tilespmem:$0xD40]  }
0x130: {  	v45 =	vld [tilespmem:$0xD50];
	v0 =	vmul.f32 $9.990000120e-01, v40  }
0x131: {  	v46 =	vld [tilespmem:$0xD60];
	v1 =	vmul.f32 $9.990000120e-01, v41  }
0x132: {  	v48 =	vld [tilespmem:$0xD70];
	v47 =	vmul.f32 $9.990000120e-01, v42;
	[tilespmem:$0xD00] =	vst v0  }
0x133: {  	v49 =	vmul.f32 $9.990000120e-01, v43;
	[tilespmem:$0xD10] =	vst v1  }
0x134: {  	v50 =	vmul.f32 $9.990000120e-01, v44;
	[tilespmem:$0xD20] =	vst v47  }
0x135: {  	v51 =	vmul.f32 $9.990000120e-01, v45;
	[tilespmem:$0xD30] =	vst v49  }
0x136: {  	v52 =	vmul.f32 $9.990000120e-01, v46;
	[tilespmem:$0xD40] =	vst v50  }
0x137: {  	v53 =	vmul.f32 $9.990000120e-01, v48;
	[tilespmem:$0xD50] =	vst v51  }
0x138: {  	[tilespmem:$0xD60] =	vst v52  }
0x139: {  	s24 =	simm.s32 $0xC;
	[tilespmem:$0xD70] =	vst v53  }
0x13a: {  	_ =	swait.ge [sflag:s24], $0x80  }
0x13b: {  	[sflag:s24] =	ssyncset.done $0x0  }
0x13c: {  	[sflag:s24] =	ssyncadd.s32 $0xFFFFFF80  }
0x13d: {  	v54 =	vld [tilespmem:$0xD80]  }
0x13e: {  	v55 =	vld [tilespmem:$0xD90]  }
0x13f: {  	v56 =	vld [tilespmem:$0xDA0]  }
0x140: {  	v57 =	vld [tilespmem:$0xDB0]  }
0x141: {  	v58 =	vld [tilespmem:$0xDC0]  }
0x142: {  	v59 =	vld [tilespmem:$0xDD0];
	v0 =	vmul.f32 $9.990000120e-01, v54  }
0x143: {  	v60 =	vld [tilespmem:$0xDE0];
	v1 =	vmul.f32 $9.990000120e-01, v55  }
0x144: {  	v62 =	vld [tilespmem:$0xDF0];
	v61 =	vmul.f32 $9.990000120e-01, v56;
	[tilespmem:$0xD80] =	vst v0  }
0x145: {  	v63 =	vmul.f32 $9.990000120e-01, v57;
	[tilespmem:$0xD90] =	vst v1  }
0x146: {  	v4 =	vmul.f32 $9.990000120e-01, v58;
	[tilespmem:$0xDA0] =	vst v61  }
0x147: {  	v5 =	vmul.f32 $9.990000120e-01, v59;
	[tilespmem:$0xDB0] =	vst v63  }
0x148: {  	v6 =	vmul.f32 $9.990000120e-01, v60;
	[tilespmem:$0xDC0] =	vst v4  }
0x149: {  	v7 =	vmul.f32 $9.990000120e-01, v62;
	[tilespmem:$0xDD0] =	vst v5  }
0x14a: {  	[tilespmem:$0xDE0] =	vst v6  }
0x14b: {  	s25 =	simm.s32 $0xD;
	[tilespmem:$0xDF0] =	vst v7  }
0x14c: {  	_ =	swait.ge [sflag:s25], $0x80  }
0x14d: {  	[sflag:s25] =	ssyncset.done $0x0  }
0x14e: {  	[sflag:s25] =	ssyncadd.s32 $0xFFFFFF80  }
0x14f: {  	v8 =	vld [tilespmem:$0xE00]  }
0x150: {  	v9 =	vld [tilespmem:$0xE10]  }
0x151: {  	v10 =	vld [tilespmem:$0xE20]  }
0x152: {  	v11 =	vld [tilespmem:$0xE30]  }
0x153: {  	v12 =	vld [tilespmem:$0xE40]  }
0x154: {  	v13 =	vld [tilespmem:$0xE50];
	v0 =	vmul.f32 $9.990000120e-01, v8  }
0x155: {  	v14 =	vld [tilespmem:$0xE60];
	v1 =	vmul.f32 $9.990000120e-01, v9  }
0x156: {  	v16 =	vld [tilespmem:$0xE70];
	v15 =	vmul.f32 $9.990000120e-01, v10;
	[tilespmem:$0xE00] =	vst v0  }
0x157: {  	v17 =	vmul.f32 $9.990000120e-01, v11;
	[tilespmem:$0xE10] =	vst v1  }
0x158: {  	v18 =	vmul.f32 $9.990000120e-01, v12;
	[tilespmem:$0xE20] =	vst v15  }
0x159: {  	v19 =	vmul.f32 $9.990000120e-01, v13;
	[tilespmem:$0xE30] =	vst v17  }
0x15a: {  	v20 =	vmul.f32 $9.990000120e-01, v14;
	[tilespmem:$0xE40] =	vst v18  }
0x15b: {  	v21 =	vmul.f32 $9.990000120e-01, v16;
	[tilespmem:$0xE50] =	vst v19  }
0x15c: {  	[tilespmem:$0xE60] =	vst v20  }
0x15d: {  	s26 =	simm.s32 $0xE;
	[tilespmem:$0xE70] =	vst v21  }
0x15e: {  	_ =	swait.ge [sflag:s26], $0x80  }
0x15f: {  	[sflag:s26] =	ssyncset.done $0x0  }
0x160: {  	[sflag:s26] =	ssyncadd.s32 $0xFFFFFF80  }
0x161: {  	v22 =	vld [tilespmem:$0xE80]  }
0x162: {  	v23 =	vld [tilespmem:$0xE90]  }
0x163: {  	v24 =	vld [tilespmem:$0xEA0]  }
0x164: {  	v25 =	vld [tilespmem:$0xEB0]  }
0x165: {  	v26 =	vld [tilespmem:$0xEC0]  }
0x166: {  	v27 =	vld [tilespmem:$0xED0];
	v0 =	vmul.f32 $9.990000120e-01, v22  }
0x167: {  	v28 =	vld [tilespmem:$0xEE0];
	v1 =	vmul.f32 $9.990000120e-01, v23  }
0x168: {  	v30 =	vld [tilespmem:$0xEF0];
	v29 =	vmul.f32 $9.990000120e-01, v24;
	[tilespmem:$0xE80] =	vst v0  }
0x169: {  	v31 =	vmul.f32 $9.990000120e-01, v25;
	[tilespmem:$0xE90] =	vst v1  }
0x16a: {  	v32 =	vmul.f32 $9.990000120e-01, v26;
	[tilespmem:$0xEA0] =	vst v29  }
0x16b: {  	v33 =	vmul.f32 $9.990000120e-01, v27;
	[tilespmem:$0xEB0] =	vst v31  }
0x16c: {  	v34 =	vmul.f32 $9.990000120e-01, v28;
	[tilespmem:$0xEC0] =	vst v32  }
0x16d: {  	v35 =	vmul.f32 $9.990000120e-01, v30;
	[tilespmem:$0xED0] =	vst v33  }
0x16e: {  	[tilespmem:$0xEE0] =	vst v34  }
0x16f: {  	s28 =	simm.s32 $0xF;
	[tilespmem:$0xEF0] =	vst v35  }
0x170: {  	_ =	swait.ge [sflag:s28], $0x80  }
0x171: {  	[sflag:s28] =	ssyncset.done $0x0  }
0x172: {  	[sflag:s28] =	ssyncadd.s32 $0xFFFFFF80  }
0x173: {  	v36 =	vld [tilespmem:$0xF00]  }
0x174: {  	v37 =	vld [tilespmem:$0xF10]  }
0x175: {  	v38 =	vld [tilespmem:$0xF20]  }
0x176: {  	v39 =	vld [tilespmem:$0xF30]  }
0x177: {  	v40 =	vld [tilespmem:$0xF40]  }
0x178: {  	v41 =	vld [tilespmem:$0xF50];
	v0 =	vmul.f32 $9.990000120e-01, v36  }
0x179: {  	v42 =	vld [tilespmem:$0xF60];
	v1 =	vmul.f32 $9.990000120e-01, v37  }
0x17a: {  	v44 =	vld [tilespmem:$0xF70];
	v43 =	vmul.f32 $9.990000120e-01, v38;
	[tilespmem:$0xF00] =	vst v0  }
0x17b: {  	v45 =	vmul.f32 $9.990000120e-01, v39;
	[tilespmem:$0xF10] =	vst v1  }
0x17c: {  	v46 =	vmul.f32 $9.990000120e-01, v40;
	[tilespmem:$0xF20] =	vst v43  }
0x17d: {  	v47 =	vmul.f32 $9.990000120e-01, v41;
	[tilespmem:$0xF30] =	vst v45  }
0x17e: {  	v48 =	vmul.f32 $9.990000120e-01, v42;
	[tilespmem:$0xF40] =	vst v46  }
0x17f: {  	v49 =	vmul.f32 $9.990000120e-01, v44;
	[tilespmem:$0xF50] =	vst v47  }
0x180: {  	[tilespmem:$0xF60] =	vst v48  }
0x181: {  	s29 =	simm.s32 $0x10;
	[tilespmem:$0xF70] =	vst v49  }
0x182: {  	_ =	swait.ge [sflag:s29], $0x80  }
0x183: {  	[sflag:s29] =	ssyncset.done $0x0  }
0x184: {  	[sflag:s29] =	ssyncadd.s32 $0xFFFFFF80  }
0x185: {  	v50 =	vld [tilespmem:$0xF80]  }
0x186: {  	v51 =	vld [tilespmem:$0xF90]  }
0x187: {  	v52 =	vld [tilespmem:$0xFA0]  }
0x188: {  	v53 =	vld [tilespmem:$0xFB0]  }
0x189: {  	v54 =	vld [tilespmem:$0xFC0]  }
0x18a: {  	v55 =	vld [tilespmem:$0xFD0];
	v0 =	vmul.f32 $9.990000120e-01, v50  }
0x18b: {  	v56 =	vld [tilespmem:$0xFE0];
	v1 =	vmul.f32 $9.990000120e-01, v51  }
0x18c: {  	v58 =	vld [tilespmem:$0xFF0];
	v57 =	vmul.f32 $9.990000120e-01, v52;
	[tilespmem:$0xF80] =	vst v0  }
0x18d: {  	v59 =	vmul.f32 $9.990000120e-01, v53;
	[tilespmem:$0xF90] =	vst v1  }
0x18e: {  	v60 =	vmul.f32 $9.990000120e-01, v54;
	[tilespmem:$0xFA0] =	vst v57  }
0x18f: {  	v61 =	vmul.f32 $9.990000120e-01, v55;
	[tilespmem:$0xFB0] =	vst v59  }
0x190: {  	v62 =	vmul.f32 $9.990000120e-01, v56;
	[tilespmem:$0xFC0] =	vst v60  }
0x191: {  	v63 =	vmul.f32 $9.990000120e-01, v58;
	[tilespmem:$0xFD0] =	vst v61  }
0x192: {  	s30 =	sshll.u32 s0, $0x7;
	[tilespmem:$0xFE0] =	vst v62  }
0x193: {  	s31 =	simm.s32 $0x11;
	s2 =	sadd.s32 s2, s30;
	[tilespmem:$0xFF0] =	vst v63  }
0x194: {  	[hbm4b:s2+s3] =	stream.linear.scatter [tilespmem:s6], [sflag:$0x11], $0x400, $0x38;
	[tilespmem:$0x1000] =	vst v63  }
0x195: {  	_ =	swait.ge [sflag:s31], $0x400  }
0x196: {  	[sflag:s31] =	ssyncset.done $0x0  }
0x197: {  	[sflag:s31] =	ssyncadd.s32 $0xFFFFFC00  }
0x198: {  	_ =	sfence.sel $0x180000  }
0x199: {  	[bflag:$0x0] =	sbarrier.arrive $0xFFFF  }
0x19a: {  	p0 =	sne.s32 s0, $0x0;
	_ =	strace $0x90000047  }
0x19b: {  	s0 =	sadd.s32 @!p0 $0x100000, s1;
	[bflag:$0x2] =	sbarrier.arrive $0xFFFF  }
0x19c: {  	[sflag:s0] =	ssyncadd.tile.s32 @!p0 $0x1;
	_ =	shalt  }
.Lfunc_end2:
_tile_overlayer_lowered:
.L_overlay_start_2:
0x19d: {  	(tag) =	ssettag $0x2  }
0x19e: {  	s0 =	rddreg [dreg:$0x0];
	s2 =	stileid.u32  }
0x19f: {  	s1 =	rddreg [dreg:$0x1];
	p0 =	sne.s32 s2, $0x0  }
0x1a0: {  	s3 =	rddreg [dreg:$0x2];
	[bflag:$0x3] =	sbarrier.arrive $0xFFFF;
	s2 =	simm.s32 @!p0 $0x1C11  }
0x1a1: {  	[timem:s3], [sflag:s2] =	dma.local @!p0 [hbm:s0], s1  }
0x1a2: {  	s0 =	simm.s32 @!p0 $0x11  }
0x1a3: {  	_ =	swait.ge @!p0 [sflag:s0], s1  }
0x1a4: {  	s1 =	ssub.s32 @!p0 $0x0, s1;
	[sflag:s0] =	ssyncset.done @!p0 $0x0  }
0x1a5: {  	[sflag:s0] =	ssyncadd.s32 @!p0 s1  }
0x1a6: {  	[bflag:$0x3] =	sbarrier.arrive $0xFFFF  }
0x1a7: {  	_ =	shalt  }

</sc_bundles>
